<compile_context>
chip_gen: v7x
topology: tpu7x:2x2x1
jax: 0.10.2.dev20260603
libtpu: 0.0.44.dev20260713+nightly
codegen_flags: <defaults>
</compile_context>

<pallas_src>
import functools

import jax
import jax.numpy as jnp
from jax import lax
from jax.experimental import pallas as pl
from jax.experimental.pallas import tpu as pltpu
from jax.experimental.pallas import tpu_sc as plsc

_N = 10000
_E = 320000
_D = 128
_B = 8
_NP = 10240
_RB = 128
_NBLK = _NP // _RB
_NC = 2
_NS = 16
_NW = _NC * _NS
_CH = 80
_K = 4
_NCH0 = 160
_NCH1 = 96
_TPT = _NCH0 + _NCH1
_EP = _NS * _TPT * _CH
_RPT = _NP // _NS
_DCH = 128
_DNCH = _EP // _DCH // _NW

_mesh = plsc.VectorSubcoreMesh(core_axis_name="c", subcore_axis_name="s",
                               num_cores=_NC, num_subcores=_NS)



def _sc_deg_body(dst_hbm, ones_hbm, z_hbm, deg_hbm, ones_v,
                 dbuf0, dbuf1, acc_sh, dsem0, dsem1, ssem0, ssem1):
    c = lax.axis_index("c")
    s = lax.axis_index("s")
    wid = c * _NS + s
    row0 = wid * _DNCH
    pltpu.sync_copy(ones_hbm, ones_v)
    pltpu.sync_copy(z_hbm, acc_sh.at[pl.ds(s * _RPT, _RPT)])
    plsc.subcore_barrier()

    def step(ss, carry):
        pltpu.async_copy(dst_hbm.at[pl.ds((row0 + ss) * _DCH, _DCH)],
                         dbuf0, dsem0).wait()
        pltpu.sync_copy(ones_v, acc_sh.at[dbuf0], add=True)
        return carry

    lax.fori_loop(0, _DNCH, step, 0)
    plsc.subcore_barrier()
    pltpu.sync_copy(acc_sh.at[pl.ds(s * _RPT, _RPT)],
                    deg_hbm.at[c, pl.ds(s * _RPT, _RPT)])


_sc_deg = pl.kernel(
    _sc_deg_body,
    out_type=jax.ShapeDtypeStruct((_NC, _NP, _D), jnp.float32),
    mesh=_mesh,
    scratch_types=[
        pltpu.VMEM((_DCH, _D), jnp.float32),
        pltpu.VMEM((_DCH,), jnp.int32),
        pltpu.VMEM((_DCH,), jnp.int32),
        pltpu.VMEM_SHARED((_NP, _D), jnp.float32),
        pltpu.SemaphoreType.DMA,
        pltpu.SemaphoreType.DMA,
        pltpu.SemaphoreType.DMA,
        pltpu.SemaphoreType.DMA,
    ],
)


def _sc_scat_body(h_hbm, src_hbm, dst_hbm, z_hbm, acc_hbm,
                  rows0, rows1, rows2, rows3, sbuf0, sbuf1, sbuf2, sbuf3,
                  dbuf0, dbuf1, dbuf2, dbuf3, acc_sh,
                  isem0, isem1, isem2, isem3, dsem0, dsem1, dsem2, dsem3,
                  gsem0, gsem1, gsem2, gsem3, ssem0, ssem1, ssem2, ssem3):
    c = lax.axis_index("c")
    s = lax.axis_index("s")
    wid = c * _NS + s
    pltpu.sync_copy(z_hbm, acc_sh.at[pl.ds(s * _RPT, _RPT)])
    plsc.subcore_barrier()

    rows = (rows0, rows1, rows2, rows3)
    sbuf = (sbuf0, sbuf1, sbuf2, sbuf3)
    dbuf = (dbuf0, dbuf1, dbuf2, dbuf3)
    isem = (isem0, isem1, isem2, isem3)
    dsem = (dsem0, dsem1, dsem2, dsem3)
    gsem = (gsem0, gsem1, gsem2, gsem3)
    ssem = (ssem0, ssem1, ssem2, ssem3)

    def run_range(first_chunk, nch):
        def body(ss, do_drain):
            ld, dd = [], []
            for b in range(_K):
                if do_drain:
                    pltpu.make_async_copy(rows[b], acc_sh.at[dbuf[b]],
                                          ssem[b]).wait()
                base = (first_chunk + ss * _K + b) * _CH
                ld.append(pltpu.async_copy(src_hbm.at[pl.ds(base, _CH)],
                                           sbuf[b], isem[b]))
                dd.append(pltpu.async_copy(dst_hbm.at[pl.ds(base, _CH)],
                                           dbuf[b], dsem[b]))
            gd = []
            for b in range(_K):
                ld[b].wait()
                gd.append(pltpu.async_copy(h_hbm.at[sbuf[b]], rows[b],
                                           gsem[b]))
            for b in range(_K):
                gd[b].wait()
                dd[b].wait()
                pltpu.async_copy(rows[b], acc_sh.at[dbuf[b]], ssem[b],
                                 add=True)

        body(0, False)

        def step(ss, carry):
            body(ss, True)
            return carry

        lax.fori_loop(1, nch // _K, step, 0)
        for b in range(_K):
            pltpu.make_async_copy(rows[b], acc_sh.at[dbuf[b]], ssem[b]).wait()

    @pl.when(c == 0)
    def _():
        run_range(s * _NCH0, _NCH0)

    @pl.when(c == 1)
    def _():
        run_range(_NS * _NCH0 + s * _NCH1, _NCH1)

    plsc.subcore_barrier()
    pltpu.sync_copy(acc_sh.at[pl.ds(s * _RPT, _RPT)],
                    acc_hbm.at[c, pl.ds(s * _RPT, _RPT)])


_sc_scat = pl.kernel(
    _sc_scat_body,
    out_type=jax.ShapeDtypeStruct((_NC, _NP, _D), jnp.float32),
    mesh=_mesh,
    scratch_types=(
        [pltpu.VMEM((_CH, _D), jnp.float32)] * _K
        + [pltpu.VMEM((_CH,), jnp.int32)] * (2 * _K)
        + [pltpu.VMEM_SHARED((_NP, _D), jnp.float32)]
        + [pltpu.SemaphoreType.DMA] * (4 * _K)
    ),
)



def _tc1_body(x_ref, w_ref, d0_ref, d1_ref, h_ref, dv_ref):
    deg = d0_ref[:, 0:1] + d1_ref[:, 0:1] + 1.0
    dinv = lax.rsqrt(deg)
    h = jnp.dot(x_ref[...], w_ref[...], preferred_element_type=jnp.float32)
    h_ref[...] = h * dinv
    dv_ref[...] = jnp.broadcast_to(dinv, (_RB, _D))


_tc1 = pl.pallas_call(
    _tc1_body,
    grid=(_NBLK,),
    in_specs=[
        pl.BlockSpec((_RB, _D), lambda i: (i, 0)),
        pl.BlockSpec((_D, _D), lambda i: (0, 0)),
        pl.BlockSpec((_RB, _D), lambda i: (i, 0)),
        pl.BlockSpec((_RB, _D), lambda i: (i, 0)),
    ],
    out_specs=[pl.BlockSpec((_RB, _D), lambda i: (i, 0))] * 2,
    out_shape=[jax.ShapeDtypeStruct((_NP, _D), jnp.float32)] * 2,
)


def _tc2_body(a0_ref, a1_ref, hp_ref, dv_ref, b_ref, w_ref, out_ref):
    pre = (a0_ref[...] + a1_ref[...] + hp_ref[...]) * dv_ref[...] + b_ref[...]
    g = jnp.maximum(pre, 0.0)
    h2 = jnp.dot(g, w_ref[...], preferred_element_type=jnp.float32)
    out_ref[...] = h2 * dv_ref[...]


_tc2 = pl.pallas_call(
    _tc2_body,
    grid=(_NBLK,),
    in_specs=[
        pl.BlockSpec((_RB, _D), lambda i: (i, 0)),
        pl.BlockSpec((_RB, _D), lambda i: (i, 0)),
        pl.BlockSpec((_RB, _D), lambda i: (i, 0)),
        pl.BlockSpec((_RB, _D), lambda i: (i, 0)),
        pl.BlockSpec((1, _D), lambda i: (0, 0)),
        pl.BlockSpec((_D, _D), lambda i: (0, 0)),
    ],
    out_specs=pl.BlockSpec((_RB, _D), lambda i: (i, 0)),
    out_shape=jax.ShapeDtypeStruct((_NP, _D), jnp.float32),
)


def _tc3_body(a0_ref, a1_ref, hp_ref, dv_ref, b_ref, bm_ref, wfc_ref,
              wex_ref, bfc_ref, af_ref, out_ref, pool_scr, cnt_scr):
    i = pl.program_id(0)

    @pl.when(i == 0)
    def _():
        pool_scr[...] = jnp.zeros_like(pool_scr)
        cnt_scr[...] = jnp.zeros_like(cnt_scr)

    pre = (a0_ref[...] + a1_ref[...] + hp_ref[...]) * dv_ref[...] + b_ref[...]
    g = jnp.maximum(pre, 0.0)
    lane = lax.broadcasted_iota(jnp.int32, (_RB, _D), 1)
    m = jnp.where((bm_ref[...] == lane) & (lane < _B), 1.0, 0.0)
    dn = (((0,), (0,)), ((), ()))
    pool_scr[...] += lax.dot_general(m, g, dn,
                                     preferred_element_type=jnp.float32)
    cnt_scr[...] += lax.dot_general(m, jnp.ones_like(g), dn,
                                    preferred_element_type=jnp.float32)

    @pl.when(i == _NBLK - 1)
    def _():
        pooled = pool_scr[...] / jnp.maximum(cnt_scr[...], 1.0)
        t = pooled * wfc_ref[...]
        ssum = jnp.sum(t, axis=1, keepdims=True)
        out_ref[...] = ssum + af_ref[...] * wex_ref[...] + bfc_ref[...]


_tc3 = pl.pallas_call(
    _tc3_body,
    grid=(_NBLK,),
    in_specs=[
        pl.BlockSpec((_RB, _D), lambda i: (i, 0)),
        pl.BlockSpec((_RB, _D), lambda i: (i, 0)),
        pl.BlockSpec((_RB, _D), lambda i: (i, 0)),
        pl.BlockSpec((_RB, _D), lambda i: (i, 0)),
        pl.BlockSpec((1, _D), lambda i: (0, 0)),
        pl.BlockSpec((_RB, _D), lambda i: (i, 0)),
        pl.BlockSpec((1, _D), lambda i: (0, 0)),
        pl.BlockSpec((1, _D), lambda i: (0, 0)),
        pl.BlockSpec((1, _D), lambda i: (0, 0)),
        pl.BlockSpec((_RB, _D), lambda i: (0, 0)),
    ],
    out_specs=pl.BlockSpec((_RB, _D), lambda i: (0, 0)),
    out_shape=jax.ShapeDtypeStruct((_RB, _D), jnp.float32),
    compiler_params=pltpu.CompilerParams(
        dimension_semantics=("arbitrary",)),
    scratch_shapes=[
        pltpu.VMEM((_RB, _D), jnp.float32),
        pltpu.VMEM((_RB, _D), jnp.float32),
    ],
)



@jax.jit
def kernel(x, edge_index, batch, additional_features, W1, b1, W2, b2, Wfc, bfc):
    f32 = jnp.float32
    padv = jnp.full((_EP - _E,), _N, jnp.int32)
    src_p = jnp.concatenate([edge_index[0].astype(jnp.int32), padv])
    dst_p = jnp.concatenate([edge_index[1].astype(jnp.int32), padv])
    x_p = jnp.zeros((_NP, _D), f32).at[:_N].set(x)

    ones_ch = jnp.ones((_DCH, _D), f32)
    zeros_rows = jnp.zeros((_RPT, _D), f32)

    deg = _sc_deg(dst_p, ones_ch, zeros_rows)
    h1p, dvb = _tc1(x_p, W1, deg[0], deg[1])
    acc1 = _sc_scat(h1p, src_p, dst_p, zeros_rows)
    h2p = _tc2(acc1[0], acc1[1], h1p, dvb, b1.reshape(1, _D), W2)
    acc2 = _sc_scat(h2p, src_p, dst_p, zeros_rows)

    batch_p = jnp.concatenate(
        [batch.astype(jnp.int32), jnp.full((_NP - _N,), _B, jnp.int32)])
    batch_b = jnp.broadcast_to(batch_p[:, None], (_NP, _D))
    wfc_row = Wfc[:_D, 0].reshape(1, _D)
    wex = jnp.broadcast_to(Wfc[_D, 0].reshape(1, 1), (1, _D))
    bfc_b = jnp.broadcast_to(bfc.reshape(1, 1), (1, _D))
    af = jnp.zeros((_RB, _D), f32).at[:_B].set(
        jnp.broadcast_to(additional_features, (_B, _D)))

    outf = _tc3(acc2[0], acc2[1], h2p, dvb, b2.reshape(1, _D),
                batch_b, wfc_row, wex, bfc_b, af)
    return outf[:_B, :1]

# --- scband reference (transcript-rebuilt; emitter-appended) ---
"""Pipeline reference for scband-gnncritic-89026082111548 (READ-ONLY COPY).

The authoritative reference and input builder live on the scoring server;
editing this copy changes nothing except your own understanding.
"""

import jax, jax.numpy as jnp
import numpy as np

N = 10000
E = 320000
D = 128
H = 128
B = 8


def gcn_conv(x, edge_index, W, b):
    n = x.shape[0]
    loop = jnp.arange(n, dtype=edge_index.dtype)
    src = jnp.concatenate([edge_index[0], loop])
    dst = jnp.concatenate([edge_index[1], loop])
    deg = jnp.zeros((n,), jnp.float32).at[dst].add(1.0)
    dinv = jnp.where(deg > 0, jax.lax.rsqrt(jnp.maximum(deg, 1e-12)), 0.0)
    norm = dinv[src] * dinv[dst]
    h = x @ W
    msg = h[src] * norm[:, None]
    out = jnp.zeros((n, W.shape[1]), jnp.float32).at[dst].add(msg)
    return out + b


def setup_inputs(seed: int = 0):
    key = jax.random.key(seed)
    ks = jax.random.split(key, 8)
    x = jax.random.normal(ks[0], (N, D), dtype=jnp.float32)
    edge_index = jax.random.randint(ks[1], (2, E), 0, N, dtype=jnp.int32)
    batch = jnp.sort(jax.random.randint(ks[2], (N,), 0, B, dtype=jnp.int32))
    additional_features = jax.random.normal(ks[3], (B, 1), dtype=jnp.float32)
    s1 = 1.0 / np.sqrt(D)
    s2 = 1.0 / np.sqrt(H)
    s3 = 1.0 / np.sqrt(H + 1)
    W1 = jax.random.uniform(ks[4], (D, H), jnp.float32, -s1, s1)
    b1 = jnp.zeros((H,), jnp.float32)
    W2 = jax.random.uniform(ks[5], (H, H), jnp.float32, -s2, s2)
    b2 = jnp.zeros((H,), jnp.float32)
    Wfc = jax.random.uniform(ks[6], (H + 1, 1), jnp.float32, -s3, s3)
    bfc = jax.random.uniform(ks[7], (1,), jnp.float32, -s3, s3)
    return {"x": x, "edge_index": edge_index, "batch": batch,
            "additional_features": additional_features,
            "W1": W1, "b1": b1, "W2": W2, "b2": b2, "Wfc": Wfc, "bfc": bfc}


def reference(x, edge_index, batch, additional_features, W1, b1, W2, b2, Wfc, bfc):
    h = jax.nn.relu(gcn_conv(x, edge_index, W1, b1))
    h = jax.nn.relu(gcn_conv(h, edge_index, W2, b2))
    summed = jax.ops.segment_sum(h, batch, num_segments=B)
    counts = jax.ops.segment_sum(jnp.ones((h.shape[0], 1), jnp.float32), batch, num_segments=B)
    pooled = summed / jnp.maximum(counts, 1.0)
    z = jnp.concatenate([pooled, additional_features], axis=1)
    return z @ Wfc + bfc

if __name__ == "__main__":
    import jax
    _d = setup_inputs()
    print(jax.jit(kernel)(*tuple(_d.values())))

</pallas_src>

<mosaic_0001>
#map = affine_map<(d0, d1) -> (0, 0)>
#map1 = affine_map<(d0, d1) -> (0)>
#map2 = affine_map<(d0, d1) -> (0, 0, 0)>
module attributes {stable_mosaic.version = 14 : i64} {
  func.func @_sc_scat_body(%arg0: i32, %arg1: i32, %arg2: memref<10240x128xf32, #tpu.memory_space<hbm>>, %arg3: memref<327680xi32, #tpu.memory_space<hbm>>, %arg4: memref<327680xi32, #tpu.memory_space<hbm>>, %arg5: memref<640x128xf32, #tpu.memory_space<hbm>>, %arg6: memref<2x10240x128xf32, #tpu.memory_space<hbm>>, %arg7: memref<80x128xf32, #tpu.memory_space<vmem>>, %arg8: memref<80x128xf32, #tpu.memory_space<vmem>>, %arg9: memref<80x128xf32, #tpu.memory_space<vmem>>, %arg10: memref<80x128xf32, #tpu.memory_space<vmem>>, %arg11: memref<80xi32, #tpu.memory_space<vmem>>, %arg12: memref<80xi32, #tpu.memory_space<vmem>>, %arg13: memref<80xi32, #tpu.memory_space<vmem>>, %arg14: memref<80xi32, #tpu.memory_space<vmem>>, %arg15: memref<80xi32, #tpu.memory_space<vmem>>, %arg16: memref<80xi32, #tpu.memory_space<vmem>>, %arg17: memref<80xi32, #tpu.memory_space<vmem>>, %arg18: memref<80xi32, #tpu.memory_space<vmem>>, %arg19: memref<10240x128xf32, #tpu.memory_space<vmem_shared>>, %arg20: memref<!tpu.dma_semaphore, #tpu.memory_space<semaphore_mem>>, %arg21: memref<!tpu.dma_semaphore, #tpu.memory_space<semaphore_mem>>, %arg22: memref<!tpu.dma_semaphore, #tpu.memory_space<semaphore_mem>>, %arg23: memref<!tpu.dma_semaphore, #tpu.memory_space<semaphore_mem>>, %arg24: memref<!tpu.dma_semaphore, #tpu.memory_space<semaphore_mem>>, %arg25: memref<!tpu.dma_semaphore, #tpu.memory_space<semaphore_mem>>, %arg26: memref<!tpu.dma_semaphore, #tpu.memory_space<semaphore_mem>>, %arg27: memref<!tpu.dma_semaphore, #tpu.memory_space<semaphore_mem>>, %arg28: memref<!tpu.dma_semaphore, #tpu.memory_space<semaphore_mem>>, %arg29: memref<!tpu.dma_semaphore, #tpu.memory_space<semaphore_mem>>, %arg30: memref<!tpu.dma_semaphore, #tpu.memory_space<semaphore_mem>>, %arg31: memref<!tpu.dma_semaphore, #tpu.memory_space<semaphore_mem>>, %arg32: memref<!tpu.dma_semaphore, #tpu.memory_space<semaphore_mem>>, %arg33: memref<!tpu.dma_semaphore, #tpu.memory_space<semaphore_mem>>, %arg34: memref<!tpu.dma_semaphore, #tpu.memory_space<semaphore_mem>>, %arg35: memref<!tpu.dma_semaphore, #tpu.memory_space<semaphore_mem>>) attributes {dimension_semantics = [#tpu.dimension_semantics<core_parallel>, #tpu.dimension_semantics<subcore_parallel>], iteration_bounds = array<i64: 2, 16>, scalar_prefetch = 0 : i64, scratch_operands = 29 : i64, tpu.core_type = #tpu.core_type<sc_vector_subcore>, window_params = [{transform_indices = #map}, {transform_indices = #map1}, {transform_indices = #map1}, {transform_indices = #map}, {transform_indices = #map2}]} {
    %mul3A = arith.constant 16 : i32
    %mul3A_0 = arith.muli %arg0, %mul3A : i32
    %add3A = arith.addi %mul3A_0, %arg1 : i32
    %mul3A_1 = arith.constant 640 : i32
    %mul3A_2 = arith.muli %arg1, %mul3A_1 : i32
    "tpu.region"() ({
      %run_scoped3A = tpu.sem_alloc : memref<!tpu.dma_semaphore, #tpu.memory_space<semaphore_mem>>
      %dma_start3A = arith.constant 0 : i32
      %dma_start3A_15 = tpu.memref_slice %arg19[%mul3A_2, %dma_start3A] : memref<10240x128xf32, #tpu.memory_space<vmem_shared>> -> memref<640x128xf32, #tpu.memory_space<vmem_shared>>
      tpu.enqueue_dma source(%arg5 : memref<640x128xf32, #tpu.memory_space<hbm>>) target(%dma_start3A_15 : memref<640x128xf32, #tpu.memory_space<vmem_shared>>) target_semaphore(%run_scoped3A : memref<!tpu.dma_semaphore, #tpu.memory_space<semaphore_mem>>)
      %dma_wait3A = arith.constant 0 : i32
      %dma_wait3A_16 = tpu.memref_slice %arg19[%mul3A_2, %dma_wait3A] : memref<10240x128xf32, #tpu.memory_space<vmem_shared>> -> memref<640x128xf32, #tpu.memory_space<vmem_shared>>
      tpu.wait_dma2 semaphore(%run_scoped3A : memref<!tpu.dma_semaphore, #tpu.memory_space<semaphore_mem>>) src(%arg5 : memref<640x128xf32, #tpu.memory_space<hbm>>) dst(%dma_wait3A_16 : memref<640x128xf32, #tpu.memory_space<vmem_shared>>)
      tpu.yield
    }) : () -> ()
    %barrier3A = arith.constant 0 : index
    tpu.barrier barrier_id(%barrier3A)
    %eq3A = arith.constant 0 : i32
    %eq3A_3 = arith.cmpi eq, %arg0, %eq3A : i32
    %convert_element_type3A = arith.extui %eq3A_3 : i1 to i32
    %cond3A = arith.constant 0 : i32
    %cond3A_4 = arith.cmpi ne, %convert_element_type3A, %cond3A : i32
    scf.if %cond3A_4 {
      %mul3A_15 = arith.constant 160 : i32
      %mul3A_16 = arith.muli %arg1, %mul3A_15 : i32
      %add3A_17 = arith.constant 0 : i32
      %add3A_18 = arith.addi %mul3A_16, %add3A_17 : i32
      %add3A_19 = arith.constant 0 : i32
      %add3A_20 = arith.addi %add3A_18, %add3A_19 : i32
      %mul3A_21 = arith.constant 80 : i32
      %mul3A_22 = arith.muli %add3A_20, %mul3A_21 : i32
      %dma_start3A = tpu.memref_slice %arg3[%mul3A_22] : memref<327680xi32, #tpu.memory_space<hbm>> -> memref<80xi32, #tpu.memory_space<hbm>>
      %dma_start3A_23 = tpu.memref_slice %arg3[%mul3A_22] : memref<327680xi32, #tpu.memory_space<hbm>> -> memref<80xi32, #tpu.memory_space<hbm>>
      tpu.enqueue_dma source(%dma_start3A_23 : memref<80xi32, #tpu.memory_space<hbm>>) target(%arg11 : memref<80xi32, #tpu.memory_space<vmem>>) target_semaphore(%arg20 : memref<!tpu.dma_semaphore, #tpu.memory_space<semaphore_mem>>)
      %dma_start3A_24 = tpu.memref_slice %arg4[%mul3A_22] : memref<327680xi32, #tpu.memory_space<hbm>> -> memref<80xi32, #tpu.memory_space<hbm>>
      %dma_start3A_25 = tpu.memref_slice %arg4[%mul3A_22] : memref<327680xi32, #tpu.memory_space<hbm>> -> memref<80xi32, #tpu.memory_space<hbm>>
      tpu.enqueue_dma source(%dma_start3A_25 : memref<80xi32, #tpu.memory_space<hbm>>) target(%arg15 : memref<80xi32, #tpu.memory_space<vmem>>) target_semaphore(%arg24 : memref<!tpu.dma_semaphore, #tpu.memory_space<semaphore_mem>>)
      %add3A_26 = arith.constant 0 : i32
      %add3A_27 = arith.addi %mul3A_16, %add3A_26 : i32
      %add3A_28 = arith.constant 1 : i32
      %add3A_29 = arith.addi %add3A_27, %add3A_28 : i32
      %mul3A_30 = arith.constant 80 : i32
      %mul3A_31 = arith.muli %add3A_29, %mul3A_30 : i32
      %dma_start3A_32 = tpu.memref_slice %arg3[%mul3A_31] : memref<327680xi32, #tpu.memory_space<hbm>> -> memref<80xi32, #tpu.memory_space<hbm>>
      %dma_start3A_33 = tpu.memref_slice %arg3[%mul3A_31] : memref<327680xi32, #tpu.memory_space<hbm>> -> memref<80xi32, #tpu.memory_space<hbm>>
      tpu.enqueue_dma source(%dma_start3A_33 : memref<80xi32, #tpu.memory_space<hbm>>) target(%arg12 : memref<80xi32, #tpu.memory_space<vmem>>) target_semaphore(%arg21 : memref<!tpu.dma_semaphore, #tpu.memory_space<semaphore_mem>>)
      %dma_start3A_34 = tpu.memref_slice %arg4[%mul3A_31] : memref<327680xi32, #tpu.memory_space<hbm>> -> memref<80xi32, #tpu.memory_space<hbm>>
      %dma_start3A_35 = tpu.memref_slice %arg4[%mul3A_31] : memref<327680xi32, #tpu.memory_space<hbm>> -> memref<80xi32, #tpu.memory_space<hbm>>
      tpu.enqueue_dma source(%dma_start3A_35 : memref<80xi32, #tpu.memory_space<hbm>>) target(%arg16 : memref<80xi32, #tpu.memory_space<vmem>>) target_semaphore(%arg25 : memref<!tpu.dma_semaphore, #tpu.memory_space<semaphore_mem>>)
      %add3A_36 = arith.constant 0 : i32
      %add3A_37 = arith.addi %mul3A_16, %add3A_36 : i32
      %add3A_38 = arith.constant 2 : i32
      %add3A_39 = arith.addi %add3A_37, %add3A_38 : i32
      %mul3A_40 = arith.constant 80 : i32
      %mul3A_41 = arith.muli %add3A_39, %mul3A_40 : i32
      %dma_start3A_42 = tpu.memref_slice %arg3[%mul3A_41] : memref<327680xi32, #tpu.memory_space<hbm>> -> memref<80xi32, #tpu.memory_space<hbm>>
      %dma_start3A_43 = tpu.memref_slice %arg3[%mul3A_41] : memref<327680xi32, #tpu.memory_space<hbm>> -> memref<80xi32, #tpu.memory_space<hbm>>
      tpu.enqueue_dma source(%dma_start3A_43 : memref<80xi32, #tpu.memory_space<hbm>>) target(%arg13 : memref<80xi32, #tpu.memory_space<vmem>>) target_semaphore(%arg22 : memref<!tpu.dma_semaphore, #tpu.memory_space<semaphore_mem>>)
      %dma_start3A_44 = tpu.memref_slice %arg4[%mul3A_41] : memref<327680xi32, #tpu.memory_space<hbm>> -> memref<80xi32, #tpu.memory_space<hbm>>
      %dma_start3A_45 = tpu.memref_slice %arg4[%mul3A_41] : memref<327680xi32, #tpu.memory_space<hbm>> -> memref<80xi32, #tpu.memory_space<hbm>>
      tpu.enqueue_dma source(%dma_start3A_45 : memref<80xi32, #tpu.memory_space<hbm>>) target(%arg17 : memref<80xi32, #tpu.memory_space<vmem>>) target_semaphore(%arg26 : memref<!tpu.dma_semaphore, #tpu.memory_space<semaphore_mem>>)
      %add3A_46 = arith.constant 0 : i32
      %add3A_47 = arith.addi %mul3A_16, %add3A_46 : i32
      %add3A_48 = arith.constant 3 : i32
      %add3A_49 = arith.addi %add3A_47, %add3A_48 : i32
      %mul3A_50 = arith.constant 80 : i32
      %mul3A_51 = arith.muli %add3A_49, %mul3A_50 : i32
      %dma_start3A_52 = tpu.memref_slice %arg3[%mul3A_51] : memref<327680xi32, #tpu.memory_space<hbm>> -> memref<80xi32, #tpu.memory_space<hbm>>
      %dma_start3A_53 = tpu.memref_slice %arg3[%mul3A_51] : memref<327680xi32, #tpu.memory_space<hbm>> -> memref<80xi32, #tpu.memory_space<hbm>>
      tpu.enqueue_dma source(%dma_start3A_53 : memref<80xi32, #tpu.memory_space<hbm>>) target(%arg14 : memref<80xi32, #tpu.memory_space<vmem>>) target_semaphore(%arg23 : memref<!tpu.dma_semaphore, #tpu.memory_space<semaphore_mem>>)
      %dma_start3A_54 = tpu.memref_slice %arg4[%mul3A_51] : memref<327680xi32, #tpu.memory_space<hbm>> -> memref<80xi32, #tpu.memory_space<hbm>>
      %dma_start3A_55 = tpu.memref_slice %arg4[%mul3A_51] : memref<327680xi32, #tpu.memory_space<hbm>> -> memref<80xi32, #tpu.memory_space<hbm>>
      tpu.enqueue_dma source(%dma_start3A_55 : memref<80xi32, #tpu.memory_space<hbm>>) target(%arg18 : memref<80xi32, #tpu.memory_space<vmem>>) target_semaphore(%arg27 : memref<!tpu.dma_semaphore, #tpu.memory_space<semaphore_mem>>)
      %dma_wait3A = tpu.memref_slice %arg3[%mul3A_22] : memref<327680xi32, #tpu.memory_space<hbm>> -> memref<80xi32, #tpu.memory_space<hbm>>
      %dma_wait3A_56 = tpu.memref_slice %arg3[%mul3A_22] : memref<327680xi32, #tpu.memory_space<hbm>> -> memref<80xi32, #tpu.memory_space<hbm>>
      tpu.wait_dma2 semaphore(%arg20 : memref<!tpu.dma_semaphore, #tpu.memory_space<semaphore_mem>>) src(%dma_wait3A_56 : memref<80xi32, #tpu.memory_space<hbm>>) dst(%arg11 : memref<80xi32, #tpu.memory_space<vmem>>)
      %dma_start3A_57 = arith.constant 0 : i32
      %dma_start3A_58 = arith.constant 0 : i32
      %dma_start3A_59 = tpu.memref_slice %arg2[%dma_start3A_57, %dma_start3A_58] : memref<10240x128xf32, #tpu.memory_space<hbm>> -> memref<10240x128xf32, #tpu.memory_space<hbm>>
      tpu.enqueue_indirect_dma source(%dma_start3A_59 : memref<10240x128xf32, #tpu.memory_space<hbm>>) target(%arg7 : memref<80x128xf32, #tpu.memory_space<vmem>>) offsets(%arg11 : memref<80xi32, #tpu.memory_space<vmem>>) semaphore(%arg28 : memref<!tpu.dma_semaphore, #tpu.memory_space<semaphore_mem>>)
      %dma_wait3A_60 = tpu.memref_slice %arg3[%mul3A_31] : memref<327680xi32, #tpu.memory_space<hbm>> -> memref<80xi32, #tpu.memory_space<hbm>>
      %dma_wait3A_61 = tpu.memref_slice %arg3[%mul3A_31] : memref<327680xi32, #tpu.memory_space<hbm>> -> memref<80xi32, #tpu.memory_space<hbm>>
      tpu.wait_dma2 semaphore(%arg21 : memref<!tpu.dma_semaphore, #tpu.memory_space<semaphore_mem>>) src(%dma_wait3A_61 : memref<80xi32, #tpu.memory_space<hbm>>) dst(%arg12 : memref<80xi32, #tpu.memory_space<vmem>>)
      %dma_start3A_62 = arith.constant 0 : i32
      %dma_start3A_63 = arith.constant 0 : i32
      %dma_start3A_64 = tpu.memref_slice %arg2[%dma_start3A_62, %dma_start3A_63] : memref<10240x128xf32, #tpu.memory_space<hbm>> -> memref<10240x128xf32, #tpu.memory_space<hbm>>
      tpu.enqueue_indirect_dma source(%dma_start3A_64 : memref<10240x128xf32, #tpu.memory_space<hbm>>) target(%arg8 : memref<80x128xf32, #tpu.memory_space<vmem>>) offsets(%arg12 : memref<80xi32, #tpu.memory_space<vmem>>) semaphore(%arg29 : memref<!tpu.dma_semaphore, #tpu.memory_space<semaphore_mem>>)
      %dma_wait3A_65 = tpu.memref_slice %arg3[%mul3A_41] : memref<327680xi32, #tpu.memory_space<hbm>> -> memref<80xi32, #tpu.memory_space<hbm>>
      %dma_wait3A_66 = tpu.memref_slice %arg3[%mul3A_41] : memref<327680xi32, #tpu.memory_space<hbm>> -> memref<80xi32, #tpu.memory_space<hbm>>
      tpu.wait_dma2 semaphore(%arg22 : memref<!tpu.dma_semaphore, #tpu.memory_space<semaphore_mem>>) src(%dma_wait3A_66 : memref<80xi32, #tpu.memory_space<hbm>>) dst(%arg13 : memref<80xi32, #tpu.memory_space<vmem>>)
      %dma_start3A_67 = arith.constant 0 : i32
      %dma_start3A_68 = arith.constant 0 : i32
      %dma_start3A_69 = tpu.memref_slice %arg2[%dma_start3A_67, %dma_start3A_68] : memref<10240x128xf32, #tpu.memory_space<hbm>> -> memref<10240x128xf32, #tpu.memory_space<hbm>>
      tpu.enqueue_indirect_dma source(%dma_start3A_69 : memref<10240x128xf32, #tpu.memory_space<hbm>>) target(%arg9 : memref<80x128xf32, #tpu.memory_space<vmem>>) offsets(%arg13 : memref<80xi32, #tpu.memory_space<vmem>>) semaphore(%arg30 : memref<!tpu.dma_semaphore, #tpu.memory_space<semaphore_mem>>)
      %dma_wait3A_70 = tpu.memref_slice %arg3[%mul3A_51] : memref<327680xi32, #tpu.memory_space<hbm>> -> memref<80xi32, #tpu.memory_space<hbm>>
      %dma_wait3A_71 = tpu.memref_slice %arg3[%mul3A_51] : memref<327680xi32, #tpu.memory_space<hbm>> -> memref<80xi32, #tpu.memory_space<hbm>>
      tpu.wait_dma2 semaphore(%arg23 : memref<!tpu.dma_semaphore, #tpu.memory_space<semaphore_mem>>) src(%dma_wait3A_71 : memref<80xi32, #tpu.memory_space<hbm>>) dst(%arg14 : memref<80xi32, #tpu.memory_space<vmem>>)
      %dma_start3A_72 = arith.constant 0 : i32
      %dma_start3A_73 = arith.constant 0 : i32
      %dma_start3A_74 = tpu.memref_slice %arg2[%dma_start3A_72, %dma_start3A_73] : memref<10240x128xf32, #tpu.memory_space<hbm>> -> memref<10240x128xf32, #tpu.memory_space<hbm>>
      tpu.enqueue_indirect_dma source(%dma_start3A_74 : memref<10240x128xf32, #tpu.memory_space<hbm>>) target(%arg10 : memref<80x128xf32, #tpu.memory_space<vmem>>) offsets(%arg14 : memref<80xi32, #tpu.memory_space<vmem>>) semaphore(%arg31 : memref<!tpu.dma_semaphore, #tpu.memory_space<semaphore_mem>>)
      %dma_wait3A_75 = arith.constant 0 : i32
      %dma_wait3A_76 = arith.constant 0 : i32
      %dma_wait3A_77 = tpu.memref_slice %arg2[%dma_wait3A_75, %dma_wait3A_76] : memref<10240x128xf32, #tpu.memory_space<hbm>> -> memref<10240x128xf32, #tpu.memory_space<hbm>>
      tpu.wait_indirect_dma semaphore(%arg28 : memref<!tpu.dma_semaphore, #tpu.memory_space<semaphore_mem>>) src(%dma_wait3A_77 : memref<10240x128xf32, #tpu.memory_space<hbm>>) dst(%arg7 : memref<80x128xf32, #tpu.memory_space<vmem>>)
      %dma_wait3A_78 = tpu.memref_slice %arg4[%mul3A_22] : memref<327680xi32, #tpu.memory_space<hbm>> -> memref<80xi32, #tpu.memory_space<hbm>>
      %dma_wait3A_79 = tpu.memref_slice %arg4[%mul3A_22] : memref<327680xi32, #tpu.memory_space<hbm>> -> memref<80xi32, #tpu.memory_space<hbm>>
      tpu.wait_dma2 semaphore(%arg24 : memref<!tpu.dma_semaphore, #tpu.memory_space<semaphore_mem>>) src(%dma_wait3A_79 : memref<80xi32, #tpu.memory_space<hbm>>) dst(%arg15 : memref<80xi32, #tpu.memory_space<vmem>>)
      %dma_start3A_80 = arith.constant 0 : i32
      %dma_start3A_81 = arith.constant 0 : i32
      %dma_start3A_82 = tpu.memref_slice %arg19[%dma_start3A_80, %dma_start3A_81] : memref<10240x128xf32, #tpu.memory_space<vmem_shared>> -> memref<10240x128xf32, #tpu.memory_space<vmem_shared>>
      tpu.enqueue_indirect_dma source(%arg7 : memref<80x128xf32, #tpu.memory_space<vmem>>) target(%dma_start3A_82 : memref<10240x128xf32, #tpu.memory_space<vmem_shared>>) offsets(%arg15 : memref<80xi32, #tpu.memory_space<vmem>>) semaphore(%arg32 : memref<!tpu.dma_semaphore, #tpu.memory_space<semaphore_mem>>) {add = true}
      %dma_wait3A_83 = arith.constant 0 : i32
      %dma_wait3A_84 = arith.constant 0 : i32
      %dma_wait3A_85 = tpu.memref_slice %arg2[%dma_wait3A_83, %dma_wait3A_84] : memref<10240x128xf32, #tpu.memory_space<hbm>> -> memref<10240x128xf32, #tpu.memory_space<hbm>>
      tpu.wait_indirect_dma semaphore(%arg29 : memref<!tpu.dma_semaphore, #tpu.memory_space<semaphore_mem>>) src(%dma_wait3A_85 : memref<10240x128xf32, #tpu.memory_space<hbm>>) dst(%arg8 : memref<80x128xf32, #tpu.memory_space<vmem>>)
      %dma_wait3A_86 = tpu.memref_slice %arg4[%mul3A_31] : memref<327680xi32, #tpu.memory_space<hbm>> -> memref<80xi32, #tpu.memory_space<hbm>>
      %dma_wait3A_87 = tpu.memref_slice %arg4[%mul3A_31] : memref<327680xi32, #tpu.memory_space<hbm>> -> memref<80xi32, #tpu.memory_space<hbm>>
      tpu.wait_dma2 semaphore(%arg25 : memref<!tpu.dma_semaphore, #tpu.memory_space<semaphore_mem>>) src(%dma_wait3A_87 : memref<80xi32, #tpu.memory_space<hbm>>) dst(%arg16 : memref<80xi32, #tpu.memory_space<vmem>>)
      %dma_start3A_88 = arith.constant 0 : i32
      %dma_start3A_89 = arith.constant 0 : i32
      %dma_start3A_90 = tpu.memref_slice %arg19[%dma_start3A_88, %dma_start3A_89] : memref<10240x128xf32, #tpu.memory_space<vmem_shared>> -> memref<10240x128xf32, #tpu.memory_space<vmem_shared>>
      tpu.enqueue_indirect_dma source(%arg8 : memref<80x128xf32, #tpu.memory_space<vmem>>) target(%dma_start3A_90 : memref<10240x128xf32, #tpu.memory_space<vmem_shared>>) offsets(%arg16 : memref<80xi32, #tpu.memory_space<vmem>>) semaphore(%arg33 : memref<!tpu.dma_semaphore, #tpu.memory_space<semaphore_mem>>) {add = true}
      %dma_wait3A_91 = arith.constant 0 : i32
      %dma_wait3A_92 = arith.constant 0 : i32
      %dma_wait3A_93 = tpu.memref_slice %arg2[%dma_wait3A_91, %dma_wait3A_92] : memref<10240x128xf32, #tpu.memory_space<hbm>> -> memref<10240x128xf32, #tpu.memory_space<hbm>>
      tpu.wait_indirect_dma semaphore(%arg30 : memref<!tpu.dma_semaphore, #tpu.memory_space<semaphore_mem>>) src(%dma_wait3A_93 : memref<10240x128xf32, #tpu.memory_space<hbm>>) dst(%arg9 : memref<80x128xf32, #tpu.memory_space<vmem>>)
      %dma_wait3A_94 = tpu.memref_slice %arg4[%mul3A_41] : memref<327680xi32, #tpu.memory_space<hbm>> -> memref<80xi32, #tpu.memory_space<hbm>>
      %dma_wait3A_95 = tpu.memref_slice %arg4[%mul3A_41] : memref<327680xi32, #tpu.memory_space<hbm>> -> memref<80xi32, #tpu.memory_space<hbm>>
      tpu.wait_dma2 semaphore(%arg26 : memref<!tpu.dma_semaphore, #tpu.memory_space<semaphore_mem>>) src(%dma_wait3A_95 : memref<80xi32, #tpu.memory_space<hbm>>) dst(%arg17 : memref<80xi32, #tpu.memory_space<vmem>>)
      %dma_start3A_96 = arith.constant 0 : i32
      %dma_start3A_97 = arith.constant 0 : i32
      %dma_start3A_98 = tpu.memref_slice %arg19[%dma_start3A_96, %dma_start3A_97] : memref<10240x128xf32, #tpu.memory_space<vmem_shared>> -> memref<10240x128xf32, #tpu.memory_space<vmem_shared>>
      tpu.enqueue_indirect_dma source(%arg9 : memref<80x128xf32, #tpu.memory_space<vmem>>) target(%dma_start3A_98 : memref<10240x128xf32, #tpu.memory_space<vmem_shared>>) offsets(%arg17 : memref<80xi32, #tpu.memory_space<vmem>>) semaphore(%arg34 : memref<!tpu.dma_semaphore, #tpu.memory_space<semaphore_mem>>) {add = true}
      %dma_wait3A_99 = arith.constant 0 : i32
      %dma_wait3A_100 = arith.constant 0 : i32
      %dma_wait3A_101 = tpu.memref_slice %arg2[%dma_wait3A_99, %dma_wait3A_100] : memref<10240x128xf32, #tpu.memory_space<hbm>> -> memref<10240x128xf32, #tpu.memory_space<hbm>>
      tpu.wait_indirect_dma semaphore(%arg31 : memref<!tpu.dma_semaphore, #tpu.memory_space<semaphore_mem>>) src(%dma_wait3A_101 : memref<10240x128xf32, #tpu.memory_space<hbm>>) dst(%arg10 : memref<80x128xf32, #tpu.memory_space<vmem>>)
      %dma_wait3A_102 = tpu.memref_slice %arg4[%mul3A_51] : memref<327680xi32, #tpu.memory_space<hbm>> -> memref<80xi32, #tpu.memory_space<hbm>>
      %dma_wait3A_103 = tpu.memref_slice %arg4[%mul3A_51] : memref<327680xi32, #tpu.memory_space<hbm>> -> memref<80xi32, #tpu.memory_space<hbm>>
      tpu.wait_dma2 semaphore(%arg27 : memref<!tpu.dma_semaphore, #tpu.memory_space<semaphore_mem>>) src(%dma_wait3A_103 : memref<80xi32, #tpu.memory_space<hbm>>) dst(%arg18 : memref<80xi32, #tpu.memory_space<vmem>>)
      %dma_start3A_104 = arith.constant 0 : i32
      %dma_start3A_105 = arith.constant 0 : i32
      %dma_start3A_106 = tpu.memref_slice %arg19[%dma_start3A_104, %dma_start3A_105] : memref<10240x128xf32, #tpu.memory_space<vmem_shared>> -> memref<10240x128xf32, #tpu.memory_space<vmem_shared>>
      tpu.enqueue_indirect_dma source(%arg10 : memref<80x128xf32, #tpu.memory_space<vmem>>) target(%dma_start3A_106 : memref<10240x128xf32, #tpu.memory_space<vmem_shared>>) offsets(%arg18 : memref<80xi32, #tpu.memory_space<vmem>>) semaphore(%arg35 : memref<!tpu.dma_semaphore, #tpu.memory_space<semaphore_mem>>) {add = true}
      %scan3A = arith.constant 0 : i32
      %scan3A_107 = arith.constant 1 : i32
      %scan3A_108 = arith.constant 39 : i32
      %scan3A_109 = arith.addi %scan3A_107, %scan3A_108 : i32
      %scan3A_110 = arith.constant 1 : i32
      scf.for %scan3A_124 = %scan3A_107 to %scan3A_109 step %scan3A_110  : i32 {
        %dma_wait3A_125 = arith.constant 0 : i32
        %dma_wait3A_126 = arith.constant 0 : i32
        %dma_wait3A_127 = tpu.memref_slice %arg19[%dma_wait3A_125, %dma_wait3A_126] : memref<10240x128xf32, #tpu.memory_space<vmem_shared>> -> memref<10240x128xf32, #tpu.memory_space<vmem_shared>>
        tpu.wait_indirect_dma semaphore(%arg32 : memref<!tpu.dma_semaphore, #tpu.memory_space<semaphore_mem>>) src(%arg7 : memref<80x128xf32, #tpu.memory_space<vmem>>) dst(%dma_wait3A_127 : memref<10240x128xf32, #tpu.memory_space<vmem_shared>>)
        %mul3A_128 = arith.constant 4 : i32
        %mul3A_129 = arith.muli %scan3A_124, %mul3A_128 : i32
        %add3A_130 = arith.addi %mul3A_16, %mul3A_129 : i32
        %add3A_131 = arith.constant 0 : i32
        %add3A_132 = arith.addi %add3A_130, %add3A_131 : i32
        %mul3A_133 = arith.constant 80 : i32
        %mul3A_134 = arith.muli %add3A_132, %mul3A_133 : i32
        %dma_start3A_135 = tpu.memref_slice %arg3[%mul3A_134] : memref<327680xi32, #tpu.memory_space<hbm>> -> memref<80xi32, #tpu.memory_space<hbm>>
        %dma_start3A_136 = tpu.memref_slice %arg3[%mul3A_134] : memref<327680xi32, #tpu.memory_space<hbm>> -> memref<80xi32, #tpu.memory_space<hbm>>
        tpu.enqueue_dma source(%dma_start3A_136 : memref<80xi32, #tpu.memory_space<hbm>>) target(%arg11 : memref<80xi32, #tpu.memory_space<vmem>>) target_semaphore(%arg20 : memref<!tpu.dma_semaphore, #tpu.memory_space<semaphore_mem>>)
        %dma_start3A_137 = tpu.memref_slice %arg4[%mul3A_134] : memref<327680xi32, #tpu.memory_space<hbm>> -> memref<80xi32, #tpu.memory_space<hbm>>
        %dma_start3A_138 = tpu.memref_slice %arg4[%mul3A_134] : memref<327680xi32, #tpu.memory_space<hbm>> -> memref<80xi32, #tpu.memory_space<hbm>>
        tpu.enqueue_dma source(%dma_start3A_138 : memref<80xi32, #tpu.memory_space<hbm>>) target(%arg15 : memref<80xi32, #tpu.memory_space<vmem>>) target_semaphore(%arg24 : memref<!tpu.dma_semaphore, #tpu.memory_space<semaphore_mem>>)
        %dma_wait3A_139 = arith.constant 0 : i32
        %dma_wait3A_140 = arith.constant 0 : i32
        %dma_wait3A_141 = tpu.memref_slice %arg19[%dma_wait3A_139, %dma_wait3A_140] : memref<10240x128xf32, #tpu.memory_space<vmem_shared>> -> memref<10240x128xf32, #tpu.memory_space<vmem_shared>>
        tpu.wait_indirect_dma semaphore(%arg33 : memref<!tpu.dma_semaphore, #tpu.memory_space<semaphore_mem>>) src(%arg8 : memref<80x128xf32, #tpu.memory_space<vmem>>) dst(%dma_wait3A_141 : memref<10240x128xf32, #tpu.memory_space<vmem_shared>>)
        %mul3A_142 = arith.constant 4 : i32
        %mul3A_143 = arith.muli %scan3A_124, %mul3A_142 : i32
        %add3A_144 = arith.addi %mul3A_16, %mul3A_143 : i32
        %add3A_145 = arith.constant 1 : i32
        %add3A_146 = arith.addi %add3A_144, %add3A_145 : i32
        %mul3A_147 = arith.constant 80 : i32
        %mul3A_148 = arith.muli %add3A_146, %mul3A_147 : i32
        %dma_start3A_149 = tpu.memref_slice %arg3[%mul3A_148] : memref<327680xi32, #tpu.memory_space<hbm>> -> memref<80xi32, #tpu.memory_space<hbm>>
        %dma_start3A_150 = tpu.memref_slice %arg3[%mul3A_148] : memref<327680xi32, #tpu.memory_space<hbm>> -> memref<80xi32, #tpu.memory_space<hbm>>
        tpu.enqueue_dma source(%dma_start3A_150 : memref<80xi32, #tpu.memory_space<hbm>>) target(%arg12 : memref<80xi32, #tpu.memory_space<vmem>>) target_semaphore(%arg21 : memref<!tpu.dma_semaphore, #tpu.memory_space<semaphore_mem>>)
        %dma_start3A_151 = tpu.memref_slice %arg4[%mul3A_148] : memref<327680xi32, #tpu.memory_space<hbm>> -> memref<80xi32, #tpu.memory_space<hbm>>
        %dma_start3A_152 = tpu.memref_slice %arg4[%mul3A_148] : memref<327680xi32, #tpu.memory_space<hbm>> -> memref<80xi32, #tpu.memory_space<hbm>>
        tpu.enqueue_dma source(%dma_start3A_152 : memref<80xi32, #tpu.memory_space<hbm>>) target(%arg16 : memref<80xi32, #tpu.memory_space<vmem>>) target_semaphore(%arg25 : memref<!tpu.dma_semaphore, #tpu.memory_space<semaphore_mem>>)
        %dma_wait3A_153 = arith.constant 0 : i32
        %dma_wait3A_154 = arith.constant 0 : i32
        %dma_wait3A_155 = tpu.memref_slice %arg19[%dma_wait3A_153, %dma_wait3A_154] : memref<10240x128xf32, #tpu.memory_space<vmem_shared>> -> memref<10240x128xf32, #tpu.memory_space<vmem_shared>>
        tpu.wait_indirect_dma semaphore(%arg34 : memref<!tpu.dma_semaphore, #tpu.memory_space<semaphore_mem>>) src(%arg9 : memref<80x128xf32, #tpu.memory_space<vmem>>) dst(%dma_wait3A_155 : memref<10240x128xf32, #tpu.memory_space<vmem_shared>>)
        %mul3A_156 = arith.constant 4 : i32
        %mul3A_157 = arith.muli %scan3A_124, %mul3A_156 : i32
        %add3A_158 = arith.addi %mul3A_16, %mul3A_157 : i32
        %add3A_159 = arith.constant 2 : i32
        %add3A_160 = arith.addi %add3A_158, %add3A_159 : i32
        %mul3A_161 = arith.constant 80 : i32
        %mul3A_162 = arith.muli %add3A_160, %mul3A_161 : i32
        %dma_start3A_163 = tpu.memref_slice %arg3[%mul3A_162] : memref<327680xi32, #tpu.memory_space<hbm>> -> memref<80xi32, #tpu.memory_space<hbm>>
        %dma_start3A_164 = tpu.memref_slice %arg3[%mul3A_162] : memref<327680xi32, #tpu.memory_space<hbm>> -> memref<80xi32, #tpu.memory_space<hbm>>
        tpu.enqueue_dma source(%dma_start3A_164 : memref<80xi32, #tpu.memory_space<hbm>>) target(%arg13 : memref<80xi32, #tpu.memory_space<vmem>>) target_semaphore(%arg22 : memref<!tpu.dma_semaphore, #tpu.memory_space<semaphore_mem>>)
        %dma_start3A_165 = tpu.memref_slice %arg4[%mul3A_162] : memref<327680xi32, #tpu.memory_space<hbm>> -> memref<80xi32, #tpu.memory_space<hbm>>
        %dma_start3A_166 = tpu.memref_slice %arg4[%mul3A_162] : memref<327680xi32, #tpu.memory_space<hbm>> -> memref<80xi32, #tpu.memory_space<hbm>>
        tpu.enqueue_dma source(%dma_start3A_166 : memref<80xi32, #tpu.memory_space<hbm>>) target(%arg17 : memref<80xi32, #tpu.memory_space<vmem>>) target_semaphore(%arg26 : memref<!tpu.dma_semaphore, #tpu.memory_space<semaphore_mem>>)
        %dma_wait3A_167 = arith.constant 0 : i32
        %dma_wait3A_168 = arith.constant 0 : i32
        %dma_wait3A_169 = tpu.memref_slice %arg19[%dma_wait3A_167, %dma_wait3A_168] : memref<10240x128xf32, #tpu.memory_space<vmem_shared>> -> memref<10240x128xf32, #tpu.memory_space<vmem_shared>>
        tpu.wait_indirect_dma semaphore(%arg35 : memref<!tpu.dma_semaphore, #tpu.memory_space<semaphore_mem>>) src(%arg10 : memref<80x128xf32, #tpu.memory_space<vmem>>) dst(%dma_wait3A_169 : memref<10240x128xf32, #tpu.memory_space<vmem_shared>>)
        %mul3A_170 = arith.constant 4 : i32
        %mul3A_171 = arith.muli %scan3A_124, %mul3A_170 : i32
        %add3A_172 = arith.addi %mul3A_16, %mul3A_171 : i32
        %add3A_173 = arith.constant 3 : i32
        %add3A_174 = arith.addi %add3A_172, %add3A_173 : i32
        %mul3A_175 = arith.constant 80 : i32
        %mul3A_176 = arith.muli %add3A_174, %mul3A_175 : i32
        %dma_start3A_177 = tpu.memref_slice %arg3[%mul3A_176] : memref<327680xi32, #tpu.memory_space<hbm>> -> memref<80xi32, #tpu.memory_space<hbm>>
        %dma_start3A_178 = tpu.memref_slice %arg3[%mul3A_176] : memref<327680xi32, #tpu.memory_space<hbm>> -> memref<80xi32, #tpu.memory_space<hbm>>
        tpu.enqueue_dma source(%dma_start3A_178 : memref<80xi32, #tpu.memory_space<hbm>>) target(%arg14 : memref<80xi32, #tpu.memory_space<vmem>>) target_semaphore(%arg23 : memref<!tpu.dma_semaphore, #tpu.memory_space<semaphore_mem>>)
        %dma_start3A_179 = tpu.memref_slice %arg4[%mul3A_176] : memref<327680xi32, #tpu.memory_space<hbm>> -> memref<80xi32, #tpu.memory_space<hbm>>
        %dma_start3A_180 = tpu.memref_slice %arg4[%mul3A_176] : memref<327680xi32, #tpu.memory_space<hbm>> -> memref<80xi32, #tpu.memory_space<hbm>>
        tpu.enqueue_dma source(%dma_start3A_180 : memref<80xi32, #tpu.memory_space<hbm>>) target(%arg18 : memref<80xi32, #tpu.memory_space<vmem>>) target_semaphore(%arg27 : memref<!tpu.dma_semaphore, #tpu.memory_space<semaphore_mem>>)
        %dma_wait3A_181 = tpu.memref_slice %arg3[%mul3A_134] : memref<327680xi32, #tpu.memory_space<hbm>> -> memref<80xi32, #tpu.memory_space<hbm>>
        %dma_wait3A_182 = tpu.memref_slice %arg3[%mul3A_134] : memref<327680xi32, #tpu.memory_space<hbm>> -> memref<80xi32, #tpu.memory_space<hbm>>
        tpu.wait_dma2 semaphore(%arg20 : memref<!tpu.dma_semaphore, #tpu.memory_space<semaphore_mem>>) src(%dma_wait3A_182 : memref<80xi32, #tpu.memory_space<hbm>>) dst(%arg11 : memref<80xi32, #tpu.memory_space<vmem>>)
        %dma_start3A_183 = arith.constant 0 : i32
        %dma_start3A_184 = arith.constant 0 : i32
        %dma_start3A_185 = tpu.memref_slice %arg2[%dma_start3A_183, %dma_start3A_184] : memref<10240x128xf32, #tpu.memory_space<hbm>> -> memref<10240x128xf32, #tpu.memory_space<hbm>>
        tpu.enqueue_indirect_dma source(%dma_start3A_185 : memref<10240x128xf32, #tpu.memory_space<hbm>>) target(%arg7 : memref<80x128xf32, #tpu.memory_space<vmem>>) offsets(%arg11 : memref<80xi32, #tpu.memory_space<vmem>>) semaphore(%arg28 : memref<!tpu.dma_semaphore, #tpu.memory_space<semaphore_mem>>)
        %dma_wait3A_186 = tpu.memref_slice %arg3[%mul3A_148] : memref<327680xi32, #tpu.memory_space<hbm>> -> memref<80xi32, #tpu.memory_space<hbm>>
        %dma_wait3A_187 = tpu.memref_slice %arg3[%mul3A_148] : memref<327680xi32, #tpu.memory_space<hbm>> -> memref<80xi32, #tpu.memory_space<hbm>>
        tpu.wait_dma2 semaphore(%arg21 : memref<!tpu.dma_semaphore, #tpu.memory_space<semaphore_mem>>) src(%dma_wait3A_187 : memref<80xi32, #tpu.memory_space<hbm>>) dst(%arg12 : memref<80xi32, #tpu.memory_space<vmem>>)
        %dma_start3A_188 = arith.constant 0 : i32
        %dma_start3A_189 = arith.constant 0 : i32
        %dma_start3A_190 = tpu.memref_slice %arg2[%dma_start3A_188, %dma_start3A_189] : memref<10240x128xf32, #tpu.memory_space<hbm>> -> memref<10240x128xf32, #tpu.memory_space<hbm>>
        tpu.enqueue_indirect_dma source(%dma_start3A_190 : memref<10240x128xf32, #tpu.memory_space<hbm>>) target(%arg8 : memref<80x128xf32, #tpu.memory_space<vmem>>) offsets(%arg12 : memref<80xi32, #tpu.memory_space<vmem>>) semaphore(%arg29 : memref<!tpu.dma_semaphore, #tpu.memory_space<semaphore_mem>>)
        %dma_wait3A_191 = tpu.memref_slice %arg3[%mul3A_162] : memref<327680xi32, #tpu.memory_space<hbm>> -> memref<80xi32, #tpu.memory_space<hbm>>
        %dma_wait3A_192 = tpu.memref_slice %arg3[%mul3A_162] : memref<327680xi32, #tpu.memory_space<hbm>> -> memref<80xi32, #tpu.memory_space<hbm>>
        tpu.wait_dma2 semaphore(%arg22 : memref<!tpu.dma_semaphore, #tpu.memory_space<semaphore_mem>>) src(%dma_wait3A_192 : memref<80xi32, #tpu.memory_space<hbm>>) dst(%arg13 : memref<80xi32, #tpu.memory_space<vmem>>)
        %dma_start3A_193 = arith.constant 0 : i32
        %dma_start3A_194 = arith.constant 0 : i32
        %dma_start3A_195 = tpu.memref_slice %arg2[%dma_start3A_193, %dma_start3A_194] : memref<10240x128xf32, #tpu.memory_space<hbm>> -> memref<10240x128xf32, #tpu.memory_space<hbm>>
        tpu.enqueue_indirect_dma source(%dma_start3A_195 : memref<10240x128xf32, #tpu.memory_space<hbm>>) target(%arg9 : memref<80x128xf32, #tpu.memory_space<vmem>>) offsets(%arg13 : memref<80xi32, #tpu.memory_space<vmem>>) semaphore(%arg30 : memref<!tpu.dma_semaphore, #tpu.memory_space<semaphore_mem>>)
        %dma_wait3A_196 = tpu.memref_slice %arg3[%mul3A_176] : memref<327680xi32, #tpu.memory_space<hbm>> -> memref<80xi32, #tpu.memory_space<hbm>>
        %dma_wait3A_197 = tpu.memref_slice %arg3[%mul3A_176] : memref<327680xi32, #tpu.memory_space<hbm>> -> memref<80xi32, #tpu.memory_space<hbm>>
        tpu.wait_dma2 semaphore(%arg23 : memref<!tpu.dma_semaphore, #tpu.memory_space<semaphore_mem>>) src(%dma_wait3A_197 : memref<80xi32, #tpu.memory_space<hbm>>) dst(%arg14 : memref<80xi32, #tpu.memory_space<vmem>>)
        %dma_start3A_198 = arith.constant 0 : i32
        %dma_start3A_199 = arith.constant 0 : i32
        %dma_start3A_200 = tpu.memref_slice %arg2[%dma_start3A_198, %dma_start3A_199] : memref<10240x128xf32, #tpu.memory_space<hbm>> -> memref<10240x128xf32, #tpu.memory_space<hbm>>
        tpu.enqueue_indirect_dma source(%dma_start3A_200 : memref<10240x128xf32, #tpu.memory_space<hbm>>) target(%arg10 : memref<80x128xf32, #tpu.memory_space<vmem>>) offsets(%arg14 : memref<80xi32, #tpu.memory_space<vmem>>) semaphore(%arg31 : memref<!tpu.dma_semaphore, #tpu.memory_space<semaphore_mem>>)
        %dma_wait3A_201 = arith.constant 0 : i32
        %dma_wait3A_202 = arith.constant 0 : i32
        %dma_wait3A_203 = tpu.memref_slice %arg2[%dma_wait3A_201, %dma_wait3A_202] : memref<10240x128xf32, #tpu.memory_space<hbm>> -> memref<10240x128xf32, #tpu.memory_space<hbm>>
        tpu.wait_indirect_dma semaphore(%arg28 : memref<!tpu.dma_semaphore, #tpu.memory_space<semaphore_mem>>) src(%dma_wait3A_203 : memref<10240x128xf32, #tpu.memory_space<hbm>>) dst(%arg7 : memref<80x128xf32, #tpu.memory_space<vmem>>)
        %dma_wait3A_204 = tpu.memref_slice %arg4[%mul3A_134] : memref<327680xi32, #tpu.memory_space<hbm>> -> memref<80xi32, #tpu.memory_space<hbm>>
        %dma_wait3A_205 = tpu.memref_slice %arg4[%mul3A_134] : memref<327680xi32, #tpu.memory_space<hbm>> -> memref<80xi32, #tpu.memory_space<hbm>>
        tpu.wait_dma2 semaphore(%arg24 : memref<!tpu.dma_semaphore, #tpu.memory_space<semaphore_mem>>) src(%dma_wait3A_205 : memref<80xi32, #tpu.memory_space<hbm>>) dst(%arg15 : memref<80xi32, #tpu.memory_space<vmem>>)
        %dma_start3A_206 = arith.constant 0 : i32
        %dma_start3A_207 = arith.constant 0 : i32
        %dma_start3A_208 = tpu.memref_slice %arg19[%dma_start3A_206, %dma_start3A_207] : memref<10240x128xf32, #tpu.memory_space<vmem_shared>> -> memref<10240x128xf32, #tpu.memory_space<vmem_shared>>
        tpu.enqueue_indirect_dma source(%arg7 : memref<80x128xf32, #tpu.memory_space<vmem>>) target(%dma_start3A_208 : memref<10240x128xf32, #tpu.memory_space<vmem_shared>>) offsets(%arg15 : memref<80xi32, #tpu.memory_space<vmem>>) semaphore(%arg32 : memref<!tpu.dma_semaphore, #tpu.memory_space<semaphore_mem>>) {add = true}
        %dma_wait3A_209 = arith.constant 0 : i32
        %dma_wait3A_210 = arith.constant 0 : i32
        %dma_wait3A_211 = tpu.memref_slice %arg2[%dma_wait3A_209, %dma_wait3A_210] : memref<10240x128xf32, #tpu.memory_space<hbm>> -> memref<10240x128xf32, #tpu.memory_space<hbm>>
        tpu.wait_indirect_dma semaphore(%arg29 : memref<!tpu.dma_semaphore, #tpu.memory_space<semaphore_mem>>) src(%dma_wait3A_211 : memref<10240x128xf32, #tpu.memory_space<hbm>>) dst(%arg8 : memref<80x128xf32, #tpu.memory_space<vmem>>)
        %dma_wait3A_212 = tpu.memref_slice %arg4[%mul3A_148] : memref<327680xi32, #tpu.memory_space<hbm>> -> memref<80xi32, #tpu.memory_space<hbm>>
        %dma_wait3A_213 = tpu.memref_slice %arg4[%mul3A_148] : memref<327680xi32, #tpu.memory_space<hbm>> -> memref<80xi32, #tpu.memory_space<hbm>>
        tpu.wait_dma2 semaphore(%arg25 : memref<!tpu.dma_semaphore, #tpu.memory_space<semaphore_mem>>) src(%dma_wait3A_213 : memref<80xi32, #tpu.memory_space<hbm>>) dst(%arg16 : memref<80xi32, #tpu.memory_space<vmem>>)
        %dma_start3A_214 = arith.constant 0 : i32
        %dma_start3A_215 = arith.constant 0 : i32
        %dma_start3A_216 = tpu.memref_slice %arg19[%dma_start3A_214, %dma_start3A_215] : memref<10240x128xf32, #tpu.memory_space<vmem_shared>> -> memref<10240x128xf32, #tpu.memory_space<vmem_shared>>
        tpu.enqueue_indirect_dma source(%arg8 : memref<80x128xf32, #tpu.memory_space<vmem>>) target(%dma_start3A_216 : memref<10240x128xf32, #tpu.memory_space<vmem_shared>>) offsets(%arg16 : memref<80xi32, #tpu.memory_space<vmem>>) semaphore(%arg33 : memref<!tpu.dma_semaphore, #tpu.memory_space<semaphore_mem>>) {add = true}
        %dma_wait3A_217 = arith.constant 0 : i32
        %dma_wait3A_218 = arith.constant 0 : i32
        %dma_wait3A_219 = tpu.memref_slice %arg2[%dma_wait3A_217, %dma_wait3A_218] : memref<10240x128xf32, #tpu.memory_space<hbm>> -> memref<10240x128xf32, #tpu.memory_space<hbm>>
        tpu.wait_indirect_dma semaphore(%arg30 : memref<!tpu.dma_semaphore, #tpu.memory_space<semaphore_mem>>) src(%dma_wait3A_219 : memref<10240x128xf32, #tpu.memory_space<hbm>>) dst(%arg9 : memref<80x128xf32, #tpu.memory_space<vmem>>)
        %dma_wait3A_220 = tpu.memref_slice %arg4[%mul3A_162] : memref<327680xi32, #tpu.memory_space<hbm>> -> memref<80xi32, #tpu.memory_space<hbm>>
        %dma_wait3A_221 = tpu.memref_slice %arg4[%mul3A_162] : memref<327680xi32, #tpu.memory_space<hbm>> -> memref<80xi32, #tpu.memory_space<hbm>>
        tpu.wait_dma2 semaphore(%arg26 : memref<!tpu.dma_semaphore, #tpu.memory_space<semaphore_mem>>) src(%dma_wait3A_221 : memref<80xi32, #tpu.memory_space<hbm>>) dst(%arg17 : memref<80xi32, #tpu.memory_space<vmem>>)
        %dma_start3A_222 = arith.constant 0 : i32
        %dma_start3A_223 = arith.constant 0 : i32
        %dma_start3A_224 = tpu.memref_slice %arg19[%dma_start3A_222, %dma_start3A_223] : memref<10240x128xf32, #tpu.memory_space<vmem_shared>> -> memref<10240x128xf32, #tpu.memory_space<vmem_shared>>
        tpu.enqueue_indirect_dma source(%arg9 : memref<80x128xf32, #tpu.memory_space<vmem>>) target(%dma_start3A_224 : memref<10240x128xf32, #tpu.memory_space<vmem_shared>>) offsets(%arg17 : memref<80xi32, #tpu.memory_space<vmem>>) semaphore(%arg34 : memref<!tpu.dma_semaphore, #tpu.memory_space<semaphore_mem>>) {add = true}
        %dma_wait3A_225 = arith.constant 0 : i32
        %dma_wait3A_226 = arith.constant 0 : i32
        %dma_wait3A_227 = tpu.memref_slice %arg2[%dma_wait3A_225, %dma_wait3A_226] : memref<10240x128xf32, #tpu.memory_space<hbm>> -> memref<10240x128xf32, #tpu.memory_space<hbm>>
        tpu.wait_indirect_dma semaphore(%arg31 : memref<!tpu.dma_semaphore, #tpu.memory_space<semaphore_mem>>) src(%dma_wait3A_227 : memref<10240x128xf32, #tpu.memory_space<hbm>>) dst(%arg10 : memref<80x128xf32, #tpu.memory_space<vmem>>)
        %dma_wait3A_228 = tpu.memref_slice %arg4[%mul3A_176] : memref<327680xi32, #tpu.memory_space<hbm>> -> memref<80xi32, #tpu.memory_space<hbm>>
        %dma_wait3A_229 = tpu.memref_slice %arg4[%mul3A_176] : memref<327680xi32, #tpu.memory_space<hbm>> -> memref<80xi32, #tpu.memory_space<hbm>>
        tpu.wait_dma2 semaphore(%arg27 : memref<!tpu.dma_semaphore, #tpu.memory_space<semaphore_mem>>) src(%dma_wait3A_229 : memref<80xi32, #tpu.memory_space<hbm>>) dst(%arg18 : memref<80xi32, #tpu.memory_space<vmem>>)
        %dma_start3A_230 = arith.constant 0 : i32
        %dma_start3A_231 = arith.constant 0 : i32
        %dma_start3A_232 = tpu.memref_slice %arg19[%dma_start3A_230, %dma_start3A_231] : memref<10240x128xf32, #tpu.memory_space<vmem_shared>> -> memref<10240x128xf32, #tpu.memory_space<vmem_shared>>
        tpu.enqueue_indirect_dma source(%arg10 : memref<80x128xf32, #tpu.memory_space<vmem>>) target(%dma_start3A_232 : memref<10240x128xf32, #tpu.memory_space<vmem_shared>>) offsets(%arg18 : memref<80xi32, #tpu.memory_space<vmem>>) semaphore(%arg35 : memref<!tpu.dma_semaphore, #tpu.memory_space<semaphore_mem>>) {add = true}
      }
      %scan3A_111 = arith.constant 39 : i32
      %dma_wait3A_112 = arith.constant 0 : i32
      %dma_wait3A_113 = arith.constant 0 : i32
      %dma_wait3A_114 = tpu.memref_slice %arg19[%dma_wait3A_112, %dma_wait3A_113] : memref<10240x128xf32, #tpu.memory_space<vmem_shared>> -> memref<10240x128xf32, #tpu.memory_space<vmem_shared>>
      tpu.wait_indirect_dma semaphore(%arg32 : memref<!tpu.dma_semaphore, #tpu.memory_space<semaphore_mem>>) src(%arg7 : memref<80x128xf32, #tpu.memory_space<vmem>>) dst(%dma_wait3A_114 : memref<10240x128xf32, #tpu.memory_space<vmem_shared>>)
      %dma_wait3A_115 = arith.constant 0 : i32
      %dma_wait3A_116 = arith.constant 0 : i32
      %dma_wait3A_117 = tpu.memref_slice %arg19[%dma_wait3A_115, %dma_wait3A_116] : memref<10240x128xf32, #tpu.memory_space<vmem_shared>> -> memref<10240x128xf32, #tpu.memory_space<vmem_shared>>
      tpu.wait_indirect_dma semaphore(%arg33 : memref<!tpu.dma_semaphore, #tpu.memory_space<semaphore_mem>>) src(%arg8 : memref<80x128xf32, #tpu.memory_space<vmem>>) dst(%dma_wait3A_117 : memref<10240x128xf32, #tpu.memory_space<vmem_shared>>)
      %dma_wait3A_118 = arith.constant 0 : i32
      %dma_wait3A_119 = arith.constant 0 : i32
      %dma_wait3A_120 = tpu.memref_slice %arg19[%dma_wait3A_118, %dma_wait3A_119] : memref<10240x128xf32, #tpu.memory_space<vmem_shared>> -> memref<10240x128xf32, #tpu.memory_space<vmem_shared>>
      tpu.wait_indirect_dma semaphore(%arg34 : memref<!tpu.dma_semaphore, #tpu.memory_space<semaphore_mem>>) src(%arg9 : memref<80x128xf32, #tpu.memory_space<vmem>>) dst(%dma_wait3A_120 : memref<10240x128xf32, #tpu.memory_space<vmem_shared>>)
      %dma_wait3A_121 = arith.constant 0 : i32
      %dma_wait3A_122 = arith.constant 0 : i32
      %dma_wait3A_123 = tpu.memref_slice %arg19[%dma_wait3A_121, %dma_wait3A_122] : memref<10240x128xf32, #tpu.memory_space<vmem_shared>> -> memref<10240x128xf32, #tpu.memory_space<vmem_shared>>
      tpu.wait_indirect_dma semaphore(%arg35 : memref<!tpu.dma_semaphore, #tpu.memory_space<semaphore_mem>>) src(%arg10 : memref<80x128xf32, #tpu.memory_space<vmem>>) dst(%dma_wait3A_123 : memref<10240x128xf32, #tpu.memory_space<vmem_shared>>)
    } else {
    }
    %eq3A_5 = arith.constant 1 : i32
    %eq3A_6 = arith.cmpi eq, %arg0, %eq3A_5 : i32
    %convert_element_type3A_7 = arith.extui %eq3A_6 : i1 to i32
    %cond3A_8 = arith.constant 0 : i32
    %cond3A_9 = arith.cmpi ne, %convert_element_type3A_7, %cond3A_8 : i32
    scf.if %cond3A_9 {
      %mul3A_15 = arith.constant 96 : i32
      %mul3A_16 = arith.muli %arg1, %mul3A_15 : i32
      %add3A_17 = arith.constant 2560 : i32
      %add3A_18 = arith.addi %add3A_17, %mul3A_16 : i32
      %add3A_19 = arith.constant 0 : i32
      %add3A_20 = arith.addi %add3A_18, %add3A_19 : i32
      %add3A_21 = arith.constant 0 : i32
      %add3A_22 = arith.addi %add3A_20, %add3A_21 : i32
      %mul3A_23 = arith.constant 80 : i32
      %mul3A_24 = arith.muli %add3A_22, %mul3A_23 : i32
      %dma_start3A = tpu.memref_slice %arg3[%mul3A_24] : memref<327680xi32, #tpu.memory_space<hbm>> -> memref<80xi32, #tpu.memory_space<hbm>>
      %dma_start3A_25 = tpu.memref_slice %arg3[%mul3A_24] : memref<327680xi32, #tpu.memory_space<hbm>> -> memref<80xi32, #tpu.memory_space<hbm>>
      tpu.enqueue_dma source(%dma_start3A_25 : memref<80xi32, #tpu.memory_space<hbm>>) target(%arg11 : memref<80xi32, #tpu.memory_space<vmem>>) target_semaphore(%arg20 : memref<!tpu.dma_semaphore, #tpu.memory_space<semaphore_mem>>)
      %dma_start3A_26 = tpu.memref_slice %arg4[%mul3A_24] : memref<327680xi32, #tpu.memory_space<hbm>> -> memref<80xi32, #tpu.memory_space<hbm>>
      %dma_start3A_27 = tpu.memref_slice %arg4[%mul3A_24] : memref<327680xi32, #tpu.memory_space<hbm>> -> memref<80xi32, #tpu.memory_space<hbm>>
      tpu.enqueue_dma source(%dma_start3A_27 : memref<80xi32, #tpu.memory_space<hbm>>) target(%arg15 : memref<80xi32, #tpu.memory_space<vmem>>) target_semaphore(%arg24 : memref<!tpu.dma_semaphore, #tpu.memory_space<semaphore_mem>>)
      %add3A_28 = arith.constant 0 : i32
      %add3A_29 = arith.addi %add3A_18, %add3A_28 : i32
      %add3A_30 = arith.constant 1 : i32
      %add3A_31 = arith.addi %add3A_29, %add3A_30 : i32
      %mul3A_32 = arith.constant 80 : i32
      %mul3A_33 = arith.muli %add3A_31, %mul3A_32 : i32
      %dma_start3A_34 = tpu.memref_slice %arg3[%mul3A_33] : memref<327680xi32, #tpu.memory_space<hbm>> -> memref<80xi32, #tpu.memory_space<hbm>>
      %dma_start3A_35 = tpu.memref_slice %arg3[%mul3A_33] : memref<327680xi32, #tpu.memory_space<hbm>> -> memref<80xi32, #tpu.memory_space<hbm>>
      tpu.enqueue_dma source(%dma_start3A_35 : memref<80xi32, #tpu.memory_space<hbm>>) target(%arg12 : memref<80xi32, #tpu.memory_space<vmem>>) target_semaphore(%arg21 : memref<!tpu.dma_semaphore, #tpu.memory_space<semaphore_mem>>)
      %dma_start3A_36 = tpu.memref_slice %arg4[%mul3A_33] : memref<327680xi32, #tpu.memory_space<hbm>> -> memref<80xi32, #tpu.memory_space<hbm>>
      %dma_start3A_37 = tpu.memref_slice %arg4[%mul3A_33] : memref<327680xi32, #tpu.memory_space<hbm>> -> memref<80xi32, #tpu.memory_space<hbm>>
      tpu.enqueue_dma source(%dma_start3A_37 : memref<80xi32, #tpu.memory_space<hbm>>) target(%arg16 : memref<80xi32, #tpu.memory_space<vmem>>) target_semaphore(%arg25 : memref<!tpu.dma_semaphore, #tpu.memory_space<semaphore_mem>>)
      %add3A_38 = arith.constant 0 : i32
      %add3A_39 = arith.addi %add3A_18, %add3A_38 : i32
      %add3A_40 = arith.constant 2 : i32
      %add3A_41 = arith.addi %add3A_39, %add3A_40 : i32
      %mul3A_42 = arith.constant 80 : i32
      %mul3A_43 = arith.muli %add3A_41, %mul3A_42 : i32
      %dma_start3A_44 = tpu.memref_slice %arg3[%mul3A_43] : memref<327680xi32, #tpu.memory_space<hbm>> -> memref<80xi32, #tpu.memory_space<hbm>>
      %dma_start3A_45 = tpu.memref_slice %arg3[%mul3A_43] : memref<327680xi32, #tpu.memory_space<hbm>> -> memref<80xi32, #tpu.memory_space<hbm>>
      tpu.enqueue_dma source(%dma_start3A_45 : memref<80xi32, #tpu.memory_space<hbm>>) target(%arg13 : memref<80xi32, #tpu.memory_space<vmem>>) target_semaphore(%arg22 : memref<!tpu.dma_semaphore, #tpu.memory_space<semaphore_mem>>)
      %dma_start3A_46 = tpu.memref_slice %arg4[%mul3A_43] : memref<327680xi32, #tpu.memory_space<hbm>> -> memref<80xi32, #tpu.memory_space<hbm>>
      %dma_start3A_47 = tpu.memref_slice %arg4[%mul3A_43] : memref<327680xi32, #tpu.memory_space<hbm>> -> memref<80xi32, #tpu.memory_space<hbm>>
      tpu.enqueue_dma source(%dma_start3A_47 : memref<80xi32, #tpu.memory_space<hbm>>) target(%arg17 : memref<80xi32, #tpu.memory_space<vmem>>) target_semaphore(%arg26 : memref<!tpu.dma_semaphore, #tpu.memory_space<semaphore_mem>>)
      %add3A_48 = arith.constant 0 : i32
      %add3A_49 = arith.addi %add3A_18, %add3A_48 : i32
      %add3A_50 = arith.constant 3 : i32
      %add3A_51 = arith.addi %add3A_49, %add3A_50 : i32
      %mul3A_52 = arith.constant 80 : i32
      %mul3A_53 = arith.muli %add3A_51, %mul3A_52 : i32
      %dma_start3A_54 = tpu.memref_slice %arg3[%mul3A_53] : memref<327680xi32, #tpu.memory_space<hbm>> -> memref<80xi32, #tpu.memory_space<hbm>>
      %dma_start3A_55 = tpu.memref_slice %arg3[%mul3A_53] : memref<327680xi32, #tpu.memory_space<hbm>> -> memref<80xi32, #tpu.memory_space<hbm>>
      tpu.enqueue_dma source(%dma_start3A_55 : memref<80xi32, #tpu.memory_space<hbm>>) target(%arg14 : memref<80xi32, #tpu.memory_space<vmem>>) target_semaphore(%arg23 : memref<!tpu.dma_semaphore, #tpu.memory_space<semaphore_mem>>)
      %dma_start3A_56 = tpu.memref_slice %arg4[%mul3A_53] : memref<327680xi32, #tpu.memory_space<hbm>> -> memref<80xi32, #tpu.memory_space<hbm>>
      %dma_start3A_57 = tpu.memref_slice %arg4[%mul3A_53] : memref<327680xi32, #tpu.memory_space<hbm>> -> memref<80xi32, #tpu.memory_space<hbm>>
      tpu.enqueue_dma source(%dma_start3A_57 : memref<80xi32, #tpu.memory_space<hbm>>) target(%arg18 : memref<80xi32, #tpu.memory_space<vmem>>) target_semaphore(%arg27 : memref<!tpu.dma_semaphore, #tpu.memory_space<semaphore_mem>>)
      %dma_wait3A = tpu.memref_slice %arg3[%mul3A_24] : memref<327680xi32, #tpu.memory_space<hbm>> -> memref<80xi32, #tpu.memory_space<hbm>>
      %dma_wait3A_58 = tpu.memref_slice %arg3[%mul3A_24] : memref<327680xi32, #tpu.memory_space<hbm>> -> memref<80xi32, #tpu.memory_space<hbm>>
      tpu.wait_dma2 semaphore(%arg20 : memref<!tpu.dma_semaphore, #tpu.memory_space<semaphore_mem>>) src(%dma_wait3A_58 : memref<80xi32, #tpu.memory_space<hbm>>) dst(%arg11 : memref<80xi32, #tpu.memory_space<vmem>>)
      %dma_start3A_59 = arith.constant 0 : i32
      %dma_start3A_60 = arith.constant 0 : i32
      %dma_start3A_61 = tpu.memref_slice %arg2[%dma_start3A_59, %dma_start3A_60] : memref<10240x128xf32, #tpu.memory_space<hbm>> -> memref<10240x128xf32, #tpu.memory_space<hbm>>
      tpu.enqueue_indirect_dma source(%dma_start3A_61 : memref<10240x128xf32, #tpu.memory_space<hbm>>) target(%arg7 : memref<80x128xf32, #tpu.memory_space<vmem>>) offsets(%arg11 : memref<80xi32, #tpu.memory_space<vmem>>) semaphore(%arg28 : memref<!tpu.dma_semaphore, #tpu.memory_space<semaphore_mem>>)
      %dma_wait3A_62 = tpu.memref_slice %arg3[%mul3A_33] : memref<327680xi32, #tpu.memory_space<hbm>> -> memref<80xi32, #tpu.memory_space<hbm>>
      %dma_wait3A_63 = tpu.memref_slice %arg3[%mul3A_33] : memref<327680xi32, #tpu.memory_space<hbm>> -> memref<80xi32, #tpu.memory_space<hbm>>
      tpu.wait_dma2 semaphore(%arg21 : memref<!tpu.dma_semaphore, #tpu.memory_space<semaphore_mem>>) src(%dma_wait3A_63 : memref<80xi32, #tpu.memory_space<hbm>>) dst(%arg12 : memref<80xi32, #tpu.memory_space<vmem>>)
      %dma_start3A_64 = arith.constant 0 : i32
      %dma_start3A_65 = arith.constant 0 : i32
      %dma_start3A_66 = tpu.memref_slice %arg2[%dma_start3A_64, %dma_start3A_65] : memref<10240x128xf32, #tpu.memory_space<hbm>> -> memref<10240x128xf32, #tpu.memory_space<hbm>>
      tpu.enqueue_indirect_dma source(%dma_start3A_66 : memref<10240x128xf32, #tpu.memory_space<hbm>>) target(%arg8 : memref<80x128xf32, #tpu.memory_space<vmem>>) offsets(%arg12 : memref<80xi32, #tpu.memory_space<vmem>>) semaphore(%arg29 : memref<!tpu.dma_semaphore, #tpu.memory_space<semaphore_mem>>)
      %dma_wait3A_67 = tpu.memref_slice %arg3[%mul3A_43] : memref<327680xi32, #tpu.memory_space<hbm>> -> memref<80xi32, #tpu.memory_space<hbm>>
      %dma_wait3A_68 = tpu.memref_slice %arg3[%mul3A_43] : memref<327680xi32, #tpu.memory_space<hbm>> -> memref<80xi32, #tpu.memory_space<hbm>>
      tpu.wait_dma2 semaphore(%arg22 : memref<!tpu.dma_semaphore, #tpu.memory_space<semaphore_mem>>) src(%dma_wait3A_68 : memref<80xi32, #tpu.memory_space<hbm>>) dst(%arg13 : memref<80xi32, #tpu.memory_space<vmem>>)
      %dma_start3A_69 = arith.constant 0 : i32
      %dma_start3A_70 = arith.constant 0 : i32
      %dma_start3A_71 = tpu.memref_slice %arg2[%dma_start3A_69, %dma_start3A_70] : memref<10240x128xf32, #tpu.memory_space<hbm>> -> memref<10240x128xf32, #tpu.memory_space<hbm>>
      tpu.enqueue_indirect_dma source(%dma_start3A_71 : memref<10240x128xf32, #tpu.memory_space<hbm>>) target(%arg9 : memref<80x128xf32, #tpu.memory_space<vmem>>) offsets(%arg13 : memref<80xi32, #tpu.memory_space<vmem>>) semaphore(%arg30 : memref<!tpu.dma_semaphore, #tpu.memory_space<semaphore_mem>>)
      %dma_wait3A_72 = tpu.memref_slice %arg3[%mul3A_53] : memref<327680xi32, #tpu.memory_space<hbm>> -> memref<80xi32, #tpu.memory_space<hbm>>
      %dma_wait3A_73 = tpu.memref_slice %arg3[%mul3A_53] : memref<327680xi32, #tpu.memory_space<hbm>> -> memref<80xi32, #tpu.memory_space<hbm>>
      tpu.wait_dma2 semaphore(%arg23 : memref<!tpu.dma_semaphore, #tpu.memory_space<semaphore_mem>>) src(%dma_wait3A_73 : memref<80xi32, #tpu.memory_space<hbm>>) dst(%arg14 : memref<80xi32, #tpu.memory_space<vmem>>)
      %dma_start3A_74 = arith.constant 0 : i32
      %dma_start3A_75 = arith.constant 0 : i32
      %dma_start3A_76 = tpu.memref_slice %arg2[%dma_start3A_74, %dma_start3A_75] : memref<10240x128xf32, #tpu.memory_space<hbm>> -> memref<10240x128xf32, #tpu.memory_space<hbm>>
      tpu.enqueue_indirect_dma source(%dma_start3A_76 : memref<10240x128xf32, #tpu.memory_space<hbm>>) target(%arg10 : memref<80x128xf32, #tpu.memory_space<vmem>>) offsets(%arg14 : memref<80xi32, #tpu.memory_space<vmem>>) semaphore(%arg31 : memref<!tpu.dma_semaphore, #tpu.memory_space<semaphore_mem>>)
      %dma_wait3A_77 = arith.constant 0 : i32
      %dma_wait3A_78 = arith.constant 0 : i32
      %dma_wait3A_79 = tpu.memref_slice %arg2[%dma_wait3A_77, %dma_wait3A_78] : memref<10240x128xf32, #tpu.memory_space<hbm>> -> memref<10240x128xf32, #tpu.memory_space<hbm>>
      tpu.wait_indirect_dma semaphore(%arg28 : memref<!tpu.dma_semaphore, #tpu.memory_space<semaphore_mem>>) src(%dma_wait3A_79 : memref<10240x128xf32, #tpu.memory_space<hbm>>) dst(%arg7 : memref<80x128xf32, #tpu.memory_space<vmem>>)
      %dma_wait3A_80 = tpu.memref_slice %arg4[%mul3A_24] : memref<327680xi32, #tpu.memory_space<hbm>> -> memref<80xi32, #tpu.memory_space<hbm>>
      %dma_wait3A_81 = tpu.memref_slice %arg4[%mul3A_24] : memref<327680xi32, #tpu.memory_space<hbm>> -> memref<80xi32, #tpu.memory_space<hbm>>
      tpu.wait_dma2 semaphore(%arg24 : memref<!tpu.dma_semaphore, #tpu.memory_space<semaphore_mem>>) src(%dma_wait3A_81 : memref<80xi32, #tpu.memory_space<hbm>>) dst(%arg15 : memref<80xi32, #tpu.memory_space<vmem>>)
      %dma_start3A_82 = arith.constant 0 : i32
      %dma_start3A_83 = arith.constant 0 : i32
      %dma_start3A_84 = tpu.memref_slice %arg19[%dma_start3A_82, %dma_start3A_83] : memref<10240x128xf32, #tpu.memory_space<vmem_shared>> -> memref<10240x128xf32, #tpu.memory_space<vmem_shared>>
      tpu.enqueue_indirect_dma source(%arg7 : memref<80x128xf32, #tpu.memory_space<vmem>>) target(%dma_start3A_84 : memref<10240x128xf32, #tpu.memory_space<vmem_shared>>) offsets(%arg15 : memref<80xi32, #tpu.memory_space<vmem>>) semaphore(%arg32 : memref<!tpu.dma_semaphore, #tpu.memory_space<semaphore_mem>>) {add = true}
      %dma_wait3A_85 = arith.constant 0 : i32
      %dma_wait3A_86 = arith.constant 0 : i32
      %dma_wait3A_87 = tpu.memref_slice %arg2[%dma_wait3A_85, %dma_wait3A_86] : memref<10240x128xf32, #tpu.memory_space<hbm>> -> memref<10240x128xf32, #tpu.memory_space<hbm>>
      tpu.wait_indirect_dma semaphore(%arg29 : memref<!tpu.dma_semaphore, #tpu.memory_space<semaphore_mem>>) src(%dma_wait3A_87 : memref<10240x128xf32, #tpu.memory_space<hbm>>) dst(%arg8 : memref<80x128xf32, #tpu.memory_space<vmem>>)
      %dma_wait3A_88 = tpu.memref_slice %arg4[%mul3A_33] : memref<327680xi32, #tpu.memory_space<hbm>> -> memref<80xi32, #tpu.memory_space<hbm>>
      %dma_wait3A_89 = tpu.memref_slice %arg4[%mul3A_33] : memref<327680xi32, #tpu.memory_space<hbm>> -> memref<80xi32, #tpu.memory_space<hbm>>
      tpu.wait_dma2 semaphore(%arg25 : memref<!tpu.dma_semaphore, #tpu.memory_space<semaphore_mem>>) src(%dma_wait3A_89 : memref<80xi32, #tpu.memory_space<hbm>>) dst(%arg16 : memref<80xi32, #tpu.memory_space<vmem>>)
      %dma_start3A_90 = arith.constant 0 : i32
      %dma_start3A_91 = arith.constant 0 : i32
      %dma_start3A_92 = tpu.memref_slice %arg19[%dma_start3A_90, %dma_start3A_91] : memref<10240x128xf32, #tpu.memory_space<vmem_shared>> -> memref<10240x128xf32, #tpu.memory_space<vmem_shared>>
      tpu.enqueue_indirect_dma source(%arg8 : memref<80x128xf32, #tpu.memory_space<vmem>>) target(%dma_start3A_92 : memref<10240x128xf32, #tpu.memory_space<vmem_shared>>) offsets(%arg16 : memref<80xi32, #tpu.memory_space<vmem>>) semaphore(%arg33 : memref<!tpu.dma_semaphore, #tpu.memory_space<semaphore_mem>>) {add = true}
      %dma_wait3A_93 = arith.constant 0 : i32
      %dma_wait3A_94 = arith.constant 0 : i32
      %dma_wait3A_95 = tpu.memref_slice %arg2[%dma_wait3A_93, %dma_wait3A_94] : memref<10240x128xf32, #tpu.memory_space<hbm>> -> memref<10240x128xf32, #tpu.memory_space<hbm>>
      tpu.wait_indirect_dma semaphore(%arg30 : memref<!tpu.dma_semaphore, #tpu.memory_space<semaphore_mem>>) src(%dma_wait3A_95 : memref<10240x128xf32, #tpu.memory_space<hbm>>) dst(%arg9 : memref<80x128xf32, #tpu.memory_space<vmem>>)
      %dma_wait3A_96 = tpu.memref_slice %arg4[%mul3A_43] : memref<327680xi32, #tpu.memory_space<hbm>> -> memref<80xi32, #tpu.memory_space<hbm>>
      %dma_wait3A_97 = tpu.memref_slice %arg4[%mul3A_43] : memref<327680xi32, #tpu.memory_space<hbm>> -> memref<80xi32, #tpu.memory_space<hbm>>
      tpu.wait_dma2 semaphore(%arg26 : memref<!tpu.dma_semaphore, #tpu.memory_space<semaphore_mem>>) src(%dma_wait3A_97 : memref<80xi32, #tpu.memory_space<hbm>>) dst(%arg17 : memref<80xi32, #tpu.memory_space<vmem>>)
      %dma_start3A_98 = arith.constant 0 : i32
      %dma_start3A_99 = arith.constant 0 : i32
      %dma_start3A_100 = tpu.memref_slice %arg19[%dma_start3A_98, %dma_start3A_99] : memref<10240x128xf32, #tpu.memory_space<vmem_shared>> -> memref<10240x128xf32, #tpu.memory_space<vmem_shared>>
      tpu.enqueue_indirect_dma source(%arg9 : memref<80x128xf32, #tpu.memory_space<vmem>>) target(%dma_start3A_100 : memref<10240x128xf32, #tpu.memory_space<vmem_shared>>) offsets(%arg17 : memref<80xi32, #tpu.memory_space<vmem>>) semaphore(%arg34 : memref<!tpu.dma_semaphore, #tpu.memory_space<semaphore_mem>>) {add = true}
      %dma_wait3A_101 = arith.constant 0 : i32
      %dma_wait3A_102 = arith.constant 0 : i32
      %dma_wait3A_103 = tpu.memref_slice %arg2[%dma_wait3A_101, %dma_wait3A_102] : memref<10240x128xf32, #tpu.memory_space<hbm>> -> memref<10240x128xf32, #tpu.memory_space<hbm>>
      tpu.wait_indirect_dma semaphore(%arg31 : memref<!tpu.dma_semaphore, #tpu.memory_space<semaphore_mem>>) src(%dma_wait3A_103 : memref<10240x128xf32, #tpu.memory_space<hbm>>) dst(%arg10 : memref<80x128xf32, #tpu.memory_space<vmem>>)
      %dma_wait3A_104 = tpu.memref_slice %arg4[%mul3A_53] : memref<327680xi32, #tpu.memory_space<hbm>> -> memref<80xi32, #tpu.memory_space<hbm>>
      %dma_wait3A_105 = tpu.memref_slice %arg4[%mul3A_53] : memref<327680xi32, #tpu.memory_space<hbm>> -> memref<80xi32, #tpu.memory_space<hbm>>
      tpu.wait_dma2 semaphore(%arg27 : memref<!tpu.dma_semaphore, #tpu.memory_space<semaphore_mem>>) src(%dma_wait3A_105 : memref<80xi32, #tpu.memory_space<hbm>>) dst(%arg18 : memref<80xi32, #tpu.memory_space<vmem>>)
      %dma_start3A_106 = arith.constant 0 : i32
      %dma_start3A_107 = arith.constant 0 : i32
      %dma_start3A_108 = tpu.memref_slice %arg19[%dma_start3A_106, %dma_start3A_107] : memref<10240x128xf32, #tpu.memory_space<vmem_shared>> -> memref<10240x128xf32, #tpu.memory_space<vmem_shared>>
      tpu.enqueue_indirect_dma source(%arg10 : memref<80x128xf32, #tpu.memory_space<vmem>>) target(%dma_start3A_108 : memref<10240x128xf32, #tpu.memory_space<vmem_shared>>) offsets(%arg18 : memref<80xi32, #tpu.memory_space<vmem>>) semaphore(%arg35 : memref<!tpu.dma_semaphore, #tpu.memory_space<semaphore_mem>>) {add = true}
      %scan3A = arith.constant 0 : i32
      %scan3A_109 = arith.constant 1 : i32
      %scan3A_110 = arith.constant 23 : i32
      %scan3A_111 = arith.addi %scan3A_109, %scan3A_110 : i32
      %scan3A_112 = arith.constant 1 : i32
      scf.for %scan3A_126 = %scan3A_109 to %scan3A_111 step %scan3A_112  : i32 {
        %dma_wait3A_127 = arith.constant 0 : i32
        %dma_wait3A_128 = arith.constant 0 : i32
        %dma_wait3A_129 = tpu.memref_slice %arg19[%dma_wait3A_127, %dma_wait3A_128] : memref<10240x128xf32, #tpu.memory_space<vmem_shared>> -> memref<10240x128xf32, #tpu.memory_space<vmem_shared>>
        tpu.wait_indirect_dma semaphore(%arg32 : memref<!tpu.dma_semaphore, #tpu.memory_space<semaphore_mem>>) src(%arg7 : memref<80x128xf32, #tpu.memory_space<vmem>>) dst(%dma_wait3A_129 : memref<10240x128xf32, #tpu.memory_space<vmem_shared>>)
        %mul3A_130 = arith.constant 4 : i32
        %mul3A_131 = arith.muli %scan3A_126, %mul3A_130 : i32
        %add3A_132 = arith.addi %add3A_18, %mul3A_131 : i32
        %add3A_133 = arith.constant 0 : i32
        %add3A_134 = arith.addi %add3A_132, %add3A_133 : i32
        %mul3A_135 = arith.constant 80 : i32
        %mul3A_136 = arith.muli %add3A_134, %mul3A_135 : i32
        %dma_start3A_137 = tpu.memref_slice %arg3[%mul3A_136] : memref<327680xi32, #tpu.memory_space<hbm>> -> memref<80xi32, #tpu.memory_space<hbm>>
        %dma_start3A_138 = tpu.memref_slice %arg3[%mul3A_136] : memref<327680xi32, #tpu.memory_space<hbm>> -> memref<80xi32, #tpu.memory_space<hbm>>
        tpu.enqueue_dma source(%dma_start3A_138 : memref<80xi32, #tpu.memory_space<hbm>>) target(%arg11 : memref<80xi32, #tpu.memory_space<vmem>>) target_semaphore(%arg20 : memref<!tpu.dma_semaphore, #tpu.memory_space<semaphore_mem>>)
        %dma_start3A_139 = tpu.memref_slice %arg4[%mul3A_136] : memref<327680xi32, #tpu.memory_space<hbm>> -> memref<80xi32, #tpu.memory_space<hbm>>
        %dma_start3A_140 = tpu.memref_slice %arg4[%mul3A_136] : memref<327680xi32, #tpu.memory_space<hbm>> -> memref<80xi32, #tpu.memory_space<hbm>>
        tpu.enqueue_dma source(%dma_start3A_140 : memref<80xi32, #tpu.memory_space<hbm>>) target(%arg15 : memref<80xi32, #tpu.memory_space<vmem>>) target_semaphore(%arg24 : memref<!tpu.dma_semaphore, #tpu.memory_space<semaphore_mem>>)
        %dma_wait3A_141 = arith.constant 0 : i32
        %dma_wait3A_142 = arith.constant 0 : i32
        %dma_wait3A_143 = tpu.memref_slice %arg19[%dma_wait3A_141, %dma_wait3A_142] : memref<10240x128xf32, #tpu.memory_space<vmem_shared>> -> memref<10240x128xf32, #tpu.memory_space<vmem_shared>>
        tpu.wait_indirect_dma semaphore(%arg33 : memref<!tpu.dma_semaphore, #tpu.memory_space<semaphore_mem>>) src(%arg8 : memref<80x128xf32, #tpu.memory_space<vmem>>) dst(%dma_wait3A_143 : memref<10240x128xf32, #tpu.memory_space<vmem_shared>>)
        %mul3A_144 = arith.constant 4 : i32
        %mul3A_145 = arith.muli %scan3A_126, %mul3A_144 : i32
        %add3A_146 = arith.addi %add3A_18, %mul3A_145 : i32
        %add3A_147 = arith.constant 1 : i32
        %add3A_148 = arith.addi %add3A_146, %add3A_147 : i32
        %mul3A_149 = arith.constant 80 : i32
        %mul3A_150 = arith.muli %add3A_148, %mul3A_149 : i32
        %dma_start3A_151 = tpu.memref_slice %arg3[%mul3A_150] : memref<327680xi32, #tpu.memory_space<hbm>> -> memref<80xi32, #tpu.memory_space<hbm>>
        %dma_start3A_152 = tpu.memref_slice %arg3[%mul3A_150] : memref<327680xi32, #tpu.memory_space<hbm>> -> memref<80xi32, #tpu.memory_space<hbm>>
        tpu.enqueue_dma source(%dma_start3A_152 : memref<80xi32, #tpu.memory_space<hbm>>) target(%arg12 : memref<80xi32, #tpu.memory_space<vmem>>) target_semaphore(%arg21 : memref<!tpu.dma_semaphore, #tpu.memory_space<semaphore_mem>>)
        %dma_start3A_153 = tpu.memref_slice %arg4[%mul3A_150] : memref<327680xi32, #tpu.memory_space<hbm>> -> memref<80xi32, #tpu.memory_space<hbm>>
        %dma_start3A_154 = tpu.memref_slice %arg4[%mul3A_150] : memref<327680xi32, #tpu.memory_space<hbm>> -> memref<80xi32, #tpu.memory_space<hbm>>
        tpu.enqueue_dma source(%dma_start3A_154 : memref<80xi32, #tpu.memory_space<hbm>>) target(%arg16 : memref<80xi32, #tpu.memory_space<vmem>>) target_semaphore(%arg25 : memref<!tpu.dma_semaphore, #tpu.memory_space<semaphore_mem>>)
        %dma_wait3A_155 = arith.constant 0 : i32
        %dma_wait3A_156 = arith.constant 0 : i32
        %dma_wait3A_157 = tpu.memref_slice %arg19[%dma_wait3A_155, %dma_wait3A_156] : memref<10240x128xf32, #tpu.memory_space<vmem_shared>> -> memref<10240x128xf32, #tpu.memory_space<vmem_shared>>
        tpu.wait_indirect_dma semaphore(%arg34 : memref<!tpu.dma_semaphore, #tpu.memory_space<semaphore_mem>>) src(%arg9 : memref<80x128xf32, #tpu.memory_space<vmem>>) dst(%dma_wait3A_157 : memref<10240x128xf32, #tpu.memory_space<vmem_shared>>)
        %mul3A_158 = arith.constant 4 : i32
        %mul3A_159 = arith.muli %scan3A_126, %mul3A_158 : i32
        %add3A_160 = arith.addi %add3A_18, %mul3A_159 : i32
        %add3A_161 = arith.constant 2 : i32
        %add3A_162 = arith.addi %add3A_160, %add3A_161 : i32
        %mul3A_163 = arith.constant 80 : i32
        %mul3A_164 = arith.muli %add3A_162, %mul3A_163 : i32
        %dma_start3A_165 = tpu.memref_slice %arg3[%mul3A_164] : memref<327680xi32, #tpu.memory_space<hbm>> -> memref<80xi32, #tpu.memory_space<hbm>>
        %dma_start3A_166 = tpu.memref_slice %arg3[%mul3A_164] : memref<327680xi32, #tpu.memory_space<hbm>> -> memref<80xi32, #tpu.memory_space<hbm>>
        tpu.enqueue_dma source(%dma_start3A_166 : memref<80xi32, #tpu.memory_space<hbm>>) target(%arg13 : memref<80xi32, #tpu.memory_space<vmem>>) target_semaphore(%arg22 : memref<!tpu.dma_semaphore, #tpu.memory_space<semaphore_mem>>)
        %dma_start3A_167 = tpu.memref_slice %arg4[%mul3A_164] : memref<327680xi32, #tpu.memory_space<hbm>> -> memref<80xi32, #tpu.memory_space<hbm>>
        %dma_start3A_168 = tpu.memref_slice %arg4[%mul3A_164] : memref<327680xi32, #tpu.memory_space<hbm>> -> memref<80xi32, #tpu.memory_space<hbm>>
        tpu.enqueue_dma source(%dma_start3A_168 : memref<80xi32, #tpu.memory_space<hbm>>) target(%arg17 : memref<80xi32, #tpu.memory_space<vmem>>) target_semaphore(%arg26 : memref<!tpu.dma_semaphore, #tpu.memory_space<semaphore_mem>>)
        %dma_wait3A_169 = arith.constant 0 : i32
        %dma_wait3A_170 = arith.constant 0 : i32
        %dma_wait3A_171 = tpu.memref_slice %arg19[%dma_wait3A_169, %dma_wait3A_170] : memref<10240x128xf32, #tpu.memory_space<vmem_shared>> -> memref<10240x128xf32, #tpu.memory_space<vmem_shared>>
        tpu.wait_indirect_dma semaphore(%arg35 : memref<!tpu.dma_semaphore, #tpu.memory_space<semaphore_mem>>) src(%arg10 : memref<80x128xf32, #tpu.memory_space<vmem>>) dst(%dma_wait3A_171 : memref<10240x128xf32, #tpu.memory_space<vmem_shared>>)
        %mul3A_172 = arith.constant 4 : i32
        %mul3A_173 = arith.muli %scan3A_126, %mul3A_172 : i32
        %add3A_174 = arith.addi %add3A_18, %mul3A_173 : i32
        %add3A_175 = arith.constant 3 : i32
        %add3A_176 = arith.addi %add3A_174, %add3A_175 : i32
        %mul3A_177 = arith.constant 80 : i32
        %mul3A_178 = arith.muli %add3A_176, %mul3A_177 : i32
        %dma_start3A_179 = tpu.memref_slice %arg3[%mul3A_178] : memref<327680xi32, #tpu.memory_space<hbm>> -> memref<80xi32, #tpu.memory_space<hbm>>
        %dma_start3A_180 = tpu.memref_slice %arg3[%mul3A_178] : memref<327680xi32, #tpu.memory_space<hbm>> -> memref<80xi32, #tpu.memory_space<hbm>>
        tpu.enqueue_dma source(%dma_start3A_180 : memref<80xi32, #tpu.memory_space<hbm>>) target(%arg14 : memref<80xi32, #tpu.memory_space<vmem>>) target_semaphore(%arg23 : memref<!tpu.dma_semaphore, #tpu.memory_space<semaphore_mem>>)
        %dma_start3A_181 = tpu.memref_slice %arg4[%mul3A_178] : memref<327680xi32, #tpu.memory_space<hbm>> -> memref<80xi32, #tpu.memory_space<hbm>>
        %dma_start3A_182 = tpu.memref_slice %arg4[%mul3A_178] : memref<327680xi32, #tpu.memory_space<hbm>> -> memref<80xi32, #tpu.memory_space<hbm>>
        tpu.enqueue_dma source(%dma_start3A_182 : memref<80xi32, #tpu.memory_space<hbm>>) target(%arg18 : memref<80xi32, #tpu.memory_space<vmem>>) target_semaphore(%arg27 : memref<!tpu.dma_semaphore, #tpu.memory_space<semaphore_mem>>)
        %dma_wait3A_183 = tpu.memref_slice %arg3[%mul3A_136] : memref<327680xi32, #tpu.memory_space<hbm>> -> memref<80xi32, #tpu.memory_space<hbm>>
        %dma_wait3A_184 = tpu.memref_slice %arg3[%mul3A_136] : memref<327680xi32, #tpu.memory_space<hbm>> -> memref<80xi32, #tpu.memory_space<hbm>>
        tpu.wait_dma2 semaphore(%arg20 : memref<!tpu.dma_semaphore, #tpu.memory_space<semaphore_mem>>) src(%dma_wait3A_184 : memref<80xi32, #tpu.memory_space<hbm>>) dst(%arg11 : memref<80xi32, #tpu.memory_space<vmem>>)
        %dma_start3A_185 = arith.constant 0 : i32
        %dma_start3A_186 = arith.constant 0 : i32
        %dma_start3A_187 = tpu.memref_slice %arg2[%dma_start3A_185, %dma_start3A_186] : memref<10240x128xf32, #tpu.memory_space<hbm>> -> memref<10240x128xf32, #tpu.memory_space<hbm>>
        tpu.enqueue_indirect_dma source(%dma_start3A_187 : memref<10240x128xf32, #tpu.memory_space<hbm>>) target(%arg7 : memref<80x128xf32, #tpu.memory_space<vmem>>) offsets(%arg11 : memref<80xi32, #tpu.memory_space<vmem>>) semaphore(%arg28 : memref<!tpu.dma_semaphore, #tpu.memory_space<semaphore_mem>>)
        %dma_wait3A_188 = tpu.memref_slice %arg3[%mul3A_150] : memref<327680xi32, #tpu.memory_space<hbm>> -> memref<80xi32, #tpu.memory_space<hbm>>
        %dma_wait3A_189 = tpu.memref_slice %arg3[%mul3A_150] : memref<327680xi32, #tpu.memory_space<hbm>> -> memref<80xi32, #tpu.memory_space<hbm>>
        tpu.wait_dma2 semaphore(%arg21 : memref<!tpu.dma_semaphore, #tpu.memory_space<semaphore_mem>>) src(%dma_wait3A_189 : memref<80xi32, #tpu.memory_space<hbm>>) dst(%arg12 : memref<80xi32, #tpu.memory_space<vmem>>)
        %dma_start3A_190 = arith.constant 0 : i32
        %dma_start3A_191 = arith.constant 0 : i32
        %dma_start3A_192 = tpu.memref_slice %arg2[%dma_start3A_190, %dma_start3A_191] : memref<10240x128xf32, #tpu.memory_space<hbm>> -> memref<10240x128xf32, #tpu.memory_space<hbm>>
        tpu.enqueue_indirect_dma source(%dma_start3A_192 : memref<10240x128xf32, #tpu.memory_space<hbm>>) target(%arg8 : memref<80x128xf32, #tpu.memory_space<vmem>>) offsets(%arg12 : memref<80xi32, #tpu.memory_space<vmem>>) semaphore(%arg29 : memref<!tpu.dma_semaphore, #tpu.memory_space<semaphore_mem>>)
        %dma_wait3A_193 = tpu.memref_slice %arg3[%mul3A_164] : memref<327680xi32, #tpu.memory_space<hbm>> -> memref<80xi32, #tpu.memory_space<hbm>>
        %dma_wait3A_194 = tpu.memref_slice %arg3[%mul3A_164] : memref<327680xi32, #tpu.memory_space<hbm>> -> memref<80xi32, #tpu.memory_space<hbm>>
        tpu.wait_dma2 semaphore(%arg22 : memref<!tpu.dma_semaphore, #tpu.memory_space<semaphore_mem>>) src(%dma_wait3A_194 : memref<80xi32, #tpu.memory_space<hbm>>) dst(%arg13 : memref<80xi32, #tpu.memory_space<vmem>>)
        %dma_start3A_195 = arith.constant 0 : i32
        %dma_start3A_196 = arith.constant 0 : i32
        %dma_start3A_197 = tpu.memref_slice %arg2[%dma_start3A_195, %dma_start3A_196] : memref<10240x128xf32, #tpu.memory_space<hbm>> -> memref<10240x128xf32, #tpu.memory_space<hbm>>
        tpu.enqueue_indirect_dma source(%dma_start3A_197 : memref<10240x128xf32, #tpu.memory_space<hbm>>) target(%arg9 : memref<80x128xf32, #tpu.memory_space<vmem>>) offsets(%arg13 : memref<80xi32, #tpu.memory_space<vmem>>) semaphore(%arg30 : memref<!tpu.dma_semaphore, #tpu.memory_space<semaphore_mem>>)
        %dma_wait3A_198 = tpu.memref_slice %arg3[%mul3A_178] : memref<327680xi32, #tpu.memory_space<hbm>> -> memref<80xi32, #tpu.memory_space<hbm>>
        %dma_wait3A_199 = tpu.memref_slice %arg3[%mul3A_178] : memref<327680xi32, #tpu.memory_space<hbm>> -> memref<80xi32, #tpu.memory_space<hbm>>
        tpu.wait_dma2 semaphore(%arg23 : memref<!tpu.dma_semaphore, #tpu.memory_space<semaphore_mem>>) src(%dma_wait3A_199 : memref<80xi32, #tpu.memory_space<hbm>>) dst(%arg14 : memref<80xi32, #tpu.memory_space<vmem>>)
        %dma_start3A_200 = arith.constant 0 : i32
        %dma_start3A_201 = arith.constant 0 : i32
        %dma_start3A_202 = tpu.memref_slice %arg2[%dma_start3A_200, %dma_start3A_201] : memref<10240x128xf32, #tpu.memory_space<hbm>> -> memref<10240x128xf32, #tpu.memory_space<hbm>>
        tpu.enqueue_indirect_dma source(%dma_start3A_202 : memref<10240x128xf32, #tpu.memory_space<hbm>>) target(%arg10 : memref<80x128xf32, #tpu.memory_space<vmem>>) offsets(%arg14 : memref<80xi32, #tpu.memory_space<vmem>>) semaphore(%arg31 : memref<!tpu.dma_semaphore, #tpu.memory_space<semaphore_mem>>)
        %dma_wait3A_203 = arith.constant 0 : i32
        %dma_wait3A_204 = arith.constant 0 : i32
        %dma_wait3A_205 = tpu.memref_slice %arg2[%dma_wait3A_203, %dma_wait3A_204] : memref<10240x128xf32, #tpu.memory_space<hbm>> -> memref<10240x128xf32, #tpu.memory_space<hbm>>
        tpu.wait_indirect_dma semaphore(%arg28 : memref<!tpu.dma_semaphore, #tpu.memory_space<semaphore_mem>>) src(%dma_wait3A_205 : memref<10240x128xf32, #tpu.memory_space<hbm>>) dst(%arg7 : memref<80x128xf32, #tpu.memory_space<vmem>>)
        %dma_wait3A_206 = tpu.memref_slice %arg4[%mul3A_136] : memref<327680xi32, #tpu.memory_space<hbm>> -> memref<80xi32, #tpu.memory_space<hbm>>
        %dma_wait3A_207 = tpu.memref_slice %arg4[%mul3A_136] : memref<327680xi32, #tpu.memory_space<hbm>> -> memref<80xi32, #tpu.memory_space<hbm>>
        tpu.wait_dma2 semaphore(%arg24 : memref<!tpu.dma_semaphore, #tpu.memory_space<semaphore_mem>>) src(%dma_wait3A_207 : memref<80xi32, #tpu.memory_space<hbm>>) dst(%arg15 : memref<80xi32, #tpu.memory_space<vmem>>)
        %dma_start3A_208 = arith.constant 0 : i32
        %dma_start3A_209 = arith.constant 0 : i32
        %dma_start3A_210 = tpu.memref_slice %arg19[%dma_start3A_208, %dma_start3A_209] : memref<10240x128xf32, #tpu.memory_space<vmem_shared>> -> memref<10240x128xf32, #tpu.memory_space<vmem_shared>>
        tpu.enqueue_indirect_dma source(%arg7 : memref<80x128xf32, #tpu.memory_space<vmem>>) target(%dma_start3A_210 : memref<10240x128xf32, #tpu.memory_space<vmem_shared>>) offsets(%arg15 : memref<80xi32, #tpu.memory_space<vmem>>) semaphore(%arg32 : memref<!tpu.dma_semaphore, #tpu.memory_space<semaphore_mem>>) {add = true}
        %dma_wait3A_211 = arith.constant 0 : i32
        %dma_wait3A_212 = arith.constant 0 : i32
        %dma_wait3A_213 = tpu.memref_slice %arg2[%dma_wait3A_211, %dma_wait3A_212] : memref<10240x128xf32, #tpu.memory_space<hbm>> -> memref<10240x128xf32, #tpu.memory_space<hbm>>
        tpu.wait_indirect_dma semaphore(%arg29 : memref<!tpu.dma_semaphore, #tpu.memory_space<semaphore_mem>>) src(%dma_wait3A_213 : memref<10240x128xf32, #tpu.memory_space<hbm>>) dst(%arg8 : memref<80x128xf32, #tpu.memory_space<vmem>>)
        %dma_wait3A_214 = tpu.memref_slice %arg4[%mul3A_150] : memref<327680xi32, #tpu.memory_space<hbm>> -> memref<80xi32, #tpu.memory_space<hbm>>
        %dma_wait3A_215 = tpu.memref_slice %arg4[%mul3A_150] : memref<327680xi32, #tpu.memory_space<hbm>> -> memref<80xi32, #tpu.memory_space<hbm>>
        tpu.wait_dma2 semaphore(%arg25 : memref<!tpu.dma_semaphore, #tpu.memory_space<semaphore_mem>>) src(%dma_wait3A_215 : memref<80xi32, #tpu.memory_space<hbm>>) dst(%arg16 : memref<80xi32, #tpu.memory_space<vmem>>)
        %dma_start3A_216 = arith.constant 0 : i32
        %dma_start3A_217 = arith.constant 0 : i32
        %dma_start3A_218 = tpu.memref_slice %arg19[%dma_start3A_216, %dma_start3A_217] : memref<10240x128xf32, #tpu.memory_space<vmem_shared>> -> memref<10240x128xf32, #tpu.memory_space<vmem_shared>>
        tpu.enqueue_indirect_dma source(%arg8 : memref<80x128xf32, #tpu.memory_space<vmem>>) target(%dma_start3A_218 : memref<10240x128xf32, #tpu.memory_space<vmem_shared>>) offsets(%arg16 : memref<80xi32, #tpu.memory_space<vmem>>) semaphore(%arg33 : memref<!tpu.dma_semaphore, #tpu.memory_space<semaphore_mem>>) {add = true}
        %dma_wait3A_219 = arith.constant 0 : i32
        %dma_wait3A_220 = arith.constant 0 : i32
        %dma_wait3A_221 = tpu.memref_slice %arg2[%dma_wait3A_219, %dma_wait3A_220] : memref<10240x128xf32, #tpu.memory_space<hbm>> -> memref<10240x128xf32, #tpu.memory_space<hbm>>
        tpu.wait_indirect_dma semaphore(%arg30 : memref<!tpu.dma_semaphore, #tpu.memory_space<semaphore_mem>>) src(%dma_wait3A_221 : memref<10240x128xf32, #tpu.memory_space<hbm>>) dst(%arg9 : memref<80x128xf32, #tpu.memory_space<vmem>>)
        %dma_wait3A_222 = tpu.memref_slice %arg4[%mul3A_164] : memref<327680xi32, #tpu.memory_space<hbm>> -> memref<80xi32, #tpu.memory_space<hbm>>
        %dma_wait3A_223 = tpu.memref_slice %arg4[%mul3A_164] : memref<327680xi32, #tpu.memory_space<hbm>> -> memref<80xi32, #tpu.memory_space<hbm>>
        tpu.wait_dma2 semaphore(%arg26 : memref<!tpu.dma_semaphore, #tpu.memory_space<semaphore_mem>>) src(%dma_wait3A_223 : memref<80xi32, #tpu.memory_space<hbm>>) dst(%arg17 : memref<80xi32, #tpu.memory_space<vmem>>)
        %dma_start3A_224 = arith.constant 0 : i32
        %dma_start3A_225 = arith.constant 0 : i32
        %dma_start3A_226 = tpu.memref_slice %arg19[%dma_start3A_224, %dma_start3A_225] : memref<10240x128xf32, #tpu.memory_space<vmem_shared>> -> memref<10240x128xf32, #tpu.memory_space<vmem_shared>>
        tpu.enqueue_indirect_dma source(%arg9 : memref<80x128xf32, #tpu.memory_space<vmem>>) target(%dma_start3A_226 : memref<10240x128xf32, #tpu.memory_space<vmem_shared>>) offsets(%arg17 : memref<80xi32, #tpu.memory_space<vmem>>) semaphore(%arg34 : memref<!tpu.dma_semaphore, #tpu.memory_space<semaphore_mem>>) {add = true}
        %dma_wait3A_227 = arith.constant 0 : i32
        %dma_wait3A_228 = arith.constant 0 : i32
        %dma_wait3A_229 = tpu.memref_slice %arg2[%dma_wait3A_227, %dma_wait3A_228] : memref<10240x128xf32, #tpu.memory_space<hbm>> -> memref<10240x128xf32, #tpu.memory_space<hbm>>
        tpu.wait_indirect_dma semaphore(%arg31 : memref<!tpu.dma_semaphore, #tpu.memory_space<semaphore_mem>>) src(%dma_wait3A_229 : memref<10240x128xf32, #tpu.memory_space<hbm>>) dst(%arg10 : memref<80x128xf32, #tpu.memory_space<vmem>>)
        %dma_wait3A_230 = tpu.memref_slice %arg4[%mul3A_178] : memref<327680xi32, #tpu.memory_space<hbm>> -> memref<80xi32, #tpu.memory_space<hbm>>
        %dma_wait3A_231 = tpu.memref_slice %arg4[%mul3A_178] : memref<327680xi32, #tpu.memory_space<hbm>> -> memref<80xi32, #tpu.memory_space<hbm>>
        tpu.wait_dma2 semaphore(%arg27 : memref<!tpu.dma_semaphore, #tpu.memory_space<semaphore_mem>>) src(%dma_wait3A_231 : memref<80xi32, #tpu.memory_space<hbm>>) dst(%arg18 : memref<80xi32, #tpu.memory_space<vmem>>)
        %dma_start3A_232 = arith.constant 0 : i32
        %dma_start3A_233 = arith.constant 0 : i32
        %dma_start3A_234 = tpu.memref_slice %arg19[%dma_start3A_232, %dma_start3A_233] : memref<10240x128xf32, #tpu.memory_space<vmem_shared>> -> memref<10240x128xf32, #tpu.memory_space<vmem_shared>>
        tpu.enqueue_indirect_dma source(%arg10 : memref<80x128xf32, #tpu.memory_space<vmem>>) target(%dma_start3A_234 : memref<10240x128xf32, #tpu.memory_space<vmem_shared>>) offsets(%arg18 : memref<80xi32, #tpu.memory_space<vmem>>) semaphore(%arg35 : memref<!tpu.dma_semaphore, #tpu.memory_space<semaphore_mem>>) {add = true}
      }
      %scan3A_113 = arith.constant 23 : i32
      %dma_wait3A_114 = arith.constant 0 : i32
      %dma_wait3A_115 = arith.constant 0 : i32
      %dma_wait3A_116 = tpu.memref_slice %arg19[%dma_wait3A_114, %dma_wait3A_115] : memref<10240x128xf32, #tpu.memory_space<vmem_shared>> -> memref<10240x128xf32, #tpu.memory_space<vmem_shared>>
      tpu.wait_indirect_dma semaphore(%arg32 : memref<!tpu.dma_semaphore, #tpu.memory_space<semaphore_mem>>) src(%arg7 : memref<80x128xf32, #tpu.memory_space<vmem>>) dst(%dma_wait3A_116 : memref<10240x128xf32, #tpu.memory_space<vmem_shared>>)
      %dma_wait3A_117 = arith.constant 0 : i32
      %dma_wait3A_118 = arith.constant 0 : i32
      %dma_wait3A_119 = tpu.memref_slice %arg19[%dma_wait3A_117, %dma_wait3A_118] : memref<10240x128xf32, #tpu.memory_space<vmem_shared>> -> memref<10240x128xf32, #tpu.memory_space<vmem_shared>>
      tpu.wait_indirect_dma semaphore(%arg33 : memref<!tpu.dma_semaphore, #tpu.memory_space<semaphore_mem>>) src(%arg8 : memref<80x128xf32, #tpu.memory_space<vmem>>) dst(%dma_wait3A_119 : memref<10240x128xf32, #tpu.memory_space<vmem_shared>>)
      %dma_wait3A_120 = arith.constant 0 : i32
      %dma_wait3A_121 = arith.constant 0 : i32
      %dma_wait3A_122 = tpu.memref_slice %arg19[%dma_wait3A_120, %dma_wait3A_121] : memref<10240x128xf32, #tpu.memory_space<vmem_shared>> -> memref<10240x128xf32, #tpu.memory_space<vmem_shared>>
      tpu.wait_indirect_dma semaphore(%arg34 : memref<!tpu.dma_semaphore, #tpu.memory_space<semaphore_mem>>) src(%arg9 : memref<80x128xf32, #tpu.memory_space<vmem>>) dst(%dma_wait3A_122 : memref<10240x128xf32, #tpu.memory_space<vmem_shared>>)
      %dma_wait3A_123 = arith.constant 0 : i32
      %dma_wait3A_124 = arith.constant 0 : i32
      %dma_wait3A_125 = tpu.memref_slice %arg19[%dma_wait3A_123, %dma_wait3A_124] : memref<10240x128xf32, #tpu.memory_space<vmem_shared>> -> memref<10240x128xf32, #tpu.memory_space<vmem_shared>>
      tpu.wait_indirect_dma semaphore(%arg35 : memref<!tpu.dma_semaphore, #tpu.memory_space<semaphore_mem>>) src(%arg10 : memref<80x128xf32, #tpu.memory_space<vmem>>) dst(%dma_wait3A_125 : memref<10240x128xf32, #tpu.memory_space<vmem_shared>>)
    } else {
    }
    %barrier3A_10 = arith.constant 0 : index
    tpu.barrier barrier_id(%barrier3A_10)
    %mul3A_11 = arith.constant 640 : i32
    %mul3A_12 = arith.muli %arg1, %mul3A_11 : i32
    %mul3A_13 = arith.constant 640 : i32
    %mul3A_14 = arith.muli %arg1, %mul3A_13 : i32
    "tpu.region"() ({
      %run_scoped3A = tpu.sem_alloc : memref<!tpu.dma_semaphore, #tpu.memory_space<semaphore_mem>>
      %dma_start3A = arith.constant 0 : i32
      %dma_start3A_15 = tpu.memref_slice %arg6[%arg0, %mul3A_14, %dma_start3A] : memref<2x10240x128xf32, #tpu.memory_space<hbm>> -> memref<1x640x128xf32, #tpu.memory_space<hbm>>
      %dma_start3A_16 = tpu.memref_squeeze %dma_start3A_15 : memref<1x640x128xf32, #tpu.memory_space<hbm>> -> memref<640x128xf32, #tpu.memory_space<hbm>>
      %dma_start3A_17 = arith.constant 0 : i32
      %dma_start3A_18 = tpu.memref_slice %arg19[%mul3A_12, %dma_start3A_17] : memref<10240x128xf32, #tpu.memory_space<vmem_shared>> -> memref<640x128xf32, #tpu.memory_space<vmem_shared>>
      tpu.enqueue_dma source(%dma_start3A_18 : memref<640x128xf32, #tpu.memory_space<vmem_shared>>) target(%dma_start3A_16 : memref<640x128xf32, #tpu.memory_space<hbm>>) target_semaphore(%run_scoped3A : memref<!tpu.dma_semaphore, #tpu.memory_space<semaphore_mem>>)
      %dma_wait3A = arith.constant 0 : i32
      %dma_wait3A_19 = tpu.memref_slice %arg6[%arg0, %mul3A_14, %dma_wait3A] : memref<2x10240x128xf32, #tpu.memory_space<hbm>> -> memref<1x640x128xf32, #tpu.memory_space<hbm>>
      %dma_wait3A_20 = tpu.memref_squeeze %dma_wait3A_19 : memref<1x640x128xf32, #tpu.memory_space<hbm>> -> memref<640x128xf32, #tpu.memory_space<hbm>>
      %dma_wait3A_21 = arith.constant 0 : i32
      %dma_wait3A_22 = tpu.memref_slice %arg19[%mul3A_12, %dma_wait3A_21] : memref<10240x128xf32, #tpu.memory_space<vmem_shared>> -> memref<640x128xf32, #tpu.memory_space<vmem_shared>>
      tpu.wait_dma2 semaphore(%run_scoped3A : memref<!tpu.dma_semaphore, #tpu.memory_space<semaphore_mem>>) src(%dma_wait3A_22 : memref<640x128xf32, #tpu.memory_space<vmem_shared>>) dst(%dma_wait3A_20 : memref<640x128xf32, #tpu.memory_space<hbm>>)
      tpu.yield
    }) : () -> ()
    return
  }
}

#map = affine_map<(d0, d1) -> (0)>
#map1 = affine_map<(d0, d1) -> (0, 0)>
#map2 = affine_map<(d0, d1) -> (0, 0, 0)>
module attributes {stable_mosaic.version = 14 : i64} {
  func.func @_sc_deg_body(%arg0: i32, %arg1: i32, %arg2: memref<327680xi32, #tpu.memory_space<hbm>>, %arg3: memref<128x128xf32, #tpu.memory_space<hbm>>, %arg4: memref<640x128xf32, #tpu.memory_space<hbm>>, %arg5: memref<2x10240x128xf32, #tpu.memory_space<hbm>>, %arg6: memref<128x128xf32, #tpu.memory_space<vmem>>, %arg7: memref<128xi32, #tpu.memory_space<vmem>>, %arg8: memref<128xi32, #tpu.memory_space<vmem>>, %arg9: memref<10240x128xf32, #tpu.memory_space<vmem_shared>>, %arg10: memref<!tpu.dma_semaphore, #tpu.memory_space<semaphore_mem>>, %arg11: memref<!tpu.dma_semaphore, #tpu.memory_space<semaphore_mem>>, %arg12: memref<!tpu.dma_semaphore, #tpu.memory_space<semaphore_mem>>, %arg13: memref<!tpu.dma_semaphore, #tpu.memory_space<semaphore_mem>>) attributes {dimension_semantics = [#tpu.dimension_semantics<core_parallel>, #tpu.dimension_semantics<subcore_parallel>], iteration_bounds = array<i64: 2, 16>, scalar_prefetch = 0 : i64, scratch_operands = 8 : i64, tpu.core_type = #tpu.core_type<sc_vector_subcore>, window_params = [{transform_indices = #map}, {transform_indices = #map1}, {transform_indices = #map1}, {transform_indices = #map2}]} {
    %mul3A = arith.constant 16 : i32
    %mul3A_0 = arith.muli %arg0, %mul3A : i32
    %add3A = arith.addi %mul3A_0, %arg1 : i32
    %mul3A_1 = arith.constant 80 : i32
    %mul3A_2 = arith.muli %add3A, %mul3A_1 : i32
    "tpu.region"() ({
      %run_scoped3A = tpu.sem_alloc : memref<!tpu.dma_semaphore, #tpu.memory_space<semaphore_mem>>
      tpu.enqueue_dma source(%arg3 : memref<128x128xf32, #tpu.memory_space<hbm>>) target(%arg6 : memref<128x128xf32, #tpu.memory_space<vmem>>) target_semaphore(%run_scoped3A : memref<!tpu.dma_semaphore, #tpu.memory_space<semaphore_mem>>)
      tpu.wait_dma2 semaphore(%run_scoped3A : memref<!tpu.dma_semaphore, #tpu.memory_space<semaphore_mem>>) src(%arg3 : memref<128x128xf32, #tpu.memory_space<hbm>>) dst(%arg6 : memref<128x128xf32, #tpu.memory_space<vmem>>)
      tpu.yield
    }) : () -> ()
    %mul3A_3 = arith.constant 640 : i32
    %mul3A_4 = arith.muli %arg1, %mul3A_3 : i32
    "tpu.region"() ({
      %run_scoped3A = tpu.sem_alloc : memref<!tpu.dma_semaphore, #tpu.memory_space<semaphore_mem>>
      %dma_start3A = arith.constant 0 : i32
      %dma_start3A_15 = tpu.memref_slice %arg9[%mul3A_4, %dma_start3A] : memref<10240x128xf32, #tpu.memory_space<vmem_shared>> -> memref<640x128xf32, #tpu.memory_space<vmem_shared>>
      tpu.enqueue_dma source(%arg4 : memref<640x128xf32, #tpu.memory_space<hbm>>) target(%dma_start3A_15 : memref<640x128xf32, #tpu.memory_space<vmem_shared>>) target_semaphore(%run_scoped3A : memref<!tpu.dma_semaphore, #tpu.memory_space<semaphore_mem>>)
      %dma_wait3A = arith.constant 0 : i32
      %dma_wait3A_16 = tpu.memref_slice %arg9[%mul3A_4, %dma_wait3A] : memref<10240x128xf32, #tpu.memory_space<vmem_shared>> -> memref<640x128xf32, #tpu.memory_space<vmem_shared>>
      tpu.wait_dma2 semaphore(%run_scoped3A : memref<!tpu.dma_semaphore, #tpu.memory_space<semaphore_mem>>) src(%arg4 : memref<640x128xf32, #tpu.memory_space<hbm>>) dst(%dma_wait3A_16 : memref<640x128xf32, #tpu.memory_space<vmem_shared>>)
      tpu.yield
    }) : () -> ()
    %barrier3A = arith.constant 0 : index
    tpu.barrier barrier_id(%barrier3A)
    %scan3A = arith.constant 0 : i32
    %scan3A_5 = arith.constant 0 : i32
    %scan3A_6 = arith.constant 80 : i32
    %scan3A_7 = arith.addi %scan3A_5, %scan3A_6 : i32
    %scan3A_8 = arith.constant 1 : i32
    scf.for %scan3A_15 = %scan3A_5 to %scan3A_7 step %scan3A_8  : i32 {
      %add3A_16 = arith.addi %mul3A_2, %scan3A_15 : i32
      %mul3A_17 = arith.constant 128 : i32
      %mul3A_18 = arith.muli %add3A_16, %mul3A_17 : i32
      %dma_start3A = tpu.memref_slice %arg2[%mul3A_18] : memref<327680xi32, #tpu.memory_space<hbm>> -> memref<128xi32, #tpu.memory_space<hbm>>
      %dma_start3A_19 = tpu.memref_slice %arg2[%mul3A_18] : memref<327680xi32, #tpu.memory_space<hbm>> -> memref<128xi32, #tpu.memory_space<hbm>>
      tpu.enqueue_dma source(%dma_start3A_19 : memref<128xi32, #tpu.memory_space<hbm>>) target(%arg7 : memref<128xi32, #tpu.memory_space<vmem>>) target_semaphore(%arg10 : memref<!tpu.dma_semaphore, #tpu.memory_space<semaphore_mem>>)
      %dma_wait3A = tpu.memref_slice %arg2[%mul3A_18] : memref<327680xi32, #tpu.memory_space<hbm>> -> memref<128xi32, #tpu.memory_space<hbm>>
      %dma_wait3A_20 = tpu.memref_slice %arg2[%mul3A_18] : memref<327680xi32, #tpu.memory_space<hbm>> -> memref<128xi32, #tpu.memory_space<hbm>>
      tpu.wait_dma2 semaphore(%arg10 : memref<!tpu.dma_semaphore, #tpu.memory_space<semaphore_mem>>) src(%dma_wait3A_20 : memref<128xi32, #tpu.memory_space<hbm>>) dst(%arg7 : memref<128xi32, #tpu.memory_space<vmem>>)
      "tpu.region"() ({
        %run_scoped3A = tpu.sem_alloc : memref<!tpu.dma_semaphore, #tpu.memory_space<semaphore_mem>>
        %dma_start3A_21 = arith.constant 0 : i32
        %dma_start3A_22 = arith.constant 0 : i32
        %dma_start3A_23 = tpu.memref_slice %arg9[%dma_start3A_21, %dma_start3A_22] : memref<10240x128xf32, #tpu.memory_space<vmem_shared>> -> memref<10240x128xf32, #tpu.memory_space<vmem_shared>>
        tpu.enqueue_indirect_dma source(%arg6 : memref<128x128xf32, #tpu.memory_space<vmem>>) target(%dma_start3A_23 : memref<10240x128xf32, #tpu.memory_space<vmem_shared>>) offsets(%arg7 : memref<128xi32, #tpu.memory_space<vmem>>) semaphore(%run_scoped3A : memref<!tpu.dma_semaphore, #tpu.memory_space<semaphore_mem>>) {add = true}
        %dma_wait3A_24 = arith.constant 0 : i32
        %dma_wait3A_25 = arith.constant 0 : i32
        %dma_wait3A_26 = tpu.memref_slice %arg9[%dma_wait3A_24, %dma_wait3A_25] : memref<10240x128xf32, #tpu.memory_space<vmem_shared>> -> memref<10240x128xf32, #tpu.memory_space<vmem_shared>>
        tpu.wait_indirect_dma semaphore(%run_scoped3A : memref<!tpu.dma_semaphore, #tpu.memory_space<semaphore_mem>>) src(%arg6 : memref<128x128xf32, #tpu.memory_space<vmem>>) dst(%dma_wait3A_26 : memref<10240x128xf32, #tpu.memory_space<vmem_shared>>)
        tpu.yield
      }) : () -> ()
    }
    %scan3A_9 = arith.constant 80 : i32
    %barrier3A_10 = arith.constant 0 : index
    tpu.barrier barrier_id(%barrier3A_10)
    %mul3A_11 = arith.constant 640 : i32
    %mul3A_12 = arith.muli %arg1, %mul3A_11 : i32
    %mul3A_13 = arith.constant 640 : i32
    %mul3A_14 = arith.muli %arg1, %mul3A_13 : i32
    "tpu.region"() ({
      %run_scoped3A = tpu.sem_alloc : memref<!tpu.dma_semaphore, #tpu.memory_space<semaphore_mem>>
      %dma_start3A = arith.constant 0 : i32
      %dma_start3A_15 = tpu.memref_slice %arg5[%arg0, %mul3A_14, %dma_start3A] : memref<2x10240x128xf32, #tpu.memory_space<hbm>> -> memref<1x640x128xf32, #tpu.memory_space<hbm>>
      %dma_start3A_16 = tpu.memref_squeeze %dma_start3A_15 : memref<1x640x128xf32, #tpu.memory_space<hbm>> -> memref<640x128xf32, #tpu.memory_space<hbm>>
      %dma_start3A_17 = arith.constant 0 : i32
      %dma_start3A_18 = tpu.memref_slice %arg9[%mul3A_12, %dma_start3A_17] : memref<10240x128xf32, #tpu.memory_space<vmem_shared>> -> memref<640x128xf32, #tpu.memory_space<vmem_shared>>
      tpu.enqueue_dma source(%dma_start3A_18 : memref<640x128xf32, #tpu.memory_space<vmem_shared>>) target(%dma_start3A_16 : memref<640x128xf32, #tpu.memory_space<hbm>>) target_semaphore(%run_scoped3A : memref<!tpu.dma_semaphore, #tpu.memory_space<semaphore_mem>>)
      %dma_wait3A = arith.constant 0 : i32
      %dma_wait3A_19 = tpu.memref_slice %arg5[%arg0, %mul3A_14, %dma_wait3A] : memref<2x10240x128xf32, #tpu.memory_space<hbm>> -> memref<1x640x128xf32, #tpu.memory_space<hbm>>
      %dma_wait3A_20 = tpu.memref_squeeze %dma_wait3A_19 : memref<1x640x128xf32, #tpu.memory_space<hbm>> -> memref<640x128xf32, #tpu.memory_space<hbm>>
      %dma_wait3A_21 = arith.constant 0 : i32
      %dma_wait3A_22 = tpu.memref_slice %arg9[%mul3A_12, %dma_wait3A_21] : memref<10240x128xf32, #tpu.memory_space<vmem_shared>> -> memref<640x128xf32, #tpu.memory_space<vmem_shared>>
      tpu.wait_dma2 semaphore(%run_scoped3A : memref<!tpu.dma_semaphore, #tpu.memory_space<semaphore_mem>>) src(%dma_wait3A_22 : memref<640x128xf32, #tpu.memory_space<vmem_shared>>) dst(%dma_wait3A_20 : memref<640x128xf32, #tpu.memory_space<hbm>>)
      tpu.yield
    }) : () -> ()
    return
  }
}

#map = affine_map<(d0, d1) -> (0, 0)>
#map1 = affine_map<(d0, d1) -> (0)>
#map2 = affine_map<(d0, d1) -> (0, 0, 0)>
module attributes {stable_mosaic.version = 14 : i64} {
  func.func @_sc_scat_body(%arg0: i32, %arg1: i32, %arg2: memref<10240x128xf32, #tpu.memory_space<hbm>>, %arg3: memref<327680xi32, #tpu.memory_space<hbm>>, %arg4: memref<327680xi32, #tpu.memory_space<hbm>>, %arg5: memref<640x128xf32, #tpu.memory_space<hbm>>, %arg6: memref<2x10240x128xf32, #tpu.memory_space<hbm>>, %arg7: memref<80x128xf32, #tpu.memory_space<vmem>>, %arg8: memref<80x128xf32, #tpu.memory_space<vmem>>, %arg9: memref<80x128xf32, #tpu.memory_space<vmem>>, %arg10: memref<80x128xf32, #tpu.memory_space<vmem>>, %arg11: memref<80xi32, #tpu.memory_space<vmem>>, %arg12: memref<80xi32, #tpu.memory_space<vmem>>, %arg13: memref<80xi32, #tpu.memory_space<vmem>>, %arg14: memref<80xi32, #tpu.memory_space<vmem>>, %arg15: memref<80xi32, #tpu.memory_space<vmem>>, %arg16: memref<80xi32, #tpu.memory_space<vmem>>, %arg17: memref<80xi32, #tpu.memory_space<vmem>>, %arg18: memref<80xi32, #tpu.memory_space<vmem>>, %arg19: memref<10240x128xf32, #tpu.memory_space<vmem_shared>>, %arg20: memref<!tpu.dma_semaphore, #tpu.memory_space<semaphore_mem>>, %arg21: memref<!tpu.dma_semaphore, #tpu.memory_space<semaphore_mem>>, %arg22: memref<!tpu.dma_semaphore, #tpu.memory_space<semaphore_mem>>, %arg23: memref<!tpu.dma_semaphore, #tpu.memory_space<semaphore_mem>>, %arg24: memref<!tpu.dma_semaphore, #tpu.memory_space<semaphore_mem>>, %arg25: memref<!tpu.dma_semaphore, #tpu.memory_space<semaphore_mem>>, %arg26: memref<!tpu.dma_semaphore, #tpu.memory_space<semaphore_mem>>, %arg27: memref<!tpu.dma_semaphore, #tpu.memory_space<semaphore_mem>>, %arg28: memref<!tpu.dma_semaphore, #tpu.memory_space<semaphore_mem>>, %arg29: memref<!tpu.dma_semaphore, #tpu.memory_space<semaphore_mem>>, %arg30: memref<!tpu.dma_semaphore, #tpu.memory_space<semaphore_mem>>, %arg31: memref<!tpu.dma_semaphore, #tpu.memory_space<semaphore_mem>>, %arg32: memref<!tpu.dma_semaphore, #tpu.memory_space<semaphore_mem>>, %arg33: memref<!tpu.dma_semaphore, #tpu.memory_space<semaphore_mem>>, %arg34: memref<!tpu.dma_semaphore, #tpu.memory_space<semaphore_mem>>, %arg35: memref<!tpu.dma_semaphore, #tpu.memory_space<semaphore_mem>>) attributes {dimension_semantics = [#tpu.dimension_semantics<core_parallel>, #tpu.dimension_semantics<subcore_parallel>], iteration_bounds = array<i64: 2, 16>, scalar_prefetch = 0 : i64, scratch_operands = 29 : i64, tpu.core_type = #tpu.core_type<sc_vector_subcore>, window_params = [{transform_indices = #map}, {transform_indices = #map1}, {transform_indices = #map1}, {transform_indices = #map}, {transform_indices = #map2}]} {
    %mul3A = arith.constant 16 : i32
    %mul3A_0 = arith.muli %arg0, %mul3A : i32
    %add3A = arith.addi %mul3A_0, %arg1 : i32
    %mul3A_1 = arith.constant 640 : i32
    %mul3A_2 = arith.muli %arg1, %mul3A_1 : i32
    "tpu.region"() ({
      %run_scoped3A = tpu.sem_alloc : memref<!tpu.dma_semaphore, #tpu.memory_space<semaphore_mem>>
      %dma_start3A = arith.constant 0 : i32
      %dma_start3A_15 = tpu.memref_slice %arg19[%mul3A_2, %dma_start3A] : memref<10240x128xf32, #tpu.memory_space<vmem_shared>> -> memref<640x128xf32, #tpu.memory_space<vmem_shared>>
      tpu.enqueue_dma source(%arg5 : memref<640x128xf32, #tpu.memory_space<hbm>>) target(%dma_start3A_15 : memref<640x128xf32, #tpu.memory_space<vmem_shared>>) target_semaphore(%run_scoped3A : memref<!tpu.dma_semaphore, #tpu.memory_space<semaphore_mem>>)
      %dma_wait3A = arith.constant 0 : i32
      %dma_wait3A_16 = tpu.memref_slice %arg19[%mul3A_2, %dma_wait3A] : memref<10240x128xf32, #tpu.memory_space<vmem_shared>> -> memref<640x128xf32, #tpu.memory_space<vmem_shared>>
      tpu.wait_dma2 semaphore(%run_scoped3A : memref<!tpu.dma_semaphore, #tpu.memory_space<semaphore_mem>>) src(%arg5 : memref<640x128xf32, #tpu.memory_space<hbm>>) dst(%dma_wait3A_16 : memref<640x128xf32, #tpu.memory_space<vmem_shared>>)
      tpu.yield
    }) : () -> ()
    %barrier3A = arith.constant 0 : index
    tpu.barrier barrier_id(%barrier3A)
    %eq3A = arith.constant 0 : i32
    %eq3A_3 = arith.cmpi eq, %arg0, %eq3A : i32
    %convert_element_type3A = arith.extui %eq3A_3 : i1 to i32
    %cond3A = arith.constant 0 : i32
    %cond3A_4 = arith.cmpi ne, %convert_element_type3A, %cond3A : i32
    scf.if %cond3A_4 {
      %mul3A_15 = arith.constant 160 : i32
      %mul3A_16 = arith.muli %arg1, %mul3A_15 : i32
      %add3A_17 = arith.constant 0 : i32
      %add3A_18 = arith.addi %mul3A_16, %add3A_17 : i32
      %add3A_19 = arith.constant 0 : i32
      %add3A_20 = arith.addi %add3A_18, %add3A_19 : i32
      %mul3A_21 = arith.constant 80 : i32
      %mul3A_22 = arith.muli %add3A_20, %mul3A_21 : i32
      %dma_start3A = tpu.memref_slice %arg3[%mul3A_22] : memref<327680xi32, #tpu.memory_space<hbm>> -> memref<80xi32, #tpu.memory_space<hbm>>
      %dma_start3A_23 = tpu.memref_slice %arg3[%mul3A_22] : memref<327680xi32, #tpu.memory_space<hbm>> -> memref<80xi32, #tpu.memory_space<hbm>>
      tpu.enqueue_dma source(%dma_start3A_23 : memref<80xi32, #tpu.memory_space<hbm>>) target(%arg11 : memref<80xi32, #tpu.memory_space<vmem>>) target_semaphore(%arg20 : memref<!tpu.dma_semaphore, #tpu.memory_space<semaphore_mem>>)
      %dma_start3A_24 = tpu.memref_slice %arg4[%mul3A_22] : memref<327680xi32, #tpu.memory_space<hbm>> -> memref<80xi32, #tpu.memory_space<hbm>>
      %dma_start3A_25 = tpu.memref_slice %arg4[%mul3A_22] : memref<327680xi32, #tpu.memory_space<hbm>> -> memref<80xi32, #tpu.memory_space<hbm>>
      tpu.enqueue_dma source(%dma_start3A_25 : memref<80xi32, #tpu.memory_space<hbm>>) target(%arg15 : memref<80xi32, #tpu.memory_space<vmem>>) target_semaphore(%arg24 : memref<!tpu.dma_semaphore, #tpu.memory_space<semaphore_mem>>)
      %add3A_26 = arith.constant 0 : i32
      %add3A_27 = arith.addi %mul3A_16, %add3A_26 : i32
      %add3A_28 = arith.constant 1 : i32
      %add3A_29 = arith.addi %add3A_27, %add3A_28 : i32
      %mul3A_30 = arith.constant 80 : i32
      %mul3A_31 = arith.muli %add3A_29, %mul3A_30 : i32
      %dma_start3A_32 = tpu.memref_slice %arg3[%mul3A_31] : memref<327680xi32, #tpu.memory_space<hbm>> -> memref<80xi32, #tpu.memory_space<hbm>>
      %dma_start3A_33 = tpu.memref_slice %arg3[%mul3A_31] : memref<327680xi32, #tpu.memory_space<hbm>> -> memref<80xi32, #tpu.memory_space<hbm>>
      tpu.enqueue_dma source(%dma_start3A_33 : memref<80xi32, #tpu.memory_space<hbm>>) target(%arg12 : memref<80xi32, #tpu.memory_space<vmem>>) target_semaphore(%arg21 : memref<!tpu.dma_semaphore, #tpu.memory_space<semaphore_mem>>)
      %dma_start3A_34 = tpu.memref_slice %arg4[%mul3A_31] : memref<327680xi32, #tpu.memory_space<hbm>> -> memref<80xi32, #tpu.memory_space<hbm>>
      %dma_start3A_35 = tpu.memref_slice %arg4[%mul3A_31] : memref<327680xi32, #tpu.memory_space<hbm>> -> memref<80xi32, #tpu.memory_space<hbm>>
      tpu.enqueue_dma source(%dma_start3A_35 : memref<80xi32, #tpu.memory_space<hbm>>) target(%arg16 : memref<80xi32, #tpu.memory_space<vmem>>) target_semaphore(%arg25 : memref<!tpu.dma_semaphore, #tpu.memory_space<semaphore_mem>>)
      %add3A_36 = arith.constant 0 : i32
      %add3A_37 = arith.addi %mul3A_16, %add3A_36 : i32
      %add3A_38 = arith.constant 2 : i32
      %add3A_39 = arith.addi %add3A_37, %add3A_38 : i32
      %mul3A_40 = arith.constant 80 : i32
      %mul3A_41 = arith.muli %add3A_39, %mul3A_40 : i32
      %dma_start3A_42 = tpu.memref_slice %arg3[%mul3A_41] : memref<327680xi32, #tpu.memory_space<hbm>> -> memref<80xi32, #tpu.memory_space<hbm>>
      %dma_start3A_43 = tpu.memref_slice %arg3[%mul3A_41] : memref<327680xi32, #tpu.memory_space<hbm>> -> memref<80xi32, #tpu.memory_space<hbm>>
      tpu.enqueue_dma source(%dma_start3A_43 : memref<80xi32, #tpu.memory_space<hbm>>) target(%arg13 : memref<80xi32, #tpu.memory_space<vmem>>) target_semaphore(%arg22 : memref<!tpu.dma_semaphore, #tpu.memory_space<semaphore_mem>>)
      %dma_start3A_44 = tpu.memref_slice %arg4[%mul3A_41] : memref<327680xi32, #tpu.memory_space<hbm>> -> memref<80xi32, #tpu.memory_space<hbm>>
      %dma_start3A_45 = tpu.memref_slice %arg4[%mul3A_41] : memref<327680xi32, #tpu.memory_space<hbm>> -> memref<80xi32, #tpu.memory_space<hbm>>
      tpu.enqueue_dma source(%dma_start3A_45 : memref<80xi32, #tpu.memory_space<hbm>>) target(%arg17 : memref<80xi32, #tpu.memory_space<vmem>>) target_semaphore(%arg26 : memref<!tpu.dma_semaphore, #tpu.memory_space<semaphore_mem>>)
      %add3A_46 = arith.constant 0 : i32
      %add3A_47 = arith.addi %mul3A_16, %add3A_46 : i32
      %add3A_48 = arith.constant 3 : i32
      %add3A_49 = arith.addi %add3A_47, %add3A_48 : i32
      %mul3A_50 = arith.constant 80 : i32
      %mul3A_51 = arith.muli %add3A_49, %mul3A_50 : i32
      %dma_start3A_52 = tpu.memref_slice %arg3[%mul3A_51] : memref<327680xi32, #tpu.memory_space<hbm>> -> memref<80xi32, #tpu.memory_space<hbm>>
      %dma_start3A_53 = tpu.memref_slice %arg3[%mul3A_51] : memref<327680xi32, #tpu.memory_space<hbm>> -> memref<80xi32, #tpu.memory_space<hbm>>
      tpu.enqueue_dma source(%dma_start3A_53 : memref<80xi32, #tpu.memory_space<hbm>>) target(%arg14 : memref<80xi32, #tpu.memory_space<vmem>>) target_semaphore(%arg23 : memref<!tpu.dma_semaphore, #tpu.memory_space<semaphore_mem>>)
      %dma_start3A_54 = tpu.memref_slice %arg4[%mul3A_51] : memref<327680xi32, #tpu.memory_space<hbm>> -> memref<80xi32, #tpu.memory_space<hbm>>
      %dma_start3A_55 = tpu.memref_slice %arg4[%mul3A_51] : memref<327680xi32, #tpu.memory_space<hbm>> -> memref<80xi32, #tpu.memory_space<hbm>>
      tpu.enqueue_dma source(%dma_start3A_55 : memref<80xi32, #tpu.memory_space<hbm>>) target(%arg18 : memref<80xi32, #tpu.memory_space<vmem>>) target_semaphore(%arg27 : memref<!tpu.dma_semaphore, #tpu.memory_space<semaphore_mem>>)
      %dma_wait3A = tpu.memref_slice %arg3[%mul3A_22] : memref<327680xi32, #tpu.memory_space<hbm>> -> memref<80xi32, #tpu.memory_space<hbm>>
      %dma_wait3A_56 = tpu.memref_slice %arg3[%mul3A_22] : memref<327680xi32, #tpu.memory_space<hbm>> -> memref<80xi32, #tpu.memory_space<hbm>>
      tpu.wait_dma2 semaphore(%arg20 : memref<!tpu.dma_semaphore, #tpu.memory_space<semaphore_mem>>) src(%dma_wait3A_56 : memref<80xi32, #tpu.memory_space<hbm>>) dst(%arg11 : memref<80xi32, #tpu.memory_space<vmem>>)
      %dma_start3A_57 = arith.constant 0 : i32
      %dma_start3A_58 = arith.constant 0 : i32
      %dma_start3A_59 = tpu.memref_slice %arg2[%dma_start3A_57, %dma_start3A_58] : memref<10240x128xf32, #tpu.memory_space<hbm>> -> memref<10240x128xf32, #tpu.memory_space<hbm>>
      tpu.enqueue_indirect_dma source(%dma_start3A_59 : memref<10240x128xf32, #tpu.memory_space<hbm>>) target(%arg7 : memref<80x128xf32, #tpu.memory_space<vmem>>) offsets(%arg11 : memref<80xi32, #tpu.memory_space<vmem>>) semaphore(%arg28 : memref<!tpu.dma_semaphore, #tpu.memory_space<semaphore_mem>>)
      %dma_wait3A_60 = tpu.memref_slice %arg3[%mul3A_31] : memref<327680xi32, #tpu.memory_space<hbm>> -> memref<80xi32, #tpu.memory_space<hbm>>
      %dma_wait3A_61 = tpu.memref_slice %arg3[%mul3A_31] : memref<327680xi32, #tpu.memory_space<hbm>> -> memref<80xi32, #tpu.memory_space<hbm>>
      tpu.wait_dma2 semaphore(%arg21 : memref<!tpu.dma_semaphore, #tpu.memory_space<semaphore_mem>>) src(%dma_wait3A_61 : memref<80xi32, #tpu.memory_space<hbm>>) dst(%arg12 : memref<80xi32, #tpu.memory_space<vmem>>)
      %dma_start3A_62 = arith.constant 0 : i32
      %dma_start3A_63 = arith.constant 0 : i32
      %dma_start3A_64 = tpu.memref_slice %arg2[%dma_start3A_62, %dma_start3A_63] : memref<10240x128xf32, #tpu.memory_space<hbm>> -> memref<10240x128xf32, #tpu.memory_space<hbm>>
      tpu.enqueue_indirect_dma source(%dma_start3A_64 : memref<10240x128xf32, #tpu.memory_space<hbm>>) target(%arg8 : memref<80x128xf32, #tpu.memory_space<vmem>>) offsets(%arg12 : memref<80xi32, #tpu.memory_space<vmem>>) semaphore(%arg29 : memref<!tpu.dma_semaphore, #tpu.memory_space<semaphore_mem>>)
      %dma_wait3A_65 = tpu.memref_slice %arg3[%mul3A_41] : memref<327680xi32, #tpu.memory_space<hbm>> -> memref<80xi32, #tpu.memory_space<hbm>>
      %dma_wait3A_66 = tpu.memref_slice %arg3[%mul3A_41] : memref<327680xi32, #tpu.memory_space<hbm>> -> memref<80xi32, #tpu.memory_space<hbm>>
      tpu.wait_dma2 semaphore(%arg22 : memref<!tpu.dma_semaphore, #tpu.memory_space<semaphore_mem>>) src(%dma_wait3A_66 : memref<80xi32, #tpu.memory_space<hbm>>) dst(%arg13 : memref<80xi32, #tpu.memory_space<vmem>>)
      %dma_start3A_67 = arith.constant 0 : i32
      %dma_start3A_68 = arith.constant 0 : i32
      %dma_start3A_69 = tpu.memref_slice %arg2[%dma_start3A_67, %dma_start3A_68] : memref<10240x128xf32, #tpu.memory_space<hbm>> -> memref<10240x128xf32, #tpu.memory_space<hbm>>
      tpu.enqueue_indirect_dma source(%dma_start3A_69 : memref<10240x128xf32, #tpu.memory_space<hbm>>) target(%arg9 : memref<80x128xf32, #tpu.memory_space<vmem>>) offsets(%arg13 : memref<80xi32, #tpu.memory_space<vmem>>) semaphore(%arg30 : memref<!tpu.dma_semaphore, #tpu.memory_space<semaphore_mem>>)
      %dma_wait3A_70 = tpu.memref_slice %arg3[%mul3A_51] : memref<327680xi32, #tpu.memory_space<hbm>> -> memref<80xi32, #tpu.memory_space<hbm>>
      %dma_wait3A_71 = tpu.memref_slice %arg3[%mul3A_51] : memref<327680xi32, #tpu.memory_space<hbm>> -> memref<80xi32, #tpu.memory_space<hbm>>
      tpu.wait_dma2 semaphore(%arg23 : memref<!tpu.dma_semaphore, #tpu.memory_space<semaphore_mem>>) src(%dma_wait3A_71 : memref<80xi32, #tpu.memory_space<hbm>>) dst(%arg14 : memref<80xi32, #tpu.memory_space<vmem>>)
      %dma_start3A_72 = arith.constant 0 : i32
      %dma_start3A_73 = arith.constant 0 : i32
      %dma_start3A_74 = tpu.memref_slice %arg2[%dma_start3A_72, %dma_start3A_73] : memref<10240x128xf32, #tpu.memory_space<hbm>> -> memref<10240x128xf32, #tpu.memory_space<hbm>>
      tpu.enqueue_indirect_dma source(%dma_start3A_74 : memref<10240x128xf32, #tpu.memory_space<hbm>>) target(%arg10 : memref<80x128xf32, #tpu.memory_space<vmem>>) offsets(%arg14 : memref<80xi32, #tpu.memory_space<vmem>>) semaphore(%arg31 : memref<!tpu.dma_semaphore, #tpu.memory_space<semaphore_mem>>)
      %dma_wait3A_75 = arith.constant 0 : i32
      %dma_wait3A_76 = arith.constant 0 : i32
      %dma_wait3A_77 = tpu.memref_slice %arg2[%dma_wait3A_75, %dma_wait3A_76] : memref<10240x128xf32, #tpu.memory_space<hbm>> -> memref<10240x128xf32, #tpu.memory_space<hbm>>
      tpu.wait_indirect_dma semaphore(%arg28 : memref<!tpu.dma_semaphore, #tpu.memory_space<semaphore_mem>>) src(%dma_wait3A_77 : memref<10240x128xf32, #tpu.memory_space<hbm>>) dst(%arg7 : memref<80x128xf32, #tpu.memory_space<vmem>>)
      %dma_wait3A_78 = tpu.memref_slice %arg4[%mul3A_22] : memref<327680xi32, #tpu.memory_space<hbm>> -> memref<80xi32, #tpu.memory_space<hbm>>
      %dma_wait3A_79 = tpu.memref_slice %arg4[%mul3A_22] : memref<327680xi32, #tpu.memory_space<hbm>> -> memref<80xi32, #tpu.memory_space<hbm>>
      tpu.wait_dma2 semaphore(%arg24 : memref<!tpu.dma_semaphore, #tpu.memory_space<semaphore_mem>>) src(%dma_wait3A_79 : memref<80xi32, #tpu.memory_space<hbm>>) dst(%arg15 : memref<80xi32, #tpu.memory_space<vmem>>)
      %dma_start3A_80 = arith.constant 0 : i32
      %dma_start3A_81 = arith.constant 0 : i32
      %dma_start3A_82 = tpu.memref_slice %arg19[%dma_start3A_80, %dma_start3A_81] : memref<10240x128xf32, #tpu.memory_space<vmem_shared>> -> memref<10240x128xf32, #tpu.memory_space<vmem_shared>>
      tpu.enqueue_indirect_dma source(%arg7 : memref<80x128xf32, #tpu.memory_space<vmem>>) target(%dma_start3A_82 : memref<10240x128xf32, #tpu.memory_space<vmem_shared>>) offsets(%arg15 : memref<80xi32, #tpu.memory_space<vmem>>) semaphore(%arg32 : memref<!tpu.dma_semaphore, #tpu.memory_space<semaphore_mem>>) {add = true}
      %dma_wait3A_83 = arith.constant 0 : i32
      %dma_wait3A_84 = arith.constant 0 : i32
      %dma_wait3A_85 = tpu.memref_slice %arg2[%dma_wait3A_83, %dma_wait3A_84] : memref<10240x128xf32, #tpu.memory_space<hbm>> -> memref<10240x128xf32, #tpu.memory_space<hbm>>
      tpu.wait_indirect_dma semaphore(%arg29 : memref<!tpu.dma_semaphore, #tpu.memory_space<semaphore_mem>>) src(%dma_wait3A_85 : memref<10240x128xf32, #tpu.memory_space<hbm>>) dst(%arg8 : memref<80x128xf32, #tpu.memory_space<vmem>>)
      %dma_wait3A_86 = tpu.memref_slice %arg4[%mul3A_31] : memref<327680xi32, #tpu.memory_space<hbm>> -> memref<80xi32, #tpu.memory_space<hbm>>
      %dma_wait3A_87 = tpu.memref_slice %arg4[%mul3A_31] : memref<327680xi32, #tpu.memory_space<hbm>> -> memref<80xi32, #tpu.memory_space<hbm>>
      tpu.wait_dma2 semaphore(%arg25 : memref<!tpu.dma_semaphore, #tpu.memory_space<semaphore_mem>>) src(%dma_wait3A_87 : memref<80xi32, #tpu.memory_space<hbm>>) dst(%arg16 : memref<80xi32, #tpu.memory_space<vmem>>)
      %dma_start3A_88 = arith.constant 0 : i32
      %dma_start3A_89 = arith.constant 0 : i32
      %dma_start3A_90 = tpu.memref_slice %arg19[%dma_start3A_88, %dma_start3A_89] : memref<10240x128xf32, #tpu.memory_space<vmem_shared>> -> memref<10240x128xf32, #tpu.memory_space<vmem_shared>>
      tpu.enqueue_indirect_dma source(%arg8 : memref<80x128xf32, #tpu.memory_space<vmem>>) target(%dma_start3A_90 : memref<10240x128xf32, #tpu.memory_space<vmem_shared>>) offsets(%arg16 : memref<80xi32, #tpu.memory_space<vmem>>) semaphore(%arg33 : memref<!tpu.dma_semaphore, #tpu.memory_space<semaphore_mem>>) {add = true}
      %dma_wait3A_91 = arith.constant 0 : i32
      %dma_wait3A_92 = arith.constant 0 : i32
      %dma_wait3A_93 = tpu.memref_slice %arg2[%dma_wait3A_91, %dma_wait3A_92] : memref<10240x128xf32, #tpu.memory_space<hbm>> -> memref<10240x128xf32, #tpu.memory_space<hbm>>
      tpu.wait_indirect_dma semaphore(%arg30 : memref<!tpu.dma_semaphore, #tpu.memory_space<semaphore_mem>>) src(%dma_wait3A_93 : memref<10240x128xf32, #tpu.memory_space<hbm>>) dst(%arg9 : memref<80x128xf32, #tpu.memory_space<vmem>>)
      %dma_wait3A_94 = tpu.memref_slice %arg4[%mul3A_41] : memref<327680xi32, #tpu.memory_space<hbm>> -> memref<80xi32, #tpu.memory_space<hbm>>
      %dma_wait3A_95 = tpu.memref_slice %arg4[%mul3A_41] : memref<327680xi32, #tpu.memory_space<hbm>> -> memref<80xi32, #tpu.memory_space<hbm>>
      tpu.wait_dma2 semaphore(%arg26 : memref<!tpu.dma_semaphore, #tpu.memory_space<semaphore_mem>>) src(%dma_wait3A_95 : memref<80xi32, #tpu.memory_space<hbm>>) dst(%arg17 : memref<80xi32, #tpu.memory_space<vmem>>)
      %dma_start3A_96 = arith.constant 0 : i32
      %dma_start3A_97 = arith.constant 0 : i32
      %dma_start3A_98 = tpu.memref_slice %arg19[%dma_start3A_96, %dma_start3A_97] : memref<10240x128xf32, #tpu.memory_space<vmem_shared>> -> memref<10240x128xf32, #tpu.memory_space<vmem_shared>>
      tpu.enqueue_indirect_dma source(%arg9 : memref<80x128xf32, #tpu.memory_space<vmem>>) target(%dma_start3A_98 : memref<10240x128xf32, #tpu.memory_space<vmem_shared>>) offsets(%arg17 : memref<80xi32, #tpu.memory_space<vmem>>) semaphore(%arg34 : memref<!tpu.dma_semaphore, #tpu.memory_space<semaphore_mem>>) {add = true}
      %dma_wait3A_99 = arith.constant 0 : i32
      %dma_wait3A_100 = arith.constant 0 : i32
      %dma_wait3A_101 = tpu.memref_slice %arg2[%dma_wait3A_99, %dma_wait3A_100] : memref<10240x128xf32, #tpu.memory_space<hbm>> -> memref<10240x128xf32, #tpu.memory_space<hbm>>
      tpu.wait_indirect_dma semaphore(%arg31 : memref<!tpu.dma_semaphore, #tpu.memory_space<semaphore_mem>>) src(%dma_wait3A_101 : memref<10240x128xf32, #tpu.memory_space<hbm>>) dst(%arg10 : memref<80x128xf32, #tpu.memory_space<vmem>>)
      %dma_wait3A_102 = tpu.memref_slice %arg4[%mul3A_51] : memref<327680xi32, #tpu.memory_space<hbm>> -> memref<80xi32, #tpu.memory_space<hbm>>
      %dma_wait3A_103 = tpu.memref_slice %arg4[%mul3A_51] : memref<327680xi32, #tpu.memory_space<hbm>> -> memref<80xi32, #tpu.memory_space<hbm>>
      tpu.wait_dma2 semaphore(%arg27 : memref<!tpu.dma_semaphore, #tpu.memory_space<semaphore_mem>>) src(%dma_wait3A_103 : memref<80xi32, #tpu.memory_space<hbm>>) dst(%arg18 : memref<80xi32, #tpu.memory_space<vmem>>)
      %dma_start3A_104 = arith.constant 0 : i32
      %dma_start3A_105 = arith.constant 0 : i32
      %dma_start3A_106 = tpu.memref_slice %arg19[%dma_start3A_104, %dma_start3A_105] : memref<10240x128xf32, #tpu.memory_space<vmem_shared>> -> memref<10240x128xf32, #tpu.memory_space<vmem_shared>>
      tpu.enqueue_indirect_dma source(%arg10 : memref<80x128xf32, #tpu.memory_space<vmem>>) target(%dma_start3A_106 : memref<10240x128xf32, #tpu.memory_space<vmem_shared>>) offsets(%arg18 : memref<80xi32, #tpu.memory_space<vmem>>) semaphore(%arg35 : memref<!tpu.dma_semaphore, #tpu.memory_space<semaphore_mem>>) {add = true}
      %scan3A = arith.constant 0 : i32
      %scan3A_107 = arith.constant 1 : i32
      %scan3A_108 = arith.constant 39 : i32
      %scan3A_109 = arith.addi %scan3A_107, %scan3A_108 : i32
      %scan3A_110 = arith.constant 1 : i32
      scf.for %scan3A_124 = %scan3A_107 to %scan3A_109 step %scan3A_110  : i32 {
        %dma_wait3A_125 = arith.constant 0 : i32
        %dma_wait3A_126 = arith.constant 0 : i32
        %dma_wait3A_127 = tpu.memref_slice %arg19[%dma_wait3A_125, %dma_wait3A_126] : memref<10240x128xf32, #tpu.memory_space<vmem_shared>> -> memref<10240x128xf32, #tpu.memory_space<vmem_shared>>
        tpu.wait_indirect_dma semaphore(%arg32 : memref<!tpu.dma_semaphore, #tpu.memory_space<semaphore_mem>>) src(%arg7 : memref<80x128xf32, #tpu.memory_space<vmem>>) dst(%dma_wait3A_127 : memref<10240x128xf32, #tpu.memory_space<vmem_shared>>)
        %mul3A_128 = arith.constant 4 : i32
        %mul3A_129 = arith.muli %scan3A_124, %mul3A_128 : i32
        %add3A_130 = arith.addi %mul3A_16, %mul3A_129 : i32
        %add3A_131 = arith.constant 0 : i32
        %add3A_132 = arith.addi %add3A_130, %add3A_131 : i32
        %mul3A_133 = arith.constant 80 : i32
        %mul3A_134 = arith.muli %add3A_132, %mul3A_133 : i32
        %dma_start3A_135 = tpu.memref_slice %arg3[%mul3A_134] : memref<327680xi32, #tpu.memory_space<hbm>> -> memref<80xi32, #tpu.memory_space<hbm>>
        %dma_start3A_136 = tpu.memref_slice %arg3[%mul3A_134] : memref<327680xi32, #tpu.memory_space<hbm>> -> memref<80xi32, #tpu.memory_space<hbm>>
        tpu.enqueue_dma source(%dma_start3A_136 : memref<80xi32, #tpu.memory_space<hbm>>) target(%arg11 : memref<80xi32, #tpu.memory_space<vmem>>) target_semaphore(%arg20 : memref<!tpu.dma_semaphore, #tpu.memory_space<semaphore_mem>>)
        %dma_start3A_137 = tpu.memref_slice %arg4[%mul3A_134] : memref<327680xi32, #tpu.memory_space<hbm>> -> memref<80xi32, #tpu.memory_space<hbm>>
        %dma_start3A_138 = tpu.memref_slice %arg4[%mul3A_134] : memref<327680xi32, #tpu.memory_space<hbm>> -> memref<80xi32, #tpu.memory_space<hbm>>
        tpu.enqueue_dma source(%dma_start3A_138 : memref<80xi32, #tpu.memory_space<hbm>>) target(%arg15 : memref<80xi32, #tpu.memory_space<vmem>>) target_semaphore(%arg24 : memref<!tpu.dma_semaphore, #tpu.memory_space<semaphore_mem>>)
        %dma_wait3A_139 = arith.constant 0 : i32
        %dma_wait3A_140 = arith.constant 0 : i32
        %dma_wait3A_141 = tpu.memref_slice %arg19[%dma_wait3A_139, %dma_wait3A_140] : memref<10240x128xf32, #tpu.memory_space<vmem_shared>> -> memref<10240x128xf32, #tpu.memory_space<vmem_shared>>
        tpu.wait_indirect_dma semaphore(%arg33 : memref<!tpu.dma_semaphore, #tpu.memory_space<semaphore_mem>>) src(%arg8 : memref<80x128xf32, #tpu.memory_space<vmem>>) dst(%dma_wait3A_141 : memref<10240x128xf32, #tpu.memory_space<vmem_shared>>)
        %mul3A_142 = arith.constant 4 : i32
        %mul3A_143 = arith.muli %scan3A_124, %mul3A_142 : i32
        %add3A_144 = arith.addi %mul3A_16, %mul3A_143 : i32
        %add3A_145 = arith.constant 1 : i32
        %add3A_146 = arith.addi %add3A_144, %add3A_145 : i32
        %mul3A_147 = arith.constant 80 : i32
        %mul3A_148 = arith.muli %add3A_146, %mul3A_147 : i32
        %dma_start3A_149 = tpu.memref_slice %arg3[%mul3A_148] : memref<327680xi32, #tpu.memory_space<hbm>> -> memref<80xi32, #tpu.memory_space<hbm>>
        %dma_start3A_150 = tpu.memref_slice %arg3[%mul3A_148] : memref<327680xi32, #tpu.memory_space<hbm>> -> memref<80xi32, #tpu.memory_space<hbm>>
        tpu.enqueue_dma source(%dma_start3A_150 : memref<80xi32, #tpu.memory_space<hbm>>) target(%arg12 : memref<80xi32, #tpu.memory_space<vmem>>) target_semaphore(%arg21 : memref<!tpu.dma_semaphore, #tpu.memory_space<semaphore_mem>>)
        %dma_start3A_151 = tpu.memref_slice %arg4[%mul3A_148] : memref<327680xi32, #tpu.memory_space<hbm>> -> memref<80xi32, #tpu.memory_space<hbm>>
        %dma_start3A_152 = tpu.memref_slice %arg4[%mul3A_148] : memref<327680xi32, #tpu.memory_space<hbm>> -> memref<80xi32, #tpu.memory_space<hbm>>
        tpu.enqueue_dma source(%dma_start3A_152 : memref<80xi32, #tpu.memory_space<hbm>>) target(%arg16 : memref<80xi32, #tpu.memory_space<vmem>>) target_semaphore(%arg25 : memref<!tpu.dma_semaphore, #tpu.memory_space<semaphore_mem>>)
        %dma_wait3A_153 = arith.constant 0 : i32
        %dma_wait3A_154 = arith.constant 0 : i32
        %dma_wait3A_155 = tpu.memref_slice %arg19[%dma_wait3A_153, %dma_wait3A_154] : memref<10240x128xf32, #tpu.memory_space<vmem_shared>> -> memref<10240x128xf32, #tpu.memory_space<vmem_shared>>
        tpu.wait_indirect_dma semaphore(%arg34 : memref<!tpu.dma_semaphore, #tpu.memory_space<semaphore_mem>>) src(%arg9 : memref<80x128xf32, #tpu.memory_space<vmem>>) dst(%dma_wait3A_155 : memref<10240x128xf32, #tpu.memory_space<vmem_shared>>)
        %mul3A_156 = arith.constant 4 : i32
        %mul3A_157 = arith.muli %scan3A_124, %mul3A_156 : i32
        %add3A_158 = arith.addi %mul3A_16, %mul3A_157 : i32
        %add3A_159 = arith.constant 2 : i32
        %add3A_160 = arith.addi %add3A_158, %add3A_159 : i32
        %mul3A_161 = arith.constant 80 : i32
        %mul3A_162 = arith.muli %add3A_160, %mul3A_161 : i32
        %dma_start3A_163 = tpu.memref_slice %arg3[%mul3A_162] : memref<327680xi32, #tpu.memory_space<hbm>> -> memref<80xi32, #tpu.memory_space<hbm>>
        %dma_start3A_164 = tpu.memref_slice %arg3[%mul3A_162] : memref<327680xi32, #tpu.memory_space<hbm>> -> memref<80xi32, #tpu.memory_space<hbm>>
        tpu.enqueue_dma source(%dma_start3A_164 : memref<80xi32, #tpu.memory_space<hbm>>) target(%arg13 : memref<80xi32, #tpu.memory_space<vmem>>) target_semaphore(%arg22 : memref<!tpu.dma_semaphore, #tpu.memory_space<semaphore_mem>>)
        %dma_start3A_165 = tpu.memref_slice %arg4[%mul3A_162] : memref<327680xi32, #tpu.memory_space<hbm>> -> memref<80xi32, #tpu.memory_space<hbm>>
        %dma_start3A_166 = tpu.memref_slice %arg4[%mul3A_162] : memref<327680xi32, #tpu.memory_space<hbm>> -> memref<80xi32, #tpu.memory_space<hbm>>
        tpu.enqueue_dma source(%dma_start3A_166 : memref<80xi32, #tpu.memory_space<hbm>>) target(%arg17 : memref<80xi32, #tpu.memory_space<vmem>>) target_semaphore(%arg26 : memref<!tpu.dma_semaphore, #tpu.memory_space<semaphore_mem>>)
        %dma_wait3A_167 = arith.constant 0 : i32
        %dma_wait3A_168 = arith.constant 0 : i32
        %dma_wait3A_169 = tpu.memref_slice %arg19[%dma_wait3A_167, %dma_wait3A_168] : memref<10240x128xf32, #tpu.memory_space<vmem_shared>> -> memref<10240x128xf32, #tpu.memory_space<vmem_shared>>
        tpu.wait_indirect_dma semaphore(%arg35 : memref<!tpu.dma_semaphore, #tpu.memory_space<semaphore_mem>>) src(%arg10 : memref<80x128xf32, #tpu.memory_space<vmem>>) dst(%dma_wait3A_169 : memref<10240x128xf32, #tpu.memory_space<vmem_shared>>)
        %mul3A_170 = arith.constant 4 : i32
        %mul3A_171 = arith.muli %scan3A_124, %mul3A_170 : i32
        %add3A_172 = arith.addi %mul3A_16, %mul3A_171 : i32
        %add3A_173 = arith.constant 3 : i32
        %add3A_174 = arith.addi %add3A_172, %add3A_173 : i32
        %mul3A_175 = arith.constant 80 : i32
        %mul3A_176 = arith.muli %add3A_174, %mul3A_175 : i32
        %dma_start3A_177 = tpu.memref_slice %arg3[%mul3A_176] : memref<327680xi32, #tpu.memory_space<hbm>> -> memref<80xi32, #tpu.memory_space<hbm>>
        %dma_start3A_178 = tpu.memref_slice %arg3[%mul3A_176] : memref<327680xi32, #tpu.memory_space<hbm>> -> memref<80xi32, #tpu.memory_space<hbm>>
        tpu.enqueue_dma source(%dma_start3A_178 : memref<80xi32, #tpu.memory_space<hbm>>) target(%arg14 : memref<80xi32, #tpu.memory_space<vmem>>) target_semaphore(%arg23 : memref<!tpu.dma_semaphore, #tpu.memory_space<semaphore_mem>>)
        %dma_start3A_179 = tpu.memref_slice %arg4[%mul3A_176] : memref<327680xi32, #tpu.memory_space<hbm>> -> memref<80xi32, #tpu.memory_space<hbm>>
        %dma_start3A_180 = tpu.memref_slice %arg4[%mul3A_176] : memref<327680xi32, #tpu.memory_space<hbm>> -> memref<80xi32, #tpu.memory_space<hbm>>
        tpu.enqueue_dma source(%dma_start3A_180 : memref<80xi32, #tpu.memory_space<hbm>>) target(%arg18 : memref<80xi32, #tpu.memory_space<vmem>>) target_semaphore(%arg27 : memref<!tpu.dma_semaphore, #tpu.memory_space<semaphore_mem>>)
        %dma_wait3A_181 = tpu.memref_slice %arg3[%mul3A_134] : memref<327680xi32, #tpu.memory_space<hbm>> -> memref<80xi32, #tpu.memory_space<hbm>>
        %dma_wait3A_182 = tpu.memref_slice %arg3[%mul3A_134] : memref<327680xi32, #tpu.memory_space<hbm>> -> memref<80xi32, #tpu.memory_space<hbm>>
        tpu.wait_dma2 semaphore(%arg20 : memref<!tpu.dma_semaphore, #tpu.memory_space<semaphore_mem>>) src(%dma_wait3A_182 : memref<80xi32, #tpu.memory_space<hbm>>) dst(%arg11 : memref<80xi32, #tpu.memory_space<vmem>>)
        %dma_start3A_183 = arith.constant 0 : i32
        %dma_start3A_184 = arith.constant 0 : i32
        %dma_start3A_185 = tpu.memref_slice %arg2[%dma_start3A_183, %dma_start3A_184] : memref<10240x128xf32, #tpu.memory_space<hbm>> -> memref<10240x128xf32, #tpu.memory_space<hbm>>
        tpu.enqueue_indirect_dma source(%dma_start3A_185 : memref<10240x128xf32, #tpu.memory_space<hbm>>) target(%arg7 : memref<80x128xf32, #tpu.memory_space<vmem>>) offsets(%arg11 : memref<80xi32, #tpu.memory_space<vmem>>) semaphore(%arg28 : memref<!tpu.dma_semaphore, #tpu.memory_space<semaphore_mem>>)
        %dma_wait3A_186 = tpu.memref_slice %arg3[%mul3A_148] : memref<327680xi32, #tpu.memory_space<hbm>> -> memref<80xi32, #tpu.memory_space<hbm>>
        %dma_wait3A_187 = tpu.memref_slice %arg3[%mul3A_148] : memref<327680xi32, #tpu.memory_space<hbm>> -> memref<80xi32, #tpu.memory_space<hbm>>
        tpu.wait_dma2 semaphore(%arg21 : memref<!tpu.dma_semaphore, #tpu.memory_space<semaphore_mem>>) src(%dma_wait3A_187 : memref<80xi32, #tpu.memory_space<hbm>>) dst(%arg12 : memref<80xi32, #tpu.memory_space<vmem>>)
        %dma_start3A_188 = arith.constant 0 : i32
        %dma_start3A_189 = arith.constant 0 : i32
        %dma_start3A_190 = tpu.memref_slice %arg2[%dma_start3A_188, %dma_start3A_189] : memref<10240x128xf32, #tpu.memory_space<hbm>> -> memref<10240x128xf32, #tpu.memory_space<hbm>>
        tpu.enqueue_indirect_dma source(%dma_start3A_190 : memref<10240x128xf32, #tpu.memory_space<hbm>>) target(%arg8 : memref<80x128xf32, #tpu.memory_space<vmem>>) offsets(%arg12 : memref<80xi32, #tpu.memory_space<vmem>>) semaphore(%arg29 : memref<!tpu.dma_semaphore, #tpu.memory_space<semaphore_mem>>)
        %dma_wait3A_191 = tpu.memref_slice %arg3[%mul3A_162] : memref<327680xi32, #tpu.memory_space<hbm>> -> memref<80xi32, #tpu.memory_space<hbm>>
        %dma_wait3A_192 = tpu.memref_slice %arg3[%mul3A_162] : memref<327680xi32, #tpu.memory_space<hbm>> -> memref<80xi32, #tpu.memory_space<hbm>>
        tpu.wait_dma2 semaphore(%arg22 : memref<!tpu.dma_semaphore, #tpu.memory_space<semaphore_mem>>) src(%dma_wait3A_192 : memref<80xi32, #tpu.memory_space<hbm>>) dst(%arg13 : memref<80xi32, #tpu.memory_space<vmem>>)
        %dma_start3A_193 = arith.constant 0 : i32
        %dma_start3A_194 = arith.constant 0 : i32
        %dma_start3A_195 = tpu.memref_slice %arg2[%dma_start3A_193, %dma_start3A_194] : memref<10240x128xf32, #tpu.memory_space<hbm>> -> memref<10240x128xf32, #tpu.memory_space<hbm>>
        tpu.enqueue_indirect_dma source(%dma_start3A_195 : memref<10240x128xf32, #tpu.memory_space<hbm>>) target(%arg9 : memref<80x128xf32, #tpu.memory_space<vmem>>) offsets(%arg13 : memref<80xi32, #tpu.memory_space<vmem>>) semaphore(%arg30 : memref<!tpu.dma_semaphore, #tpu.memory_space<semaphore_mem>>)
        %dma_wait3A_196 = tpu.memref_slice %arg3[%mul3A_176] : memref<327680xi32, #tpu.memory_space<hbm>> -> memref<80xi32, #tpu.memory_space<hbm>>
        %dma_wait3A_197 = tpu.memref_slice %arg3[%mul3A_176] : memref<327680xi32, #tpu.memory_space<hbm>> -> memref<80xi32, #tpu.memory_space<hbm>>
        tpu.wait_dma2 semaphore(%arg23 : memref<!tpu.dma_semaphore, #tpu.memory_space<semaphore_mem>>) src(%dma_wait3A_197 : memref<80xi32, #tpu.memory_space<hbm>>) dst(%arg14 : memref<80xi32, #tpu.memory_space<vmem>>)
        %dma_start3A_198 = arith.constant 0 : i32
        %dma_start3A_199 = arith.constant 0 : i32
        %dma_start3A_200 = tpu.memref_slice %arg2[%dma_start3A_198, %dma_start3A_199] : memref<10240x128xf32, #tpu.memory_space<hbm>> -> memref<10240x128xf32, #tpu.memory_space<hbm>>
        tpu.enqueue_indirect_dma source(%dma_start3A_200 : memref<10240x128xf32, #tpu.memory_space<hbm>>) target(%arg10 : memref<80x128xf32, #tpu.memory_space<vmem>>) offsets(%arg14 : memref<80xi32, #tpu.memory_space<vmem>>) semaphore(%arg31 : memref<!tpu.dma_semaphore, #tpu.memory_space<semaphore_mem>>)
        %dma_wait3A_201 = arith.constant 0 : i32
        %dma_wait3A_202 = arith.constant 0 : i32
        %dma_wait3A_203 = tpu.memref_slice %arg2[%dma_wait3A_201, %dma_wait3A_202] : memref<10240x128xf32, #tpu.memory_space<hbm>> -> memref<10240x128xf32, #tpu.memory_space<hbm>>
        tpu.wait_indirect_dma semaphore(%arg28 : memref<!tpu.dma_semaphore, #tpu.memory_space<semaphore_mem>>) src(%dma_wait3A_203 : memref<10240x128xf32, #tpu.memory_space<hbm>>) dst(%arg7 : memref<80x128xf32, #tpu.memory_space<vmem>>)
        %dma_wait3A_204 = tpu.memref_slice %arg4[%mul3A_134] : memref<327680xi32, #tpu.memory_space<hbm>> -> memref<80xi32, #tpu.memory_space<hbm>>
        %dma_wait3A_205 = tpu.memref_slice %arg4[%mul3A_134] : memref<327680xi32, #tpu.memory_space<hbm>> -> memref<80xi32, #tpu.memory_space<hbm>>
        tpu.wait_dma2 semaphore(%arg24 : memref<!tpu.dma_semaphore, #tpu.memory_space<semaphore_mem>>) src(%dma_wait3A_205 : memref<80xi32, #tpu.memory_space<hbm>>) dst(%arg15 : memref<80xi32, #tpu.memory_space<vmem>>)
        %dma_start3A_206 = arith.constant 0 : i32
        %dma_start3A_207 = arith.constant 0 : i32
        %dma_start3A_208 = tpu.memref_slice %arg19[%dma_start3A_206, %dma_start3A_207] : memref<10240x128xf32, #tpu.memory_space<vmem_shared>> -> memref<10240x128xf32, #tpu.memory_space<vmem_shared>>
        tpu.enqueue_indirect_dma source(%arg7 : memref<80x128xf32, #tpu.memory_space<vmem>>) target(%dma_start3A_208 : memref<10240x128xf32, #tpu.memory_space<vmem_shared>>) offsets(%arg15 : memref<80xi32, #tpu.memory_space<vmem>>) semaphore(%arg32 : memref<!tpu.dma_semaphore, #tpu.memory_space<semaphore_mem>>) {add = true}
        %dma_wait3A_209 = arith.constant 0 : i32
        %dma_wait3A_210 = arith.constant 0 : i32
        %dma_wait3A_211 = tpu.memref_slice %arg2[%dma_wait3A_209, %dma_wait3A_210] : memref<10240x128xf32, #tpu.memory_space<hbm>> -> memref<10240x128xf32, #tpu.memory_space<hbm>>
        tpu.wait_indirect_dma semaphore(%arg29 : memref<!tpu.dma_semaphore, #tpu.memory_space<semaphore_mem>>) src(%dma_wait3A_211 : memref<10240x128xf32, #tpu.memory_space<hbm>>) dst(%arg8 : memref<80x128xf32, #tpu.memory_space<vmem>>)
        %dma_wait3A_212 = tpu.memref_slice %arg4[%mul3A_148] : memref<327680xi32, #tpu.memory_space<hbm>> -> memref<80xi32, #tpu.memory_space<hbm>>
        %dma_wait3A_213 = tpu.memref_slice %arg4[%mul3A_148] : memref<327680xi32, #tpu.memory_space<hbm>> -> memref<80xi32, #tpu.memory_space<hbm>>
        tpu.wait_dma2 semaphore(%arg25 : memref<!tpu.dma_semaphore, #tpu.memory_space<semaphore_mem>>) src(%dma_wait3A_213 : memref<80xi32, #tpu.memory_space<hbm>>) dst(%arg16 : memref<80xi32, #tpu.memory_space<vmem>>)
        %dma_start3A_214 = arith.constant 0 : i32
        %dma_start3A_215 = arith.constant 0 : i32
        %dma_start3A_216 = tpu.memref_slice %arg19[%dma_start3A_214, %dma_start3A_215] : memref<10240x128xf32, #tpu.memory_space<vmem_shared>> -> memref<10240x128xf32, #tpu.memory_space<vmem_shared>>
        tpu.enqueue_indirect_dma source(%arg8 : memref<80x128xf32, #tpu.memory_space<vmem>>) target(%dma_start3A_216 : memref<10240x128xf32, #tpu.memory_space<vmem_shared>>) offsets(%arg16 : memref<80xi32, #tpu.memory_space<vmem>>) semaphore(%arg33 : memref<!tpu.dma_semaphore, #tpu.memory_space<semaphore_mem>>) {add = true}
        %dma_wait3A_217 = arith.constant 0 : i32
        %dma_wait3A_218 = arith.constant 0 : i32
        %dma_wait3A_219 = tpu.memref_slice %arg2[%dma_wait3A_217, %dma_wait3A_218] : memref<10240x128xf32, #tpu.memory_space<hbm>> -> memref<10240x128xf32, #tpu.memory_space<hbm>>
        tpu.wait_indirect_dma semaphore(%arg30 : memref<!tpu.dma_semaphore, #tpu.memory_space<semaphore_mem>>) src(%dma_wait3A_219 : memref<10240x128xf32, #tpu.memory_space<hbm>>) dst(%arg9 : memref<80x128xf32, #tpu.memory_space<vmem>>)
        %dma_wait3A_220 = tpu.memref_slice %arg4[%mul3A_162] : memref<327680xi32, #tpu.memory_space<hbm>> -> memref<80xi32, #tpu.memory_space<hbm>>
        %dma_wait3A_221 = tpu.memref_slice %arg4[%mul3A_162] : memref<327680xi32, #tpu.memory_space<hbm>> -> memref<80xi32, #tpu.memory_space<hbm>>
        tpu.wait_dma2 semaphore(%arg26 : memref<!tpu.dma_semaphore, #tpu.memory_space<semaphore_mem>>) src(%dma_wait3A_221 : memref<80xi32, #tpu.memory_space<hbm>>) dst(%arg17 : memref<80xi32, #tpu.memory_space<vmem>>)
        %dma_start3A_222 = arith.constant 0 : i32
        %dma_start3A_223 = arith.constant 0 : i32
        %dma_start3A_224 = tpu.memref_slice %arg19[%dma_start3A_222, %dma_start3A_223] : memref<10240x128xf32, #tpu.memory_space<vmem_shared>> -> memref<10240x128xf32, #tpu.memory_space<vmem_shared>>
        tpu.enqueue_indirect_dma source(%arg9 : memref<80x128xf32, #tpu.memory_space<vmem>>) target(%dma_start3A_224 : memref<10240x128xf32, #tpu.memory_space<vmem_shared>>) offsets(%arg17 : memref<80xi32, #tpu.memory_space<vmem>>) semaphore(%arg34 : memref<!tpu.dma_semaphore, #tpu.memory_space<semaphore_mem>>) {add = true}
        %dma_wait3A_225 = arith.constant 0 : i32
        %dma_wait3A_226 = arith.constant 0 : i32
        %dma_wait3A_227 = tpu.memref_slice %arg2[%dma_wait3A_225, %dma_wait3A_226] : memref<10240x128xf32, #tpu.memory_space<hbm>> -> memref<10240x128xf32, #tpu.memory_space<hbm>>
        tpu.wait_indirect_dma semaphore(%arg31 : memref<!tpu.dma_semaphore, #tpu.memory_space<semaphore_mem>>) src(%dma_wait3A_227 : memref<10240x128xf32, #tpu.memory_space<hbm>>) dst(%arg10 : memref<80x128xf32, #tpu.memory_space<vmem>>)
        %dma_wait3A_228 = tpu.memref_slice %arg4[%mul3A_176] : memref<327680xi32, #tpu.memory_space<hbm>> -> memref<80xi32, #tpu.memory_space<hbm>>
        %dma_wait3A_229 = tpu.memref_slice %arg4[%mul3A_176] : memref<327680xi32, #tpu.memory_space<hbm>> -> memref<80xi32, #tpu.memory_space<hbm>>
        tpu.wait_dma2 semaphore(%arg27 : memref<!tpu.dma_semaphore, #tpu.memory_space<semaphore_mem>>) src(%dma_wait3A_229 : memref<80xi32, #tpu.memory_space<hbm>>) dst(%arg18 : memref<80xi32, #tpu.memory_space<vmem>>)
        %dma_start3A_230 = arith.constant 0 : i32
        %dma_start3A_231 = arith.constant 0 : i32
        %dma_start3A_232 = tpu.memref_slice %arg19[%dma_start3A_230, %dma_start3A_231] : memref<10240x128xf32, #tpu.memory_space<vmem_shared>> -> memref<10240x128xf32, #tpu.memory_space<vmem_shared>>
        tpu.enqueue_indirect_dma source(%arg10 : memref<80x128xf32, #tpu.memory_space<vmem>>) target(%dma_start3A_232 : memref<10240x128xf32, #tpu.memory_space<vmem_shared>>) offsets(%arg18 : memref<80xi32, #tpu.memory_space<vmem>>) semaphore(%arg35 : memref<!tpu.dma_semaphore, #tpu.memory_space<semaphore_mem>>) {add = true}
      }
      %scan3A_111 = arith.constant 39 : i32
      %dma_wait3A_112 = arith.constant 0 : i32
      %dma_wait3A_113 = arith.constant 0 : i32
      %dma_wait3A_114 = tpu.memref_slice %arg19[%dma_wait3A_112, %dma_wait3A_113] : memref<10240x128xf32, #tpu.memory_space<vmem_shared>> -> memref<10240x128xf32, #tpu.memory_space<vmem_shared>>
      tpu.wait_indirect_dma semaphore(%arg32 : memref<!tpu.dma_semaphore, #tpu.memory_space<semaphore_mem>>) src(%arg7 : memref<80x128xf32, #tpu.memory_space<vmem>>) dst(%dma_wait3A_114 : memref<10240x128xf32, #tpu.memory_space<vmem_shared>>)
      %dma_wait3A_115 = arith.constant 0 : i32
      %dma_wait3A_116 = arith.constant 0 : i32
      %dma_wait3A_117 = tpu.memref_slice %arg19[%dma_wait3A_115, %dma_wait3A_116] : memref<10240x128xf32, #tpu.memory_space<vmem_shared>> -> memref<10240x128xf32, #tpu.memory_space<vmem_shared>>
      tpu.wait_indirect_dma semaphore(%arg33 : memref<!tpu.dma_semaphore, #tpu.memory_space<semaphore_mem>>) src(%arg8 : memref<80x128xf32, #tpu.memory_space<vmem>>) dst(%dma_wait3A_117 : memref<10240x128xf32, #tpu.memory_space<vmem_shared>>)
      %dma_wait3A_118 = arith.constant 0 : i32
      %dma_wait3A_119 = arith.constant 0 : i32
      %dma_wait3A_120 = tpu.memref_slice %arg19[%dma_wait3A_118, %dma_wait3A_119] : memref<10240x128xf32, #tpu.memory_space<vmem_shared>> -> memref<10240x128xf32, #tpu.memory_space<vmem_shared>>
      tpu.wait_indirect_dma semaphore(%arg34 : memref<!tpu.dma_semaphore, #tpu.memory_space<semaphore_mem>>) src(%arg9 : memref<80x128xf32, #tpu.memory_space<vmem>>) dst(%dma_wait3A_120 : memref<10240x128xf32, #tpu.memory_space<vmem_shared>>)
      %dma_wait3A_121 = arith.constant 0 : i32
      %dma_wait3A_122 = arith.constant 0 : i32
      %dma_wait3A_123 = tpu.memref_slice %arg19[%dma_wait3A_121, %dma_wait3A_122] : memref<10240x128xf32, #tpu.memory_space<vmem_shared>> -> memref<10240x128xf32, #tpu.memory_space<vmem_shared>>
      tpu.wait_indirect_dma semaphore(%arg35 : memref<!tpu.dma_semaphore, #tpu.memory_space<semaphore_mem>>) src(%arg10 : memref<80x128xf32, #tpu.memory_space<vmem>>) dst(%dma_wait3A_123 : memref<10240x128xf32, #tpu.memory_space<vmem_shared>>)
    } else {
    }
    %eq3A_5 = arith.constant 1 : i32
    %eq3A_6 = arith.cmpi eq, %arg0, %eq3A_5 : i32
    %convert_element_type3A_7 = arith.extui %eq3A_6 : i1 to i32
    %cond3A_8 = arith.constant 0 : i32
    %cond3A_9 = arith.cmpi ne, %convert_element_type3A_7, %cond3A_8 : i32
    scf.if %cond3A_9 {
      %mul3A_15 = arith.constant 96 : i32
      %mul3A_16 = arith.muli %arg1, %mul3A_15 : i32
      %add3A_17 = arith.constant 2560 : i32
      %add3A_18 = arith.addi %add3A_17, %mul3A_16 : i32
      %add3A_19 = arith.constant 0 : i32
      %add3A_20 = arith.addi %add3A_18, %add3A_19 : i32
      %add3A_21 = arith.constant 0 : i32
      %add3A_22 = arith.addi %add3A_20, %add3A_21 : i32
      %mul3A_23 = arith.constant 80 : i32
      %mul3A_24 = arith.muli %add3A_22, %mul3A_23 : i32
      %dma_start3A = tpu.memref_slice %arg3[%mul3A_24] : memref<327680xi32, #tpu.memory_space<hbm>> -> memref<80xi32, #tpu.memory_space<hbm>>
      %dma_start3A_25 = tpu.memref_slice %arg3[%mul3A_24] : memref<327680xi32, #tpu.memory_space<hbm>> -> memref<80xi32, #tpu.memory_space<hbm>>
      tpu.enqueue_dma source(%dma_start3A_25 : memref<80xi32, #tpu.memory_space<hbm>>) target(%arg11 : memref<80xi32, #tpu.memory_space<vmem>>) target_semaphore(%arg20 : memref<!tpu.dma_semaphore, #tpu.memory_space<semaphore_mem>>)
      %dma_start3A_26 = tpu.memref_slice %arg4[%mul3A_24] : memref<327680xi32, #tpu.memory_space<hbm>> -> memref<80xi32, #tpu.memory_space<hbm>>
      %dma_start3A_27 = tpu.memref_slice %arg4[%mul3A_24] : memref<327680xi32, #tpu.memory_space<hbm>> -> memref<80xi32, #tpu.memory_space<hbm>>
      tpu.enqueue_dma source(%dma_start3A_27 : memref<80xi32, #tpu.memory_space<hbm>>) target(%arg15 : memref<80xi32, #tpu.memory_space<vmem>>) target_semaphore(%arg24 : memref<!tpu.dma_semaphore, #tpu.memory_space<semaphore_mem>>)
      %add3A_28 = arith.constant 0 : i32
      %add3A_29 = arith.addi %add3A_18, %add3A_28 : i32
      %add3A_30 = arith.constant 1 : i32
      %add3A_31 = arith.addi %add3A_29, %add3A_30 : i32
      %mul3A_32 = arith.constant 80 : i32
      %mul3A_33 = arith.muli %add3A_31, %mul3A_32 : i32
      %dma_start3A_34 = tpu.memref_slice %arg3[%mul3A_33] : memref<327680xi32, #tpu.memory_space<hbm>> -> memref<80xi32, #tpu.memory_space<hbm>>
      %dma_start3A_35 = tpu.memref_slice %arg3[%mul3A_33] : memref<327680xi32, #tpu.memory_space<hbm>> -> memref<80xi32, #tpu.memory_space<hbm>>
      tpu.enqueue_dma source(%dma_start3A_35 : memref<80xi32, #tpu.memory_space<hbm>>) target(%arg12 : memref<80xi32, #tpu.memory_space<vmem>>) target_semaphore(%arg21 : memref<!tpu.dma_semaphore, #tpu.memory_space<semaphore_mem>>)
      %dma_start3A_36 = tpu.memref_slice %arg4[%mul3A_33] : memref<327680xi32, #tpu.memory_space<hbm>> -> memref<80xi32, #tpu.memory_space<hbm>>
      %dma_start3A_37 = tpu.memref_slice %arg4[%mul3A_33] : memref<327680xi32, #tpu.memory_space<hbm>> -> memref<80xi32, #tpu.memory_space<hbm>>
      tpu.enqueue_dma source(%dma_start3A_37 : memref<80xi32, #tpu.memory_space<hbm>>) target(%arg16 : memref<80xi32, #tpu.memory_space<vmem>>) target_semaphore(%arg25 : memref<!tpu.dma_semaphore, #tpu.memory_space<semaphore_mem>>)
      %add3A_38 = arith.constant 0 : i32
      %add3A_39 = arith.addi %add3A_18, %add3A_38 : i32
      %add3A_40 = arith.constant 2 : i32
      %add3A_41 = arith.addi %add3A_39, %add3A_40 : i32
      %mul3A_42 = arith.constant 80 : i32
      %mul3A_43 = arith.muli %add3A_41, %mul3A_42 : i32
      %dma_start3A_44 = tpu.memref_slice %arg3[%mul3A_43] : memref<327680xi32, #tpu.memory_space<hbm>> -> memref<80xi32, #tpu.memory_space<hbm>>
      %dma_start3A_45 = tpu.memref_slice %arg3[%mul3A_43] : memref<327680xi32, #tpu.memory_space<hbm>> -> memref<80xi32, #tpu.memory_space<hbm>>
      tpu.enqueue_dma source(%dma_start3A_45 : memref<80xi32, #tpu.memory_space<hbm>>) target(%arg13 : memref<80xi32, #tpu.memory_space<vmem>>) target_semaphore(%arg22 : memref<!tpu.dma_semaphore, #tpu.memory_space<semaphore_mem>>)
      %dma_start3A_46 = tpu.memref_slice %arg4[%mul3A_43] : memref<327680xi32, #tpu.memory_space<hbm>> -> memref<80xi32, #tpu.memory_space<hbm>>
      %dma_start3A_47 = tpu.memref_slice %arg4[%mul3A_43] : memref<327680xi32, #tpu.memory_space<hbm>> -> memref<80xi32, #tpu.memory_space<hbm>>
      tpu.enqueue_dma source(%dma_start3A_47 : memref<80xi32, #tpu.memory_space<hbm>>) target(%arg17 : memref<80xi32, #tpu.memory_space<vmem>>) target_semaphore(%arg26 : memref<!tpu.dma_semaphore, #tpu.memory_space<semaphore_mem>>)
      %add3A_48 = arith.constant 0 : i32
      %add3A_49 = arith.addi %add3A_18, %add3A_48 : i32
      %add3A_50 = arith.constant 3 : i32
      %add3A_51 = arith.addi %add3A_49, %add3A_50 : i32
      %mul3A_52 = arith.constant 80 : i32
      %mul3A_53 = arith.muli %add3A_51, %mul3A_52 : i32
      %dma_start3A_54 = tpu.memref_slice %arg3[%mul3A_53] : memref<327680xi32, #tpu.memory_space<hbm>> -> memref<80xi32, #tpu.memory_space<hbm>>
      %dma_start3A_55 = tpu.memref_slice %arg3[%mul3A_53] : memref<327680xi32, #tpu.memory_space<hbm>> -> memref<80xi32, #tpu.memory_space<hbm>>
      tpu.enqueue_dma source(%dma_start3A_55 : memref<80xi32, #tpu.memory_space<hbm>>) target(%arg14 : memref<80xi32, #tpu.memory_space<vmem>>) target_semaphore(%arg23 : memref<!tpu.dma_semaphore, #tpu.memory_space<semaphore_mem>>)
      %dma_start3A_56 = tpu.memref_slice %arg4[%mul3A_53] : memref<327680xi32, #tpu.memory_space<hbm>> -> memref<80xi32, #tpu.memory_space<hbm>>
      %dma_start3A_57 = tpu.memref_slice %arg4[%mul3A_53] : memref<327680xi32, #tpu.memory_space<hbm>> -> memref<80xi32, #tpu.memory_space<hbm>>
      tpu.enqueue_dma source(%dma_start3A_57 : memref<80xi32, #tpu.memory_space<hbm>>) target(%arg18 : memref<80xi32, #tpu.memory_space<vmem>>) target_semaphore(%arg27 : memref<!tpu.dma_semaphore, #tpu.memory_space<semaphore_mem>>)
      %dma_wait3A = tpu.memref_slice %arg3[%mul3A_24] : memref<327680xi32, #tpu.memory_space<hbm>> -> memref<80xi32, #tpu.memory_space<hbm>>
      %dma_wait3A_58 = tpu.memref_slice %arg3[%mul3A_24] : memref<327680xi32, #tpu.memory_space<hbm>> -> memref<80xi32, #tpu.memory_space<hbm>>
      tpu.wait_dma2 semaphore(%arg20 : memref<!tpu.dma_semaphore, #tpu.memory_space<semaphore_mem>>) src(%dma_wait3A_58 : memref<80xi32, #tpu.memory_space<hbm>>) dst(%arg11 : memref<80xi32, #tpu.memory_space<vmem>>)
      %dma_start3A_59 = arith.constant 0 : i32
      %dma_start3A_60 = arith.constant 0 : i32
      %dma_start3A_61 = tpu.memref_slice %arg2[%dma_start3A_59, %dma_start3A_60] : memref<10240x128xf32, #tpu.memory_space<hbm>> -> memref<10240x128xf32, #tpu.memory_space<hbm>>
      tpu.enqueue_indirect_dma source(%dma_start3A_61 : memref<10240x128xf32, #tpu.memory_space<hbm>>) target(%arg7 : memref<80x128xf32, #tpu.memory_space<vmem>>) offsets(%arg11 : memref<80xi32, #tpu.memory_space<vmem>>) semaphore(%arg28 : memref<!tpu.dma_semaphore, #tpu.memory_space<semaphore_mem>>)
      %dma_wait3A_62 = tpu.memref_slice %arg3[%mul3A_33] : memref<327680xi32, #tpu.memory_space<hbm>> -> memref<80xi32, #tpu.memory_space<hbm>>
      %dma_wait3A_63 = tpu.memref_slice %arg3[%mul3A_33] : memref<327680xi32, #tpu.memory_space<hbm>> -> memref<80xi32, #tpu.memory_space<hbm>>
      tpu.wait_dma2 semaphore(%arg21 : memref<!tpu.dma_semaphore, #tpu.memory_space<semaphore_mem>>) src(%dma_wait3A_63 : memref<80xi32, #tpu.memory_space<hbm>>) dst(%arg12 : memref<80xi32, #tpu.memory_space<vmem>>)
      %dma_start3A_64 = arith.constant 0 : i32
      %dma_start3A_65 = arith.constant 0 : i32
      %dma_start3A_66 = tpu.memref_slice %arg2[%dma_start3A_64, %dma_start3A_65] : memref<10240x128xf32, #tpu.memory_space<hbm>> -> memref<10240x128xf32, #tpu.memory_space<hbm>>
      tpu.enqueue_indirect_dma source(%dma_start3A_66 : memref<10240x128xf32, #tpu.memory_space<hbm>>) target(%arg8 : memref<80x128xf32, #tpu.memory_space<vmem>>) offsets(%arg12 : memref<80xi32, #tpu.memory_space<vmem>>) semaphore(%arg29 : memref<!tpu.dma_semaphore, #tpu.memory_space<semaphore_mem>>)
      %dma_wait3A_67 = tpu.memref_slice %arg3[%mul3A_43] : memref<327680xi32, #tpu.memory_space<hbm>> -> memref<80xi32, #tpu.memory_space<hbm>>
      %dma_wait3A_68 = tpu.memref_slice %arg3[%mul3A_43] : memref<327680xi32, #tpu.memory_space<hbm>> -> memref<80xi32, #tpu.memory_space<hbm>>
      tpu.wait_dma2 semaphore(%arg22 : memref<!tpu.dma_semaphore, #tpu.memory_space<semaphore_mem>>) src(%dma_wait3A_68 : memref<80xi32, #tpu.memory_space<hbm>>) dst(%arg13 : memref<80xi32, #tpu.memory_space<vmem>>)
      %dma_start3A_69 = arith.constant 0 : i32
      %dma_start3A_70 = arith.constant 0 : i32
      %dma_start3A_71 = tpu.memref_slice %arg2[%dma_start3A_69, %dma_start3A_70] : memref<10240x128xf32, #tpu.memory_space<hbm>> -> memref<10240x128xf32, #tpu.memory_space<hbm>>
      tpu.enqueue_indirect_dma source(%dma_start3A_71 : memref<10240x128xf32, #tpu.memory_space<hbm>>) target(%arg9 : memref<80x128xf32, #tpu.memory_space<vmem>>) offsets(%arg13 : memref<80xi32, #tpu.memory_space<vmem>>) semaphore(%arg30 : memref<!tpu.dma_semaphore, #tpu.memory_space<semaphore_mem>>)
      %dma_wait3A_72 = tpu.memref_slice %arg3[%mul3A_53] : memref<327680xi32, #tpu.memory_space<hbm>> -> memref<80xi32, #tpu.memory_space<hbm>>
      %dma_wait3A_73 = tpu.memref_slice %arg3[%mul3A_53] : memref<327680xi32, #tpu.memory_space<hbm>> -> memref<80xi32, #tpu.memory_space<hbm>>
      tpu.wait_dma2 semaphore(%arg23 : memref<!tpu.dma_semaphore, #tpu.memory_space<semaphore_mem>>) src(%dma_wait3A_73 : memref<80xi32, #tpu.memory_space<hbm>>) dst(%arg14 : memref<80xi32, #tpu.memory_space<vmem>>)
      %dma_start3A_74 = arith.constant 0 : i32
      %dma_start3A_75 = arith.constant 0 : i32
      %dma_start3A_76 = tpu.memref_slice %arg2[%dma_start3A_74, %dma_start3A_75] : memref<10240x128xf32, #tpu.memory_space<hbm>> -> memref<10240x128xf32, #tpu.memory_space<hbm>>
      tpu.enqueue_indirect_dma source(%dma_start3A_76 : memref<10240x128xf32, #tpu.memory_space<hbm>>) target(%arg10 : memref<80x128xf32, #tpu.memory_space<vmem>>) offsets(%arg14 : memref<80xi32, #tpu.memory_space<vmem>>) semaphore(%arg31 : memref<!tpu.dma_semaphore, #tpu.memory_space<semaphore_mem>>)
      %dma_wait3A_77 = arith.constant 0 : i32
      %dma_wait3A_78 = arith.constant 0 : i32
      %dma_wait3A_79 = tpu.memref_slice %arg2[%dma_wait3A_77, %dma_wait3A_78] : memref<10240x128xf32, #tpu.memory_space<hbm>> -> memref<10240x128xf32, #tpu.memory_space<hbm>>
      tpu.wait_indirect_dma semaphore(%arg28 : memref<!tpu.dma_semaphore, #tpu.memory_space<semaphore_mem>>) src(%dma_wait3A_79 : memref<10240x128xf32, #tpu.memory_space<hbm>>) dst(%arg7 : memref<80x128xf32, #tpu.memory_space<vmem>>)
      %dma_wait3A_80 = tpu.memref_slice %arg4[%mul3A_24] : memref<327680xi32, #tpu.memory_space<hbm>> -> memref<80xi32, #tpu.memory_space<hbm>>
      %dma_wait3A_81 = tpu.memref_slice %arg4[%mul3A_24] : memref<327680xi32, #tpu.memory_space<hbm>> -> memref<80xi32, #tpu.memory_space<hbm>>
      tpu.wait_dma2 semaphore(%arg24 : memref<!tpu.dma_semaphore, #tpu.memory_space<semaphore_mem>>) src(%dma_wait3A_81 : memref<80xi32, #tpu.memory_space<hbm>>) dst(%arg15 : memref<80xi32, #tpu.memory_space<vmem>>)
      %dma_start3A_82 = arith.constant 0 : i32
      %dma_start3A_83 = arith.constant 0 : i32
      %dma_start3A_84 = tpu.memref_slice %arg19[%dma_start3A_82, %dma_start3A_83] : memref<10240x128xf32, #tpu.memory_space<vmem_shared>> -> memref<10240x128xf32, #tpu.memory_space<vmem_shared>>
      tpu.enqueue_indirect_dma source(%arg7 : memref<80x128xf32, #tpu.memory_space<vmem>>) target(%dma_start3A_84 : memref<10240x128xf32, #tpu.memory_space<vmem_shared>>) offsets(%arg15 : memref<80xi32, #tpu.memory_space<vmem>>) semaphore(%arg32 : memref<!tpu.dma_semaphore, #tpu.memory_space<semaphore_mem>>) {add = true}
      %dma_wait3A_85 = arith.constant 0 : i32
      %dma_wait3A_86 = arith.constant 0 : i32
      %dma_wait3A_87 = tpu.memref_slice %arg2[%dma_wait3A_85, %dma_wait3A_86] : memref<10240x128xf32, #tpu.memory_space<hbm>> -> memref<10240x128xf32, #tpu.memory_space<hbm>>
      tpu.wait_indirect_dma semaphore(%arg29 : memref<!tpu.dma_semaphore, #tpu.memory_space<semaphore_mem>>) src(%dma_wait3A_87 : memref<10240x128xf32, #tpu.memory_space<hbm>>) dst(%arg8 : memref<80x128xf32, #tpu.memory_space<vmem>>)
      %dma_wait3A_88 = tpu.memref_slice %arg4[%mul3A_33] : memref<327680xi32, #tpu.memory_space<hbm>> -> memref<80xi32, #tpu.memory_space<hbm>>
      %dma_wait3A_89 = tpu.memref_slice %arg4[%mul3A_33] : memref<327680xi32, #tpu.memory_space<hbm>> -> memref<80xi32, #tpu.memory_space<hbm>>
      tpu.wait_dma2 semaphore(%arg25 : memref<!tpu.dma_semaphore, #tpu.memory_space<semaphore_mem>>) src(%dma_wait3A_89 : memref<80xi32, #tpu.memory_space<hbm>>) dst(%arg16 : memref<80xi32, #tpu.memory_space<vmem>>)
      %dma_start3A_90 = arith.constant 0 : i32
      %dma_start3A_91 = arith.constant 0 : i32
      %dma_start3A_92 = tpu.memref_slice %arg19[%dma_start3A_90, %dma_start3A_91] : memref<10240x128xf32, #tpu.memory_space<vmem_shared>> -> memref<10240x128xf32, #tpu.memory_space<vmem_shared>>
      tpu.enqueue_indirect_dma source(%arg8 : memref<80x128xf32, #tpu.memory_space<vmem>>) target(%dma_start3A_92 : memref<10240x128xf32, #tpu.memory_space<vmem_shared>>) offsets(%arg16 : memref<80xi32, #tpu.memory_space<vmem>>) semaphore(%arg33 : memref<!tpu.dma_semaphore, #tpu.memory_space<semaphore_mem>>) {add = true}
      %dma_wait3A_93 = arith.constant 0 : i32
      %dma_wait3A_94 = arith.constant 0 : i32
      %dma_wait3A_95 = tpu.memref_slice %arg2[%dma_wait3A_93, %dma_wait3A_94] : memref<10240x128xf32, #tpu.memory_space<hbm>> -> memref<10240x128xf32, #tpu.memory_space<hbm>>
      tpu.wait_indirect_dma semaphore(%arg30 : memref<!tpu.dma_semaphore, #tpu.memory_space<semaphore_mem>>) src(%dma_wait3A_95 : memref<10240x128xf32, #tpu.memory_space<hbm>>) dst(%arg9 : memref<80x128xf32, #tpu.memory_space<vmem>>)
      %dma_wait3A_96 = tpu.memref_slice %arg4[%mul3A_43] : memref<327680xi32, #tpu.memory_space<hbm>> -> memref<80xi32, #tpu.memory_space<hbm>>
      %dma_wait3A_97 = tpu.memref_slice %arg4[%mul3A_43] : memref<327680xi32, #tpu.memory_space<hbm>> -> memref<80xi32, #tpu.memory_space<hbm>>
      tpu.wait_dma2 semaphore(%arg26 : memref<!tpu.dma_semaphore, #tpu.memory_space<semaphore_mem>>) src(%dma_wait3A_97 : memref<80xi32, #tpu.memory_space<hbm>>) dst(%arg17 : memref<80xi32, #tpu.memory_space<vmem>>)
      %dma_start3A_98 = arith.constant 0 : i32
      %dma_start3A_99 = arith.constant 0 : i32
      %dma_start3A_100 = tpu.memref_slice %arg19[%dma_start3A_98, %dma_start3A_99] : memref<10240x128xf32, #tpu.memory_space<vmem_shared>> -> memref<10240x128xf32, #tpu.memory_space<vmem_shared>>
      tpu.enqueue_indirect_dma source(%arg9 : memref<80x128xf32, #tpu.memory_space<vmem>>) target(%dma_start3A_100 : memref<10240x128xf32, #tpu.memory_space<vmem_shared>>) offsets(%arg17 : memref<80xi32, #tpu.memory_space<vmem>>) semaphore(%arg34 : memref<!tpu.dma_semaphore, #tpu.memory_space<semaphore_mem>>) {add = true}
      %dma_wait3A_101 = arith.constant 0 : i32
      %dma_wait3A_102 = arith.constant 0 : i32
      %dma_wait3A_103 = tpu.memref_slice %arg2[%dma_wait3A_101, %dma_wait3A_102] : memref<10240x128xf32, #tpu.memory_space<hbm>> -> memref<10240x128xf32, #tpu.memory_space<hbm>>
      tpu.wait_indirect_dma semaphore(%arg31 : memref<!tpu.dma_semaphore, #tpu.memory_space<semaphore_mem>>) src(%dma_wait3A_103 : memref<10240x128xf32, #tpu.memory_space<hbm>>) dst(%arg10 : memref<80x128xf32, #tpu.memory_space<vmem>>)
      %dma_wait3A_104 = tpu.memref_slice %arg4[%mul3A_53] : memref<327680xi32, #tpu.memory_space<hbm>> -> memref<80xi32, #tpu.memory_space<hbm>>
      %dma_wait3A_105 = tpu.memref_slice %arg4[%mul3A_53] : memref<327680xi32, #tpu.memory_space<hbm>> -> memref<80xi32, #tpu.memory_space<hbm>>
      tpu.wait_dma2 semaphore(%arg27 : memref<!tpu.dma_semaphore, #tpu.memory_space<semaphore_mem>>) src(%dma_wait3A_105 : memref<80xi32, #tpu.memory_space<hbm>>) dst(%arg18 : memref<80xi32, #tpu.memory_space<vmem>>)
      %dma_start3A_106 = arith.constant 0 : i32
      %dma_start3A_107 = arith.constant 0 : i32
      %dma_start3A_108 = tpu.memref_slice %arg19[%dma_start3A_106, %dma_start3A_107] : memref<10240x128xf32, #tpu.memory_space<vmem_shared>> -> memref<10240x128xf32, #tpu.memory_space<vmem_shared>>
      tpu.enqueue_indirect_dma source(%arg10 : memref<80x128xf32, #tpu.memory_space<vmem>>) target(%dma_start3A_108 : memref<10240x128xf32, #tpu.memory_space<vmem_shared>>) offsets(%arg18 : memref<80xi32, #tpu.memory_space<vmem>>) semaphore(%arg35 : memref<!tpu.dma_semaphore, #tpu.memory_space<semaphore_mem>>) {add = true}
      %scan3A = arith.constant 0 : i32
      %scan3A_109 = arith.constant 1 : i32
      %scan3A_110 = arith.constant 23 : i32
      %scan3A_111 = arith.addi %scan3A_109, %scan3A_110 : i32
      %scan3A_112 = arith.constant 1 : i32
      scf.for %scan3A_126 = %scan3A_109 to %scan3A_111 step %scan3A_112  : i32 {
        %dma_wait3A_127 = arith.constant 0 : i32
        %dma_wait3A_128 = arith.constant 0 : i32
        %dma_wait3A_129 = tpu.memref_slice %arg19[%dma_wait3A_127, %dma_wait3A_128] : memref<10240x128xf32, #tpu.memory_space<vmem_shared>> -> memref<10240x128xf32, #tpu.memory_space<vmem_shared>>
        tpu.wait_indirect_dma semaphore(%arg32 : memref<!tpu.dma_semaphore, #tpu.memory_space<semaphore_mem>>) src(%arg7 : memref<80x128xf32, #tpu.memory_space<vmem>>) dst(%dma_wait3A_129 : memref<10240x128xf32, #tpu.memory_space<vmem_shared>>)
        %mul3A_130 = arith.constant 4 : i32
        %mul3A_131 = arith.muli %scan3A_126, %mul3A_130 : i32
        %add3A_132 = arith.addi %add3A_18, %mul3A_131 : i32
        %add3A_133 = arith.constant 0 : i32
        %add3A_134 = arith.addi %add3A_132, %add3A_133 : i32
        %mul3A_135 = arith.constant 80 : i32
        %mul3A_136 = arith.muli %add3A_134, %mul3A_135 : i32
        %dma_start3A_137 = tpu.memref_slice %arg3[%mul3A_136] : memref<327680xi32, #tpu.memory_space<hbm>> -> memref<80xi32, #tpu.memory_space<hbm>>
        %dma_start3A_138 = tpu.memref_slice %arg3[%mul3A_136] : memref<327680xi32, #tpu.memory_space<hbm>> -> memref<80xi32, #tpu.memory_space<hbm>>
        tpu.enqueue_dma source(%dma_start3A_138 : memref<80xi32, #tpu.memory_space<hbm>>) target(%arg11 : memref<80xi32, #tpu.memory_space<vmem>>) target_semaphore(%arg20 : memref<!tpu.dma_semaphore, #tpu.memory_space<semaphore_mem>>)
        %dma_start3A_139 = tpu.memref_slice %arg4[%mul3A_136] : memref<327680xi32, #tpu.memory_space<hbm>> -> memref<80xi32, #tpu.memory_space<hbm>>
        %dma_start3A_140 = tpu.memref_slice %arg4[%mul3A_136] : memref<327680xi32, #tpu.memory_space<hbm>> -> memref<80xi32, #tpu.memory_space<hbm>>
        tpu.enqueue_dma source(%dma_start3A_140 : memref<80xi32, #tpu.memory_space<hbm>>) target(%arg15 : memref<80xi32, #tpu.memory_space<vmem>>) target_semaphore(%arg24 : memref<!tpu.dma_semaphore, #tpu.memory_space<semaphore_mem>>)
        %dma_wait3A_141 = arith.constant 0 : i32
        %dma_wait3A_142 = arith.constant 0 : i32
        %dma_wait3A_143 = tpu.memref_slice %arg19[%dma_wait3A_141, %dma_wait3A_142] : memref<10240x128xf32, #tpu.memory_space<vmem_shared>> -> memref<10240x128xf32, #tpu.memory_space<vmem_shared>>
        tpu.wait_indirect_dma semaphore(%arg33 : memref<!tpu.dma_semaphore, #tpu.memory_space<semaphore_mem>>) src(%arg8 : memref<80x128xf32, #tpu.memory_space<vmem>>) dst(%dma_wait3A_143 : memref<10240x128xf32, #tpu.memory_space<vmem_shared>>)
        %mul3A_144 = arith.constant 4 : i32
        %mul3A_145 = arith.muli %scan3A_126, %mul3A_144 : i32
        %add3A_146 = arith.addi %add3A_18, %mul3A_145 : i32
        %add3A_147 = arith.constant 1 : i32
        %add3A_148 = arith.addi %add3A_146, %add3A_147 : i32
        %mul3A_149 = arith.constant 80 : i32
        %mul3A_150 = arith.muli %add3A_148, %mul3A_149 : i32
        %dma_start3A_151 = tpu.memref_slice %arg3[%mul3A_150] : memref<327680xi32, #tpu.memory_space<hbm>> -> memref<80xi32, #tpu.memory_space<hbm>>
        %dma_start3A_152 = tpu.memref_slice %arg3[%mul3A_150] : memref<327680xi32, #tpu.memory_space<hbm>> -> memref<80xi32, #tpu.memory_space<hbm>>
        tpu.enqueue_dma source(%dma_start3A_152 : memref<80xi32, #tpu.memory_space<hbm>>) target(%arg12 : memref<80xi32, #tpu.memory_space<vmem>>) target_semaphore(%arg21 : memref<!tpu.dma_semaphore, #tpu.memory_space<semaphore_mem>>)
        %dma_start3A_153 = tpu.memref_slice %arg4[%mul3A_150] : memref<327680xi32, #tpu.memory_space<hbm>> -> memref<80xi32, #tpu.memory_space<hbm>>
        %dma_start3A_154 = tpu.memref_slice %arg4[%mul3A_150] : memref<327680xi32, #tpu.memory_space<hbm>> -> memref<80xi32, #tpu.memory_space<hbm>>
        tpu.enqueue_dma source(%dma_start3A_154 : memref<80xi32, #tpu.memory_space<hbm>>) target(%arg16 : memref<80xi32, #tpu.memory_space<vmem>>) target_semaphore(%arg25 : memref<!tpu.dma_semaphore, #tpu.memory_space<semaphore_mem>>)
        %dma_wait3A_155 = arith.constant 0 : i32
        %dma_wait3A_156 = arith.constant 0 : i32
        %dma_wait3A_157 = tpu.memref_slice %arg19[%dma_wait3A_155, %dma_wait3A_156] : memref<10240x128xf32, #tpu.memory_space<vmem_shared>> -> memref<10240x128xf32, #tpu.memory_space<vmem_shared>>
        tpu.wait_indirect_dma semaphore(%arg34 : memref<!tpu.dma_semaphore, #tpu.memory_space<semaphore_mem>>) src(%arg9 : memref<80x128xf32, #tpu.memory_space<vmem>>) dst(%dma_wait3A_157 : memref<10240x128xf32, #tpu.memory_space<vmem_shared>>)
        %mul3A_158 = arith.constant 4 : i32
        %mul3A_159 = arith.muli %scan3A_126, %mul3A_158 : i32
        %add3A_160 = arith.addi %add3A_18, %mul3A_159 : i32
        %add3A_161 = arith.constant 2 : i32
        %add3A_162 = arith.addi %add3A_160, %add3A_161 : i32
        %mul3A_163 = arith.constant 80 : i32
        %mul3A_164 = arith.muli %add3A_162, %mul3A_163 : i32
        %dma_start3A_165 = tpu.memref_slice %arg3[%mul3A_164] : memref<327680xi32, #tpu.memory_space<hbm>> -> memref<80xi32, #tpu.memory_space<hbm>>
        %dma_start3A_166 = tpu.memref_slice %arg3[%mul3A_164] : memref<327680xi32, #tpu.memory_space<hbm>> -> memref<80xi32, #tpu.memory_space<hbm>>
        tpu.enqueue_dma source(%dma_start3A_166 : memref<80xi32, #tpu.memory_space<hbm>>) target(%arg13 : memref<80xi32, #tpu.memory_space<vmem>>) target_semaphore(%arg22 : memref<!tpu.dma_semaphore, #tpu.memory_space<semaphore_mem>>)
        %dma_start3A_167 = tpu.memref_slice %arg4[%mul3A_164] : memref<327680xi32, #tpu.memory_space<hbm>> -> memref<80xi32, #tpu.memory_space<hbm>>
        %dma_start3A_168 = tpu.memref_slice %arg4[%mul3A_164] : memref<327680xi32, #tpu.memory_space<hbm>> -> memref<80xi32, #tpu.memory_space<hbm>>
        tpu.enqueue_dma source(%dma_start3A_168 : memref<80xi32, #tpu.memory_space<hbm>>) target(%arg17 : memref<80xi32, #tpu.memory_space<vmem>>) target_semaphore(%arg26 : memref<!tpu.dma_semaphore, #tpu.memory_space<semaphore_mem>>)
        %dma_wait3A_169 = arith.constant 0 : i32
        %dma_wait3A_170 = arith.constant 0 : i32
        %dma_wait3A_171 = tpu.memref_slice %arg19[%dma_wait3A_169, %dma_wait3A_170] : memref<10240x128xf32, #tpu.memory_space<vmem_shared>> -> memref<10240x128xf32, #tpu.memory_space<vmem_shared>>
        tpu.wait_indirect_dma semaphore(%arg35 : memref<!tpu.dma_semaphore, #tpu.memory_space<semaphore_mem>>) src(%arg10 : memref<80x128xf32, #tpu.memory_space<vmem>>) dst(%dma_wait3A_171 : memref<10240x128xf32, #tpu.memory_space<vmem_shared>>)
        %mul3A_172 = arith.constant 4 : i32
        %mul3A_173 = arith.muli %scan3A_126, %mul3A_172 : i32
        %add3A_174 = arith.addi %add3A_18, %mul3A_173 : i32
        %add3A_175 = arith.constant 3 : i32
        %add3A_176 = arith.addi %add3A_174, %add3A_175 : i32
        %mul3A_177 = arith.constant 80 : i32
        %mul3A_178 = arith.muli %add3A_176, %mul3A_177 : i32
        %dma_start3A_179 = tpu.memref_slice %arg3[%mul3A_178] : memref<327680xi32, #tpu.memory_space<hbm>> -> memref<80xi32, #tpu.memory_space<hbm>>
        %dma_start3A_180 = tpu.memref_slice %arg3[%mul3A_178] : memref<327680xi32, #tpu.memory_space<hbm>> -> memref<80xi32, #tpu.memory_space<hbm>>
        tpu.enqueue_dma source(%dma_start3A_180 : memref<80xi32, #tpu.memory_space<hbm>>) target(%arg14 : memref<80xi32, #tpu.memory_space<vmem>>) target_semaphore(%arg23 : memref<!tpu.dma_semaphore, #tpu.memory_space<semaphore_mem>>)
        %dma_start3A_181 = tpu.memref_slice %arg4[%mul3A_178] : memref<327680xi32, #tpu.memory_space<hbm>> -> memref<80xi32, #tpu.memory_space<hbm>>
        %dma_start3A_182 = tpu.memref_slice %arg4[%mul3A_178] : memref<327680xi32, #tpu.memory_space<hbm>> -> memref<80xi32, #tpu.memory_space<hbm>>
        tpu.enqueue_dma source(%dma_start3A_182 : memref<80xi32, #tpu.memory_space<hbm>>) target(%arg18 : memref<80xi32, #tpu.memory_space<vmem>>) target_semaphore(%arg27 : memref<!tpu.dma_semaphore, #tpu.memory_space<semaphore_mem>>)
        %dma_wait3A_183 = tpu.memref_slice %arg3[%mul3A_136] : memref<327680xi32, #tpu.memory_space<hbm>> -> memref<80xi32, #tpu.memory_space<hbm>>
        %dma_wait3A_184 = tpu.memref_slice %arg3[%mul3A_136] : memref<327680xi32, #tpu.memory_space<hbm>> -> memref<80xi32, #tpu.memory_space<hbm>>
        tpu.wait_dma2 semaphore(%arg20 : memref<!tpu.dma_semaphore, #tpu.memory_space<semaphore_mem>>) src(%dma_wait3A_184 : memref<80xi32, #tpu.memory_space<hbm>>) dst(%arg11 : memref<80xi32, #tpu.memory_space<vmem>>)
        %dma_start3A_185 = arith.constant 0 : i32
        %dma_start3A_186 = arith.constant 0 : i32
        %dma_start3A_187 = tpu.memref_slice %arg2[%dma_start3A_185, %dma_start3A_186] : memref<10240x128xf32, #tpu.memory_space<hbm>> -> memref<10240x128xf32, #tpu.memory_space<hbm>>
        tpu.enqueue_indirect_dma source(%dma_start3A_187 : memref<10240x128xf32, #tpu.memory_space<hbm>>) target(%arg7 : memref<80x128xf32, #tpu.memory_space<vmem>>) offsets(%arg11 : memref<80xi32, #tpu.memory_space<vmem>>) semaphore(%arg28 : memref<!tpu.dma_semaphore, #tpu.memory_space<semaphore_mem>>)
        %dma_wait3A_188 = tpu.memref_slice %arg3[%mul3A_150] : memref<327680xi32, #tpu.memory_space<hbm>> -> memref<80xi32, #tpu.memory_space<hbm>>
        %dma_wait3A_189 = tpu.memref_slice %arg3[%mul3A_150] : memref<327680xi32, #tpu.memory_space<hbm>> -> memref<80xi32, #tpu.memory_space<hbm>>
        tpu.wait_dma2 semaphore(%arg21 : memref<!tpu.dma_semaphore, #tpu.memory_space<semaphore_mem>>) src(%dma_wait3A_189 : memref<80xi32, #tpu.memory_space<hbm>>) dst(%arg12 : memref<80xi32, #tpu.memory_space<vmem>>)
        %dma_start3A_190 = arith.constant 0 : i32
        %dma_start3A_191 = arith.constant 0 : i32
        %dma_start3A_192 = tpu.memref_slice %arg2[%dma_start3A_190, %dma_start3A_191] : memref<10240x128xf32, #tpu.memory_space<hbm>> -> memref<10240x128xf32, #tpu.memory_space<hbm>>
        tpu.enqueue_indirect_dma source(%dma_start3A_192 : memref<10240x128xf32, #tpu.memory_space<hbm>>) target(%arg8 : memref<80x128xf32, #tpu.memory_space<vmem>>) offsets(%arg12 : memref<80xi32, #tpu.memory_space<vmem>>) semaphore(%arg29 : memref<!tpu.dma_semaphore, #tpu.memory_space<semaphore_mem>>)
        %dma_wait3A_193 = tpu.memref_slice %arg3[%mul3A_164] : memref<327680xi32, #tpu.memory_space<hbm>> -> memref<80xi32, #tpu.memory_space<hbm>>
        %dma_wait3A_194 = tpu.memref_slice %arg3[%mul3A_164] : memref<327680xi32, #tpu.memory_space<hbm>> -> memref<80xi32, #tpu.memory_space<hbm>>
        tpu.wait_dma2 semaphore(%arg22 : memref<!tpu.dma_semaphore, #tpu.memory_space<semaphore_mem>>) src(%dma_wait3A_194 : memref<80xi32, #tpu.memory_space<hbm>>) dst(%arg13 : memref<80xi32, #tpu.memory_space<vmem>>)
        %dma_start3A_195 = arith.constant 0 : i32
        %dma_start3A_196 = arith.constant 0 : i32
        %dma_start3A_197 = tpu.memref_slice %arg2[%dma_start3A_195, %dma_start3A_196] : memref<10240x128xf32, #tpu.memory_space<hbm>> -> memref<10240x128xf32, #tpu.memory_space<hbm>>
        tpu.enqueue_indirect_dma source(%dma_start3A_197 : memref<10240x128xf32, #tpu.memory_space<hbm>>) target(%arg9 : memref<80x128xf32, #tpu.memory_space<vmem>>) offsets(%arg13 : memref<80xi32, #tpu.memory_space<vmem>>) semaphore(%arg30 : memref<!tpu.dma_semaphore, #tpu.memory_space<semaphore_mem>>)
        %dma_wait3A_198 = tpu.memref_slice %arg3[%mul3A_178] : memref<327680xi32, #tpu.memory_space<hbm>> -> memref<80xi32, #tpu.memory_space<hbm>>
        %dma_wait3A_199 = tpu.memref_slice %arg3[%mul3A_178] : memref<327680xi32, #tpu.memory_space<hbm>> -> memref<80xi32, #tpu.memory_space<hbm>>
        tpu.wait_dma2 semaphore(%arg23 : memref<!tpu.dma_semaphore, #tpu.memory_space<semaphore_mem>>) src(%dma_wait3A_199 : memref<80xi32, #tpu.memory_space<hbm>>) dst(%arg14 : memref<80xi32, #tpu.memory_space<vmem>>)
        %dma_start3A_200 = arith.constant 0 : i32
        %dma_start3A_201 = arith.constant 0 : i32
        %dma_start3A_202 = tpu.memref_slice %arg2[%dma_start3A_200, %dma_start3A_201] : memref<10240x128xf32, #tpu.memory_space<hbm>> -> memref<10240x128xf32, #tpu.memory_space<hbm>>
        tpu.enqueue_indirect_dma source(%dma_start3A_202 : memref<10240x128xf32, #tpu.memory_space<hbm>>) target(%arg10 : memref<80x128xf32, #tpu.memory_space<vmem>>) offsets(%arg14 : memref<80xi32, #tpu.memory_space<vmem>>) semaphore(%arg31 : memref<!tpu.dma_semaphore, #tpu.memory_space<semaphore_mem>>)
        %dma_wait3A_203 = arith.constant 0 : i32
        %dma_wait3A_204 = arith.constant 0 : i32
        %dma_wait3A_205 = tpu.memref_slice %arg2[%dma_wait3A_203, %dma_wait3A_204] : memref<10240x128xf32, #tpu.memory_space<hbm>> -> memref<10240x128xf32, #tpu.memory_space<hbm>>
        tpu.wait_indirect_dma semaphore(%arg28 : memref<!tpu.dma_semaphore, #tpu.memory_space<semaphore_mem>>) src(%dma_wait3A_205 : memref<10240x128xf32, #tpu.memory_space<hbm>>) dst(%arg7 : memref<80x128xf32, #tpu.memory_space<vmem>>)
        %dma_wait3A_206 = tpu.memref_slice %arg4[%mul3A_136] : memref<327680xi32, #tpu.memory_space<hbm>> -> memref<80xi32, #tpu.memory_space<hbm>>
        %dma_wait3A_207 = tpu.memref_slice %arg4[%mul3A_136] : memref<327680xi32, #tpu.memory_space<hbm>> -> memref<80xi32, #tpu.memory_space<hbm>>
        tpu.wait_dma2 semaphore(%arg24 : memref<!tpu.dma_semaphore, #tpu.memory_space<semaphore_mem>>) src(%dma_wait3A_207 : memref<80xi32, #tpu.memory_space<hbm>>) dst(%arg15 : memref<80xi32, #tpu.memory_space<vmem>>)
        %dma_start3A_208 = arith.constant 0 : i32
        %dma_start3A_209 = arith.constant 0 : i32
        %dma_start3A_210 = tpu.memref_slice %arg19[%dma_start3A_208, %dma_start3A_209] : memref<10240x128xf32, #tpu.memory_space<vmem_shared>> -> memref<10240x128xf32, #tpu.memory_space<vmem_shared>>
        tpu.enqueue_indirect_dma source(%arg7 : memref<80x128xf32, #tpu.memory_space<vmem>>) target(%dma_start3A_210 : memref<10240x128xf32, #tpu.memory_space<vmem_shared>>) offsets(%arg15 : memref<80xi32, #tpu.memory_space<vmem>>) semaphore(%arg32 : memref<!tpu.dma_semaphore, #tpu.memory_space<semaphore_mem>>) {add = true}
        %dma_wait3A_211 = arith.constant 0 : i32
        %dma_wait3A_212 = arith.constant 0 : i32
        %dma_wait3A_213 = tpu.memref_slice %arg2[%dma_wait3A_211, %dma_wait3A_212] : memref<10240x128xf32, #tpu.memory_space<hbm>> -> memref<10240x128xf32, #tpu.memory_space<hbm>>
        tpu.wait_indirect_dma semaphore(%arg29 : memref<!tpu.dma_semaphore, #tpu.memory_space<semaphore_mem>>) src(%dma_wait3A_213 : memref<10240x128xf32, #tpu.memory_space<hbm>>) dst(%arg8 : memref<80x128xf32, #tpu.memory_space<vmem>>)
        %dma_wait3A_214 = tpu.memref_slice %arg4[%mul3A_150] : memref<327680xi32, #tpu.memory_space<hbm>> -> memref<80xi32, #tpu.memory_space<hbm>>
        %dma_wait3A_215 = tpu.memref_slice %arg4[%mul3A_150] : memref<327680xi32, #tpu.memory_space<hbm>> -> memref<80xi32, #tpu.memory_space<hbm>>
        tpu.wait_dma2 semaphore(%arg25 : memref<!tpu.dma_semaphore, #tpu.memory_space<semaphore_mem>>) src(%dma_wait3A_215 : memref<80xi32, #tpu.memory_space<hbm>>) dst(%arg16 : memref<80xi32, #tpu.memory_space<vmem>>)
        %dma_start3A_216 = arith.constant 0 : i32
        %dma_start3A_217 = arith.constant 0 : i32
        %dma_start3A_218 = tpu.memref_slice %arg19[%dma_start3A_216, %dma_start3A_217] : memref<10240x128xf32, #tpu.memory_space<vmem_shared>> -> memref<10240x128xf32, #tpu.memory_space<vmem_shared>>
        tpu.enqueue_indirect_dma source(%arg8 : memref<80x128xf32, #tpu.memory_space<vmem>>) target(%dma_start3A_218 : memref<10240x128xf32, #tpu.memory_space<vmem_shared>>) offsets(%arg16 : memref<80xi32, #tpu.memory_space<vmem>>) semaphore(%arg33 : memref<!tpu.dma_semaphore, #tpu.memory_space<semaphore_mem>>) {add = true}
        %dma_wait3A_219 = arith.constant 0 : i32
        %dma_wait3A_220 = arith.constant 0 : i32
        %dma_wait3A_221 = tpu.memref_slice %arg2[%dma_wait3A_219, %dma_wait3A_220] : memref<10240x128xf32, #tpu.memory_space<hbm>> -> memref<10240x128xf32, #tpu.memory_space<hbm>>
        tpu.wait_indirect_dma semaphore(%arg30 : memref<!tpu.dma_semaphore, #tpu.memory_space<semaphore_mem>>) src(%dma_wait3A_221 : memref<10240x128xf32, #tpu.memory_space<hbm>>) dst(%arg9 : memref<80x128xf32, #tpu.memory_space<vmem>>)
        %dma_wait3A_222 = tpu.memref_slice %arg4[%mul3A_164] : memref<327680xi32, #tpu.memory_space<hbm>> -> memref<80xi32, #tpu.memory_space<hbm>>
        %dma_wait3A_223 = tpu.memref_slice %arg4[%mul3A_164] : memref<327680xi32, #tpu.memory_space<hbm>> -> memref<80xi32, #tpu.memory_space<hbm>>
        tpu.wait_dma2 semaphore(%arg26 : memref<!tpu.dma_semaphore, #tpu.memory_space<semaphore_mem>>) src(%dma_wait3A_223 : memref<80xi32, #tpu.memory_space<hbm>>) dst(%arg17 : memref<80xi32, #tpu.memory_space<vmem>>)
        %dma_start3A_224 = arith.constant 0 : i32
        %dma_start3A_225 = arith.constant 0 : i32
        %dma_start3A_226 = tpu.memref_slice %arg19[%dma_start3A_224, %dma_start3A_225] : memref<10240x128xf32, #tpu.memory_space<vmem_shared>> -> memref<10240x128xf32, #tpu.memory_space<vmem_shared>>
        tpu.enqueue_indirect_dma source(%arg9 : memref<80x128xf32, #tpu.memory_space<vmem>>) target(%dma_start3A_226 : memref<10240x128xf32, #tpu.memory_space<vmem_shared>>) offsets(%arg17 : memref<80xi32, #tpu.memory_space<vmem>>) semaphore(%arg34 : memref<!tpu.dma_semaphore, #tpu.memory_space<semaphore_mem>>) {add = true}
        %dma_wait3A_227 = arith.constant 0 : i32
        %dma_wait3A_228 = arith.constant 0 : i32
        %dma_wait3A_229 = tpu.memref_slice %arg2[%dma_wait3A_227, %dma_wait3A_228] : memref<10240x128xf32, #tpu.memory_space<hbm>> -> memref<10240x128xf32, #tpu.memory_space<hbm>>
        tpu.wait_indirect_dma semaphore(%arg31 : memref<!tpu.dma_semaphore, #tpu.memory_space<semaphore_mem>>) src(%dma_wait3A_229 : memref<10240x128xf32, #tpu.memory_space<hbm>>) dst(%arg10 : memref<80x128xf32, #tpu.memory_space<vmem>>)
        %dma_wait3A_230 = tpu.memref_slice %arg4[%mul3A_178] : memref<327680xi32, #tpu.memory_space<hbm>> -> memref<80xi32, #tpu.memory_space<hbm>>
        %dma_wait3A_231 = tpu.memref_slice %arg4[%mul3A_178] : memref<327680xi32, #tpu.memory_space<hbm>> -> memref<80xi32, #tpu.memory_space<hbm>>
        tpu.wait_dma2 semaphore(%arg27 : memref<!tpu.dma_semaphore, #tpu.memory_space<semaphore_mem>>) src(%dma_wait3A_231 : memref<80xi32, #tpu.memory_space<hbm>>) dst(%arg18 : memref<80xi32, #tpu.memory_space<vmem>>)
        %dma_start3A_232 = arith.constant 0 : i32
        %dma_start3A_233 = arith.constant 0 : i32
        %dma_start3A_234 = tpu.memref_slice %arg19[%dma_start3A_232, %dma_start3A_233] : memref<10240x128xf32, #tpu.memory_space<vmem_shared>> -> memref<10240x128xf32, #tpu.memory_space<vmem_shared>>
        tpu.enqueue_indirect_dma source(%arg10 : memref<80x128xf32, #tpu.memory_space<vmem>>) target(%dma_start3A_234 : memref<10240x128xf32, #tpu.memory_space<vmem_shared>>) offsets(%arg18 : memref<80xi32, #tpu.memory_space<vmem>>) semaphore(%arg35 : memref<!tpu.dma_semaphore, #tpu.memory_space<semaphore_mem>>) {add = true}
      }
      %scan3A_113 = arith.constant 23 : i32
      %dma_wait3A_114 = arith.constant 0 : i32
      %dma_wait3A_115 = arith.constant 0 : i32
      %dma_wait3A_116 = tpu.memref_slice %arg19[%dma_wait3A_114, %dma_wait3A_115] : memref<10240x128xf32, #tpu.memory_space<vmem_shared>> -> memref<10240x128xf32, #tpu.memory_space<vmem_shared>>
      tpu.wait_indirect_dma semaphore(%arg32 : memref<!tpu.dma_semaphore, #tpu.memory_space<semaphore_mem>>) src(%arg7 : memref<80x128xf32, #tpu.memory_space<vmem>>) dst(%dma_wait3A_116 : memref<10240x128xf32, #tpu.memory_space<vmem_shared>>)
      %dma_wait3A_117 = arith.constant 0 : i32
      %dma_wait3A_118 = arith.constant 0 : i32
      %dma_wait3A_119 = tpu.memref_slice %arg19[%dma_wait3A_117, %dma_wait3A_118] : memref<10240x128xf32, #tpu.memory_space<vmem_shared>> -> memref<10240x128xf32, #tpu.memory_space<vmem_shared>>
      tpu.wait_indirect_dma semaphore(%arg33 : memref<!tpu.dma_semaphore, #tpu.memory_space<semaphore_mem>>) src(%arg8 : memref<80x128xf32, #tpu.memory_space<vmem>>) dst(%dma_wait3A_119 : memref<10240x128xf32, #tpu.memory_space<vmem_shared>>)
      %dma_wait3A_120 = arith.constant 0 : i32
      %dma_wait3A_121 = arith.constant 0 : i32
      %dma_wait3A_122 = tpu.memref_slice %arg19[%dma_wait3A_120, %dma_wait3A_121] : memref<10240x128xf32, #tpu.memory_space<vmem_shared>> -> memref<10240x128xf32, #tpu.memory_space<vmem_shared>>
      tpu.wait_indirect_dma semaphore(%arg34 : memref<!tpu.dma_semaphore, #tpu.memory_space<semaphore_mem>>) src(%arg9 : memref<80x128xf32, #tpu.memory_space<vmem>>) dst(%dma_wait3A_122 : memref<10240x128xf32, #tpu.memory_space<vmem_shared>>)
      %dma_wait3A_123 = arith.constant 0 : i32
      %dma_wait3A_124 = arith.constant 0 : i32
      %dma_wait3A_125 = tpu.memref_slice %arg19[%dma_wait3A_123, %dma_wait3A_124] : memref<10240x128xf32, #tpu.memory_space<vmem_shared>> -> memref<10240x128xf32, #tpu.memory_space<vmem_shared>>
      tpu.wait_indirect_dma semaphore(%arg35 : memref<!tpu.dma_semaphore, #tpu.memory_space<semaphore_mem>>) src(%arg10 : memref<80x128xf32, #tpu.memory_space<vmem>>) dst(%dma_wait3A_125 : memref<10240x128xf32, #tpu.memory_space<vmem_shared>>)
    } else {
    }
    %barrier3A_10 = arith.constant 0 : index
    tpu.barrier barrier_id(%barrier3A_10)
    %mul3A_11 = arith.constant 640 : i32
    %mul3A_12 = arith.muli %arg1, %mul3A_11 : i32
    %mul3A_13 = arith.constant 640 : i32
    %mul3A_14 = arith.muli %arg1, %mul3A_13 : i32
    "tpu.region"() ({
      %run_scoped3A = tpu.sem_alloc : memref<!tpu.dma_semaphore, #tpu.memory_space<semaphore_mem>>
      %dma_start3A = arith.constant 0 : i32
      %dma_start3A_15 = tpu.memref_slice %arg6[%arg0, %mul3A_14, %dma_start3A] : memref<2x10240x128xf32, #tpu.memory_space<hbm>> -> memref<1x640x128xf32, #tpu.memory_space<hbm>>
      %dma_start3A_16 = tpu.memref_squeeze %dma_start3A_15 : memref<1x640x128xf32, #tpu.memory_space<hbm>> -> memref<640x128xf32, #tpu.memory_space<hbm>>
      %dma_start3A_17 = arith.constant 0 : i32
      %dma_start3A_18 = tpu.memref_slice %arg19[%mul3A_12, %dma_start3A_17] : memref<10240x128xf32, #tpu.memory_space<vmem_shared>> -> memref<640x128xf32, #tpu.memory_space<vmem_shared>>
      tpu.enqueue_dma source(%dma_start3A_18 : memref<640x128xf32, #tpu.memory_space<vmem_shared>>) target(%dma_start3A_16 : memref<640x128xf32, #tpu.memory_space<hbm>>) target_semaphore(%run_scoped3A : memref<!tpu.dma_semaphore, #tpu.memory_space<semaphore_mem>>)
      %dma_wait3A = arith.constant 0 : i32
      %dma_wait3A_19 = tpu.memref_slice %arg6[%arg0, %mul3A_14, %dma_wait3A] : memref<2x10240x128xf32, #tpu.memory_space<hbm>> -> memref<1x640x128xf32, #tpu.memory_space<hbm>>
      %dma_wait3A_20 = tpu.memref_squeeze %dma_wait3A_19 : memref<1x640x128xf32, #tpu.memory_space<hbm>> -> memref<640x128xf32, #tpu.memory_space<hbm>>
      %dma_wait3A_21 = arith.constant 0 : i32
      %dma_wait3A_22 = tpu.memref_slice %arg19[%mul3A_12, %dma_wait3A_21] : memref<10240x128xf32, #tpu.memory_space<vmem_shared>> -> memref<640x128xf32, #tpu.memory_space<vmem_shared>>
      tpu.wait_dma2 semaphore(%run_scoped3A : memref<!tpu.dma_semaphore, #tpu.memory_space<semaphore_mem>>) src(%dma_wait3A_22 : memref<640x128xf32, #tpu.memory_space<vmem_shared>>) dst(%dma_wait3A_20 : memref<640x128xf32, #tpu.memory_space<hbm>>)
      tpu.yield
    }) : () -> ()
    return
  }
}

module attributes {stable_mosaic.version = 14 : i64} {
  func.func @_tc1_body(%arg0: i32, %arg1: memref<128x128xf32, #tpu.memory_space<vmem>>, %arg2: memref<128x128xf32, #tpu.memory_space<vmem>>, %arg3: memref<128x128xf32, #tpu.memory_space<vmem>>, %arg4: memref<128x128xf32, #tpu.memory_space<vmem>>, %arg5: memref<128x128xf32, #tpu.memory_space<vmem>>, %arg6: memref<128x128xf32, #tpu.memory_space<vmem>>) attributes {dimension_semantics = [#tpu.dimension_semantics<arbitrary>], iteration_bounds = array<i64: 80>, scalar_prefetch = 0 : i64, scratch_operands = 0 : i64, tpu.core_type = #tpu.core_type<tc>, window_params = [{transform_indices = @transform_0, window_bounds = array<i64: 128, 128>}, {pipeline_mode = #tpu.pipeline_mode<synchronous>, transform_indices = @transform_1, window_bounds = array<i64: 128, 128>}, {transform_indices = @transform_2, window_bounds = array<i64: 128, 128>}, {transform_indices = @transform_3, window_bounds = array<i64: 128, 128>}, {transform_indices = @transform_4, window_bounds = array<i64: 128, 128>}, {transform_indices = @transform_5, window_bounds = array<i64: 128, 128>}]} {
    %get3A = arith.constant 0 : index
    %get3A_0 = arith.constant 0 : index
    %get3A_1 = vector.load %arg3[%get3A, %get3A_0] : memref<128x128xf32, #tpu.memory_space<vmem>>, vector<128x1xf32>
    %get3A_2 = arith.constant 0 : index
    %get3A_3 = arith.constant 0 : index
    %get3A_4 = vector.load %arg4[%get3A_2, %get3A_3] : memref<128x128xf32, #tpu.memory_space<vmem>>, vector<128x1xf32>
    %add3A = arith.addf %get3A_1, %get3A_4 : vector<128x1xf32>
    %add3A_5 = arith.constant 1.000000e+00 : f32
    %add3A_6 = vector.broadcast %add3A_5 : f32 to vector<128x1xf32>
    %add3A_7 = arith.addf %add3A, %add3A_6 : vector<128x1xf32>
    %rsqrt3A = math.rsqrt %add3A_7 : vector<128x1xf32>
    %get3A_8 = arith.constant 0 : index
    %get3A_9 = arith.constant 0 : index
    %get3A_10 = vector.load %arg1[%get3A_8, %get3A_9] : memref<128x128xf32, #tpu.memory_space<vmem>>, vector<128x128xf32>
    %get3A_11 = arith.constant 0 : index
    %get3A_12 = arith.constant 0 : index
    %get3A_13 = vector.load %arg2[%get3A_11, %get3A_12] : memref<128x128xf32, #tpu.memory_space<vmem>>, vector<128x128xf32>
    %dot_general3A = arith.constant dense<0.000000e+00> : vector<128x128xf32>
    %dot_general3A_14 = tpu.matmul %get3A_10, %get3A_13, %dot_general3A {dimension_numbers = #tpu.dot_dimension_numbers<[1], [0], [0], [1], [0, 0, 1, 1], [], []>, transpose_lhs_hint = false} : vector<128x128xf32>, vector<128x128xf32>, vector<128x128xf32> -> vector<128x128xf32>
    %mul3A = vector.broadcast %rsqrt3A : vector<128x1xf32> to vector<128x128xf32>
    %mul3A_15 = arith.mulf %dot_general3A_14, %mul3A : vector<128x128xf32>
    %swap3A = arith.constant 0 : index
    %swap3A_16 = arith.constant 0 : index
    %swap3A_17 = vector.load %arg5[%swap3A, %swap3A_16] : memref<128x128xf32, #tpu.memory_space<vmem>>, vector<128x128xf32>
    tpu.vector_store %arg5[%swap3A, %swap3A_16], %mul3A_15 {strides = array<i32>} : memref<128x128xf32, #tpu.memory_space<vmem>>, vector<128x128xf32>,
    %broadcast_in_dim3A = vector.shape_cast %rsqrt3A : vector<128x1xf32> to vector<128x1xf32>
    %broadcast_in_dim3A_18 = vector.broadcast %broadcast_in_dim3A : vector<128x1xf32> to vector<128x128xf32>
    %swap3A_19 = arith.constant 0 : index
    %swap3A_20 = arith.constant 0 : index
    %swap3A_21 = vector.load %arg6[%swap3A_19, %swap3A_20] : memref<128x128xf32, #tpu.memory_space<vmem>>, vector<128x128xf32>
    tpu.vector_store %arg6[%swap3A_19, %swap3A_20], %broadcast_in_dim3A_18 {strides = array<i32>} : memref<128x128xf32, #tpu.memory_space<vmem>>, vector<128x128xf32>,
    return
  }
  func.func @transform_0(%arg0: i32) -> (i32, i32) {
    %c0_i32 = arith.constant 0 : i32
    %c0_i32_0 = arith.constant 0 : i32
    return %arg0, %c0_i32 : i32, i32
  }
  func.func @transform_1(%arg0: i32) -> (i32, i32) {
    %c0_i32 = arith.constant 0 : i32
    %c0_i32_0 = arith.constant 0 : i32
    %c0_i32_1 = arith.constant 0 : i32
    return %c0_i32, %c0_i32_0 : i32, i32
  }
  func.func @transform_2(%arg0: i32) -> (i32, i32) {
    %c0_i32 = arith.constant 0 : i32
    %c0_i32_0 = arith.constant 0 : i32
    return %arg0, %c0_i32 : i32, i32
  }
  func.func @transform_3(%arg0: i32) -> (i32, i32) {
    %c0_i32 = arith.constant 0 : i32
    %c0_i32_0 = arith.constant 0 : i32
    return %arg0, %c0_i32 : i32, i32
  }
  func.func @transform_4(%arg0: i32) -> (i32, i32) {
    %c0_i32 = arith.constant 0 : i32
    %c0_i32_0 = arith.constant 0 : i32
    return %arg0, %c0_i32 : i32, i32
  }
  func.func @transform_5(%arg0: i32) -> (i32, i32) {
    %c0_i32 = arith.constant 0 : i32
    %c0_i32_0 = arith.constant 0 : i32
    return %arg0, %c0_i32 : i32, i32
  }
}

module attributes {stable_mosaic.version = 14 : i64} {
  func.func @_tc2_body(%arg0: i32, %arg1: memref<128x128xf32, #tpu.memory_space<vmem>>, %arg2: memref<128x128xf32, #tpu.memory_space<vmem>>, %arg3: memref<128x128xf32, #tpu.memory_space<vmem>>, %arg4: memref<128x128xf32, #tpu.memory_space<vmem>>, %arg5: memref<1x128xf32, #tpu.memory_space<vmem>>, %arg6: memref<128x128xf32, #tpu.memory_space<vmem>>, %arg7: memref<128x128xf32, #tpu.memory_space<vmem>>) attributes {dimension_semantics = [#tpu.dimension_semantics<arbitrary>], iteration_bounds = array<i64: 80>, scalar_prefetch = 0 : i64, scratch_operands = 0 : i64, tpu.core_type = #tpu.core_type<tc>, window_params = [{transform_indices = @transform_0, window_bounds = array<i64: 128, 128>}, {transform_indices = @transform_1, window_bounds = array<i64: 128, 128>}, {transform_indices = @transform_2, window_bounds = array<i64: 128, 128>}, {transform_indices = @transform_3, window_bounds = array<i64: 128, 128>}, {pipeline_mode = #tpu.pipeline_mode<synchronous>, transform_indices = @transform_4, window_bounds = array<i64: 1, 128>}, {pipeline_mode = #tpu.pipeline_mode<synchronous>, transform_indices = @transform_5, window_bounds = array<i64: 128, 128>}, {transform_indices = @transform_6, window_bounds = array<i64: 128, 128>}]} {
    %get3A = arith.constant 0 : index
    %get3A_0 = arith.constant 0 : index
    %get3A_1 = vector.load %arg1[%get3A, %get3A_0] : memref<128x128xf32, #tpu.memory_space<vmem>>, vector<128x128xf32>
    %get3A_2 = arith.constant 0 : index
    %get3A_3 = arith.constant 0 : index
    %get3A_4 = vector.load %arg2[%get3A_2, %get3A_3] : memref<128x128xf32, #tpu.memory_space<vmem>>, vector<128x128xf32>
    %add3A = arith.addf %get3A_1, %get3A_4 : vector<128x128xf32>
    %get3A_5 = arith.constant 0 : index
    %get3A_6 = arith.constant 0 : index
    %get3A_7 = vector.load %arg3[%get3A_5, %get3A_6] : memref<128x128xf32, #tpu.memory_space<vmem>>, vector<128x128xf32>
    %add3A_8 = arith.addf %add3A, %get3A_7 : vector<128x128xf32>
    %get3A_9 = arith.constant 0 : index
    %get3A_10 = arith.constant 0 : index
    %get3A_11 = vector.load %arg4[%get3A_9, %get3A_10] : memref<128x128xf32, #tpu.memory_space<vmem>>, vector<128x128xf32>
    %mul3A = arith.mulf %add3A_8, %get3A_11 : vector<128x128xf32>
    %get3A_12 = arith.constant 0 : index
    %get3A_13 = arith.constant 0 : index
    %get3A_14 = vector.load %arg5[%get3A_12, %get3A_13] : memref<1x128xf32, #tpu.memory_space<vmem>>, vector<1x128xf32>
    %add3A_15 = vector.broadcast %get3A_14 : vector<1x128xf32> to vector<128x128xf32>
    %add3A_16 = arith.addf %mul3A, %add3A_15 : vector<128x128xf32>
    %max3A = arith.constant 0.000000e+00 : f32
    %max3A_17 = vector.broadcast %max3A : f32 to vector<128x128xf32>
    %max3A_18 = arith.maximumf %add3A_16, %max3A_17 : vector<128x128xf32>
    %get3A_19 = arith.constant 0 : index
    %get3A_20 = arith.constant 0 : index
    %get3A_21 = vector.load %arg6[%get3A_19, %get3A_20] : memref<128x128xf32, #tpu.memory_space<vmem>>, vector<128x128xf32>
    %dot_general3A = arith.constant dense<0.000000e+00> : vector<128x128xf32>
    %dot_general3A_22 = tpu.matmul %max3A_18, %get3A_21, %dot_general3A {dimension_numbers = #tpu.dot_dimension_numbers<[1], [0], [0], [1], [0, 0, 1, 1], [], []>, transpose_lhs_hint = false} : vector<128x128xf32>, vector<128x128xf32>, vector<128x128xf32> -> vector<128x128xf32>
    %get3A_23 = arith.constant 0 : index
    %get3A_24 = arith.constant 0 : index
    %get3A_25 = vector.load %arg4[%get3A_23, %get3A_24] : memref<128x128xf32, #tpu.memory_space<vmem>>, vector<128x128xf32>
    %mul3A_26 = arith.mulf %dot_general3A_22, %get3A_25 : vector<128x128xf32>
    %swap3A = arith.constant 0 : index
    %swap3A_27 = arith.constant 0 : index
    %swap3A_28 = vector.load %arg7[%swap3A, %swap3A_27] : memref<128x128xf32, #tpu.memory_space<vmem>>, vector<128x128xf32>
    tpu.vector_store %arg7[%swap3A, %swap3A_27], %mul3A_26 {strides = array<i32>} : memref<128x128xf32, #tpu.memory_space<vmem>>, vector<128x128xf32>,
    return
  }
  func.func @transform_0(%arg0: i32) -> (i32, i32) {
    %c0_i32 = arith.constant 0 : i32
    %c0_i32_0 = arith.constant 0 : i32
    return %arg0, %c0_i32 : i32, i32
  }
  func.func @transform_1(%arg0: i32) -> (i32, i32) {
    %c0_i32 = arith.constant 0 : i32
    %c0_i32_0 = arith.constant 0 : i32
    return %arg0, %c0_i32 : i32, i32
  }
  func.func @transform_2(%arg0: i32) -> (i32, i32) {
    %c0_i32 = arith.constant 0 : i32
    %c0_i32_0 = arith.constant 0 : i32
    return %arg0, %c0_i32 : i32, i32
  }
  func.func @transform_3(%arg0: i32) -> (i32, i32) {
    %c0_i32 = arith.constant 0 : i32
    %c0_i32_0 = arith.constant 0 : i32
    return %arg0, %c0_i32 : i32, i32
  }
  func.func @transform_4(%arg0: i32) -> (i32, i32) {
    %c0_i32 = arith.constant 0 : i32
    %c0_i32_0 = arith.constant 0 : i32
    %c0_i32_1 = arith.constant 0 : i32
    return %c0_i32, %c0_i32_0 : i32, i32
  }
  func.func @transform_5(%arg0: i32) -> (i32, i32) {
    %c0_i32 = arith.constant 0 : i32
    %c0_i32_0 = arith.constant 0 : i32
    %c0_i32_1 = arith.constant 0 : i32
    return %c0_i32, %c0_i32_0 : i32, i32
  }
  func.func @transform_6(%arg0: i32) -> (i32, i32) {
    %c0_i32 = arith.constant 0 : i32
    %c0_i32_0 = arith.constant 0 : i32
    return %arg0, %c0_i32 : i32, i32
  }
}

module attributes {stable_mosaic.version = 14 : i64} {
  func.func @_tc3_body(%arg0: i32, %arg1: memref<128x128xf32, #tpu.memory_space<vmem>>, %arg2: memref<128x128xf32, #tpu.memory_space<vmem>>, %arg3: memref<128x128xf32, #tpu.memory_space<vmem>>, %arg4: memref<128x128xf32, #tpu.memory_space<vmem>>, %arg5: memref<1x128xf32, #tpu.memory_space<vmem>>, %arg6: memref<128x128xi32, #tpu.memory_space<vmem>>, %arg7: memref<1x128xf32, #tpu.memory_space<vmem>>, %arg8: memref<1x128xf32, #tpu.memory_space<vmem>>, %arg9: memref<1x128xf32, #tpu.memory_space<vmem>>, %arg10: memref<128x128xf32, #tpu.memory_space<vmem>>, %arg11: memref<128x128xf32, #tpu.memory_space<vmem>>, %arg12: memref<128x128xf32, #tpu.memory_space<vmem>>, %arg13: memref<128x128xf32, #tpu.memory_space<vmem>>) attributes {dimension_semantics = [#tpu.dimension_semantics<arbitrary>], iteration_bounds = array<i64: 80>, scalar_prefetch = 0 : i64, scratch_operands = 2 : i64, tpu.core_type = #tpu.core_type<tc>, window_params = [{transform_indices = @transform_0, window_bounds = array<i64: 128, 128>}, {transform_indices = @transform_1, window_bounds = array<i64: 128, 128>}, {transform_indices = @transform_2, window_bounds = array<i64: 128, 128>}, {transform_indices = @transform_3, window_bounds = array<i64: 128, 128>}, {pipeline_mode = #tpu.pipeline_mode<synchronous>, transform_indices = @transform_4, window_bounds = array<i64: 1, 128>}, {transform_indices = @transform_5, window_bounds = array<i64: 128, 128>}, {pipeline_mode = #tpu.pipeline_mode<synchronous>, transform_indices = @transform_6, window_bounds = array<i64: 1, 128>}, {pipeline_mode = #tpu.pipeline_mode<synchronous>, transform_indices = @transform_7, window_bounds = array<i64: 1, 128>}, {pipeline_mode = #tpu.pipeline_mode<synchronous>, transform_indices = @transform_8, window_bounds = array<i64: 1, 128>}, {pipeline_mode = #tpu.pipeline_mode<synchronous>, transform_indices = @transform_9, window_bounds = array<i64: 128, 128>}, {pipeline_mode = #tpu.pipeline_mode<synchronous>, transform_indices = @transform_10, window_bounds = array<i64: 128, 128>}]} {
    %eq3A = arith.constant 0 : i32
    %eq3A_0 = arith.cmpi eq, %arg0, %eq3A : i32
    %convert_element_type3A = arith.extui %eq3A_0 : i1 to i32
    %cond3A = arith.constant 0 : i32
    %cond3A_1 = arith.cmpi ne, %convert_element_type3A, %cond3A : i32
    scf.if %cond3A_1 {
      %broadcast_in_dim3A_52 = arith.constant 0.000000e+00 : f32
      %broadcast_in_dim3A_53 = vector.broadcast %broadcast_in_dim3A_52 : f32 to vector<128x128xf32>
      %swap3A_54 = arith.constant 0 : index
      %swap3A_55 = arith.constant 0 : index
      %swap3A_56 = vector.load %arg12[%swap3A_54, %swap3A_55] : memref<128x128xf32, #tpu.memory_space<vmem>>, vector<128x128xf32>
      tpu.vector_store %arg12[%swap3A_54, %swap3A_55], %broadcast_in_dim3A_53 {strides = array<i32>} : memref<128x128xf32, #tpu.memory_space<vmem>>, vector<128x128xf32>,
      %broadcast_in_dim3A_57 = arith.constant 0.000000e+00 : f32
      %broadcast_in_dim3A_58 = vector.broadcast %broadcast_in_dim3A_57 : f32 to vector<128x128xf32>
      %swap3A_59 = arith.constant 0 : index
      %swap3A_60 = arith.constant 0 : index
      %swap3A_61 = vector.load %arg13[%swap3A_59, %swap3A_60] : memref<128x128xf32, #tpu.memory_space<vmem>>, vector<128x128xf32>
      tpu.vector_store %arg13[%swap3A_59, %swap3A_60], %broadcast_in_dim3A_58 {strides = array<i32>} : memref<128x128xf32, #tpu.memory_space<vmem>>, vector<128x128xf32>,
    } else {
    }
    %get3A = arith.constant 0 : index
    %get3A_2 = arith.constant 0 : index
    %get3A_3 = vector.load %arg1[%get3A, %get3A_2] : memref<128x128xf32, #tpu.memory_space<vmem>>, vector<128x128xf32>
    %get3A_4 = arith.constant 0 : index
    %get3A_5 = arith.constant 0 : index
    %get3A_6 = vector.load %arg2[%get3A_4, %get3A_5] : memref<128x128xf32, #tpu.memory_space<vmem>>, vector<128x128xf32>
    %add3A = arith.addf %get3A_3, %get3A_6 : vector<128x128xf32>
    %get3A_7 = arith.constant 0 : index
    %get3A_8 = arith.constant 0 : index
    %get3A_9 = vector.load %arg3[%get3A_7, %get3A_8] : memref<128x128xf32, #tpu.memory_space<vmem>>, vector<128x128xf32>
    %add3A_10 = arith.addf %add3A, %get3A_9 : vector<128x128xf32>
    %get3A_11 = arith.constant 0 : index
    %get3A_12 = arith.constant 0 : index
    %get3A_13 = vector.load %arg4[%get3A_11, %get3A_12] : memref<128x128xf32, #tpu.memory_space<vmem>>, vector<128x128xf32>
    %mul3A = arith.mulf %add3A_10, %get3A_13 : vector<128x128xf32>
    %get3A_14 = arith.constant 0 : index
    %get3A_15 = arith.constant 0 : index
    %get3A_16 = vector.load %arg5[%get3A_14, %get3A_15] : memref<1x128xf32, #tpu.memory_space<vmem>>, vector<1x128xf32>
    %add3A_17 = vector.broadcast %get3A_16 : vector<1x128xf32> to vector<128x128xf32>
    %add3A_18 = arith.addf %mul3A, %add3A_17 : vector<128x128xf32>
    %max3A = arith.constant 0.000000e+00 : f32
    %max3A_19 = vector.broadcast %max3A : f32 to vector<128x128xf32>
    %max3A_20 = arith.maximumf %add3A_18, %max3A_19 : vector<128x128xf32>
    %iota3A = tpu.iota {dimensions = array<i32: 1>} : vector<128x128xi32>
    %get3A_21 = arith.constant 0 : index
    %get3A_22 = arith.constant 0 : index
    %get3A_23 = vector.load %arg6[%get3A_21, %get3A_22] : memref<128x128xi32, #tpu.memory_space<vmem>>, vector<128x128xi32>
    %eq3A_24 = arith.cmpi eq, %get3A_23, %iota3A : vector<128x128xi32>
    %lt3A = arith.constant 8 : i32
    %lt3A_25 = vector.broadcast %lt3A : i32 to vector<128x128xi32>
    %lt3A_26 = arith.cmpi slt, %iota3A, %lt3A_25 : vector<128x128xi32>
    %and3A = arith.andi %eq3A_24, %lt3A_26 : vector<128x128xi1>
    %jit3A = arith.constant 1.000000e+00 : f32
    %jit3A_27 = arith.constant 0.000000e+00 : f32
    %broadcast_in_dim3A = vector.broadcast %jit3A : f32 to vector<128x128xf32>
    %broadcast_in_dim3A_28 = vector.broadcast %jit3A_27 : f32 to vector<128x128xf32>
    %select_n3A = arith.select %and3A, %broadcast_in_dim3A, %broadcast_in_dim3A_28 : vector<128x128xi1>, vector<128x128xf32>
    %get3A_29 = arith.constant 0 : index
    %get3A_30 = arith.constant 0 : index
    %get3A_31 = vector.load %arg12[%get3A_29, %get3A_30] : memref<128x128xf32, #tpu.memory_space<vmem>>, vector<128x128xf32>
    %dot_general3A = arith.constant dense<0.000000e+00> : vector<128x128xf32>
    %dot_general3A_32 = tpu.matmul %select_n3A, %max3A_20, %dot_general3A {dimension_numbers = #tpu.dot_dimension_numbers<[0], [0], [1], [1], [0, 1, 1, 1], [], []>, transpose_lhs_hint = false} : vector<128x128xf32>, vector<128x128xf32>, vector<128x128xf32> -> vector<128x128xf32>
    %add3A_33 = arith.addf %get3A_31, %dot_general3A_32 : vector<128x128xf32>
    %swap3A = arith.constant 0 : index
    %swap3A_34 = arith.constant 0 : index
    %swap3A_35 = vector.load %arg12[%swap3A, %swap3A_34] : memref<128x128xf32, #tpu.memory_space<vmem>>, vector<128x128xf32>
    tpu.vector_store %arg12[%swap3A, %swap3A_34], %add3A_33 {strides = array<i32>} : memref<128x128xf32, #tpu.memory_space<vmem>>, vector<128x128xf32>,
    %get3A_36 = arith.constant 0 : index
    %get3A_37 = arith.constant 0 : index
    %get3A_38 = vector.load %arg13[%get3A_36, %get3A_37] : memref<128x128xf32, #tpu.memory_space<vmem>>, vector<128x128xf32>
    %broadcast_in_dim3A_39 = arith.constant 1.000000e+00 : f32
    %broadcast_in_dim3A_40 = vector.broadcast %broadcast_in_dim3A_39 : f32 to vector<128x128xf32>
    %dot_general3A_41 = arith.constant dense<0.000000e+00> : vector<128x128xf32>
    %dot_general3A_42 = tpu.matmul %select_n3A, %broadcast_in_dim3A_40, %dot_general3A_41 {dimension_numbers = #tpu.dot_dimension_numbers<[0], [0], [1], [1], [0, 1, 1, 1], [], []>, transpose_lhs_hint = false} : vector<128x128xf32>, vector<128x128xf32>, vector<128x128xf32> -> vector<128x128xf32>
    %add3A_43 = arith.addf %get3A_38, %dot_general3A_42 : vector<128x128xf32>
    %swap3A_44 = arith.constant 0 : index
    %swap3A_45 = arith.constant 0 : index
    %swap3A_46 = vector.load %arg13[%swap3A_44, %swap3A_45] : memref<128x128xf32, #tpu.memory_space<vmem>>, vector<128x128xf32>
    tpu.vector_store %arg13[%swap3A_44, %swap3A_45], %add3A_43 {strides = array<i32>} : memref<128x128xf32, #tpu.memory_space<vmem>>, vector<128x128xf32>,
    %eq3A_47 = arith.constant 79 : i32
    %eq3A_48 = arith.cmpi eq, %arg0, %eq3A_47 : i32
    %convert_element_type3A_49 = arith.extui %eq3A_48 : i1 to i32
    %cond3A_50 = arith.constant 0 : i32
    %cond3A_51 = arith.cmpi ne, %convert_element_type3A_49, %cond3A_50 : i32
    scf.if %cond3A_51 {
      %get3A_52 = arith.constant 0 : index
      %get3A_53 = arith.constant 0 : index
      %get3A_54 = vector.load %arg12[%get3A_52, %get3A_53] : memref<128x128xf32, #tpu.memory_space<vmem>>, vector<128x128xf32>
      %get3A_55 = arith.constant 0 : index
      %get3A_56 = arith.constant 0 : index
      %get3A_57 = vector.load %arg13[%get3A_55, %get3A_56] : memref<128x128xf32, #tpu.memory_space<vmem>>, vector<128x128xf32>
      %max3A_58 = arith.constant 1.000000e+00 : f32
      %max3A_59 = vector.broadcast %max3A_58 : f32 to vector<128x128xf32>
      %max3A_60 = arith.maximumf %get3A_57, %max3A_59 : vector<128x128xf32>
      %div3A = arith.divf %get3A_54, %max3A_60 : vector<128x128xf32>
      %get3A_61 = arith.constant 0 : index
      %get3A_62 = arith.constant 0 : index
      %get3A_63 = vector.load %arg7[%get3A_61, %get3A_62] : memref<1x128xf32, #tpu.memory_space<vmem>>, vector<1x128xf32>
      %mul3A_64 = vector.broadcast %get3A_63 : vector<1x128xf32> to vector<128x128xf32>
      %mul3A_65 = arith.mulf %div3A, %mul3A_64 : vector<128x128xf32>
      %reduce_sum3A = arith.constant dense<0.000000e+00> : vector<128xf32>
      %reduce_sum3A_66 = vector.multi_reduction <add>, %mul3A_65, %reduce_sum3A [1] : vector<128x128xf32> to vector<128xf32>
      %broadcast_in_dim3A_67 = vector.shape_cast %reduce_sum3A_66 : vector<128xf32> to vector<128x1xf32>
      %get3A_68 = arith.constant 0 : index
      %get3A_69 = arith.constant 0 : index
      %get3A_70 = vector.load %arg10[%get3A_68, %get3A_69] : memref<128x128xf32, #tpu.memory_space<vmem>>, vector<128x128xf32>
      %get3A_71 = arith.constant 0 : index
      %get3A_72 = arith.constant 0 : index
      %get3A_73 = vector.load %arg8[%get3A_71, %get3A_72] : memref<1x128xf32, #tpu.memory_space<vmem>>, vector<1x128xf32>
      %mul3A_74 = vector.broadcast %get3A_73 : vector<1x128xf32> to vector<128x128xf32>
      %mul3A_75 = arith.mulf %get3A_70, %mul3A_74 : vector<128x128xf32>
      %add3A_76 = vector.broadcast %broadcast_in_dim3A_67 : vector<128x1xf32> to vector<128x128xf32>
      %add3A_77 = arith.addf %add3A_76, %mul3A_75 : vector<128x128xf32>
      %get3A_78 = arith.constant 0 : index
      %get3A_79 = arith.constant 0 : index
      %get3A_80 = vector.load %arg9[%get3A_78, %get3A_79] : memref<1x128xf32, #tpu.memory_space<vmem>>, vector<1x128xf32>
      %add3A_81 = vector.broadcast %get3A_80 : vector<1x128xf32> to vector<128x128xf32>
      %add3A_82 = arith.addf %add3A_77, %add3A_81 : vector<128x128xf32>
      %swap3A_83 = arith.constant 0 : index
      %swap3A_84 = arith.constant 0 : index
      %swap3A_85 = vector.load %arg11[%swap3A_83, %swap3A_84] : memref<128x128xf32, #tpu.memory_space<vmem>>, vector<128x128xf32>
      tpu.vector_store %arg11[%swap3A_83, %swap3A_84], %add3A_82 {strides = array<i32>} : memref<128x128xf32, #tpu.memory_space<vmem>>, vector<128x128xf32>,
    } else {
    }
    return
  }
  func.func @transform_0(%arg0: i32) -> (i32, i32) {
    %c0_i32 = arith.constant 0 : i32
    %c0_i32_0 = arith.constant 0 : i32
    return %arg0, %c0_i32 : i32, i32
  }
  func.func @transform_1(%arg0: i32) -> (i32, i32) {
    %c0_i32 = arith.constant 0 : i32
    %c0_i32_0 = arith.constant 0 : i32
    return %arg0, %c0_i32 : i32, i32
  }
  func.func @transform_2(%arg0: i32) -> (i32, i32) {
    %c0_i32 = arith.constant 0 : i32
    %c0_i32_0 = arith.constant 0 : i32
    return %arg0, %c0_i32 : i32, i32
  }
  func.func @transform_3(%arg0: i32) -> (i32, i32) {
    %c0_i32 = arith.constant 0 : i32
    %c0_i32_0 = arith.constant 0 : i32
    return %arg0, %c0_i32 : i32, i32
  }
  func.func @transform_4(%arg0: i32) -> (i32, i32) {
    %c0_i32 = arith.constant 0 : i32
    %c0_i32_0 = arith.constant 0 : i32
    %c0_i32_1 = arith.constant 0 : i32
    return %c0_i32, %c0_i32_0 : i32, i32
  }
  func.func @transform_5(%arg0: i32) -> (i32, i32) {
    %c0_i32 = arith.constant 0 : i32
    %c0_i32_0 = arith.constant 0 : i32
    return %arg0, %c0_i32 : i32, i32
  }
  func.func @transform_6(%arg0: i32) -> (i32, i32) {
    %c0_i32 = arith.constant 0 : i32
    %c0_i32_0 = arith.constant 0 : i32
    %c0_i32_1 = arith.constant 0 : i32
    return %c0_i32, %c0_i32_0 : i32, i32
  }
  func.func @transform_7(%arg0: i32) -> (i32, i32) {
    %c0_i32 = arith.constant 0 : i32
    %c0_i32_0 = arith.constant 0 : i32
    %c0_i32_1 = arith.constant 0 : i32
    return %c0_i32, %c0_i32_0 : i32, i32
  }
  func.func @transform_8(%arg0: i32) -> (i32, i32) {
    %c0_i32 = arith.constant 0 : i32
    %c0_i32_0 = arith.constant 0 : i32
    %c0_i32_1 = arith.constant 0 : i32
    return %c0_i32, %c0_i32_0 : i32, i32
  }
  func.func @transform_9(%arg0: i32) -> (i32, i32) {
    %c0_i32 = arith.constant 0 : i32
    %c0_i32_0 = arith.constant 0 : i32
    %c0_i32_1 = arith.constant 0 : i32
    return %c0_i32, %c0_i32_0 : i32, i32
  }
  func.func @transform_10(%arg0: i32) -> (i32, i32) {
    %c0_i32 = arith.constant 0 : i32
    %c0_i32_0 = arith.constant 0 : i32
    %c0_i32_1 = arith.constant 0 : i32
    return %c0_i32, %c0_i32_0 : i32, i32
  }
}

</mosaic_0001>

<sc_bundles>
// kernel: kernel.11.cloned.1.call-start
scs
__scs_entry_jumppad:
0x0: {  	(pc) =	sbr.rel $0x88, $3  }
0x1: {  	(tag) =	ssettag $0x0;
	lr =	simm.s32 $0x1  }
0x2: {  	[smem:$0x3F97] =	sst lr;
	_ =	strace $0xD0000000  }
0x3: {  	_ = 	snop  }
0x4: {  	_ = 	snop  }
0x5: {  	_ = 	snop  }
0x6: {  	_ = 	snop  }
0x7: {  	_ = 	snop  }
__scs_overlays_trampoline_lowered:
0x8: {  	[smem:$0x3FA6] =	sst s0  }
0x9: {  	[smem:$0x3FA7] =	sst s1  }
0xa: {  	[smem:$0x3FA8] =	sst s2  }
0xb: {  	[smem:$0x3FA9] =	sst s3  }
0xc: {  	[smem:$0x3FAA] =	sst s4  }
0xd: {  	[smem:$0x3FAB] =	sst s5  }
0xe: {  	[smem:$0x3FAC] =	sst s6  }
0xf: {  	[smem:$0x3FAD] =	sst s7  }
0x10: {  	[smem:$0x3FAE] =	sst s8  }
0x11: {  	[smem:$0x3FAF] =	sst s9;
	s0 =	simm.s32 @!p0 $0x0  }
0x12: {  	s1 =	sld [smem:$0x3F95];
	s0 =	simm.s32 @p0 $0x1  }
0x13: {  	[smem:$0x3FB0] =	sst s0;
	s0 =	simm.s32 @!p1 $0x0  }
0x14: {  	s2 =	sld [smem:$0x3F94];
	s0 =	simm.s32 @p1 $0x1  }
0x15: {  	[smem:$0x3FB1] =	sst s0;
	s0 =	simm.s32 @!p2 $0x0  }
0x16: {  	s3 =	sld [smem:$0x3FDB];
	s0 =	simm.s32 @p2 $0x1  }
0x17: {  	s4 =	simm.s32 $0x1BF5;
	[smem:$0x3FB3] =	sst s0  }
0x18: {  	s0 =	sld [smem:$0x3F96];
	_ =	swait.ge [sflag:s4], $0x0  }
0x19: {  	s7 =	sld [smem:$0x3F97]  }
0x1a: {  	s8 =	sadd.s32 $0xFFFFE003, lr  }
0x1b: {  	s9 =	sadd.s32 $0xFFFFFEF7, lr;
	s5 =	simm.s32 $0xFFFFFFFF;
	p2 =	slt.u32 s8, $0xFFFFF086  }
0x1c: {  	p1 =	slt.u32 s9, $0xF7A;
	s5 =	simm.s32 @!p2 $0x0  }
0x1d: {  	s5 =	simm.s32 @p1 $0x1;
	p0 =	seq.s32 s7, s2  }
0x1e: {  	s7 =	smul.u32 @!p0 $0xF7A, s2;
	p2 =	seq.s32 @!p0 s5, $0x0  }
0x1f: {  	s9 =	smul.u32 $0xF7A, s1;
	s8 =	simm.s32 @!p0 $0x1BF5;
	p2 =	por !p2, p0  }
0x20: {  	[sflag:s8] =	ssyncset.s32 @!p0 $0xFFFFF086;
	s6 =	sadd.s32 @!p0 s3, s7;
	s7 =	simm.s32 @!p0 $0x108  }
0x21: {  	s3 =	sadd.s32 s3, s9;
	s6 =	sadd.s32 @!p0 $0x88, s6;
	s7 =	simm.s32 @p2 $0x1082  }
0x22: {  	[simem:s7], [sflag:s8] =	dma.local @!p0 [hbm:s6], $0xF7A  }
0x23: {  	s9 =	sor.u32 $0xD0000000, s2;
	s6 =	simm.s32 $0x108;
	_ =	swait.ge @!p0 [sflag:s8], $0x0  }
0x24: {  	s3 =	sadd.s32 $0x88, s3;
	s6 =	simm.s32 @!p1 $0x1082;
	[sflag:s4] =	ssyncset.s32 $0xFFFFF086  }
0x25: {  	[simem:s6], [sflag:s4] =	dma.local [hbm:s3], $0xF7A  }
0x26: {  	[smem:$0x3F97] =	sst s1;
	(tag) =	ssettag s2;
	_ =	strace s9  }
0x27: {  	s1 =	sld [smem:$0x3FA7]  }
0x28: {  	s2 =	sld [smem:$0x3FA8]  }
0x29: {  	s4 =	sld [smem:$0x3FAA]  }
0x2a: {  	p0 =	seq.s32 s5, $0x0;
	s5 =	sld [smem:$0x3FAB]  }
0x2b: {  	s6 =	sld [smem:$0x3FAC]  }
0x2c: {  	s7 =	sld [smem:$0x3FAD]  }
0x2d: {  	s3 =	simm.s32 $0x108;
	s8 =	sld [smem:$0x3FAE]  }
0x2e: {  	s3 =	simm.s32 @!p0 $0x1082;
	s9 =	sld [smem:$0x3FAF]  }
0x2f: {  	lr =	sadd.s32 s0, s3;
	s0 =	sld [smem:$0x3FA6]  }
0x30: {  	s3 =	sld [smem:$0x3FA9]  }
0x31: {  	[smem:$0x3FB2] =	sst s10  }
0x32: {  	s10 =	sld [smem:$0x3FB0];
	_ =	sdelay $0x3  }
0x33: {  	p0 =	seq.s32 s10, $0x1;
	s10 =	sld [smem:$0x3FB2];
	_ =	sdelay $0x3  }
0x34: {  	[smem:$0x3FB2] =	sst s10  }
0x35: {  	s10 =	sld [smem:$0x3FB1];
	_ =	sdelay $0x3  }
0x36: {  	p1 =	seq.s32 s10, $0x1;
	s10 =	sld [smem:$0x3FB2];
	_ =	sdelay $0x3  }
0x37: {  	[smem:$0x3FB2] =	sst s10  }
0x38: {  	s10 =	sld [smem:$0x3FB3]  }
0x39: {  	_ = 	snop;
	(pc) =	sbr.ind lr, $3  }
0x3a: {  	_ = 	snop  }
0x3b: {  	_ = 	snop  }
0x3c: {  	p2 =	seq.s32 s10, $0x1;
	s10 =	sld [smem:$0x3FB2]  }
0x3d: {  	_ =	shalt  }
0x3e: {  	_ =	shalt  }
0x3f: {  	_ =	shalt  }
0x40: {  	_ =	shalt  }
0x41: {  	_ =	shalt  }
0x42: {  	_ =	shalt  }
0x43: {  	_ =	shalt  }
0x44: {  	_ =	shalt  }
0x45: {  	_ =	shalt  }
0x46: {  	_ =	shalt  }
0x47: {  	_ =	shalt  }
0x48: {  	_ =	shalt  }
0x49: {  	_ =	shalt  }
0x4a: {  	_ =	shalt  }
0x4b: {  	_ =	shalt  }
0x4c: {  	_ =	shalt  }
0x4d: {  	_ =	shalt  }
0x4e: {  	_ =	shalt  }
0x4f: {  	_ =	shalt  }
0x50: {  	_ =	shalt  }
0x51: {  	_ =	shalt  }
0x52: {  	_ =	shalt  }
0x53: {  	_ =	shalt  }
0x54: {  	_ =	shalt  }
0x55: {  	_ =	shalt  }
0x56: {  	_ =	shalt  }
0x57: {  	_ =	shalt  }
0x58: {  	_ =	shalt  }
0x59: {  	_ =	shalt  }
0x5a: {  	_ =	shalt  }
0x5b: {  	_ =	shalt  }
0x5c: {  	_ =	shalt  }
0x5d: {  	_ =	shalt  }
0x5e: {  	_ =	shalt  }
0x5f: {  	_ =	shalt  }
0x60: {  	_ =	shalt  }
0x61: {  	_ =	shalt  }
0x62: {  	_ =	shalt  }
0x63: {  	_ =	shalt  }
0x64: {  	_ =	shalt  }
0x65: {  	_ =	shalt  }
0x66: {  	_ =	shalt  }
0x67: {  	_ =	shalt  }
0x68: {  	_ =	shalt  }
0x69: {  	_ =	shalt  }
0x6a: {  	_ =	shalt  }
0x6b: {  	_ =	shalt  }
0x6c: {  	_ =	shalt  }
0x6d: {  	_ =	shalt  }
0x6e: {  	_ =	shalt  }
0x6f: {  	_ =	shalt  }
0x70: {  	_ =	shalt  }
0x71: {  	_ =	shalt  }
0x72: {  	_ =	shalt  }
0x73: {  	_ =	shalt  }
0x74: {  	_ =	shalt  }
0x75: {  	_ =	shalt  }
0x76: {  	_ =	shalt  }
0x77: {  	_ =	shalt  }
0x78: {  	_ =	shalt  }
0x79: {  	_ =	shalt  }
0x7a: {  	_ =	shalt  }
0x7b: {  	_ =	shalt  }
0x7c: {  	_ =	shalt  }
0x7d: {  	_ =	shalt  }
0x7e: {  	_ =	shalt  }
0x7f: {  	_ =	shalt  }
0x80: {  	_ =	shalt  }
0x81: {  	_ =	shalt  }
0x82: {  	_ =	shalt  }
0x83: {  	_ =	shalt  }
0x84: {  	_ =	shalt  }
0x85: {  	_ =	shalt  }
0x86: {  	_ =	shalt  }
0x87: {  	_ =	shalt  }
.Lfunc_end0:
.L_simem_size_0:
called_computation.1_lowered:
.L_overlay_start_0:
0x88: {  	s2 =	sld [smem:$0x3FD9]  }
0x89: {  	s3 =	sld [smem:$0x3FFE];
	_ =	sdelay $0x1  }
0x8a: {  	s1 =	srdreg.scid  }
0x8b: {  	s0 =	sand.u32 $0x1, s1  }
0x8c: {  	s16 =	sshll.u32 s0, $0xA;
	s2 =	sadd.s32 s3, s2  }
0x8d: {  	s2 =	sadd.s32 s2, s16  }
0x8e: {  	[smem:$0x3FBE] =	sst s2  }
0x8f: {  	_ = 	snop  }
0x90: {  	(tm) =	ssettm $0x1  }
0x91: {  	s17 =	sld [smem:$0x3FFB];
	_ =	sdelay $0x3  }
0x92: {  	_ =	strace s17  }
0x93: {  	s2 =	sld [smem:$0x3FFC];
	_ =	sdelay $0x3  }
0x94: {  	_ =	strace s2  }
0x95: {  	s2 =	sld [smem:$0x3FFD];
	_ =	sdelay $0x3  }
0x96: {  	_ =	strace s2  }
0x97: {  	_ =	strace $0x8FFFFFFF  }
0x98: {  	s18 =	sld [smem:$0x3FDB];
	_ =	sdelay $0x1  }
0x99: {  	s19 =	simm.s32 $_scs_section_size  }
0x9a: {  	s4 =	simm.s32 $_size__tile_overlayer_lowered;
	s5 =	simm.s32 $_tile_overlayer_lowered  }
0x9b: {  	s22 =	simm.s32 $0x1BFF;
	s21 =	sshll.u32 s5, $0x1;
	s2 =	sadd.s32 s19, s18  }
0x9c: {  	s6 =	simm.s32 $0x0;
	s20 =	sshll.u32 s4, $0x1;
	s4 =	sadd.s32 s21, s2  }
0x9d: {  	[timem:s6], [sflag:s22] =	dma.local [hbm:s4], s20  }
0x9e: {  	_ =	swait.ge [sflag:s22], s20  }
0x9f: {  	s3 =	ssub.s32 $0x0, s20;
	[sflag:s22] =	ssyncset.done $0x0  }
0xa0: {  	[sflag:s22] =	ssyncadd.s32 s3;
	_ =	sdelay $0x1  }
0xa1: {  	s23 =	simm.s32 $0x1B8B  }
0xa2: {  	_ =	swait.ge [sflag:s23], $0x1  }
0xa3: {  	[sflag:s23] =	ssyncset.done $0x0  }
0xa4: {  	s25 =	simm.s32 $0x1B8E;
	s24 =	sld [smem:$0x3FFE];
	[sflag:s23] =	ssyncadd.s32 $0xFFFFFFFF  }
0xa5: {  	s26 =	simm.s32 $execute0_lowered;
	[smem:$0x3FD2] =	sst s25  }
0xa6: {  	s4 =	sshll.u32 s26, $0x1;
	_ =	strace $0x80000049;
	[dreg:$0x1] =	wrdreg $0xFFFFFFFF  }
0xa7: {  	s28 =	simm.s32 $_size_execute0_lowered;
	s2 =	sadd.s32 s2, s4;
	[dreg:$0x0] =	wrdreg $0x0  }
0xa8: {  	s4 =	sshll.u32 s28, $0x1;
	[dreg:$0x2] =	wrdreg s2  }
0xa9: {  	[dreg:$0x3] =	wrdreg s4  }
0xaa: {  	[dreg:$0x4] =	wrdreg $0xC0  }
0xab: {  	_ =	task [dreg:s6], $0x5FFFF  }
0xac: {  	[dreg:$0x1] =	wrdreg $0xFFFFFFFF  }
0xad: {  	[dreg:$0x0] =	wrdreg $0x60  }
0xae: {  	[dreg:$0x2] =	wrdreg s24  }
0xaf: {  	[dreg:$0x3] =	wrdreg $0xA4000  }
0xb0: {  	[dreg:$0x4] =	wrdreg $0x9  }
0xb1: {  	_ =	task.clear_ibuf [dreg:s6], $0x5FFFF;
	_ =	strace $0x90000049  }
0xb2: {  	s29 =	simm.s32 $0x9;
	_ =	strace $0x8000004B  }
0xb3: {  	_ =	swait.ge [sflag:s29], $0x1  }
0xb4: {  	[sflag:s29] =	ssyncadd.s32 $0xFFFFFFFF  }
0xb5: {  	_ =	strace $0x9000004B  }
0xb6: {  	_ =	sfence  }
0xb7: {  	s30 =	sld [smem:$0x0];
	_ =	sdelay $0x2  }
0xb8: {  	s31 =	sshll.u32 s1, $0xD;
	s1 =	sshrl.u32 s1, $0x2  }
0xb9: {  	s3 =	sand.u32 $0x4000, s31;
	s1 =	sadd.s32 s1, s30  }
0xba: {  	s0 =	sor.u32 s3, s0;
	s1 =	sshll.u32 s1, $0x11  }
0xbb: {  	s0 =	sor.u32 s1, s0  }
0xbc: {  	s0 =	sadd.s32 $0x8F2B, s0  }
0xbd: {  	[sflag:s0] =	ssyncadd.remote.s32 $0x1  }
0xbe: {  	_ =	sfence.sel $0xFFFF  }
0xbf: {  	[dreg:$0x0] =	wrdreg $0xFFFFFFFF;
	(pc) =	sbr.abs _section_cstart, $3  }
0xc0: {  	[dreg:$0x1] =	wrdreg $0xFFFFFFFF  }
0xc1: {  	_ =	task.clear_ibuf [dreg:s6], $0x2FFFF;
	_ =	strace $0x9FFFFFFF  }
0xc2: {  	(tm) =	ssettm $0x7FFFFFFF  }
0xc3: {  	_ =	shalt  }
tec
execute0_lowered:
.L_overlay_start_1:
0x0: {  	(tag) =	ssettag $0x1  }
0x1: {  	s0 =	rddreg [dreg:$0x0]  }
0x2: {  	s1 =	rddreg [dreg:$0x1];
	s12 =	stileid.u32  }
0x3: {  	s3 =	simm.s32 $0x0;
	s2 =	srdreg.scid;
	s5 =	smul.u32 $0x14000, s12  }
0x4: {  	s30 =	simm.s32 $0x11;
	s31 =	simm.s32 $0xA000;
	s9 =	smul.u32 $0x640, s12  }
0x5: {  	[smem:$0x7FF] =	sst s3;
	s2 =	sand.u32 $0x1, s2;
	s22 =	smul.u32 $0x1E00, s12  }
0x6: {  	s7 =	sadd.s32 $0x60A00, s0;
	s10 =	sadd.s32 $0x3A00, s0;
	s23 =	smul.u32 $0x3C0, s12  }
0x7: {  	s4 =	smul.u32 $0x140000, s2;
	_ =	strace $0x8000004A;
	s6 =	ssub.s32 $0x2, s2  }
0x8: {  	p0 =	seq.s32 s2, $0x1;
	s8 =	sshrl.u32 s6, $0x1;
	s19 =	sor.u32 $0xA, s9  }
0x9: {  	s29 =	sadd.s32 s7, s9;
	s25 =	sshrl.u32 s22, $0x3;
	s22 =	sadd.s32 s23, s7  }
0xa: {  	s15 =	sadd.s32 s10, s9;
	s21 =	sor.u32 $0x14, s9;
	[dreg:$0x4] =	wrdreg s22  }
0xb: {  	s9 =	sor.u32 $0x1E, s9;
	s4 =	sadd.s32 s5, s4;
	[dreg:$0x5] =	wrdreg s29  }
0xc: {  	s5 =	ssub.s32 s6, s8;
	s20 =	sadd.s32 s7, s19;
	[dreg:$0x6] =	wrdreg s15  }
0xd: {  	s6 =	smul.u32 $0x50000, s12;
	s2 =	sadd.s32 s10, s19;
	[dreg:$0x7] =	wrdreg s20  }
0xe: {  	s11 =	sadd.s32 s7, s21;
	s24 =	sadd.s32 s7, s9;
	[dreg:$0x8] =	wrdreg s2  }
0xf: {  	s26 =	sadd.s32 s10, s9;
	s9 =	sadd.s32 $0x6400, s23;
	[dreg:$0x9] =	wrdreg s11  }
0x10: {  	s13 =	sadd.s32 $0x640A, s25;
	s18 =	sadd.s32 $0x6414, s25;
	[dreg:$0xb] =	wrdreg s24  }
0x11: {  	s19 =	sadd.s32 s23, s10;
	s22 =	simm.s32 $0x7;
	[dreg:$0xc] =	wrdreg s26  }
0x12: {  	s2 =	sadd.s32 s10, s21;
	s14 =	sadd.s32 s7, s9;
	[dreg:$0x3] =	wrdreg s19  }
0x13: {  	s8 =	sadd.s32 s10, s9;
	s16 =	sadd.s32 s7, s13;
	[dreg:$0xa] =	wrdreg s2  }
0x14: {  	s17 =	sadd.s32 s10, s13;
	s20 =	sadd.s32 s7, s18;
	[dreg:$0xd] =	wrdreg s14  }
0x15: {  	s4 =	sshrl.u32 s4, $0x3;
	s24 =	sshll.u32 s12, $0x6;
	[dreg:$0xe] =	wrdreg s8  }
0x16: {  	s26 =	smax.u32 s5, $0x1;
	s9 =	simm.s32 $0x50;
	[dreg:$0xf] =	wrdreg s16  }
0x17: {  	s12 =	simm.s32 $0x3;
	s19 =	simm.s32 $0x6;
	[dreg:$0x10] =	wrdreg s17  }
0x18: {  	s5 =	simm.s32 $0x10;
	[dreg:$0x11] =	wrdreg s20;
	s2 =	sadd.s32 $0x641E, s25  }
0x19: {  	s8 =	sadd.s32 s10, s18;
	s20 =	sadd.s32 $0x10200, s0;
	s4 =	sadd.s32 s4, s0  }
0x1a: {  	s0 =	sadd.s32 $0xDA00, s0;
	s23 =	sshrl.u32 s6, $0x2;
	s28 =	sor.u32 $0x1C11, s24  }
0x1b: {  	[dreg:$0x19] =	wrdreg s26;
	s14 =	simm.s32 $0x4;
	s16 =	simm.s32 $0x9  }
0x1c: {  	s17 =	simm.s32 $0x5;
	s18 =	simm.s32 $0xA;
	[dreg:$0x12] =	wrdreg s8  }
0x1d: {  	s24 =	simm.s32 $0xC;
	s26 =	simm.s32 $0xE;
	[dreg:$0x15] =	wrdreg s0  }
0x1e: {  	s6 =	simm.s32 $0x0;
	s21 =	sadd.s32 s10, s2;
	[dreg:$0x17] =	wrdreg s28  }
.Ltmp0:
0x1f: {  	s2 =	sadd.s32 s7, s2;
	[dreg:$0x13] =	wrdreg s21;
	(pc) =	sbr.rel .LBB2_1-.Ltmp0, $4  }
0x20: {  	s0 =	sadd.s32 s23, s1;
	s25 =	sadd.s32 $0x6AA00, s4;
	[dreg:$0x14] =	wrdreg s2  }
0x21: {  	s8 =	simm.s32 $0x1;
	s10 =	simm.s32 $0x2;
	[dreg:$0x16] =	wrdreg s0  }
0x22: {  	s23 =	simm.s32 $0xD;
	s4 =	simm.s32 $0xF;
	[dreg:$0x18] =	wrdreg s25  }
0x23: {  	s2 =	simm.s32 $0xA200;
	s21 =	simm.s32 $0xB;
	s25 =	simm.s32 $0x8  }
.LBB2_7:
0x24: {  	[spmem:s1] =	stream.indirect.scatter.add.f32 [tilespmem:s30], [sflag:$0x10], $0x80, s0, s9, $0xb8;
	[tilespmem:$0x1E400] =	vst v63  }
0x25: {  	s29 =	rddreg [dreg:$0x5]  }
0x26: {  	s15 =	rddreg [dreg:$0x6]  }
0x27: {  	s30 =	simm.s32 $0x11;
	s6 =	rddreg [dreg:$0x1a]  }
.LBB2_8:
0x28: {  	_ =	swait.ge [sflag:s23], $0x2800  }
0x29: {  	[sflag:s23] =	ssyncset.done $0x0  }
0x2a: {  	[sflag:s23] =	ssyncadd.s32 $0xFFFFD800  }
0x2b: {  	_ =	swait.ge [sflag:s26], $0x2800  }
0x2c: {  	[sflag:s26] =	ssyncset.done $0x0  }
0x2d: {  	[sflag:s26] =	ssyncadd.s32 $0xFFFFD800  }
0x2e: {  	_ =	swait.ge [sflag:s4], $0x2800  }
0x2f: {  	[sflag:s4] =	ssyncset.done $0x0  }
0x30: {  	[sflag:s4] =	ssyncadd.s32 $0xFFFFD800  }
0x31: {  	_ =	swait.ge [sflag:s5], $0x2800  }
0x32: {  	[sflag:s5] =	ssyncset.done $0x0  }
0x33: {  	[sflag:s5] =	ssyncadd.s32 $0xFFFFD800  }
0x34: {  	[bflag:$0x0] =	sbarrier.arrive $0xFFFF  }
0x35: {  	s28 =	rddreg [dreg:$0x17]  }
0x36: {  	s0 =	rddreg [dreg:$0x18]  }
0x37: {  	s7 =	rddreg [dreg:$0x1b]  }
0x38: {  	[hbm:s0], [sflag:s28] =	dma.local [spmem:s7], $0x2800  }
0x39: {  	_ =	swait.ge [sflag:s30], $0x2800  }
0x3a: {  	s6 =	sadd.s32 $0x1, s6;
	s13 =	rddreg [dreg:$0x19]  }
0x3b: {  	p1 =	sne.s32 s6, s13  }
.Ltmp1:
0x3c: {  	_ = 	snop;
	(pc) =	sbr.rel @!p1 .LBB2_9-.Ltmp1, $3  }
0x3d: {  	_ =	sdelay $0x1  }
0x3e: {  	[sflag:s30] =	ssyncset.done $0x0  }
0x3f: {  	[sflag:s30] =	ssyncadd.s32 $0xFFFFD800  }
.LBB2_1:
0x40: {  	[dreg:$0x1a] =	wrdreg s6  }
0x41: {  	s0 =	rddreg [dreg:$0x16]  }
0x42: {  	s13 =	rddreg [dreg:$0x15];
	s11 =	sshrl.u32 s0, $0x3  }
0x43: {  	[dreg:$0x1b] =	wrdreg s11  }
0x44: {  	[spmem:s11], [sflag:s28] =	dma.local [hbm:s13], $0x2800  }
.Ltmp2:
0x45: {  	_ =	swait.ge [sflag:s30], $0x2800;
	(pc) =	sbr.rel @!p0 .LBB2_2-.Ltmp2, $4  }
0x46: {  	[sflag:s30] =	ssyncset.done $0x0  }
0x47: {  	[sflag:s30] =	ssyncadd.s32 $0xFFFFD800  }
0x48: {  	[bflag:$0x0] =	sbarrier.arrive $0xFFFF  }
0x49: {  	s28 =	simm.s32 $0x0  }
0x4a: {  	s0 =	rddreg [dreg:$0xd]  }
0x4b: {  	[tilespmem:s31], [sflag:$0x1] =	stream.linear.gather [hbm4b:s0+s28], $0x50, $0x38;
	[tilespmem:$0x1E400] =	vst v63  }
0x4c: {  	s6 =	rddreg [dreg:$0xe]  }
0x4d: {  	[tilespmem:s2], [sflag:$0x5] =	stream.linear.gather [hbm4b:s6+s28], $0x50, $0x38;
	[tilespmem:$0x1E400] =	vst v63  }
0x4e: {  	s7 =	rddreg [dreg:$0xf];
	s6 =	simm.s32 $0xA080  }
0x4f: {  	[tilespmem:s6], [sflag:$0x2] =	stream.linear.gather [hbm4b:s7+s28], $0x50, $0x38;
	[tilespmem:$0x1E400] =	vst v63  }
0x50: {  	s11 =	rddreg [dreg:$0x10];
	s13 =	simm.s32 $0xA280  }
0x51: {  	[tilespmem:s13], [sflag:$0x6] =	stream.linear.gather [hbm4b:s11+s28], $0x50, $0x38;
	[tilespmem:$0x1E400] =	vst v63  }
0x52: {  	s15 =	rddreg [dreg:$0x11];
	s13 =	simm.s32 $0xA100  }
0x53: {  	[tilespmem:s13], [sflag:$0x3] =	stream.linear.gather [hbm4b:s15+s28], $0x50, $0x38;
	[tilespmem:$0x1E400] =	vst v63  }
0x54: {  	s6 =	rddreg [dreg:$0x12];
	s7 =	simm.s32 $0xA300  }
0x55: {  	[tilespmem:s7], [sflag:$0x7] =	stream.linear.gather [hbm4b:s6+s28], $0x50, $0x38;
	[tilespmem:$0x1E400] =	vst v63  }
0x56: {  	s11 =	rddreg [dreg:$0x14];
	s7 =	simm.s32 $0xA180  }
0x57: {  	[tilespmem:s7], [sflag:$0x4] =	stream.linear.gather [hbm4b:s11+s28], $0x50, $0x38;
	[tilespmem:$0x1E400] =	vst v63  }
0x58: {  	s6 =	rddreg [dreg:$0x13];
	s11 =	simm.s32 $0xA380  }
0x59: {  	[tilespmem:s11], [sflag:$0x8] =	stream.linear.gather [hbm4b:s6+s28], $0x50, $0x38;
	[tilespmem:$0x1E400] =	vst v63  }
0x5a: {  	_ =	swait.ge [sflag:s8], $0x50  }
0x5b: {  	[sflag:s8] =	ssyncset.done $0x0  }
0x5c: {  	[sflag:s8] =	ssyncadd.s32 $0xFFFFFFB0  }
0x5d: {  	[tilespmem:s28], [sflag:$0x9] =	stream.indirect.gather [hbm4b:s20+s9], $0x80, s31, s9, $0xb8;
	[tilespmem:$0x1E400] =	vst v63  }
0x5e: {  	_ =	swait.ge [sflag:s10], $0x50  }
0x5f: {  	[sflag:s10] =	ssyncset.done $0x0  }
0x60: {  	s29 =	simm.s32 $0xA080;
	s11 =	simm.s32 $0x2800;
	[sflag:s10] =	ssyncadd.s32 $0xFFFFFFB0  }
0x61: {  	[tilespmem:s11], [sflag:$0xA] =	stream.indirect.gather [hbm4b:s20+s9], $0x80, s29, s9, $0xb8;
	[tilespmem:$0x1E400] =	vst v63  }
0x62: {  	_ =	swait.ge [sflag:s12], $0x50  }
0x63: {  	[sflag:s12] =	ssyncset.done $0x0  }
0x64: {  	s6 =	simm.s32 $0x5000;
	[sflag:s12] =	ssyncadd.s32 $0xFFFFFFB0  }
0x65: {  	[tilespmem:s6], [sflag:$0xB] =	stream.indirect.gather [hbm4b:s20+s9], $0x80, s13, s9, $0xb8;
	[tilespmem:$0x1E400] =	vst v63  }
0x66: {  	_ =	swait.ge [sflag:s14], $0x50  }
0x67: {  	[sflag:s14] =	ssyncset.done $0x0  }
0x68: {  	s29 =	simm.s32 $0x7800;
	[sflag:s14] =	ssyncadd.s32 $0xFFFFFFB0  }
0x69: {  	[tilespmem:s29], [sflag:$0xC] =	stream.indirect.gather [hbm4b:s20+s9], $0x80, s7, s9, $0xb8;
	[tilespmem:$0x1E400] =	vst v63  }
0x6a: {  	_ =	swait.ge [sflag:s16], $0x2800  }
0x6b: {  	[sflag:s16] =	ssyncset.done $0x0  }
0x6c: {  	[sflag:s16] =	ssyncadd.s32 $0xFFFFD800  }
0x6d: {  	_ =	swait.ge [sflag:s17], $0x50  }
0x6e: {  	[sflag:s17] =	ssyncset.done $0x0  }
0x6f: {  	[sflag:s17] =	ssyncadd.s32 $0xFFFFFFB0  }
0x70: {  	[spmem:s1] =	stream.indirect.scatter.add.f32 [tilespmem:s28], [sflag:$0xD], $0x80, s2, s9, $0xb8;
	[tilespmem:$0x1E400] =	vst v63  }
0x71: {  	_ =	swait.ge [sflag:s18], $0x2800  }
0x72: {  	[sflag:s18] =	ssyncset.done $0x0  }
0x73: {  	[sflag:s18] =	ssyncadd.s32 $0xFFFFD800  }
0x74: {  	_ =	swait.ge [sflag:s19], $0x50  }
0x75: {  	[sflag:s19] =	ssyncset.done $0x0  }
0x76: {  	s30 =	simm.s32 $0xA280;
	s11 =	simm.s32 $0x2800;
	[sflag:s19] =	ssyncadd.s32 $0xFFFFFFB0  }
0x77: {  	[spmem:s1] =	stream.indirect.scatter.add.f32 [tilespmem:s11], [sflag:$0xE], $0x80, s30, s9, $0xb8;
	[tilespmem:$0x1E400] =	vst v63  }
0x78: {  	_ =	swait.ge [sflag:s21], $0x2800  }
0x79: {  	[sflag:s21] =	ssyncset.done $0x0  }
0x7a: {  	[sflag:s21] =	ssyncadd.s32 $0xFFFFD800  }
0x7b: {  	_ =	swait.ge [sflag:s22], $0x50  }
0x7c: {  	[sflag:s22] =	ssyncset.done $0x0  }
0x7d: {  	s15 =	simm.s32 $0xA300;
	[sflag:s22] =	ssyncadd.s32 $0xFFFFFFB0  }
0x7e: {  	[spmem:s1] =	stream.indirect.scatter.add.f32 [tilespmem:s6], [sflag:$0xF], $0x80, s15, s9, $0xb8;
	[tilespmem:$0x1E400] =	vst v63  }
0x7f: {  	_ =	swait.ge [sflag:s24], $0x2800  }
0x80: {  	[sflag:s24] =	ssyncset.done $0x0  }
0x81: {  	[sflag:s24] =	ssyncadd.s32 $0xFFFFD800  }
0x82: {  	_ =	swait.ge [sflag:s25], $0x50  }
0x83: {  	[sflag:s25] =	ssyncset.done $0x0  }
0x84: {  	s0 =	simm.s32 $0xA380;
	[sflag:s25] =	ssyncadd.s32 $0xFFFFFFB0  }
0x85: {  	[spmem:s1] =	stream.indirect.scatter.add.f32 [tilespmem:s29], [sflag:$0x10], $0x80, s0, s9, $0xb8;
	[tilespmem:$0x1E400] =	vst v63  }
0x86: {  	_ =	swait.ge [sflag:s23], $0x2800  }
0x87: {  	s28 =	rddreg [dreg:$0x4]  }
0x88: {  	s15 =	rddreg [dreg:$0x3];
	[sflag:s23] =	ssyncset.done $0x0;
	s28 =	sadd.s32 $0x0, s28  }
0x89: {  	[sflag:s23] =	ssyncadd.s32 $0xFFFFD800;
	s29 =	sadd.s32 $0x0, s15;
	s30 =	sadd.s32 $0x6428, s28  }
0x8a: {  	[tilespmem:s31], [sflag:$0x1] =	stream.linear.gather [hbm4b:s30+s3], $0x50, $0x38;
	[tilespmem:$0x1E400] =	vst v63  }
0x8b: {  	s30 =	sadd.s32 $0x6428, s29  }
0x8c: {  	[tilespmem:s2], [sflag:$0x5] =	stream.linear.gather [hbm4b:s30+s3], $0x50, $0x38;
	[tilespmem:$0x1E400] =	vst v63  }
0x8d: {  	_ =	swait.ge [sflag:s26], $0x2800  }
0x8e: {  	[sflag:s26] =	ssyncset.done $0x0  }
0x8f: {  	s11 =	simm.s32 $0xA080;
	s30 =	sadd.s32 $0x6432, s28;
	[sflag:s26] =	ssyncadd.s32 $0xFFFFD800  }
0x90: {  	[tilespmem:s11], [sflag:$0x2] =	stream.linear.gather [hbm4b:s30+s3], $0x50, $0x38;
	[tilespmem:$0x1E400] =	vst v63  }
0x91: {  	s15 =	simm.s32 $0xA280;
	s30 =	sadd.s32 $0x6432, s29  }
0x92: {  	[tilespmem:s15], [sflag:$0x6] =	stream.linear.gather [hbm4b:s30+s3], $0x50, $0x38;
	[tilespmem:$0x1E400] =	vst v63  }
0x93: {  	_ =	swait.ge [sflag:s4], $0x2800  }
0x94: {  	[sflag:s4] =	ssyncset.done $0x0  }
0x95: {  	s30 =	sadd.s32 $0x643C, s28;
	[sflag:s4] =	ssyncadd.s32 $0xFFFFD800  }
0x96: {  	[tilespmem:s13], [sflag:$0x3] =	stream.linear.gather [hbm4b:s30+s3], $0x50, $0x38;
	[tilespmem:$0x1E400] =	vst v63  }
0x97: {  	s15 =	simm.s32 $0xA300;
	s30 =	sadd.s32 $0x643C, s29  }
0x98: {  	[tilespmem:s15], [sflag:$0x7] =	stream.linear.gather [hbm4b:s30+s3], $0x50, $0x38;
	[tilespmem:$0x1E400] =	vst v63  }
0x99: {  	_ =	swait.ge [sflag:s5], $0x2800  }
0x9a: {  	[sflag:s5] =	ssyncset.done $0x0  }
0x9b: {  	s28 =	sadd.s32 $0x6446, s28;
	[sflag:s5] =	ssyncadd.s32 $0xFFFFD800  }
0x9c: {  	[tilespmem:s7], [sflag:$0x4] =	stream.linear.gather [hbm4b:s28+s3], $0x50, $0x38;
	[tilespmem:$0x1E400] =	vst v63  }
0x9d: {  	s28 =	sadd.s32 $0x6446, s29  }
0x9e: {  	[tilespmem:s0], [sflag:$0x8] =	stream.linear.gather [hbm4b:s28+s3], $0x50, $0x38;
	[tilespmem:$0x1E400] =	vst v63  }
0x9f: {  	_ =	swait.ge [sflag:s8], $0x50  }
0xa0: {  	[sflag:s8] =	ssyncset.done $0x0  }
0xa1: {  	[sflag:s8] =	ssyncadd.s32 $0xFFFFFFB0  }
0xa2: {  	[tilespmem:s3], [sflag:$0x9] =	stream.indirect.gather [hbm4b:s20+s9], $0x80, s31, s9, $0xb8;
	[tilespmem:$0x1E400] =	vst v63  }
0xa3: {  	_ =	swait.ge [sflag:s10], $0x50  }
0xa4: {  	[sflag:s10] =	ssyncset.done $0x0  }
0xa5: {  	s11 =	simm.s32 $0xA080;
	s28 =	simm.s32 $0x2800;
	[sflag:s10] =	ssyncadd.s32 $0xFFFFFFB0  }
0xa6: {  	[tilespmem:s28], [sflag:$0xA] =	stream.indirect.gather [hbm4b:s20+s9], $0x80, s11, s9, $0xb8;
	[tilespmem:$0x1E400] =	vst v63  }
0xa7: {  	_ =	swait.ge [sflag:s12], $0x50  }
0xa8: {  	[sflag:s12] =	ssyncset.done $0x0  }
0xa9: {  	[sflag:s12] =	ssyncadd.s32 $0xFFFFFFB0  }
0xaa: {  	[tilespmem:s6], [sflag:$0xB] =	stream.indirect.gather [hbm4b:s20+s9], $0x80, s13, s9, $0xb8;
	[tilespmem:$0x1E400] =	vst v63  }
0xab: {  	_ =	swait.ge [sflag:s14], $0x50  }
0xac: {  	[sflag:s14] =	ssyncset.done $0x0  }
0xad: {  	s30 =	simm.s32 $0x7800;
	[sflag:s14] =	ssyncadd.s32 $0xFFFFFFB0  }
0xae: {  	[tilespmem:s30], [sflag:$0xC] =	stream.indirect.gather [hbm4b:s20+s9], $0x80, s7, s9, $0xb8;
	[tilespmem:$0x1E400] =	vst v63  }
0xaf: {  	_ =	swait.ge [sflag:s16], $0x2800  }
0xb0: {  	[sflag:s16] =	ssyncset.done $0x0  }
0xb1: {  	[sflag:s16] =	ssyncadd.s32 $0xFFFFD800  }
0xb2: {  	_ =	swait.ge [sflag:s17], $0x50  }
0xb3: {  	[sflag:s17] =	ssyncset.done $0x0  }
0xb4: {  	[sflag:s17] =	ssyncadd.s32 $0xFFFFFFB0  }
0xb5: {  	[spmem:s1] =	stream.indirect.scatter.add.f32 [tilespmem:s3], [sflag:$0xD], $0x80, s2, s9, $0xb8;
	[tilespmem:$0x1E400] =	vst v63  }
0xb6: {  	_ =	swait.ge [sflag:s18], $0x2800  }
0xb7: {  	[sflag:s18] =	ssyncset.done $0x0  }
0xb8: {  	[sflag:s18] =	ssyncadd.s32 $0xFFFFD800  }
0xb9: {  	_ =	swait.ge [sflag:s19], $0x50  }
0xba: {  	[sflag:s19] =	ssyncset.done $0x0  }
0xbb: {  	s31 =	simm.s32 $0xA280;
	[sflag:s19] =	ssyncadd.s32 $0xFFFFFFB0  }
0xbc: {  	[spmem:s1] =	stream.indirect.scatter.add.f32 [tilespmem:s28], [sflag:$0xE], $0x80, s31, s9, $0xb8;
	[tilespmem:$0x1E400] =	vst v63  }
0xbd: {  	_ =	swait.ge [sflag:s21], $0x2800  }
0xbe: {  	[sflag:s21] =	ssyncset.done $0x0  }
0xbf: {  	[sflag:s21] =	ssyncadd.s32 $0xFFFFD800  }
0xc0: {  	_ =	swait.ge [sflag:s22], $0x50  }
0xc1: {  	[sflag:s22] =	ssyncset.done $0x0  }
0xc2: {  	s15 =	simm.s32 $0xA300;
	[sflag:s22] =	ssyncadd.s32 $0xFFFFFFB0  }
0xc3: {  	[spmem:s1] =	stream.indirect.scatter.add.f32 [tilespmem:s6], [sflag:$0xF], $0x80, s15, s9, $0xb8;
	[tilespmem:$0x1E400] =	vst v63  }
0xc4: {  	_ =	swait.ge [sflag:s24], $0x2800  }
0xc5: {  	[sflag:s24] =	ssyncset.done $0x0  }
0xc6: {  	[sflag:s24] =	ssyncadd.s32 $0xFFFFD800  }
0xc7: {  	_ =	swait.ge [sflag:s25], $0x50  }
0xc8: {  	[sflag:s25] =	ssyncset.done $0x0  }
0xc9: {  	s28 =	simm.s32 $0x28;
	[sflag:s25] =	ssyncadd.s32 $0xFFFFFFB0  }
.LBB2_6:
0xca: {  	[spmem:s1] =	stream.indirect.scatter.add.f32 [tilespmem:s30], [sflag:$0x10], $0x80, s0, s9, $0xb8;
	[tilespmem:$0x1E400] =	vst v63  }
0xcb: {  	_ =	swait.ge [sflag:s23], $0x2800  }
0xcc: {  	s29 =	smov.u32 s28;
	s30 =	rddreg [dreg:$0x4];
	[sflag:s23] =	ssyncset.done $0x0  }
0xcd: {  	s31 =	rddreg [dreg:$0x3];
	s30 =	sadd.s32 s29, s30;
	[sflag:s23] =	ssyncadd.s32 $0xFFFFD800  }
0xce: {  	s29 =	sadd.s32 s29, s31;
	s31 =	simm.s32 $0xA000;
	s11 =	sadd.s32 $0x6428, s30  }
0xcf: {  	[tilespmem:s31], [sflag:$0x1] =	stream.linear.gather [hbm4b:s11+s3], $0x50, $0x38;
	[tilespmem:$0x1E400] =	vst v63  }
0xd0: {  	s13 =	sadd.s32 $0x6428, s29  }
0xd1: {  	[tilespmem:s2], [sflag:$0x5] =	stream.linear.gather [hbm4b:s13+s3], $0x50, $0x38;
	[tilespmem:$0x1E400] =	vst v63  }
0xd2: {  	_ =	swait.ge [sflag:s26], $0x2800  }
0xd3: {  	[sflag:s26] =	ssyncset.done $0x0  }
0xd4: {  	s15 =	sadd.s32 $0x6432, s30;
	s11 =	simm.s32 $0xA080;
	[sflag:s26] =	ssyncadd.s32 $0xFFFFD800  }
0xd5: {  	[tilespmem:s11], [sflag:$0x2] =	stream.linear.gather [hbm4b:s15+s3], $0x50, $0x38;
	[tilespmem:$0x1E400] =	vst v63  }
0xd6: {  	s25 =	sadd.s32 $0x6432, s29;
	s13 =	simm.s32 $0xA280  }
0xd7: {  	[tilespmem:s13], [sflag:$0x6] =	stream.linear.gather [hbm4b:s25+s3], $0x50, $0x38;
	[tilespmem:$0x1E400] =	vst v63  }
0xd8: {  	_ =	swait.ge [sflag:s4], $0x2800  }
0xd9: {  	[sflag:s4] =	ssyncset.done $0x0  }
0xda: {  	s7 =	sadd.s32 $0x643C, s30;
	s15 =	simm.s32 $0xA100;
	[sflag:s4] =	ssyncadd.s32 $0xFFFFD800  }
0xdb: {  	[tilespmem:s15], [sflag:$0x3] =	stream.linear.gather [hbm4b:s7+s3], $0x50, $0x38;
	[tilespmem:$0x1E400] =	vst v63  }
0xdc: {  	s25 =	sadd.s32 $0x643C, s29;
	s7 =	simm.s32 $0xA300  }
0xdd: {  	[tilespmem:s7], [sflag:$0x7] =	stream.linear.gather [hbm4b:s25+s3], $0x50, $0x38;
	[tilespmem:$0x1E400] =	vst v63  }
0xde: {  	_ =	swait.ge [sflag:s5], $0x2800  }
0xdf: {  	[sflag:s5] =	ssyncset.done $0x0  }
0xe0: {  	s0 =	sadd.s32 $0x6446, s30;
	s25 =	simm.s32 $0xA180;
	[sflag:s5] =	ssyncadd.s32 $0xFFFFD800  }
0xe1: {  	[tilespmem:s25], [sflag:$0x4] =	stream.linear.gather [hbm4b:s0+s3], $0x50, $0x38;
	[tilespmem:$0x1E400] =	vst v63  }
0xe2: {  	s6 =	simm.s32 $0xA380;
	s29 =	sadd.s32 $0x6446, s29  }
0xe3: {  	[tilespmem:s6], [sflag:$0x8] =	stream.linear.gather [hbm4b:s29+s3], $0x50, $0x38;
	[tilespmem:$0x1E400] =	vst v63  }
0xe4: {  	_ =	swait.ge [sflag:s8], $0x50  }
0xe5: {  	[sflag:s8] =	ssyncset.done $0x0  }
0xe6: {  	[sflag:s8] =	ssyncadd.s32 $0xFFFFFFB0  }
0xe7: {  	[tilespmem:s3], [sflag:$0x9] =	stream.indirect.gather [hbm4b:s20+s9], $0x80, s31, s9, $0xb8;
	[tilespmem:$0x1E400] =	vst v63  }
0xe8: {  	_ =	swait.ge [sflag:s10], $0x50  }
0xe9: {  	[sflag:s10] =	ssyncset.done $0x0  }
0xea: {  	s6 =	simm.s32 $0x2800;
	[sflag:s10] =	ssyncadd.s32 $0xFFFFFFB0  }
0xeb: {  	[tilespmem:s6], [sflag:$0xA] =	stream.indirect.gather [hbm4b:s20+s9], $0x80, s11, s9, $0xb8;
	[tilespmem:$0x1E400] =	vst v63  }
0xec: {  	_ =	swait.ge [sflag:s12], $0x50  }
0xed: {  	[sflag:s12] =	ssyncset.done $0x0  }
0xee: {  	s29 =	simm.s32 $0x5000;
	[sflag:s12] =	ssyncadd.s32 $0xFFFFFFB0  }
0xef: {  	[tilespmem:s29], [sflag:$0xB] =	stream.indirect.gather [hbm4b:s20+s9], $0x80, s15, s9, $0xb8;
	[tilespmem:$0x1E400] =	vst v63  }
0xf0: {  	_ =	swait.ge [sflag:s14], $0x50  }
0xf1: {  	[sflag:s14] =	ssyncset.done $0x0  }
0xf2: {  	s30 =	simm.s32 $0x7800;
	[sflag:s14] =	ssyncadd.s32 $0xFFFFFFB0  }
0xf3: {  	[tilespmem:s30], [sflag:$0xC] =	stream.indirect.gather [hbm4b:s20+s9], $0x80, s25, s9, $0xb8;
	[tilespmem:$0x1E400] =	vst v63  }
0xf4: {  	_ =	swait.ge [sflag:s16], $0x2800  }
0xf5: {  	[sflag:s16] =	ssyncset.done $0x0  }
0xf6: {  	[sflag:s16] =	ssyncadd.s32 $0xFFFFD800  }
0xf7: {  	_ =	swait.ge [sflag:s17], $0x50  }
0xf8: {  	[sflag:s17] =	ssyncset.done $0x0  }
0xf9: {  	[sflag:s17] =	ssyncadd.s32 $0xFFFFFFB0  }
0xfa: {  	[spmem:s1] =	stream.indirect.scatter.add.f32 [tilespmem:s3], [sflag:$0xD], $0x80, s2, s9, $0xb8;
	[tilespmem:$0x1E400] =	vst v63  }
0xfb: {  	_ =	swait.ge [sflag:s18], $0x2800  }
0xfc: {  	[sflag:s18] =	ssyncset.done $0x0  }
0xfd: {  	[sflag:s18] =	ssyncadd.s32 $0xFFFFD800  }
0xfe: {  	_ =	swait.ge [sflag:s19], $0x50  }
0xff: {  	[sflag:s19] =	ssyncset.done $0x0  }
0x100: {  	[sflag:s19] =	ssyncadd.s32 $0xFFFFFFB0  }
0x101: {  	[spmem:s1] =	stream.indirect.scatter.add.f32 [tilespmem:s6], [sflag:$0xE], $0x80, s13, s9, $0xb8;
	[tilespmem:$0x1E400] =	vst v63  }
0x102: {  	_ =	swait.ge [sflag:s21], $0x2800  }
0x103: {  	[sflag:s21] =	ssyncset.done $0x0  }
0x104: {  	[sflag:s21] =	ssyncadd.s32 $0xFFFFD800  }
0x105: {  	_ =	swait.ge [sflag:s22], $0x50  }
0x106: {  	[sflag:s22] =	ssyncset.done $0x0  }
0x107: {  	[sflag:s22] =	ssyncadd.s32 $0xFFFFFFB0  }
0x108: {  	[spmem:s1] =	stream.indirect.scatter.add.f32 [tilespmem:s29], [sflag:$0xF], $0x80, s7, s9, $0xb8;
	[tilespmem:$0x1E400] =	vst v63  }
0x109: {  	p1 =	sne.s32 s28, $0x370;
	_ =	swait.ge [sflag:s24], $0x2800  }
.Ltmp3:
0x10a: {  	[sflag:s24] =	ssyncset.done $0x0;
	(pc) =	sbr.rel @p1 .LBB2_6-.Ltmp3, $4  }
0x10b: {  	s25 =	simm.s32 $0x8;
	[sflag:s24] =	ssyncadd.s32 $0xFFFFD800  }
0x10c: {  	_ =	swait.ge [sflag:s25], $0x50  }
0x10d: {  	[sflag:s25] =	ssyncset.done $0x0  }
0x10e: {  	s28 =	sadd.s32 $0x28, s28;
	s0 =	simm.s32 $0xA380;
	[sflag:s25] =	ssyncadd.s32 $0xFFFFFFB0  }
.Ltmp4:
0x10f: {  	_ = 	snop;
	(pc) =	sbr.rel .LBB2_7-.Ltmp4, $1  }
0x110: {  	_ =	sdelay $0x3  }
.LBB2_2:
0x111: {  	[tilespmem:s31], [sflag:$0x1] =	stream.linear.gather [hbm4b:s29+s28], $0x50, $0x38;
	[tilespmem:$0x1E400] =	vst v63  }
0x112: {  	_ = 	snop  }
0x113: {  	[tilespmem:s2], [sflag:$0x5] =	stream.linear.gather [hbm4b:s15+s28], $0x50, $0x38;
	[tilespmem:$0x1E400] =	vst v63  }
0x114: {  	s0 =	rddreg [dreg:$0x7];
	s6 =	simm.s32 $0xA080  }
0x115: {  	[tilespmem:s6], [sflag:$0x2] =	stream.linear.gather [hbm4b:s0+s28], $0x50, $0x38;
	[tilespmem:$0x1E400] =	vst v63  }
0x116: {  	s7 =	simm.s32 $0xA280;
	s6 =	rddreg [dreg:$0x8]  }
0x117: {  	[tilespmem:s7], [sflag:$0x6] =	stream.linear.gather [hbm4b:s6+s28], $0x50, $0x38;
	[tilespmem:$0x1E400] =	vst v63  }
0x118: {  	s11 =	rddreg [dreg:$0x9];
	s13 =	simm.s32 $0xA100  }
0x119: {  	[tilespmem:s13], [sflag:$0x3] =	stream.linear.gather [hbm4b:s11+s28], $0x50, $0x38;
	[tilespmem:$0x1E400] =	vst v63  }
0x11a: {  	s6 =	rddreg [dreg:$0xa];
	s7 =	simm.s32 $0xA300  }
0x11b: {  	[tilespmem:s7], [sflag:$0x7] =	stream.linear.gather [hbm4b:s6+s28], $0x50, $0x38;
	[tilespmem:$0x1E400] =	vst v63  }
0x11c: {  	s13 =	rddreg [dreg:$0xb];
	s7 =	smov.u32 s15;
	s15 =	simm.s32 $0xA180  }
0x11d: {  	[tilespmem:s15], [sflag:$0x4] =	stream.linear.gather [hbm4b:s13+s28], $0x50, $0x38;
	[tilespmem:$0x1E400] =	vst v63  }
0x11e: {  	s6 =	rddreg [dreg:$0xc];
	s13 =	simm.s32 $0xA380  }
0x11f: {  	[tilespmem:s13], [sflag:$0x8] =	stream.linear.gather [hbm4b:s6+s28], $0x50, $0x38;
	[tilespmem:$0x1E400] =	vst v63  }
0x120: {  	_ =	swait.ge [sflag:s8], $0x50  }
0x121: {  	[sflag:s8] =	ssyncset.done $0x0  }
0x122: {  	[sflag:s8] =	ssyncadd.s32 $0xFFFFFFB0  }
0x123: {  	[tilespmem:s28], [sflag:$0x9] =	stream.indirect.gather [hbm4b:s20+s9], $0x80, s31, s9, $0xb8;
	[tilespmem:$0x1E400] =	vst v63  }
0x124: {  	_ =	swait.ge [sflag:s10], $0x50  }
0x125: {  	[sflag:s10] =	ssyncset.done $0x0  }
0x126: {  	s30 =	simm.s32 $0xA080;
	s13 =	simm.s32 $0x2800;
	[sflag:s10] =	ssyncadd.s32 $0xFFFFFFB0  }
0x127: {  	[tilespmem:s13], [sflag:$0xA] =	stream.indirect.gather [hbm4b:s20+s9], $0x80, s30, s9, $0xb8;
	[tilespmem:$0x1E400] =	vst v63  }
0x128: {  	_ =	swait.ge [sflag:s12], $0x50  }
0x129: {  	[sflag:s12] =	ssyncset.done $0x0  }
0x12a: {  	s11 =	simm.s32 $0xA100;
	s6 =	simm.s32 $0x5000;
	[sflag:s12] =	ssyncadd.s32 $0xFFFFFFB0  }
0x12b: {  	[tilespmem:s6], [sflag:$0xB] =	stream.indirect.gather [hbm4b:s20+s9], $0x80, s11, s9, $0xb8;
	[tilespmem:$0x1E400] =	vst v63  }
0x12c: {  	_ =	swait.ge [sflag:s14], $0x50  }
0x12d: {  	[sflag:s14] =	ssyncset.done $0x0  }
0x12e: {  	s30 =	simm.s32 $0x7800;
	[sflag:s14] =	ssyncadd.s32 $0xFFFFFFB0  }
0x12f: {  	[tilespmem:s30], [sflag:$0xC] =	stream.indirect.gather [hbm4b:s20+s9], $0x80, s15, s9, $0xb8;
	[tilespmem:$0x1E400] =	vst v63  }
0x130: {  	_ =	swait.ge [sflag:s16], $0x2800  }
0x131: {  	[sflag:s16] =	ssyncset.done $0x0  }
0x132: {  	[sflag:s16] =	ssyncadd.s32 $0xFFFFD800  }
0x133: {  	_ =	swait.ge [sflag:s17], $0x50  }
0x134: {  	[sflag:s17] =	ssyncset.done $0x0  }
0x135: {  	[sflag:s17] =	ssyncadd.s32 $0xFFFFFFB0  }
0x136: {  	[spmem:s1] =	stream.indirect.scatter.add.f32 [tilespmem:s28], [sflag:$0xD], $0x80, s2, s9, $0xb8;
	[tilespmem:$0x1E400] =	vst v63  }
0x137: {  	_ =	swait.ge [sflag:s18], $0x2800  }
0x138: {  	[sflag:s18] =	ssyncset.done $0x0  }
0x139: {  	[sflag:s18] =	ssyncadd.s32 $0xFFFFD800  }
0x13a: {  	_ =	swait.ge [sflag:s19], $0x50  }
0x13b: {  	[sflag:s19] =	ssyncset.done $0x0  }
0x13c: {  	s6 =	simm.s32 $0xA280;
	[sflag:s19] =	ssyncadd.s32 $0xFFFFFFB0  }
0x13d: {  	[spmem:s1] =	stream.indirect.scatter.add.f32 [tilespmem:s13], [sflag:$0xE], $0x80, s6, s9, $0xb8;
	[tilespmem:$0x1E400] =	vst v63  }
0x13e: {  	_ =	swait.ge [sflag:s21], $0x2800  }
0x13f: {  	[sflag:s21] =	ssyncset.done $0x0  }
0x140: {  	[sflag:s21] =	ssyncadd.s32 $0xFFFFD800  }
0x141: {  	_ =	swait.ge [sflag:s22], $0x50  }
0x142: {  	[sflag:s22] =	ssyncset.done $0x0  }
0x143: {  	s0 =	simm.s32 $0xA300;
	s11 =	simm.s32 $0x5000;
	[sflag:s22] =	ssyncadd.s32 $0xFFFFFFB0  }
0x144: {  	[spmem:s1] =	stream.indirect.scatter.add.f32 [tilespmem:s11], [sflag:$0xF], $0x80, s0, s9, $0xb8;
	[tilespmem:$0x1E400] =	vst v63  }
0x145: {  	_ =	swait.ge [sflag:s24], $0x2800  }
0x146: {  	[sflag:s24] =	ssyncset.done $0x0  }
0x147: {  	[sflag:s24] =	ssyncadd.s32 $0xFFFFD800  }
0x148: {  	_ =	swait.ge [sflag:s25], $0x50  }
0x149: {  	[sflag:s25] =	ssyncset.done $0x0  }
0x14a: {  	s11 =	simm.s32 $0xA380;
	[sflag:s25] =	ssyncadd.s32 $0xFFFFFFB0  }
0x14b: {  	[spmem:s1] =	stream.indirect.scatter.add.f32 [tilespmem:s30], [sflag:$0x10], $0x80, s11, s9, $0xb8;
	[tilespmem:$0x1E400] =	vst v63  }
0x14c: {  	_ =	swait.ge [sflag:s23], $0x2800  }
0x14d: {  	s29 =	sadd.s32 $0x0, s29;
	[sflag:s23] =	ssyncset.done $0x0  }
0x14e: {  	s28 =	sadd.s32 $0x28, s29;
	[sflag:s23] =	ssyncadd.s32 $0xFFFFD800;
	s23 =	sadd.s32 $0x0, s7  }
0x14f: {  	[tilespmem:s31], [sflag:$0x1] =	stream.linear.gather [hbm4b:s28+s3], $0x50, $0x38;
	[tilespmem:$0x1E400] =	vst v63  }
0x150: {  	s28 =	sadd.s32 $0x28, s23  }
0x151: {  	[tilespmem:s2], [sflag:$0x5] =	stream.linear.gather [hbm4b:s28+s3], $0x50, $0x38;
	[tilespmem:$0x1E400] =	vst v63  }
0x152: {  	_ =	swait.ge [sflag:s26], $0x2800  }
0x153: {  	[sflag:s26] =	ssyncset.done $0x0  }
0x154: {  	s7 =	simm.s32 $0xA080;
	s28 =	sadd.s32 $0x32, s29;
	[sflag:s26] =	ssyncadd.s32 $0xFFFFD800  }
0x155: {  	[tilespmem:s7], [sflag:$0x2] =	stream.linear.gather [hbm4b:s28+s3], $0x50, $0x38;
	[tilespmem:$0x1E400] =	vst v63  }
0x156: {  	s28 =	sadd.s32 $0x32, s23  }
0x157: {  	[tilespmem:s6], [sflag:$0x6] =	stream.linear.gather [hbm4b:s28+s3], $0x50, $0x38;
	[tilespmem:$0x1E400] =	vst v63  }
0x158: {  	_ =	swait.ge [sflag:s4], $0x2800  }
0x159: {  	s26 =	smov.u32 s23;
	[sflag:s4] =	ssyncset.done $0x0  }
0x15a: {  	s23 =	simm.s32 $0xA100;
	s28 =	sadd.s32 $0x3C, s29;
	[sflag:s4] =	ssyncadd.s32 $0xFFFFD800  }
0x15b: {  	[tilespmem:s23], [sflag:$0x3] =	stream.linear.gather [hbm4b:s28+s3], $0x50, $0x38;
	[tilespmem:$0x1E400] =	vst v63  }
0x15c: {  	s28 =	sadd.s32 $0x3C, s26  }
0x15d: {  	[tilespmem:s0], [sflag:$0x7] =	stream.linear.gather [hbm4b:s28+s3], $0x50, $0x38;
	[tilespmem:$0x1E400] =	vst v63  }
0x15e: {  	_ =	swait.ge [sflag:s5], $0x2800  }
0x15f: {  	[sflag:s5] =	ssyncset.done $0x0  }
0x160: {  	s28 =	sadd.s32 $0x46, s29;
	[sflag:s5] =	ssyncadd.s32 $0xFFFFD800  }
0x161: {  	[tilespmem:s15], [sflag:$0x4] =	stream.linear.gather [hbm4b:s28+s3], $0x50, $0x38;
	[tilespmem:$0x1E400] =	vst v63  }
0x162: {  	s28 =	sadd.s32 $0x46, s26  }
0x163: {  	[tilespmem:s11], [sflag:$0x8] =	stream.linear.gather [hbm4b:s28+s3], $0x50, $0x38;
	[tilespmem:$0x1E400] =	vst v63  }
0x164: {  	_ =	swait.ge [sflag:s8], $0x50  }
0x165: {  	[sflag:s8] =	ssyncset.done $0x0  }
0x166: {  	[sflag:s8] =	ssyncadd.s32 $0xFFFFFFB0  }
0x167: {  	[tilespmem:s3], [sflag:$0x9] =	stream.indirect.gather [hbm4b:s20+s9], $0x80, s31, s9, $0xb8;
	[tilespmem:$0x1E400] =	vst v63  }
0x168: {  	_ =	swait.ge [sflag:s10], $0x50  }
0x169: {  	[sflag:s10] =	ssyncset.done $0x0  }
0x16a: {  	[sflag:s10] =	ssyncadd.s32 $0xFFFFFFB0  }
0x16b: {  	[tilespmem:s13], [sflag:$0xA] =	stream.indirect.gather [hbm4b:s20+s9], $0x80, s7, s9, $0xb8;
	[tilespmem:$0x1E400] =	vst v63  }
0x16c: {  	_ =	swait.ge [sflag:s12], $0x50  }
0x16d: {  	[sflag:s12] =	ssyncset.done $0x0  }
0x16e: {  	s31 =	simm.s32 $0x5000;
	[sflag:s12] =	ssyncadd.s32 $0xFFFFFFB0  }
0x16f: {  	[tilespmem:s31], [sflag:$0xB] =	stream.indirect.gather [hbm4b:s20+s9], $0x80, s23, s9, $0xb8;
	[tilespmem:$0x1E400] =	vst v63  }
0x170: {  	_ =	swait.ge [sflag:s14], $0x50  }
0x171: {  	[sflag:s14] =	ssyncset.done $0x0  }
0x172: {  	[sflag:s14] =	ssyncadd.s32 $0xFFFFFFB0  }
0x173: {  	[tilespmem:s30], [sflag:$0xC] =	stream.indirect.gather [hbm4b:s20+s9], $0x80, s15, s9, $0xb8;
	[tilespmem:$0x1E400] =	vst v63  }
0x174: {  	_ =	swait.ge [sflag:s16], $0x2800  }
0x175: {  	[sflag:s16] =	ssyncset.done $0x0  }
0x176: {  	[sflag:s16] =	ssyncadd.s32 $0xFFFFD800  }
0x177: {  	_ =	swait.ge [sflag:s17], $0x50  }
0x178: {  	[sflag:s17] =	ssyncset.done $0x0  }
0x179: {  	[sflag:s17] =	ssyncadd.s32 $0xFFFFFFB0  }
0x17a: {  	[spmem:s1] =	stream.indirect.scatter.add.f32 [tilespmem:s3], [sflag:$0xD], $0x80, s2, s9, $0xb8;
	[tilespmem:$0x1E400] =	vst v63  }
0x17b: {  	_ =	swait.ge [sflag:s18], $0x2800  }
0x17c: {  	[sflag:s18] =	ssyncset.done $0x0  }
0x17d: {  	[sflag:s18] =	ssyncadd.s32 $0xFFFFD800  }
0x17e: {  	_ =	swait.ge [sflag:s19], $0x50  }
0x17f: {  	[sflag:s19] =	ssyncset.done $0x0  }
0x180: {  	s6 =	simm.s32 $0xA280;
	[sflag:s19] =	ssyncadd.s32 $0xFFFFFFB0  }
0x181: {  	[spmem:s1] =	stream.indirect.scatter.add.f32 [tilespmem:s13], [sflag:$0xE], $0x80, s6, s9, $0xb8;
	[tilespmem:$0x1E400] =	vst v63  }
0x182: {  	_ =	swait.ge [sflag:s21], $0x2800  }
0x183: {  	[sflag:s21] =	ssyncset.done $0x0  }
0x184: {  	[sflag:s21] =	ssyncadd.s32 $0xFFFFD800  }
0x185: {  	s4 =	simm.s32 $0xA300;
	_ =	swait.ge [sflag:s22], $0x50  }
0x186: {  	s0 =	simm.s32 $0x10;
	s26 =	simm.s32 $0xD;
	[sflag:s22] =	ssyncset.done $0x0  }
0x187: {  	s28 =	simm.s32 $0x28;
	s10 =	simm.s32 $0x1;
	[sflag:s22] =	ssyncadd.s32 $0xFFFFFFB0  }
0x188: {  	[spmem:s1] =	stream.indirect.scatter.add.f32 [tilespmem:s31], [sflag:$0xF], $0x80, s4, s9, $0xb8;
	[tilespmem:$0x1E400] =	vst v63  }
0x189: {  	s12 =	simm.s32 $0x2;
	s23 =	simm.s32 $0x8;
	_ =	swait.ge [sflag:s24], $0x2800  }
0x18a: {  	s14 =	simm.s32 $0x3;
	s16 =	simm.s32 $0x4;
	[sflag:s24] =	ssyncset.done $0x0  }
0x18b: {  	s17 =	simm.s32 $0x9;
	s18 =	simm.s32 $0x5;
	[sflag:s24] =	ssyncadd.s32 $0xFFFFD800  }
0x18c: {  	s19 =	simm.s32 $0xA;
	s21 =	simm.s32 $0x6;
	_ =	swait.ge [sflag:s25], $0x50  }
0x18d: {  	s22 =	simm.s32 $0xB;
	s4 =	simm.s32 $0xE;
	[sflag:s25] =	ssyncset.done $0x0  }
0x18e: {  	s24 =	simm.s32 $0x7;
	[sflag:s25] =	ssyncadd.s32 $0xFFFFFFB0;
	s25 =	simm.s32 $0xC  }
.LBB2_3:
0x18f: {  	s7 =	simm.s32 $0xA380  }
0x190: {  	[spmem:s1] =	stream.indirect.scatter.add.f32 [tilespmem:s30], [sflag:$0x10], $0x80, s7, s9, $0xb8;
	[tilespmem:$0x1E400] =	vst v63  }
0x191: {  	_ =	swait.ge [sflag:s26], $0x2800  }
0x192: {  	s29 =	smov.u32 s28;
	s13 =	simm.s32 $0xA000;
	s2 =	rddreg [dreg:$0x5]  }
0x193: {  	[sflag:s26] =	ssyncset.done $0x0;
	s5 =	rddreg [dreg:$0x6];
	s30 =	sadd.s32 s29, s2  }
0x194: {  	[sflag:s26] =	ssyncadd.s32 $0xFFFFD800;
	s29 =	sadd.s32 s29, s5;
	s31 =	sadd.s32 $0x28, s30  }
0x195: {  	[tilespmem:s13], [sflag:$0x1] =	stream.linear.gather [hbm4b:s31+s3], $0x50, $0x38;
	[tilespmem:$0x1E400] =	vst v63  }
0x196: {  	s2 =	simm.s32 $0xA200;
	s31 =	sadd.s32 $0x28, s29  }
0x197: {  	[tilespmem:s2], [sflag:$0x5] =	stream.linear.gather [hbm4b:s31+s3], $0x50, $0x38;
	[tilespmem:$0x1E400] =	vst v63  }
0x198: {  	_ =	swait.ge [sflag:s4], $0x2800  }
0x199: {  	[sflag:s4] =	ssyncset.done $0x0  }
0x19a: {  	s11 =	simm.s32 $0xA080;
	s31 =	sadd.s32 $0x32, s30;
	[sflag:s4] =	ssyncadd.s32 $0xFFFFD800  }
0x19b: {  	[tilespmem:s11], [sflag:$0x2] =	stream.linear.gather [hbm4b:s31+s3], $0x50, $0x38;
	[tilespmem:$0x1E400] =	vst v63  }
0x19c: {  	s6 =	simm.s32 $0xA280;
	s15 =	simm.s32 $0xF;
	s31 =	sadd.s32 $0x32, s29  }
0x19d: {  	[tilespmem:s6], [sflag:$0x6] =	stream.linear.gather [hbm4b:s31+s3], $0x50, $0x38;
	[tilespmem:$0x1E400] =	vst v63  }
0x19e: {  	_ =	swait.ge [sflag:s15], $0x2800  }
0x19f: {  	[sflag:s15] =	ssyncset.done $0x0  }
0x1a0: {  	s8 =	simm.s32 $0xA100;
	s31 =	sadd.s32 $0x3C, s30;
	[sflag:s15] =	ssyncadd.s32 $0xFFFFD800  }
0x1a1: {  	[tilespmem:s8], [sflag:$0x3] =	stream.linear.gather [hbm4b:s31+s3], $0x50, $0x38;
	[tilespmem:$0x1E400] =	vst v63  }
0x1a2: {  	s13 =	simm.s32 $0xA300;
	s31 =	sadd.s32 $0x3C, s29  }
0x1a3: {  	[tilespmem:s13], [sflag:$0x7] =	stream.linear.gather [hbm4b:s31+s3], $0x50, $0x38;
	[tilespmem:$0x1E400] =	vst v63  }
0x1a4: {  	_ =	swait.ge [sflag:s0], $0x2800  }
0x1a5: {  	[sflag:s0] =	ssyncset.done $0x0  }
0x1a6: {  	s5 =	simm.s32 $0xA180;
	s30 =	sadd.s32 $0x46, s30;
	[sflag:s0] =	ssyncadd.s32 $0xFFFFD800  }
0x1a7: {  	[tilespmem:s5], [sflag:$0x4] =	stream.linear.gather [hbm4b:s30+s3], $0x50, $0x38;
	[tilespmem:$0x1E400] =	vst v63  }
0x1a8: {  	s29 =	sadd.s32 $0x46, s29  }
0x1a9: {  	[tilespmem:s7], [sflag:$0x8] =	stream.linear.gather [hbm4b:s29+s3], $0x50, $0x38;
	[tilespmem:$0x1E400] =	vst v63  }
0x1aa: {  	_ =	swait.ge [sflag:s10], $0x50  }
0x1ab: {  	[sflag:s10] =	ssyncset.done $0x0  }
0x1ac: {  	s31 =	simm.s32 $0xA000;
	[sflag:s10] =	ssyncadd.s32 $0xFFFFFFB0  }
0x1ad: {  	[tilespmem:s3], [sflag:$0x9] =	stream.indirect.gather [hbm4b:s20+s9], $0x80, s31, s9, $0xb8;
	[tilespmem:$0x1E400] =	vst v63  }
0x1ae: {  	_ =	swait.ge [sflag:s12], $0x50  }
0x1af: {  	[sflag:s12] =	ssyncset.done $0x0  }
0x1b0: {  	s7 =	simm.s32 $0x2800;
	[sflag:s12] =	ssyncadd.s32 $0xFFFFFFB0  }
0x1b1: {  	[tilespmem:s7], [sflag:$0xA] =	stream.indirect.gather [hbm4b:s20+s9], $0x80, s11, s9, $0xb8;
	[tilespmem:$0x1E400] =	vst v63  }
0x1b2: {  	_ =	swait.ge [sflag:s14], $0x50  }
0x1b3: {  	[sflag:s14] =	ssyncset.done $0x0  }
0x1b4: {  	s29 =	simm.s32 $0x5000;
	[sflag:s14] =	ssyncadd.s32 $0xFFFFFFB0  }
0x1b5: {  	[tilespmem:s29], [sflag:$0xB] =	stream.indirect.gather [hbm4b:s20+s9], $0x80, s8, s9, $0xb8;
	[tilespmem:$0x1E400] =	vst v63  }
0x1b6: {  	_ =	swait.ge [sflag:s16], $0x50  }
0x1b7: {  	[sflag:s16] =	ssyncset.done $0x0  }
0x1b8: {  	s30 =	simm.s32 $0x7800;
	[sflag:s16] =	ssyncadd.s32 $0xFFFFFFB0  }
0x1b9: {  	[tilespmem:s30], [sflag:$0xC] =	stream.indirect.gather [hbm4b:s20+s9], $0x80, s5, s9, $0xb8;
	[tilespmem:$0x1E400] =	vst v63  }
0x1ba: {  	_ =	swait.ge [sflag:s17], $0x2800  }
0x1bb: {  	[sflag:s17] =	ssyncset.done $0x0  }
0x1bc: {  	[sflag:s17] =	ssyncadd.s32 $0xFFFFD800  }
0x1bd: {  	_ =	swait.ge [sflag:s18], $0x50  }
0x1be: {  	[sflag:s18] =	ssyncset.done $0x0  }
0x1bf: {  	[sflag:s18] =	ssyncadd.s32 $0xFFFFFFB0  }
0x1c0: {  	[spmem:s1] =	stream.indirect.scatter.add.f32 [tilespmem:s3], [sflag:$0xD], $0x80, s2, s9, $0xb8;
	[tilespmem:$0x1E400] =	vst v63  }
0x1c1: {  	_ =	swait.ge [sflag:s19], $0x2800  }
0x1c2: {  	[sflag:s19] =	ssyncset.done $0x0  }
0x1c3: {  	[sflag:s19] =	ssyncadd.s32 $0xFFFFD800  }
0x1c4: {  	_ =	swait.ge [sflag:s21], $0x50  }
0x1c5: {  	[sflag:s21] =	ssyncset.done $0x0  }
0x1c6: {  	[sflag:s21] =	ssyncadd.s32 $0xFFFFFFB0  }
0x1c7: {  	[spmem:s1] =	stream.indirect.scatter.add.f32 [tilespmem:s7], [sflag:$0xE], $0x80, s6, s9, $0xb8;
	[tilespmem:$0x1E400] =	vst v63  }
0x1c8: {  	_ =	swait.ge [sflag:s22], $0x2800  }
0x1c9: {  	[sflag:s22] =	ssyncset.done $0x0  }
0x1ca: {  	[sflag:s22] =	ssyncadd.s32 $0xFFFFD800  }
0x1cb: {  	_ =	swait.ge [sflag:s24], $0x50  }
0x1cc: {  	[sflag:s24] =	ssyncset.done $0x0  }
0x1cd: {  	[sflag:s24] =	ssyncadd.s32 $0xFFFFFFB0  }
0x1ce: {  	[spmem:s1] =	stream.indirect.scatter.add.f32 [tilespmem:s29], [sflag:$0xF], $0x80, s13, s9, $0xb8;
	[tilespmem:$0x1E400] =	vst v63  }
0x1cf: {  	p1 =	seq.s32 s28, $0x5F0;
	_ =	swait.ge [sflag:s25], $0x2800  }
.Ltmp5:
0x1d0: {  	[sflag:s25] =	ssyncset.done $0x0;
	(pc) =	sbr.rel @!p1 .LBB2_3-.Ltmp5, $4  }
0x1d1: {  	[sflag:s25] =	ssyncadd.s32 $0xFFFFD800  }
0x1d2: {  	_ =	swait.ge [sflag:s23], $0x50  }
0x1d3: {  	[sflag:s23] =	ssyncset.done $0x0  }
0x1d4: {  	s28 =	sadd.s32 $0x28, s28;
	s15 =	simm.s32 $0xA380;
	[sflag:s23] =	ssyncadd.s32 $0xFFFFFFB0  }
0x1d5: {  	[spmem:s1] =	stream.indirect.scatter.add.f32 [tilespmem:s30], [sflag:$0x10], $0x80, s15, s9, $0xb8;
	[tilespmem:$0x1E400] =	vst v63  }
0x1d6: {  	s15 =	rddreg [dreg:$0x6]  }
0x1d7: {  	s30 =	simm.s32 $0x11;
	s6 =	rddreg [dreg:$0x1a]  }
0x1d8: {  	s29 =	rddreg [dreg:$0x5];
	s8 =	simm.s32 $0x1;
	s10 =	simm.s32 $0x2  }
.Ltmp6:
0x1d9: {  	s12 =	simm.s32 $0x3;
	s14 =	simm.s32 $0x4;
	(pc) =	sbr.rel .LBB2_8-.Ltmp6, $4  }
0x1da: {  	s16 =	simm.s32 $0x9;
	s17 =	simm.s32 $0x5;
	s18 =	simm.s32 $0xA  }
0x1db: {  	s19 =	simm.s32 $0x6;
	s21 =	simm.s32 $0xB;
	s22 =	simm.s32 $0x7  }
0x1dc: {  	s24 =	simm.s32 $0xC;
	s25 =	simm.s32 $0x8;
	s23 =	simm.s32 $0xD  }
0x1dd: {  	s26 =	simm.s32 $0xE;
	s4 =	simm.s32 $0xF;
	s5 =	simm.s32 $0x10  }
.LBB2_9:
0x1de: {  	_ =	sfence.sel $0x180000  }
0x1df: {  	[bflag:$0x0] =	sbarrier.arrive $0xFFFF  }
0x1e0: {  	_ =	strace $0x9000004A  }
0x1e1: {  	s0 =	stileid.u32;
	[bflag:$0x2] =	sbarrier.arrive $0xFFFF  }
0x1e2: {  	p0 =	sne.s32 s0, $0x0;
	s0 =	rddreg [dreg:$0x2]  }
0x1e3: {  	s0 =	sadd.s32 @!p0 $0x100000, s0  }
0x1e4: {  	[sflag:s0] =	ssyncadd.tile.s32 @!p0 $0x1;
	_ =	shalt  }
.Lfunc_end2:
_tile_overlayer_lowered:
.L_overlay_start_2:
0x1e5: {  	(tag) =	ssettag $0x2  }
0x1e6: {  	s0 =	rddreg [dreg:$0x0];
	s2 =	stileid.u32  }
0x1e7: {  	s1 =	rddreg [dreg:$0x1];
	p0 =	sne.s32 s2, $0x0  }
0x1e8: {  	s3 =	rddreg [dreg:$0x2];
	[bflag:$0x3] =	sbarrier.arrive $0xFFFF;
	s2 =	simm.s32 @!p0 $0x1C11  }
0x1e9: {  	[timem:s3], [sflag:s2] =	dma.local @!p0 [hbm:s0], s1  }
0x1ea: {  	s0 =	simm.s32 @!p0 $0x11  }
0x1eb: {  	_ =	swait.ge @!p0 [sflag:s0], s1  }
0x1ec: {  	s1 =	ssub.s32 @!p0 $0x0, s1;
	[sflag:s0] =	ssyncset.done @!p0 $0x0  }
0x1ed: {  	[sflag:s0] =	ssyncadd.s32 @!p0 s1  }
0x1ee: {  	[bflag:$0x3] =	sbarrier.arrive $0xFFFF  }
0x1ef: {  	_ =	shalt  }

// kernel: kernel.14.cloned.1.call-start
scs
__scs_entry_jumppad:
0x0: {  	(pc) =	sbr.rel $0x88, $3  }
0x1: {  	(tag) =	ssettag $0x0;
	lr =	simm.s32 $0x1  }
0x2: {  	[smem:$0x3F97] =	sst lr;
	_ =	strace $0xD0000000  }
0x3: {  	_ = 	snop  }
0x4: {  	_ = 	snop  }
0x5: {  	_ = 	snop  }
0x6: {  	_ = 	snop  }
0x7: {  	_ = 	snop  }
__scs_overlays_trampoline_lowered:
0x8: {  	[smem:$0x3FA6] =	sst s0  }
0x9: {  	[smem:$0x3FA7] =	sst s1  }
0xa: {  	[smem:$0x3FA8] =	sst s2  }
0xb: {  	[smem:$0x3FA9] =	sst s3  }
0xc: {  	[smem:$0x3FAA] =	sst s4  }
0xd: {  	[smem:$0x3FAB] =	sst s5  }
0xe: {  	[smem:$0x3FAC] =	sst s6  }
0xf: {  	[smem:$0x3FAD] =	sst s7  }
0x10: {  	[smem:$0x3FAE] =	sst s8  }
0x11: {  	[smem:$0x3FAF] =	sst s9;
	s0 =	simm.s32 @!p0 $0x0  }
0x12: {  	s1 =	sld [smem:$0x3F95];
	s0 =	simm.s32 @p0 $0x1  }
0x13: {  	[smem:$0x3FB0] =	sst s0;
	s0 =	simm.s32 @!p1 $0x0  }
0x14: {  	s2 =	sld [smem:$0x3F94];
	s0 =	simm.s32 @p1 $0x1  }
0x15: {  	[smem:$0x3FB1] =	sst s0;
	s0 =	simm.s32 @!p2 $0x0  }
0x16: {  	s3 =	sld [smem:$0x3FDB];
	s0 =	simm.s32 @p2 $0x1  }
0x17: {  	s4 =	simm.s32 $0x1BF5;
	[smem:$0x3FB3] =	sst s0  }
0x18: {  	s0 =	sld [smem:$0x3F96];
	_ =	swait.ge [sflag:s4], $0x0  }
0x19: {  	s7 =	sld [smem:$0x3F97]  }
0x1a: {  	s8 =	sadd.s32 $0xFFFFE003, lr  }
0x1b: {  	s9 =	sadd.s32 $0xFFFFFEF7, lr;
	s5 =	simm.s32 $0xFFFFFFFF;
	p2 =	slt.u32 s8, $0xFFFFF086  }
0x1c: {  	p1 =	slt.u32 s9, $0xF7A;
	s5 =	simm.s32 @!p2 $0x0  }
0x1d: {  	s5 =	simm.s32 @p1 $0x1;
	p0 =	seq.s32 s7, s2  }
0x1e: {  	s7 =	smul.u32 @!p0 $0xF7A, s2;
	p2 =	seq.s32 @!p0 s5, $0x0  }
0x1f: {  	s9 =	smul.u32 $0xF7A, s1;
	s8 =	simm.s32 @!p0 $0x1BF5;
	p2 =	por !p2, p0  }
0x20: {  	[sflag:s8] =	ssyncset.s32 @!p0 $0xFFFFF086;
	s6 =	sadd.s32 @!p0 s3, s7;
	s7 =	simm.s32 @!p0 $0x108  }
0x21: {  	s3 =	sadd.s32 s3, s9;
	s6 =	sadd.s32 @!p0 $0x88, s6;
	s7 =	simm.s32 @p2 $0x1082  }
0x22: {  	[simem:s7], [sflag:s8] =	dma.local @!p0 [hbm:s6], $0xF7A  }
0x23: {  	s9 =	sor.u32 $0xD0000000, s2;
	s6 =	simm.s32 $0x108;
	_ =	swait.ge @!p0 [sflag:s8], $0x0  }
0x24: {  	s3 =	sadd.s32 $0x88, s3;
	s6 =	simm.s32 @!p1 $0x1082;
	[sflag:s4] =	ssyncset.s32 $0xFFFFF086  }
0x25: {  	[simem:s6], [sflag:s4] =	dma.local [hbm:s3], $0xF7A  }
0x26: {  	[smem:$0x3F97] =	sst s1;
	(tag) =	ssettag s2;
	_ =	strace s9  }
0x27: {  	s1 =	sld [smem:$0x3FA7]  }
0x28: {  	s2 =	sld [smem:$0x3FA8]  }
0x29: {  	s4 =	sld [smem:$0x3FAA]  }
0x2a: {  	p0 =	seq.s32 s5, $0x0;
	s5 =	sld [smem:$0x3FAB]  }
0x2b: {  	s6 =	sld [smem:$0x3FAC]  }
0x2c: {  	s7 =	sld [smem:$0x3FAD]  }
0x2d: {  	s3 =	simm.s32 $0x108;
	s8 =	sld [smem:$0x3FAE]  }
0x2e: {  	s3 =	simm.s32 @!p0 $0x1082;
	s9 =	sld [smem:$0x3FAF]  }
0x2f: {  	lr =	sadd.s32 s0, s3;
	s0 =	sld [smem:$0x3FA6]  }
0x30: {  	s3 =	sld [smem:$0x3FA9]  }
0x31: {  	[smem:$0x3FB2] =	sst s10  }
0x32: {  	s10 =	sld [smem:$0x3FB0];
	_ =	sdelay $0x3  }
0x33: {  	p0 =	seq.s32 s10, $0x1;
	s10 =	sld [smem:$0x3FB2];
	_ =	sdelay $0x3  }
0x34: {  	[smem:$0x3FB2] =	sst s10  }
0x35: {  	s10 =	sld [smem:$0x3FB1];
	_ =	sdelay $0x3  }
0x36: {  	p1 =	seq.s32 s10, $0x1;
	s10 =	sld [smem:$0x3FB2];
	_ =	sdelay $0x3  }
0x37: {  	[smem:$0x3FB2] =	sst s10  }
0x38: {  	s10 =	sld [smem:$0x3FB3]  }
0x39: {  	_ = 	snop;
	(pc) =	sbr.ind lr, $3  }
0x3a: {  	_ = 	snop  }
0x3b: {  	_ = 	snop  }
0x3c: {  	p2 =	seq.s32 s10, $0x1;
	s10 =	sld [smem:$0x3FB2]  }
0x3d: {  	_ =	shalt  }
0x3e: {  	_ =	shalt  }
0x3f: {  	_ =	shalt  }
0x40: {  	_ =	shalt  }
0x41: {  	_ =	shalt  }
0x42: {  	_ =	shalt  }
0x43: {  	_ =	shalt  }
0x44: {  	_ =	shalt  }
0x45: {  	_ =	shalt  }
0x46: {  	_ =	shalt  }
0x47: {  	_ =	shalt  }
0x48: {  	_ =	shalt  }
0x49: {  	_ =	shalt  }
0x4a: {  	_ =	shalt  }
0x4b: {  	_ =	shalt  }
0x4c: {  	_ =	shalt  }
0x4d: {  	_ =	shalt  }
0x4e: {  	_ =	shalt  }
0x4f: {  	_ =	shalt  }
0x50: {  	_ =	shalt  }
0x51: {  	_ =	shalt  }
0x52: {  	_ =	shalt  }
0x53: {  	_ =	shalt  }
0x54: {  	_ =	shalt  }
0x55: {  	_ =	shalt  }
0x56: {  	_ =	shalt  }
0x57: {  	_ =	shalt  }
0x58: {  	_ =	shalt  }
0x59: {  	_ =	shalt  }
0x5a: {  	_ =	shalt  }
0x5b: {  	_ =	shalt  }
0x5c: {  	_ =	shalt  }
0x5d: {  	_ =	shalt  }
0x5e: {  	_ =	shalt  }
0x5f: {  	_ =	shalt  }
0x60: {  	_ =	shalt  }
0x61: {  	_ =	shalt  }
0x62: {  	_ =	shalt  }
0x63: {  	_ =	shalt  }
0x64: {  	_ =	shalt  }
0x65: {  	_ =	shalt  }
0x66: {  	_ =	shalt  }
0x67: {  	_ =	shalt  }
0x68: {  	_ =	shalt  }
0x69: {  	_ =	shalt  }
0x6a: {  	_ =	shalt  }
0x6b: {  	_ =	shalt  }
0x6c: {  	_ =	shalt  }
0x6d: {  	_ =	shalt  }
0x6e: {  	_ =	shalt  }
0x6f: {  	_ =	shalt  }
0x70: {  	_ =	shalt  }
0x71: {  	_ =	shalt  }
0x72: {  	_ =	shalt  }
0x73: {  	_ =	shalt  }
0x74: {  	_ =	shalt  }
0x75: {  	_ =	shalt  }
0x76: {  	_ =	shalt  }
0x77: {  	_ =	shalt  }
0x78: {  	_ =	shalt  }
0x79: {  	_ =	shalt  }
0x7a: {  	_ =	shalt  }
0x7b: {  	_ =	shalt  }
0x7c: {  	_ =	shalt  }
0x7d: {  	_ =	shalt  }
0x7e: {  	_ =	shalt  }
0x7f: {  	_ =	shalt  }
0x80: {  	_ =	shalt  }
0x81: {  	_ =	shalt  }
0x82: {  	_ =	shalt  }
0x83: {  	_ =	shalt  }
0x84: {  	_ =	shalt  }
0x85: {  	_ =	shalt  }
0x86: {  	_ =	shalt  }
0x87: {  	_ =	shalt  }
.Lfunc_end0:
.L_simem_size_0:
called_computation.2_lowered:
.L_overlay_start_0:
0x88: {  	s2 =	sld [smem:$0x3FD9]  }
0x89: {  	s3 =	sld [smem:$0x3FFE];
	_ =	sdelay $0x1  }
0x8a: {  	s1 =	srdreg.scid  }
0x8b: {  	s0 =	sand.u32 $0x1, s1  }
0x8c: {  	s16 =	sshll.u32 s0, $0xA;
	s2 =	sadd.s32 s3, s2  }
0x8d: {  	s2 =	sadd.s32 s2, s16  }
0x8e: {  	[smem:$0x3FBE] =	sst s2  }
0x8f: {  	_ = 	snop  }
0x90: {  	(tm) =	ssettm $0x1  }
0x91: {  	s17 =	sld [smem:$0x3FFB];
	_ =	sdelay $0x3  }
0x92: {  	_ =	strace s17  }
0x93: {  	s2 =	sld [smem:$0x3FFC];
	_ =	sdelay $0x3  }
0x94: {  	_ =	strace s2  }
0x95: {  	s2 =	sld [smem:$0x3FFD];
	_ =	sdelay $0x3  }
0x96: {  	_ =	strace s2  }
0x97: {  	_ =	strace $0x8FFFFFFF  }
0x98: {  	s18 =	sld [smem:$0x3FDB];
	_ =	sdelay $0x1  }
0x99: {  	s19 =	simm.s32 $_scs_section_size  }
0x9a: {  	s4 =	simm.s32 $_size__tile_overlayer_lowered;
	s5 =	simm.s32 $_tile_overlayer_lowered  }
0x9b: {  	s22 =	simm.s32 $0x1BFF;
	s21 =	sshll.u32 s5, $0x1;
	s2 =	sadd.s32 s19, s18  }
0x9c: {  	s6 =	simm.s32 $0x0;
	s20 =	sshll.u32 s4, $0x1;
	s4 =	sadd.s32 s21, s2  }
0x9d: {  	[timem:s6], [sflag:s22] =	dma.local [hbm:s4], s20  }
0x9e: {  	_ =	swait.ge [sflag:s22], s20  }
0x9f: {  	s3 =	ssub.s32 $0x0, s20;
	[sflag:s22] =	ssyncset.done $0x0  }
0xa0: {  	[sflag:s22] =	ssyncadd.s32 s3;
	_ =	sdelay $0x1  }
0xa1: {  	s23 =	simm.s32 $0x1B8B  }
0xa2: {  	_ =	swait.ge [sflag:s23], $0x1  }
0xa3: {  	[sflag:s23] =	ssyncset.done $0x0  }
0xa4: {  	s25 =	simm.s32 $0x1B8E;
	s24 =	sld [smem:$0x3FFE];
	[sflag:s23] =	ssyncadd.s32 $0xFFFFFFFF  }
0xa5: {  	s26 =	simm.s32 $execute0_lowered;
	[smem:$0x3FD2] =	sst s25  }
0xa6: {  	s4 =	sshll.u32 s26, $0x1;
	_ =	strace $0x8000004C;
	[dreg:$0x1] =	wrdreg $0xFFFFFFFF  }
0xa7: {  	s28 =	simm.s32 $_size_execute0_lowered;
	s2 =	sadd.s32 s2, s4;
	[dreg:$0x0] =	wrdreg $0x0  }
0xa8: {  	s4 =	sshll.u32 s28, $0x1;
	[dreg:$0x2] =	wrdreg s2  }
0xa9: {  	[dreg:$0x3] =	wrdreg s4  }
0xaa: {  	[dreg:$0x4] =	wrdreg $0xC0  }
0xab: {  	_ =	task [dreg:s6], $0x5FFFF  }
0xac: {  	[dreg:$0x1] =	wrdreg $0xFFFFFFFF  }
0xad: {  	[dreg:$0x0] =	wrdreg $0x60  }
0xae: {  	[dreg:$0x2] =	wrdreg s24  }
0xaf: {  	[dreg:$0x3] =	wrdreg $0xA4000  }
0xb0: {  	[dreg:$0x4] =	wrdreg $0x9  }
0xb1: {  	_ =	task.clear_ibuf [dreg:s6], $0x5FFFF;
	_ =	strace $0x9000004C  }
0xb2: {  	s29 =	simm.s32 $0x9;
	_ =	strace $0x8000004E  }
0xb3: {  	_ =	swait.ge [sflag:s29], $0x1  }
0xb4: {  	[sflag:s29] =	ssyncadd.s32 $0xFFFFFFFF  }
0xb5: {  	_ =	strace $0x9000004E  }
0xb6: {  	_ =	sfence  }
0xb7: {  	s30 =	sld [smem:$0x0];
	_ =	sdelay $0x2  }
0xb8: {  	s31 =	sshll.u32 s1, $0xD;
	s1 =	sshrl.u32 s1, $0x2  }
0xb9: {  	s3 =	sand.u32 $0x4000, s31;
	s1 =	sadd.s32 s1, s30  }
0xba: {  	s0 =	sor.u32 s3, s0;
	s1 =	sshll.u32 s1, $0x11  }
0xbb: {  	s0 =	sor.u32 s1, s0  }
0xbc: {  	s0 =	sadd.s32 $0x8F2B, s0  }
0xbd: {  	[sflag:s0] =	ssyncadd.remote.s32 $0x1  }
0xbe: {  	_ =	sfence.sel $0xFFFF  }
0xbf: {  	[dreg:$0x0] =	wrdreg $0xFFFFFFFF;
	(pc) =	sbr.abs _section_cstart, $3  }
0xc0: {  	[dreg:$0x1] =	wrdreg $0xFFFFFFFF  }
0xc1: {  	_ =	task.clear_ibuf [dreg:s6], $0x2FFFF;
	_ =	strace $0x9FFFFFFF  }
0xc2: {  	(tm) =	ssettm $0x7FFFFFFF  }
0xc3: {  	_ =	shalt  }
tec
execute0_lowered:
.L_overlay_start_1:
0x0: {  	(tag) =	ssettag $0x1  }
0x1: {  	s0 =	rddreg [dreg:$0x0]  }
0x2: {  	s1 =	rddreg [dreg:$0x1];
	s12 =	stileid.u32  }
0x3: {  	s3 =	simm.s32 $0x0;
	s2 =	srdreg.scid;
	s5 =	smul.u32 $0x14000, s12  }
0x4: {  	s30 =	simm.s32 $0x11;
	s31 =	simm.s32 $0xA000;
	s9 =	smul.u32 $0x640, s12  }
0x5: {  	[smem:$0x7FF] =	sst s3;
	s2 =	sand.u32 $0x1, s2;
	s22 =	smul.u32 $0x1E00, s12  }
0x6: {  	s7 =	sadd.s32 $0x60A00, s0;
	s10 =	sadd.s32 $0x3A00, s0;
	s23 =	smul.u32 $0x3C0, s12  }
0x7: {  	s4 =	smul.u32 $0x140000, s2;
	_ =	strace $0x8000004D;
	s6 =	ssub.s32 $0x2, s2  }
0x8: {  	p0 =	seq.s32 s2, $0x1;
	s8 =	sshrl.u32 s6, $0x1;
	s19 =	sor.u32 $0xA, s9  }
0x9: {  	s29 =	sadd.s32 s7, s9;
	s25 =	sshrl.u32 s22, $0x3;
	s22 =	sadd.s32 s23, s7  }
0xa: {  	s15 =	sadd.s32 s10, s9;
	s21 =	sor.u32 $0x14, s9;
	[dreg:$0x4] =	wrdreg s22  }
0xb: {  	s9 =	sor.u32 $0x1E, s9;
	s4 =	sadd.s32 s5, s4;
	[dreg:$0x5] =	wrdreg s29  }
0xc: {  	s5 =	ssub.s32 s6, s8;
	s20 =	sadd.s32 s7, s19;
	[dreg:$0x6] =	wrdreg s15  }
0xd: {  	s6 =	smul.u32 $0x50000, s12;
	s2 =	sadd.s32 s10, s19;
	[dreg:$0x7] =	wrdreg s20  }
0xe: {  	s11 =	sadd.s32 s7, s21;
	s24 =	sadd.s32 s7, s9;
	[dreg:$0x8] =	wrdreg s2  }
0xf: {  	s26 =	sadd.s32 s10, s9;
	s9 =	sadd.s32 $0x6400, s23;
	[dreg:$0x9] =	wrdreg s11  }
0x10: {  	s13 =	sadd.s32 $0x640A, s25;
	s18 =	sadd.s32 $0x6414, s25;
	[dreg:$0xb] =	wrdreg s24  }
0x11: {  	s19 =	sadd.s32 s23, s10;
	s22 =	simm.s32 $0x7;
	[dreg:$0xc] =	wrdreg s26  }
0x12: {  	s2 =	sadd.s32 s10, s21;
	s14 =	sadd.s32 s7, s9;
	[dreg:$0x3] =	wrdreg s19  }
0x13: {  	s8 =	sadd.s32 s10, s9;
	s16 =	sadd.s32 s7, s13;
	[dreg:$0xa] =	wrdreg s2  }
0x14: {  	s17 =	sadd.s32 s10, s13;
	s20 =	sadd.s32 s7, s18;
	[dreg:$0xd] =	wrdreg s14  }
0x15: {  	s4 =	sshrl.u32 s4, $0x3;
	s24 =	sshll.u32 s12, $0x6;
	[dreg:$0xe] =	wrdreg s8  }
0x16: {  	s26 =	smax.u32 s5, $0x1;
	s9 =	simm.s32 $0x50;
	[dreg:$0xf] =	wrdreg s16  }
0x17: {  	s12 =	simm.s32 $0x3;
	s19 =	simm.s32 $0x6;
	[dreg:$0x10] =	wrdreg s17  }
0x18: {  	s5 =	simm.s32 $0x10;
	[dreg:$0x11] =	wrdreg s20;
	s2 =	sadd.s32 $0x641E, s25  }
0x19: {  	s8 =	sadd.s32 s10, s18;
	s20 =	sadd.s32 $0x10200, s0;
	s4 =	sadd.s32 s4, s0  }
0x1a: {  	s0 =	sadd.s32 $0xDA00, s0;
	s23 =	sshrl.u32 s6, $0x2;
	s28 =	sor.u32 $0x1C11, s24  }
0x1b: {  	[dreg:$0x19] =	wrdreg s26;
	s14 =	simm.s32 $0x4;
	s16 =	simm.s32 $0x9  }
0x1c: {  	s17 =	simm.s32 $0x5;
	s18 =	simm.s32 $0xA;
	[dreg:$0x12] =	wrdreg s8  }
0x1d: {  	s24 =	simm.s32 $0xC;
	s26 =	simm.s32 $0xE;
	[dreg:$0x15] =	wrdreg s0  }
0x1e: {  	s6 =	simm.s32 $0x0;
	s21 =	sadd.s32 s10, s2;
	[dreg:$0x17] =	wrdreg s28  }
.Ltmp0:
0x1f: {  	s2 =	sadd.s32 s7, s2;
	[dreg:$0x13] =	wrdreg s21;
	(pc) =	sbr.rel .LBB2_1-.Ltmp0, $4  }
0x20: {  	s0 =	sadd.s32 s23, s1;
	s25 =	sadd.s32 $0x6AA00, s4;
	[dreg:$0x14] =	wrdreg s2  }
0x21: {  	s8 =	simm.s32 $0x1;
	s10 =	simm.s32 $0x2;
	[dreg:$0x16] =	wrdreg s0  }
0x22: {  	s23 =	simm.s32 $0xD;
	s4 =	simm.s32 $0xF;
	[dreg:$0x18] =	wrdreg s25  }
0x23: {  	s2 =	simm.s32 $0xA200;
	s21 =	simm.s32 $0xB;
	s25 =	simm.s32 $0x8  }
.LBB2_7:
0x24: {  	[spmem:s1] =	stream.indirect.scatter.add.f32 [tilespmem:s30], [sflag:$0x10], $0x80, s0, s9, $0xb8;
	[tilespmem:$0x1E400] =	vst v63  }
0x25: {  	s29 =	rddreg [dreg:$0x5]  }
0x26: {  	s15 =	rddreg [dreg:$0x6]  }
0x27: {  	s30 =	simm.s32 $0x11;
	s6 =	rddreg [dreg:$0x1a]  }
.LBB2_8:
0x28: {  	_ =	swait.ge [sflag:s23], $0x2800  }
0x29: {  	[sflag:s23] =	ssyncset.done $0x0  }
0x2a: {  	[sflag:s23] =	ssyncadd.s32 $0xFFFFD800  }
0x2b: {  	_ =	swait.ge [sflag:s26], $0x2800  }
0x2c: {  	[sflag:s26] =	ssyncset.done $0x0  }
0x2d: {  	[sflag:s26] =	ssyncadd.s32 $0xFFFFD800  }
0x2e: {  	_ =	swait.ge [sflag:s4], $0x2800  }
0x2f: {  	[sflag:s4] =	ssyncset.done $0x0  }
0x30: {  	[sflag:s4] =	ssyncadd.s32 $0xFFFFD800  }
0x31: {  	_ =	swait.ge [sflag:s5], $0x2800  }
0x32: {  	[sflag:s5] =	ssyncset.done $0x0  }
0x33: {  	[sflag:s5] =	ssyncadd.s32 $0xFFFFD800  }
0x34: {  	[bflag:$0x0] =	sbarrier.arrive $0xFFFF  }
0x35: {  	s28 =	rddreg [dreg:$0x17]  }
0x36: {  	s0 =	rddreg [dreg:$0x18]  }
0x37: {  	s7 =	rddreg [dreg:$0x1b]  }
0x38: {  	[hbm:s0], [sflag:s28] =	dma.local [spmem:s7], $0x2800  }
0x39: {  	_ =	swait.ge [sflag:s30], $0x2800  }
0x3a: {  	s6 =	sadd.s32 $0x1, s6;
	s13 =	rddreg [dreg:$0x19]  }
0x3b: {  	p1 =	sne.s32 s6, s13  }
.Ltmp1:
0x3c: {  	_ = 	snop;
	(pc) =	sbr.rel @!p1 .LBB2_9-.Ltmp1, $3  }
0x3d: {  	_ =	sdelay $0x1  }
0x3e: {  	[sflag:s30] =	ssyncset.done $0x0  }
0x3f: {  	[sflag:s30] =	ssyncadd.s32 $0xFFFFD800  }
.LBB2_1:
0x40: {  	[dreg:$0x1a] =	wrdreg s6  }
0x41: {  	s0 =	rddreg [dreg:$0x16]  }
0x42: {  	s13 =	rddreg [dreg:$0x15];
	s11 =	sshrl.u32 s0, $0x3  }
0x43: {  	[dreg:$0x1b] =	wrdreg s11  }
0x44: {  	[spmem:s11], [sflag:s28] =	dma.local [hbm:s13], $0x2800  }
.Ltmp2:
0x45: {  	_ =	swait.ge [sflag:s30], $0x2800;
	(pc) =	sbr.rel @!p0 .LBB2_2-.Ltmp2, $4  }
0x46: {  	[sflag:s30] =	ssyncset.done $0x0  }
0x47: {  	[sflag:s30] =	ssyncadd.s32 $0xFFFFD800  }
0x48: {  	[bflag:$0x0] =	sbarrier.arrive $0xFFFF  }
0x49: {  	s28 =	simm.s32 $0x0  }
0x4a: {  	s0 =	rddreg [dreg:$0xd]  }
0x4b: {  	[tilespmem:s31], [sflag:$0x1] =	stream.linear.gather [hbm4b:s0+s28], $0x50, $0x38;
	[tilespmem:$0x1E400] =	vst v63  }
0x4c: {  	s6 =	rddreg [dreg:$0xe]  }
0x4d: {  	[tilespmem:s2], [sflag:$0x5] =	stream.linear.gather [hbm4b:s6+s28], $0x50, $0x38;
	[tilespmem:$0x1E400] =	vst v63  }
0x4e: {  	s7 =	rddreg [dreg:$0xf];
	s6 =	simm.s32 $0xA080  }
0x4f: {  	[tilespmem:s6], [sflag:$0x2] =	stream.linear.gather [hbm4b:s7+s28], $0x50, $0x38;
	[tilespmem:$0x1E400] =	vst v63  }
0x50: {  	s11 =	rddreg [dreg:$0x10];
	s13 =	simm.s32 $0xA280  }
0x51: {  	[tilespmem:s13], [sflag:$0x6] =	stream.linear.gather [hbm4b:s11+s28], $0x50, $0x38;
	[tilespmem:$0x1E400] =	vst v63  }
0x52: {  	s15 =	rddreg [dreg:$0x11];
	s13 =	simm.s32 $0xA100  }
0x53: {  	[tilespmem:s13], [sflag:$0x3] =	stream.linear.gather [hbm4b:s15+s28], $0x50, $0x38;
	[tilespmem:$0x1E400] =	vst v63  }
0x54: {  	s6 =	rddreg [dreg:$0x12];
	s7 =	simm.s32 $0xA300  }
0x55: {  	[tilespmem:s7], [sflag:$0x7] =	stream.linear.gather [hbm4b:s6+s28], $0x50, $0x38;
	[tilespmem:$0x1E400] =	vst v63  }
0x56: {  	s11 =	rddreg [dreg:$0x14];
	s7 =	simm.s32 $0xA180  }
0x57: {  	[tilespmem:s7], [sflag:$0x4] =	stream.linear.gather [hbm4b:s11+s28], $0x50, $0x38;
	[tilespmem:$0x1E400] =	vst v63  }
0x58: {  	s6 =	rddreg [dreg:$0x13];
	s11 =	simm.s32 $0xA380  }
0x59: {  	[tilespmem:s11], [sflag:$0x8] =	stream.linear.gather [hbm4b:s6+s28], $0x50, $0x38;
	[tilespmem:$0x1E400] =	vst v63  }
0x5a: {  	_ =	swait.ge [sflag:s8], $0x50  }
0x5b: {  	[sflag:s8] =	ssyncset.done $0x0  }
0x5c: {  	[sflag:s8] =	ssyncadd.s32 $0xFFFFFFB0  }
0x5d: {  	[tilespmem:s28], [sflag:$0x9] =	stream.indirect.gather [hbm4b:s20+s9], $0x80, s31, s9, $0xb8;
	[tilespmem:$0x1E400] =	vst v63  }
0x5e: {  	_ =	swait.ge [sflag:s10], $0x50  }
0x5f: {  	[sflag:s10] =	ssyncset.done $0x0  }
0x60: {  	s29 =	simm.s32 $0xA080;
	s11 =	simm.s32 $0x2800;
	[sflag:s10] =	ssyncadd.s32 $0xFFFFFFB0  }
0x61: {  	[tilespmem:s11], [sflag:$0xA] =	stream.indirect.gather [hbm4b:s20+s9], $0x80, s29, s9, $0xb8;
	[tilespmem:$0x1E400] =	vst v63  }
0x62: {  	_ =	swait.ge [sflag:s12], $0x50  }
0x63: {  	[sflag:s12] =	ssyncset.done $0x0  }
0x64: {  	s6 =	simm.s32 $0x5000;
	[sflag:s12] =	ssyncadd.s32 $0xFFFFFFB0  }
0x65: {  	[tilespmem:s6], [sflag:$0xB] =	stream.indirect.gather [hbm4b:s20+s9], $0x80, s13, s9, $0xb8;
	[tilespmem:$0x1E400] =	vst v63  }
0x66: {  	_ =	swait.ge [sflag:s14], $0x50  }
0x67: {  	[sflag:s14] =	ssyncset.done $0x0  }
0x68: {  	s29 =	simm.s32 $0x7800;
	[sflag:s14] =	ssyncadd.s32 $0xFFFFFFB0  }
0x69: {  	[tilespmem:s29], [sflag:$0xC] =	stream.indirect.gather [hbm4b:s20+s9], $0x80, s7, s9, $0xb8;
	[tilespmem:$0x1E400] =	vst v63  }
0x6a: {  	_ =	swait.ge [sflag:s16], $0x2800  }
0x6b: {  	[sflag:s16] =	ssyncset.done $0x0  }
0x6c: {  	[sflag:s16] =	ssyncadd.s32 $0xFFFFD800  }
0x6d: {  	_ =	swait.ge [sflag:s17], $0x50  }
0x6e: {  	[sflag:s17] =	ssyncset.done $0x0  }
0x6f: {  	[sflag:s17] =	ssyncadd.s32 $0xFFFFFFB0  }
0x70: {  	[spmem:s1] =	stream.indirect.scatter.add.f32 [tilespmem:s28], [sflag:$0xD], $0x80, s2, s9, $0xb8;
	[tilespmem:$0x1E400] =	vst v63  }
0x71: {  	_ =	swait.ge [sflag:s18], $0x2800  }
0x72: {  	[sflag:s18] =	ssyncset.done $0x0  }
0x73: {  	[sflag:s18] =	ssyncadd.s32 $0xFFFFD800  }
0x74: {  	_ =	swait.ge [sflag:s19], $0x50  }
0x75: {  	[sflag:s19] =	ssyncset.done $0x0  }
0x76: {  	s30 =	simm.s32 $0xA280;
	s11 =	simm.s32 $0x2800;
	[sflag:s19] =	ssyncadd.s32 $0xFFFFFFB0  }
0x77: {  	[spmem:s1] =	stream.indirect.scatter.add.f32 [tilespmem:s11], [sflag:$0xE], $0x80, s30, s9, $0xb8;
	[tilespmem:$0x1E400] =	vst v63  }
0x78: {  	_ =	swait.ge [sflag:s21], $0x2800  }
0x79: {  	[sflag:s21] =	ssyncset.done $0x0  }
0x7a: {  	[sflag:s21] =	ssyncadd.s32 $0xFFFFD800  }
0x7b: {  	_ =	swait.ge [sflag:s22], $0x50  }
0x7c: {  	[sflag:s22] =	ssyncset.done $0x0  }
0x7d: {  	s15 =	simm.s32 $0xA300;
	[sflag:s22] =	ssyncadd.s32 $0xFFFFFFB0  }
0x7e: {  	[spmem:s1] =	stream.indirect.scatter.add.f32 [tilespmem:s6], [sflag:$0xF], $0x80, s15, s9, $0xb8;
	[tilespmem:$0x1E400] =	vst v63  }
0x7f: {  	_ =	swait.ge [sflag:s24], $0x2800  }
0x80: {  	[sflag:s24] =	ssyncset.done $0x0  }
0x81: {  	[sflag:s24] =	ssyncadd.s32 $0xFFFFD800  }
0x82: {  	_ =	swait.ge [sflag:s25], $0x50  }
0x83: {  	[sflag:s25] =	ssyncset.done $0x0  }
0x84: {  	s0 =	simm.s32 $0xA380;
	[sflag:s25] =	ssyncadd.s32 $0xFFFFFFB0  }
0x85: {  	[spmem:s1] =	stream.indirect.scatter.add.f32 [tilespmem:s29], [sflag:$0x10], $0x80, s0, s9, $0xb8;
	[tilespmem:$0x1E400] =	vst v63  }
0x86: {  	_ =	swait.ge [sflag:s23], $0x2800  }
0x87: {  	s28 =	rddreg [dreg:$0x4]  }
0x88: {  	s15 =	rddreg [dreg:$0x3];
	[sflag:s23] =	ssyncset.done $0x0;
	s28 =	sadd.s32 $0x0, s28  }
0x89: {  	[sflag:s23] =	ssyncadd.s32 $0xFFFFD800;
	s29 =	sadd.s32 $0x0, s15;
	s30 =	sadd.s32 $0x6428, s28  }
0x8a: {  	[tilespmem:s31], [sflag:$0x1] =	stream.linear.gather [hbm4b:s30+s3], $0x50, $0x38;
	[tilespmem:$0x1E400] =	vst v63  }
0x8b: {  	s30 =	sadd.s32 $0x6428, s29  }
0x8c: {  	[tilespmem:s2], [sflag:$0x5] =	stream.linear.gather [hbm4b:s30+s3], $0x50, $0x38;
	[tilespmem:$0x1E400] =	vst v63  }
0x8d: {  	_ =	swait.ge [sflag:s26], $0x2800  }
0x8e: {  	[sflag:s26] =	ssyncset.done $0x0  }
0x8f: {  	s11 =	simm.s32 $0xA080;
	s30 =	sadd.s32 $0x6432, s28;
	[sflag:s26] =	ssyncadd.s32 $0xFFFFD800  }
0x90: {  	[tilespmem:s11], [sflag:$0x2] =	stream.linear.gather [hbm4b:s30+s3], $0x50, $0x38;
	[tilespmem:$0x1E400] =	vst v63  }
0x91: {  	s15 =	simm.s32 $0xA280;
	s30 =	sadd.s32 $0x6432, s29  }
0x92: {  	[tilespmem:s15], [sflag:$0x6] =	stream.linear.gather [hbm4b:s30+s3], $0x50, $0x38;
	[tilespmem:$0x1E400] =	vst v63  }
0x93: {  	_ =	swait.ge [sflag:s4], $0x2800  }
0x94: {  	[sflag:s4] =	ssyncset.done $0x0  }
0x95: {  	s30 =	sadd.s32 $0x643C, s28;
	[sflag:s4] =	ssyncadd.s32 $0xFFFFD800  }
0x96: {  	[tilespmem:s13], [sflag:$0x3] =	stream.linear.gather [hbm4b:s30+s3], $0x50, $0x38;
	[tilespmem:$0x1E400] =	vst v63  }
0x97: {  	s15 =	simm.s32 $0xA300;
	s30 =	sadd.s32 $0x643C, s29  }
0x98: {  	[tilespmem:s15], [sflag:$0x7] =	stream.linear.gather [hbm4b:s30+s3], $0x50, $0x38;
	[tilespmem:$0x1E400] =	vst v63  }
0x99: {  	_ =	swait.ge [sflag:s5], $0x2800  }
0x9a: {  	[sflag:s5] =	ssyncset.done $0x0  }
0x9b: {  	s28 =	sadd.s32 $0x6446, s28;
	[sflag:s5] =	ssyncadd.s32 $0xFFFFD800  }
0x9c: {  	[tilespmem:s7], [sflag:$0x4] =	stream.linear.gather [hbm4b:s28+s3], $0x50, $0x38;
	[tilespmem:$0x1E400] =	vst v63  }
0x9d: {  	s28 =	sadd.s32 $0x6446, s29  }
0x9e: {  	[tilespmem:s0], [sflag:$0x8] =	stream.linear.gather [hbm4b:s28+s3], $0x50, $0x38;
	[tilespmem:$0x1E400] =	vst v63  }
0x9f: {  	_ =	swait.ge [sflag:s8], $0x50  }
0xa0: {  	[sflag:s8] =	ssyncset.done $0x0  }
0xa1: {  	[sflag:s8] =	ssyncadd.s32 $0xFFFFFFB0  }
0xa2: {  	[tilespmem:s3], [sflag:$0x9] =	stream.indirect.gather [hbm4b:s20+s9], $0x80, s31, s9, $0xb8;
	[tilespmem:$0x1E400] =	vst v63  }
0xa3: {  	_ =	swait.ge [sflag:s10], $0x50  }
0xa4: {  	[sflag:s10] =	ssyncset.done $0x0  }
0xa5: {  	s11 =	simm.s32 $0xA080;
	s28 =	simm.s32 $0x2800;
	[sflag:s10] =	ssyncadd.s32 $0xFFFFFFB0  }
0xa6: {  	[tilespmem:s28], [sflag:$0xA] =	stream.indirect.gather [hbm4b:s20+s9], $0x80, s11, s9, $0xb8;
	[tilespmem:$0x1E400] =	vst v63  }
0xa7: {  	_ =	swait.ge [sflag:s12], $0x50  }
0xa8: {  	[sflag:s12] =	ssyncset.done $0x0  }
0xa9: {  	[sflag:s12] =	ssyncadd.s32 $0xFFFFFFB0  }
0xaa: {  	[tilespmem:s6], [sflag:$0xB] =	stream.indirect.gather [hbm4b:s20+s9], $0x80, s13, s9, $0xb8;
	[tilespmem:$0x1E400] =	vst v63  }
0xab: {  	_ =	swait.ge [sflag:s14], $0x50  }
0xac: {  	[sflag:s14] =	ssyncset.done $0x0  }
0xad: {  	s30 =	simm.s32 $0x7800;
	[sflag:s14] =	ssyncadd.s32 $0xFFFFFFB0  }
0xae: {  	[tilespmem:s30], [sflag:$0xC] =	stream.indirect.gather [hbm4b:s20+s9], $0x80, s7, s9, $0xb8;
	[tilespmem:$0x1E400] =	vst v63  }
0xaf: {  	_ =	swait.ge [sflag:s16], $0x2800  }
0xb0: {  	[sflag:s16] =	ssyncset.done $0x0  }
0xb1: {  	[sflag:s16] =	ssyncadd.s32 $0xFFFFD800  }
0xb2: {  	_ =	swait.ge [sflag:s17], $0x50  }
0xb3: {  	[sflag:s17] =	ssyncset.done $0x0  }
0xb4: {  	[sflag:s17] =	ssyncadd.s32 $0xFFFFFFB0  }
0xb5: {  	[spmem:s1] =	stream.indirect.scatter.add.f32 [tilespmem:s3], [sflag:$0xD], $0x80, s2, s9, $0xb8;
	[tilespmem:$0x1E400] =	vst v63  }
0xb6: {  	_ =	swait.ge [sflag:s18], $0x2800  }
0xb7: {  	[sflag:s18] =	ssyncset.done $0x0  }
0xb8: {  	[sflag:s18] =	ssyncadd.s32 $0xFFFFD800  }
0xb9: {  	_ =	swait.ge [sflag:s19], $0x50  }
0xba: {  	[sflag:s19] =	ssyncset.done $0x0  }
0xbb: {  	s31 =	simm.s32 $0xA280;
	[sflag:s19] =	ssyncadd.s32 $0xFFFFFFB0  }
0xbc: {  	[spmem:s1] =	stream.indirect.scatter.add.f32 [tilespmem:s28], [sflag:$0xE], $0x80, s31, s9, $0xb8;
	[tilespmem:$0x1E400] =	vst v63  }
0xbd: {  	_ =	swait.ge [sflag:s21], $0x2800  }
0xbe: {  	[sflag:s21] =	ssyncset.done $0x0  }
0xbf: {  	[sflag:s21] =	ssyncadd.s32 $0xFFFFD800  }
0xc0: {  	_ =	swait.ge [sflag:s22], $0x50  }
0xc1: {  	[sflag:s22] =	ssyncset.done $0x0  }
0xc2: {  	s15 =	simm.s32 $0xA300;
	[sflag:s22] =	ssyncadd.s32 $0xFFFFFFB0  }
0xc3: {  	[spmem:s1] =	stream.indirect.scatter.add.f32 [tilespmem:s6], [sflag:$0xF], $0x80, s15, s9, $0xb8;
	[tilespmem:$0x1E400] =	vst v63  }
0xc4: {  	_ =	swait.ge [sflag:s24], $0x2800  }
0xc5: {  	[sflag:s24] =	ssyncset.done $0x0  }
0xc6: {  	[sflag:s24] =	ssyncadd.s32 $0xFFFFD800  }
0xc7: {  	_ =	swait.ge [sflag:s25], $0x50  }
0xc8: {  	[sflag:s25] =	ssyncset.done $0x0  }
0xc9: {  	s28 =	simm.s32 $0x28;
	[sflag:s25] =	ssyncadd.s32 $0xFFFFFFB0  }
.LBB2_6:
0xca: {  	[spmem:s1] =	stream.indirect.scatter.add.f32 [tilespmem:s30], [sflag:$0x10], $0x80, s0, s9, $0xb8;
	[tilespmem:$0x1E400] =	vst v63  }
0xcb: {  	_ =	swait.ge [sflag:s23], $0x2800  }
0xcc: {  	s29 =	smov.u32 s28;
	s30 =	rddreg [dreg:$0x4];
	[sflag:s23] =	ssyncset.done $0x0  }
0xcd: {  	s31 =	rddreg [dreg:$0x3];
	s30 =	sadd.s32 s29, s30;
	[sflag:s23] =	ssyncadd.s32 $0xFFFFD800  }
0xce: {  	s29 =	sadd.s32 s29, s31;
	s31 =	simm.s32 $0xA000;
	s11 =	sadd.s32 $0x6428, s30  }
0xcf: {  	[tilespmem:s31], [sflag:$0x1] =	stream.linear.gather [hbm4b:s11+s3], $0x50, $0x38;
	[tilespmem:$0x1E400] =	vst v63  }
0xd0: {  	s13 =	sadd.s32 $0x6428, s29  }
0xd1: {  	[tilespmem:s2], [sflag:$0x5] =	stream.linear.gather [hbm4b:s13+s3], $0x50, $0x38;
	[tilespmem:$0x1E400] =	vst v63  }
0xd2: {  	_ =	swait.ge [sflag:s26], $0x2800  }
0xd3: {  	[sflag:s26] =	ssyncset.done $0x0  }
0xd4: {  	s15 =	sadd.s32 $0x6432, s30;
	s11 =	simm.s32 $0xA080;
	[sflag:s26] =	ssyncadd.s32 $0xFFFFD800  }
0xd5: {  	[tilespmem:s11], [sflag:$0x2] =	stream.linear.gather [hbm4b:s15+s3], $0x50, $0x38;
	[tilespmem:$0x1E400] =	vst v63  }
0xd6: {  	s25 =	sadd.s32 $0x6432, s29;
	s13 =	simm.s32 $0xA280  }
0xd7: {  	[tilespmem:s13], [sflag:$0x6] =	stream.linear.gather [hbm4b:s25+s3], $0x50, $0x38;
	[tilespmem:$0x1E400] =	vst v63  }
0xd8: {  	_ =	swait.ge [sflag:s4], $0x2800  }
0xd9: {  	[sflag:s4] =	ssyncset.done $0x0  }
0xda: {  	s7 =	sadd.s32 $0x643C, s30;
	s15 =	simm.s32 $0xA100;
	[sflag:s4] =	ssyncadd.s32 $0xFFFFD800  }
0xdb: {  	[tilespmem:s15], [sflag:$0x3] =	stream.linear.gather [hbm4b:s7+s3], $0x50, $0x38;
	[tilespmem:$0x1E400] =	vst v63  }
0xdc: {  	s25 =	sadd.s32 $0x643C, s29;
	s7 =	simm.s32 $0xA300  }
0xdd: {  	[tilespmem:s7], [sflag:$0x7] =	stream.linear.gather [hbm4b:s25+s3], $0x50, $0x38;
	[tilespmem:$0x1E400] =	vst v63  }
0xde: {  	_ =	swait.ge [sflag:s5], $0x2800  }
0xdf: {  	[sflag:s5] =	ssyncset.done $0x0  }
0xe0: {  	s0 =	sadd.s32 $0x6446, s30;
	s25 =	simm.s32 $0xA180;
	[sflag:s5] =	ssyncadd.s32 $0xFFFFD800  }
0xe1: {  	[tilespmem:s25], [sflag:$0x4] =	stream.linear.gather [hbm4b:s0+s3], $0x50, $0x38;
	[tilespmem:$0x1E400] =	vst v63  }
0xe2: {  	s6 =	simm.s32 $0xA380;
	s29 =	sadd.s32 $0x6446, s29  }
0xe3: {  	[tilespmem:s6], [sflag:$0x8] =	stream.linear.gather [hbm4b:s29+s3], $0x50, $0x38;
	[tilespmem:$0x1E400] =	vst v63  }
0xe4: {  	_ =	swait.ge [sflag:s8], $0x50  }
0xe5: {  	[sflag:s8] =	ssyncset.done $0x0  }
0xe6: {  	[sflag:s8] =	ssyncadd.s32 $0xFFFFFFB0  }
0xe7: {  	[tilespmem:s3], [sflag:$0x9] =	stream.indirect.gather [hbm4b:s20+s9], $0x80, s31, s9, $0xb8;
	[tilespmem:$0x1E400] =	vst v63  }
0xe8: {  	_ =	swait.ge [sflag:s10], $0x50  }
0xe9: {  	[sflag:s10] =	ssyncset.done $0x0  }
0xea: {  	s6 =	simm.s32 $0x2800;
	[sflag:s10] =	ssyncadd.s32 $0xFFFFFFB0  }
0xeb: {  	[tilespmem:s6], [sflag:$0xA] =	stream.indirect.gather [hbm4b:s20+s9], $0x80, s11, s9, $0xb8;
	[tilespmem:$0x1E400] =	vst v63  }
0xec: {  	_ =	swait.ge [sflag:s12], $0x50  }
0xed: {  	[sflag:s12] =	ssyncset.done $0x0  }
0xee: {  	s29 =	simm.s32 $0x5000;
	[sflag:s12] =	ssyncadd.s32 $0xFFFFFFB0  }
0xef: {  	[tilespmem:s29], [sflag:$0xB] =	stream.indirect.gather [hbm4b:s20+s9], $0x80, s15, s9, $0xb8;
	[tilespmem:$0x1E400] =	vst v63  }
0xf0: {  	_ =	swait.ge [sflag:s14], $0x50  }
0xf1: {  	[sflag:s14] =	ssyncset.done $0x0  }
0xf2: {  	s30 =	simm.s32 $0x7800;
	[sflag:s14] =	ssyncadd.s32 $0xFFFFFFB0  }
0xf3: {  	[tilespmem:s30], [sflag:$0xC] =	stream.indirect.gather [hbm4b:s20+s9], $0x80, s25, s9, $0xb8;
	[tilespmem:$0x1E400] =	vst v63  }
0xf4: {  	_ =	swait.ge [sflag:s16], $0x2800  }
0xf5: {  	[sflag:s16] =	ssyncset.done $0x0  }
0xf6: {  	[sflag:s16] =	ssyncadd.s32 $0xFFFFD800  }
0xf7: {  	_ =	swait.ge [sflag:s17], $0x50  }
0xf8: {  	[sflag:s17] =	ssyncset.done $0x0  }
0xf9: {  	[sflag:s17] =	ssyncadd.s32 $0xFFFFFFB0  }
0xfa: {  	[spmem:s1] =	stream.indirect.scatter.add.f32 [tilespmem:s3], [sflag:$0xD], $0x80, s2, s9, $0xb8;
	[tilespmem:$0x1E400] =	vst v63  }
0xfb: {  	_ =	swait.ge [sflag:s18], $0x2800  }
0xfc: {  	[sflag:s18] =	ssyncset.done $0x0  }
0xfd: {  	[sflag:s18] =	ssyncadd.s32 $0xFFFFD800  }
0xfe: {  	_ =	swait.ge [sflag:s19], $0x50  }
0xff: {  	[sflag:s19] =	ssyncset.done $0x0  }
0x100: {  	[sflag:s19] =	ssyncadd.s32 $0xFFFFFFB0  }
0x101: {  	[spmem:s1] =	stream.indirect.scatter.add.f32 [tilespmem:s6], [sflag:$0xE], $0x80, s13, s9, $0xb8;
	[tilespmem:$0x1E400] =	vst v63  }
0x102: {  	_ =	swait.ge [sflag:s21], $0x2800  }
0x103: {  	[sflag:s21] =	ssyncset.done $0x0  }
0x104: {  	[sflag:s21] =	ssyncadd.s32 $0xFFFFD800  }
0x105: {  	_ =	swait.ge [sflag:s22], $0x50  }
0x106: {  	[sflag:s22] =	ssyncset.done $0x0  }
0x107: {  	[sflag:s22] =	ssyncadd.s32 $0xFFFFFFB0  }
0x108: {  	[spmem:s1] =	stream.indirect.scatter.add.f32 [tilespmem:s29], [sflag:$0xF], $0x80, s7, s9, $0xb8;
	[tilespmem:$0x1E400] =	vst v63  }
0x109: {  	p1 =	sne.s32 s28, $0x370;
	_ =	swait.ge [sflag:s24], $0x2800  }
.Ltmp3:
0x10a: {  	[sflag:s24] =	ssyncset.done $0x0;
	(pc) =	sbr.rel @p1 .LBB2_6-.Ltmp3, $4  }
0x10b: {  	s25 =	simm.s32 $0x8;
	[sflag:s24] =	ssyncadd.s32 $0xFFFFD800  }
0x10c: {  	_ =	swait.ge [sflag:s25], $0x50  }
0x10d: {  	[sflag:s25] =	ssyncset.done $0x0  }
0x10e: {  	s28 =	sadd.s32 $0x28, s28;
	s0 =	simm.s32 $0xA380;
	[sflag:s25] =	ssyncadd.s32 $0xFFFFFFB0  }
.Ltmp4:
0x10f: {  	_ = 	snop;
	(pc) =	sbr.rel .LBB2_7-.Ltmp4, $1  }
0x110: {  	_ =	sdelay $0x3  }
.LBB2_2:
0x111: {  	[tilespmem:s31], [sflag:$0x1] =	stream.linear.gather [hbm4b:s29+s28], $0x50, $0x38;
	[tilespmem:$0x1E400] =	vst v63  }
0x112: {  	_ = 	snop  }
0x113: {  	[tilespmem:s2], [sflag:$0x5] =	stream.linear.gather [hbm4b:s15+s28], $0x50, $0x38;
	[tilespmem:$0x1E400] =	vst v63  }
0x114: {  	s0 =	rddreg [dreg:$0x7];
	s6 =	simm.s32 $0xA080  }
0x115: {  	[tilespmem:s6], [sflag:$0x2] =	stream.linear.gather [hbm4b:s0+s28], $0x50, $0x38;
	[tilespmem:$0x1E400] =	vst v63  }
0x116: {  	s7 =	simm.s32 $0xA280;
	s6 =	rddreg [dreg:$0x8]  }
0x117: {  	[tilespmem:s7], [sflag:$0x6] =	stream.linear.gather [hbm4b:s6+s28], $0x50, $0x38;
	[tilespmem:$0x1E400] =	vst v63  }
0x118: {  	s11 =	rddreg [dreg:$0x9];
	s13 =	simm.s32 $0xA100  }
0x119: {  	[tilespmem:s13], [sflag:$0x3] =	stream.linear.gather [hbm4b:s11+s28], $0x50, $0x38;
	[tilespmem:$0x1E400] =	vst v63  }
0x11a: {  	s6 =	rddreg [dreg:$0xa];
	s7 =	simm.s32 $0xA300  }
0x11b: {  	[tilespmem:s7], [sflag:$0x7] =	stream.linear.gather [hbm4b:s6+s28], $0x50, $0x38;
	[tilespmem:$0x1E400] =	vst v63  }
0x11c: {  	s13 =	rddreg [dreg:$0xb];
	s7 =	smov.u32 s15;
	s15 =	simm.s32 $0xA180  }
0x11d: {  	[tilespmem:s15], [sflag:$0x4] =	stream.linear.gather [hbm4b:s13+s28], $0x50, $0x38;
	[tilespmem:$0x1E400] =	vst v63  }
0x11e: {  	s6 =	rddreg [dreg:$0xc];
	s13 =	simm.s32 $0xA380  }
0x11f: {  	[tilespmem:s13], [sflag:$0x8] =	stream.linear.gather [hbm4b:s6+s28], $0x50, $0x38;
	[tilespmem:$0x1E400] =	vst v63  }
0x120: {  	_ =	swait.ge [sflag:s8], $0x50  }
0x121: {  	[sflag:s8] =	ssyncset.done $0x0  }
0x122: {  	[sflag:s8] =	ssyncadd.s32 $0xFFFFFFB0  }
0x123: {  	[tilespmem:s28], [sflag:$0x9] =	stream.indirect.gather [hbm4b:s20+s9], $0x80, s31, s9, $0xb8;
	[tilespmem:$0x1E400] =	vst v63  }
0x124: {  	_ =	swait.ge [sflag:s10], $0x50  }
0x125: {  	[sflag:s10] =	ssyncset.done $0x0  }
0x126: {  	s30 =	simm.s32 $0xA080;
	s13 =	simm.s32 $0x2800;
	[sflag:s10] =	ssyncadd.s32 $0xFFFFFFB0  }
0x127: {  	[tilespmem:s13], [sflag:$0xA] =	stream.indirect.gather [hbm4b:s20+s9], $0x80, s30, s9, $0xb8;
	[tilespmem:$0x1E400] =	vst v63  }
0x128: {  	_ =	swait.ge [sflag:s12], $0x50  }
0x129: {  	[sflag:s12] =	ssyncset.done $0x0  }
0x12a: {  	s11 =	simm.s32 $0xA100;
	s6 =	simm.s32 $0x5000;
	[sflag:s12] =	ssyncadd.s32 $0xFFFFFFB0  }
0x12b: {  	[tilespmem:s6], [sflag:$0xB] =	stream.indirect.gather [hbm4b:s20+s9], $0x80, s11, s9, $0xb8;
	[tilespmem:$0x1E400] =	vst v63  }
0x12c: {  	_ =	swait.ge [sflag:s14], $0x50  }
0x12d: {  	[sflag:s14] =	ssyncset.done $0x0  }
0x12e: {  	s30 =	simm.s32 $0x7800;
	[sflag:s14] =	ssyncadd.s32 $0xFFFFFFB0  }
0x12f: {  	[tilespmem:s30], [sflag:$0xC] =	stream.indirect.gather [hbm4b:s20+s9], $0x80, s15, s9, $0xb8;
	[tilespmem:$0x1E400] =	vst v63  }
0x130: {  	_ =	swait.ge [sflag:s16], $0x2800  }
0x131: {  	[sflag:s16] =	ssyncset.done $0x0  }
0x132: {  	[sflag:s16] =	ssyncadd.s32 $0xFFFFD800  }
0x133: {  	_ =	swait.ge [sflag:s17], $0x50  }
0x134: {  	[sflag:s17] =	ssyncset.done $0x0  }
0x135: {  	[sflag:s17] =	ssyncadd.s32 $0xFFFFFFB0  }
0x136: {  	[spmem:s1] =	stream.indirect.scatter.add.f32 [tilespmem:s28], [sflag:$0xD], $0x80, s2, s9, $0xb8;
	[tilespmem:$0x1E400] =	vst v63  }
0x137: {  	_ =	swait.ge [sflag:s18], $0x2800  }
0x138: {  	[sflag:s18] =	ssyncset.done $0x0  }
0x139: {  	[sflag:s18] =	ssyncadd.s32 $0xFFFFD800  }
0x13a: {  	_ =	swait.ge [sflag:s19], $0x50  }
0x13b: {  	[sflag:s19] =	ssyncset.done $0x0  }
0x13c: {  	s6 =	simm.s32 $0xA280;
	[sflag:s19] =	ssyncadd.s32 $0xFFFFFFB0  }
0x13d: {  	[spmem:s1] =	stream.indirect.scatter.add.f32 [tilespmem:s13], [sflag:$0xE], $0x80, s6, s9, $0xb8;
	[tilespmem:$0x1E400] =	vst v63  }
0x13e: {  	_ =	swait.ge [sflag:s21], $0x2800  }
0x13f: {  	[sflag:s21] =	ssyncset.done $0x0  }
0x140: {  	[sflag:s21] =	ssyncadd.s32 $0xFFFFD800  }
0x141: {  	_ =	swait.ge [sflag:s22], $0x50  }
0x142: {  	[sflag:s22] =	ssyncset.done $0x0  }
0x143: {  	s0 =	simm.s32 $0xA300;
	s11 =	simm.s32 $0x5000;
	[sflag:s22] =	ssyncadd.s32 $0xFFFFFFB0  }
0x144: {  	[spmem:s1] =	stream.indirect.scatter.add.f32 [tilespmem:s11], [sflag:$0xF], $0x80, s0, s9, $0xb8;
	[tilespmem:$0x1E400] =	vst v63  }
0x145: {  	_ =	swait.ge [sflag:s24], $0x2800  }
0x146: {  	[sflag:s24] =	ssyncset.done $0x0  }
0x147: {  	[sflag:s24] =	ssyncadd.s32 $0xFFFFD800  }
0x148: {  	_ =	swait.ge [sflag:s25], $0x50  }
0x149: {  	[sflag:s25] =	ssyncset.done $0x0  }
0x14a: {  	s11 =	simm.s32 $0xA380;
	[sflag:s25] =	ssyncadd.s32 $0xFFFFFFB0  }
0x14b: {  	[spmem:s1] =	stream.indirect.scatter.add.f32 [tilespmem:s30], [sflag:$0x10], $0x80, s11, s9, $0xb8;
	[tilespmem:$0x1E400] =	vst v63  }
0x14c: {  	_ =	swait.ge [sflag:s23], $0x2800  }
0x14d: {  	s29 =	sadd.s32 $0x0, s29;
	[sflag:s23] =	ssyncset.done $0x0  }
0x14e: {  	s28 =	sadd.s32 $0x28, s29;
	[sflag:s23] =	ssyncadd.s32 $0xFFFFD800;
	s23 =	sadd.s32 $0x0, s7  }
0x14f: {  	[tilespmem:s31], [sflag:$0x1] =	stream.linear.gather [hbm4b:s28+s3], $0x50, $0x38;
	[tilespmem:$0x1E400] =	vst v63  }
0x150: {  	s28 =	sadd.s32 $0x28, s23  }
0x151: {  	[tilespmem:s2], [sflag:$0x5] =	stream.linear.gather [hbm4b:s28+s3], $0x50, $0x38;
	[tilespmem:$0x1E400] =	vst v63  }
0x152: {  	_ =	swait.ge [sflag:s26], $0x2800  }
0x153: {  	[sflag:s26] =	ssyncset.done $0x0  }
0x154: {  	s7 =	simm.s32 $0xA080;
	s28 =	sadd.s32 $0x32, s29;
	[sflag:s26] =	ssyncadd.s32 $0xFFFFD800  }
0x155: {  	[tilespmem:s7], [sflag:$0x2] =	stream.linear.gather [hbm4b:s28+s3], $0x50, $0x38;
	[tilespmem:$0x1E400] =	vst v63  }
0x156: {  	s28 =	sadd.s32 $0x32, s23  }
0x157: {  	[tilespmem:s6], [sflag:$0x6] =	stream.linear.gather [hbm4b:s28+s3], $0x50, $0x38;
	[tilespmem:$0x1E400] =	vst v63  }
0x158: {  	_ =	swait.ge [sflag:s4], $0x2800  }
0x159: {  	s26 =	smov.u32 s23;
	[sflag:s4] =	ssyncset.done $0x0  }
0x15a: {  	s23 =	simm.s32 $0xA100;
	s28 =	sadd.s32 $0x3C, s29;
	[sflag:s4] =	ssyncadd.s32 $0xFFFFD800  }
0x15b: {  	[tilespmem:s23], [sflag:$0x3] =	stream.linear.gather [hbm4b:s28+s3], $0x50, $0x38;
	[tilespmem:$0x1E400] =	vst v63  }
0x15c: {  	s28 =	sadd.s32 $0x3C, s26  }
0x15d: {  	[tilespmem:s0], [sflag:$0x7] =	stream.linear.gather [hbm4b:s28+s3], $0x50, $0x38;
	[tilespmem:$0x1E400] =	vst v63  }
0x15e: {  	_ =	swait.ge [sflag:s5], $0x2800  }
0x15f: {  	[sflag:s5] =	ssyncset.done $0x0  }
0x160: {  	s28 =	sadd.s32 $0x46, s29;
	[sflag:s5] =	ssyncadd.s32 $0xFFFFD800  }
0x161: {  	[tilespmem:s15], [sflag:$0x4] =	stream.linear.gather [hbm4b:s28+s3], $0x50, $0x38;
	[tilespmem:$0x1E400] =	vst v63  }
0x162: {  	s28 =	sadd.s32 $0x46, s26  }
0x163: {  	[tilespmem:s11], [sflag:$0x8] =	stream.linear.gather [hbm4b:s28+s3], $0x50, $0x38;
	[tilespmem:$0x1E400] =	vst v63  }
0x164: {  	_ =	swait.ge [sflag:s8], $0x50  }
0x165: {  	[sflag:s8] =	ssyncset.done $0x0  }
0x166: {  	[sflag:s8] =	ssyncadd.s32 $0xFFFFFFB0  }
0x167: {  	[tilespmem:s3], [sflag:$0x9] =	stream.indirect.gather [hbm4b:s20+s9], $0x80, s31, s9, $0xb8;
	[tilespmem:$0x1E400] =	vst v63  }
0x168: {  	_ =	swait.ge [sflag:s10], $0x50  }
0x169: {  	[sflag:s10] =	ssyncset.done $0x0  }
0x16a: {  	[sflag:s10] =	ssyncadd.s32 $0xFFFFFFB0  }
0x16b: {  	[tilespmem:s13], [sflag:$0xA] =	stream.indirect.gather [hbm4b:s20+s9], $0x80, s7, s9, $0xb8;
	[tilespmem:$0x1E400] =	vst v63  }
0x16c: {  	_ =	swait.ge [sflag:s12], $0x50  }
0x16d: {  	[sflag:s12] =	ssyncset.done $0x0  }
0x16e: {  	s31 =	simm.s32 $0x5000;
	[sflag:s12] =	ssyncadd.s32 $0xFFFFFFB0  }
0x16f: {  	[tilespmem:s31], [sflag:$0xB] =	stream.indirect.gather [hbm4b:s20+s9], $0x80, s23, s9, $0xb8;
	[tilespmem:$0x1E400] =	vst v63  }
0x170: {  	_ =	swait.ge [sflag:s14], $0x50  }
0x171: {  	[sflag:s14] =	ssyncset.done $0x0  }
0x172: {  	[sflag:s14] =	ssyncadd.s32 $0xFFFFFFB0  }
0x173: {  	[tilespmem:s30], [sflag:$0xC] =	stream.indirect.gather [hbm4b:s20+s9], $0x80, s15, s9, $0xb8;
	[tilespmem:$0x1E400] =	vst v63  }
0x174: {  	_ =	swait.ge [sflag:s16], $0x2800  }
0x175: {  	[sflag:s16] =	ssyncset.done $0x0  }
0x176: {  	[sflag:s16] =	ssyncadd.s32 $0xFFFFD800  }
0x177: {  	_ =	swait.ge [sflag:s17], $0x50  }
0x178: {  	[sflag:s17] =	ssyncset.done $0x0  }
0x179: {  	[sflag:s17] =	ssyncadd.s32 $0xFFFFFFB0  }
0x17a: {  	[spmem:s1] =	stream.indirect.scatter.add.f32 [tilespmem:s3], [sflag:$0xD], $0x80, s2, s9, $0xb8;
	[tilespmem:$0x1E400] =	vst v63  }
0x17b: {  	_ =	swait.ge [sflag:s18], $0x2800  }
0x17c: {  	[sflag:s18] =	ssyncset.done $0x0  }
0x17d: {  	[sflag:s18] =	ssyncadd.s32 $0xFFFFD800  }
0x17e: {  	_ =	swait.ge [sflag:s19], $0x50  }
0x17f: {  	[sflag:s19] =	ssyncset.done $0x0  }
0x180: {  	s6 =	simm.s32 $0xA280;
	[sflag:s19] =	ssyncadd.s32 $0xFFFFFFB0  }
0x181: {  	[spmem:s1] =	stream.indirect.scatter.add.f32 [tilespmem:s13], [sflag:$0xE], $0x80, s6, s9, $0xb8;
	[tilespmem:$0x1E400] =	vst v63  }
0x182: {  	_ =	swait.ge [sflag:s21], $0x2800  }
0x183: {  	[sflag:s21] =	ssyncset.done $0x0  }
0x184: {  	[sflag:s21] =	ssyncadd.s32 $0xFFFFD800  }
0x185: {  	s4 =	simm.s32 $0xA300;
	_ =	swait.ge [sflag:s22], $0x50  }
0x186: {  	s0 =	simm.s32 $0x10;
	s26 =	simm.s32 $0xD;
	[sflag:s22] =	ssyncset.done $0x0  }
0x187: {  	s28 =	simm.s32 $0x28;
	s10 =	simm.s32 $0x1;
	[sflag:s22] =	ssyncadd.s32 $0xFFFFFFB0  }
0x188: {  	[spmem:s1] =	stream.indirect.scatter.add.f32 [tilespmem:s31], [sflag:$0xF], $0x80, s4, s9, $0xb8;
	[tilespmem:$0x1E400] =	vst v63  }
0x189: {  	s12 =	simm.s32 $0x2;
	s23 =	simm.s32 $0x8;
	_ =	swait.ge [sflag:s24], $0x2800  }
0x18a: {  	s14 =	simm.s32 $0x3;
	s16 =	simm.s32 $0x4;
	[sflag:s24] =	ssyncset.done $0x0  }
0x18b: {  	s17 =	simm.s32 $0x9;
	s18 =	simm.s32 $0x5;
	[sflag:s24] =	ssyncadd.s32 $0xFFFFD800  }
0x18c: {  	s19 =	simm.s32 $0xA;
	s21 =	simm.s32 $0x6;
	_ =	swait.ge [sflag:s25], $0x50  }
0x18d: {  	s22 =	simm.s32 $0xB;
	s4 =	simm.s32 $0xE;
	[sflag:s25] =	ssyncset.done $0x0  }
0x18e: {  	s24 =	simm.s32 $0x7;
	[sflag:s25] =	ssyncadd.s32 $0xFFFFFFB0;
	s25 =	simm.s32 $0xC  }
.LBB2_3:
0x18f: {  	s7 =	simm.s32 $0xA380  }
0x190: {  	[spmem:s1] =	stream.indirect.scatter.add.f32 [tilespmem:s30], [sflag:$0x10], $0x80, s7, s9, $0xb8;
	[tilespmem:$0x1E400] =	vst v63  }
0x191: {  	_ =	swait.ge [sflag:s26], $0x2800  }
0x192: {  	s29 =	smov.u32 s28;
	s13 =	simm.s32 $0xA000;
	s2 =	rddreg [dreg:$0x5]  }
0x193: {  	[sflag:s26] =	ssyncset.done $0x0;
	s5 =	rddreg [dreg:$0x6];
	s30 =	sadd.s32 s29, s2  }
0x194: {  	[sflag:s26] =	ssyncadd.s32 $0xFFFFD800;
	s29 =	sadd.s32 s29, s5;
	s31 =	sadd.s32 $0x28, s30  }
0x195: {  	[tilespmem:s13], [sflag:$0x1] =	stream.linear.gather [hbm4b:s31+s3], $0x50, $0x38;
	[tilespmem:$0x1E400] =	vst v63  }
0x196: {  	s2 =	simm.s32 $0xA200;
	s31 =	sadd.s32 $0x28, s29  }
0x197: {  	[tilespmem:s2], [sflag:$0x5] =	stream.linear.gather [hbm4b:s31+s3], $0x50, $0x38;
	[tilespmem:$0x1E400] =	vst v63  }
0x198: {  	_ =	swait.ge [sflag:s4], $0x2800  }
0x199: {  	[sflag:s4] =	ssyncset.done $0x0  }
0x19a: {  	s11 =	simm.s32 $0xA080;
	s31 =	sadd.s32 $0x32, s30;
	[sflag:s4] =	ssyncadd.s32 $0xFFFFD800  }
0x19b: {  	[tilespmem:s11], [sflag:$0x2] =	stream.linear.gather [hbm4b:s31+s3], $0x50, $0x38;
	[tilespmem:$0x1E400] =	vst v63  }
0x19c: {  	s6 =	simm.s32 $0xA280;
	s15 =	simm.s32 $0xF;
	s31 =	sadd.s32 $0x32, s29  }
0x19d: {  	[tilespmem:s6], [sflag:$0x6] =	stream.linear.gather [hbm4b:s31+s3], $0x50, $0x38;
	[tilespmem:$0x1E400] =	vst v63  }
0x19e: {  	_ =	swait.ge [sflag:s15], $0x2800  }
0x19f: {  	[sflag:s15] =	ssyncset.done $0x0  }
0x1a0: {  	s8 =	simm.s32 $0xA100;
	s31 =	sadd.s32 $0x3C, s30;
	[sflag:s15] =	ssyncadd.s32 $0xFFFFD800  }
0x1a1: {  	[tilespmem:s8], [sflag:$0x3] =	stream.linear.gather [hbm4b:s31+s3], $0x50, $0x38;
	[tilespmem:$0x1E400] =	vst v63  }
0x1a2: {  	s13 =	simm.s32 $0xA300;
	s31 =	sadd.s32 $0x3C, s29  }
0x1a3: {  	[tilespmem:s13], [sflag:$0x7] =	stream.linear.gather [hbm4b:s31+s3], $0x50, $0x38;
	[tilespmem:$0x1E400] =	vst v63  }
0x1a4: {  	_ =	swait.ge [sflag:s0], $0x2800  }
0x1a5: {  	[sflag:s0] =	ssyncset.done $0x0  }
0x1a6: {  	s5 =	simm.s32 $0xA180;
	s30 =	sadd.s32 $0x46, s30;
	[sflag:s0] =	ssyncadd.s32 $0xFFFFD800  }
0x1a7: {  	[tilespmem:s5], [sflag:$0x4] =	stream.linear.gather [hbm4b:s30+s3], $0x50, $0x38;
	[tilespmem:$0x1E400] =	vst v63  }
0x1a8: {  	s29 =	sadd.s32 $0x46, s29  }
0x1a9: {  	[tilespmem:s7], [sflag:$0x8] =	stream.linear.gather [hbm4b:s29+s3], $0x50, $0x38;
	[tilespmem:$0x1E400] =	vst v63  }
0x1aa: {  	_ =	swait.ge [sflag:s10], $0x50  }
0x1ab: {  	[sflag:s10] =	ssyncset.done $0x0  }
0x1ac: {  	s31 =	simm.s32 $0xA000;
	[sflag:s10] =	ssyncadd.s32 $0xFFFFFFB0  }
0x1ad: {  	[tilespmem:s3], [sflag:$0x9] =	stream.indirect.gather [hbm4b:s20+s9], $0x80, s31, s9, $0xb8;
	[tilespmem:$0x1E400] =	vst v63  }
0x1ae: {  	_ =	swait.ge [sflag:s12], $0x50  }
0x1af: {  	[sflag:s12] =	ssyncset.done $0x0  }
0x1b0: {  	s7 =	simm.s32 $0x2800;
	[sflag:s12] =	ssyncadd.s32 $0xFFFFFFB0  }
0x1b1: {  	[tilespmem:s7], [sflag:$0xA] =	stream.indirect.gather [hbm4b:s20+s9], $0x80, s11, s9, $0xb8;
	[tilespmem:$0x1E400] =	vst v63  }
0x1b2: {  	_ =	swait.ge [sflag:s14], $0x50  }
0x1b3: {  	[sflag:s14] =	ssyncset.done $0x0  }
0x1b4: {  	s29 =	simm.s32 $0x5000;
	[sflag:s14] =	ssyncadd.s32 $0xFFFFFFB0  }
0x1b5: {  	[tilespmem:s29], [sflag:$0xB] =	stream.indirect.gather [hbm4b:s20+s9], $0x80, s8, s9, $0xb8;
	[tilespmem:$0x1E400] =	vst v63  }
0x1b6: {  	_ =	swait.ge [sflag:s16], $0x50  }
0x1b7: {  	[sflag:s16] =	ssyncset.done $0x0  }
0x1b8: {  	s30 =	simm.s32 $0x7800;
	[sflag:s16] =	ssyncadd.s32 $0xFFFFFFB0  }
0x1b9: {  	[tilespmem:s30], [sflag:$0xC] =	stream.indirect.gather [hbm4b:s20+s9], $0x80, s5, s9, $0xb8;
	[tilespmem:$0x1E400] =	vst v63  }
0x1ba: {  	_ =	swait.ge [sflag:s17], $0x2800  }
0x1bb: {  	[sflag:s17] =	ssyncset.done $0x0  }
0x1bc: {  	[sflag:s17] =	ssyncadd.s32 $0xFFFFD800  }
0x1bd: {  	_ =	swait.ge [sflag:s18], $0x50  }
0x1be: {  	[sflag:s18] =	ssyncset.done $0x0  }
0x1bf: {  	[sflag:s18] =	ssyncadd.s32 $0xFFFFFFB0  }
0x1c0: {  	[spmem:s1] =	stream.indirect.scatter.add.f32 [tilespmem:s3], [sflag:$0xD], $0x80, s2, s9, $0xb8;
	[tilespmem:$0x1E400] =	vst v63  }
0x1c1: {  	_ =	swait.ge [sflag:s19], $0x2800  }
0x1c2: {  	[sflag:s19] =	ssyncset.done $0x0  }
0x1c3: {  	[sflag:s19] =	ssyncadd.s32 $0xFFFFD800  }
0x1c4: {  	_ =	swait.ge [sflag:s21], $0x50  }
0x1c5: {  	[sflag:s21] =	ssyncset.done $0x0  }
0x1c6: {  	[sflag:s21] =	ssyncadd.s32 $0xFFFFFFB0  }
0x1c7: {  	[spmem:s1] =	stream.indirect.scatter.add.f32 [tilespmem:s7], [sflag:$0xE], $0x80, s6, s9, $0xb8;
	[tilespmem:$0x1E400] =	vst v63  }
0x1c8: {  	_ =	swait.ge [sflag:s22], $0x2800  }
0x1c9: {  	[sflag:s22] =	ssyncset.done $0x0  }
0x1ca: {  	[sflag:s22] =	ssyncadd.s32 $0xFFFFD800  }
0x1cb: {  	_ =	swait.ge [sflag:s24], $0x50  }
0x1cc: {  	[sflag:s24] =	ssyncset.done $0x0  }
0x1cd: {  	[sflag:s24] =	ssyncadd.s32 $0xFFFFFFB0  }
0x1ce: {  	[spmem:s1] =	stream.indirect.scatter.add.f32 [tilespmem:s29], [sflag:$0xF], $0x80, s13, s9, $0xb8;
	[tilespmem:$0x1E400] =	vst v63  }
0x1cf: {  	p1 =	seq.s32 s28, $0x5F0;
	_ =	swait.ge [sflag:s25], $0x2800  }
.Ltmp5:
0x1d0: {  	[sflag:s25] =	ssyncset.done $0x0;
	(pc) =	sbr.rel @!p1 .LBB2_3-.Ltmp5, $4  }
0x1d1: {  	[sflag:s25] =	ssyncadd.s32 $0xFFFFD800  }
0x1d2: {  	_ =	swait.ge [sflag:s23], $0x50  }
0x1d3: {  	[sflag:s23] =	ssyncset.done $0x0  }
0x1d4: {  	s28 =	sadd.s32 $0x28, s28;
	s15 =	simm.s32 $0xA380;
	[sflag:s23] =	ssyncadd.s32 $0xFFFFFFB0  }
0x1d5: {  	[spmem:s1] =	stream.indirect.scatter.add.f32 [tilespmem:s30], [sflag:$0x10], $0x80, s15, s9, $0xb8;
	[tilespmem:$0x1E400] =	vst v63  }
0x1d6: {  	s15 =	rddreg [dreg:$0x6]  }
0x1d7: {  	s30 =	simm.s32 $0x11;
	s6 =	rddreg [dreg:$0x1a]  }
0x1d8: {  	s29 =	rddreg [dreg:$0x5];
	s8 =	simm.s32 $0x1;
	s10 =	simm.s32 $0x2  }
.Ltmp6:
0x1d9: {  	s12 =	simm.s32 $0x3;
	s14 =	simm.s32 $0x4;
	(pc) =	sbr.rel .LBB2_8-.Ltmp6, $4  }
0x1da: {  	s16 =	simm.s32 $0x9;
	s17 =	simm.s32 $0x5;
	s18 =	simm.s32 $0xA  }
0x1db: {  	s19 =	simm.s32 $0x6;
	s21 =	simm.s32 $0xB;
	s22 =	simm.s32 $0x7  }
0x1dc: {  	s24 =	simm.s32 $0xC;
	s25 =	simm.s32 $0x8;
	s23 =	simm.s32 $0xD  }
0x1dd: {  	s26 =	simm.s32 $0xE;
	s4 =	simm.s32 $0xF;
	s5 =	simm.s32 $0x10  }
.LBB2_9:
0x1de: {  	_ =	sfence.sel $0x180000  }
0x1df: {  	[bflag:$0x0] =	sbarrier.arrive $0xFFFF  }
0x1e0: {  	_ =	strace $0x9000004D  }
0x1e1: {  	s0 =	stileid.u32;
	[bflag:$0x2] =	sbarrier.arrive $0xFFFF  }
0x1e2: {  	p0 =	sne.s32 s0, $0x0;
	s0 =	rddreg [dreg:$0x2]  }
0x1e3: {  	s0 =	sadd.s32 @!p0 $0x100000, s0  }
0x1e4: {  	[sflag:s0] =	ssyncadd.tile.s32 @!p0 $0x1;
	_ =	shalt  }
.Lfunc_end2:
_tile_overlayer_lowered:
.L_overlay_start_2:
0x1e5: {  	(tag) =	ssettag $0x2  }
0x1e6: {  	s0 =	rddreg [dreg:$0x0];
	s2 =	stileid.u32  }
0x1e7: {  	s1 =	rddreg [dreg:$0x1];
	p0 =	sne.s32 s2, $0x0  }
0x1e8: {  	s3 =	rddreg [dreg:$0x2];
	[bflag:$0x3] =	sbarrier.arrive $0xFFFF;
	s2 =	simm.s32 @!p0 $0x1C11  }
0x1e9: {  	[timem:s3], [sflag:s2] =	dma.local @!p0 [hbm:s0], s1  }
0x1ea: {  	s0 =	simm.s32 @!p0 $0x11  }
0x1eb: {  	_ =	swait.ge @!p0 [sflag:s0], s1  }
0x1ec: {  	s1 =	ssub.s32 @!p0 $0x0, s1;
	[sflag:s0] =	ssyncset.done @!p0 $0x0  }
0x1ed: {  	[sflag:s0] =	ssyncadd.s32 @!p0 s1  }
0x1ee: {  	[bflag:$0x3] =	sbarrier.arrive $0xFFFF  }
0x1ef: {  	_ =	shalt  }

// kernel: kernel.8.cloned.1.call-start
scs
__scs_entry_jumppad:
0x0: {  	(pc) =	sbr.rel $0x88, $3  }
0x1: {  	(tag) =	ssettag $0x0;
	lr =	simm.s32 $0x1  }
0x2: {  	[smem:$0x3F97] =	sst lr;
	_ =	strace $0xD0000000  }
0x3: {  	_ = 	snop  }
0x4: {  	_ = 	snop  }
0x5: {  	_ = 	snop  }
0x6: {  	_ = 	snop  }
0x7: {  	_ = 	snop  }
__scs_overlays_trampoline_lowered:
0x8: {  	[smem:$0x3FA6] =	sst s0  }
0x9: {  	[smem:$0x3FA7] =	sst s1  }
0xa: {  	[smem:$0x3FA8] =	sst s2  }
0xb: {  	[smem:$0x3FA9] =	sst s3  }
0xc: {  	[smem:$0x3FAA] =	sst s4  }
0xd: {  	[smem:$0x3FAB] =	sst s5  }
0xe: {  	[smem:$0x3FAC] =	sst s6  }
0xf: {  	[smem:$0x3FAD] =	sst s7  }
0x10: {  	[smem:$0x3FAE] =	sst s8  }
0x11: {  	[smem:$0x3FAF] =	sst s9;
	s0 =	simm.s32 @!p0 $0x0  }
0x12: {  	s1 =	sld [smem:$0x3F95];
	s0 =	simm.s32 @p0 $0x1  }
0x13: {  	[smem:$0x3FB0] =	sst s0;
	s0 =	simm.s32 @!p1 $0x0  }
0x14: {  	s2 =	sld [smem:$0x3F94];
	s0 =	simm.s32 @p1 $0x1  }
0x15: {  	[smem:$0x3FB1] =	sst s0;
	s0 =	simm.s32 @!p2 $0x0  }
0x16: {  	s3 =	sld [smem:$0x3FDB];
	s0 =	simm.s32 @p2 $0x1  }
0x17: {  	s4 =	simm.s32 $0x1BF5;
	[smem:$0x3FB3] =	sst s0  }
0x18: {  	s0 =	sld [smem:$0x3F96];
	_ =	swait.ge [sflag:s4], $0x0  }
0x19: {  	s7 =	sld [smem:$0x3F97]  }
0x1a: {  	s8 =	sadd.s32 $0xFFFFE003, lr  }
0x1b: {  	s9 =	sadd.s32 $0xFFFFFEF7, lr;
	s5 =	simm.s32 $0xFFFFFFFF;
	p2 =	slt.u32 s8, $0xFFFFF086  }
0x1c: {  	p1 =	slt.u32 s9, $0xF7A;
	s5 =	simm.s32 @!p2 $0x0  }
0x1d: {  	s5 =	simm.s32 @p1 $0x1;
	p0 =	seq.s32 s7, s2  }
0x1e: {  	s7 =	smul.u32 @!p0 $0xF7A, s2;
	p2 =	seq.s32 @!p0 s5, $0x0  }
0x1f: {  	s9 =	smul.u32 $0xF7A, s1;
	s8 =	simm.s32 @!p0 $0x1BF5;
	p2 =	por !p2, p0  }
0x20: {  	[sflag:s8] =	ssyncset.s32 @!p0 $0xFFFFF086;
	s6 =	sadd.s32 @!p0 s3, s7;
	s7 =	simm.s32 @!p0 $0x108  }
0x21: {  	s3 =	sadd.s32 s3, s9;
	s6 =	sadd.s32 @!p0 $0x88, s6;
	s7 =	simm.s32 @p2 $0x1082  }
0x22: {  	[simem:s7], [sflag:s8] =	dma.local @!p0 [hbm:s6], $0xF7A  }
0x23: {  	s9 =	sor.u32 $0xD0000000, s2;
	s6 =	simm.s32 $0x108;
	_ =	swait.ge @!p0 [sflag:s8], $0x0  }
0x24: {  	s3 =	sadd.s32 $0x88, s3;
	s6 =	simm.s32 @!p1 $0x1082;
	[sflag:s4] =	ssyncset.s32 $0xFFFFF086  }
0x25: {  	[simem:s6], [sflag:s4] =	dma.local [hbm:s3], $0xF7A  }
0x26: {  	[smem:$0x3F97] =	sst s1;
	(tag) =	ssettag s2;
	_ =	strace s9  }
0x27: {  	s1 =	sld [smem:$0x3FA7]  }
0x28: {  	s2 =	sld [smem:$0x3FA8]  }
0x29: {  	s4 =	sld [smem:$0x3FAA]  }
0x2a: {  	p0 =	seq.s32 s5, $0x0;
	s5 =	sld [smem:$0x3FAB]  }
0x2b: {  	s6 =	sld [smem:$0x3FAC]  }
0x2c: {  	s7 =	sld [smem:$0x3FAD]  }
0x2d: {  	s3 =	simm.s32 $0x108;
	s8 =	sld [smem:$0x3FAE]  }
0x2e: {  	s3 =	simm.s32 @!p0 $0x1082;
	s9 =	sld [smem:$0x3FAF]  }
0x2f: {  	lr =	sadd.s32 s0, s3;
	s0 =	sld [smem:$0x3FA6]  }
0x30: {  	s3 =	sld [smem:$0x3FA9]  }
0x31: {  	[smem:$0x3FB2] =	sst s10  }
0x32: {  	s10 =	sld [smem:$0x3FB0];
	_ =	sdelay $0x3  }
0x33: {  	p0 =	seq.s32 s10, $0x1;
	s10 =	sld [smem:$0x3FB2];
	_ =	sdelay $0x3  }
0x34: {  	[smem:$0x3FB2] =	sst s10  }
0x35: {  	s10 =	sld [smem:$0x3FB1];
	_ =	sdelay $0x3  }
0x36: {  	p1 =	seq.s32 s10, $0x1;
	s10 =	sld [smem:$0x3FB2];
	_ =	sdelay $0x3  }
0x37: {  	[smem:$0x3FB2] =	sst s10  }
0x38: {  	s10 =	sld [smem:$0x3FB3]  }
0x39: {  	_ = 	snop;
	(pc) =	sbr.ind lr, $3  }
0x3a: {  	_ = 	snop  }
0x3b: {  	_ = 	snop  }
0x3c: {  	p2 =	seq.s32 s10, $0x1;
	s10 =	sld [smem:$0x3FB2]  }
0x3d: {  	_ =	shalt  }
0x3e: {  	_ =	shalt  }
0x3f: {  	_ =	shalt  }
0x40: {  	_ =	shalt  }
0x41: {  	_ =	shalt  }
0x42: {  	_ =	shalt  }
0x43: {  	_ =	shalt  }
0x44: {  	_ =	shalt  }
0x45: {  	_ =	shalt  }
0x46: {  	_ =	shalt  }
0x47: {  	_ =	shalt  }
0x48: {  	_ =	shalt  }
0x49: {  	_ =	shalt  }
0x4a: {  	_ =	shalt  }
0x4b: {  	_ =	shalt  }
0x4c: {  	_ =	shalt  }
0x4d: {  	_ =	shalt  }
0x4e: {  	_ =	shalt  }
0x4f: {  	_ =	shalt  }
0x50: {  	_ =	shalt  }
0x51: {  	_ =	shalt  }
0x52: {  	_ =	shalt  }
0x53: {  	_ =	shalt  }
0x54: {  	_ =	shalt  }
0x55: {  	_ =	shalt  }
0x56: {  	_ =	shalt  }
0x57: {  	_ =	shalt  }
0x58: {  	_ =	shalt  }
0x59: {  	_ =	shalt  }
0x5a: {  	_ =	shalt  }
0x5b: {  	_ =	shalt  }
0x5c: {  	_ =	shalt  }
0x5d: {  	_ =	shalt  }
0x5e: {  	_ =	shalt  }
0x5f: {  	_ =	shalt  }
0x60: {  	_ =	shalt  }
0x61: {  	_ =	shalt  }
0x62: {  	_ =	shalt  }
0x63: {  	_ =	shalt  }
0x64: {  	_ =	shalt  }
0x65: {  	_ =	shalt  }
0x66: {  	_ =	shalt  }
0x67: {  	_ =	shalt  }
0x68: {  	_ =	shalt  }
0x69: {  	_ =	shalt  }
0x6a: {  	_ =	shalt  }
0x6b: {  	_ =	shalt  }
0x6c: {  	_ =	shalt  }
0x6d: {  	_ =	shalt  }
0x6e: {  	_ =	shalt  }
0x6f: {  	_ =	shalt  }
0x70: {  	_ =	shalt  }
0x71: {  	_ =	shalt  }
0x72: {  	_ =	shalt  }
0x73: {  	_ =	shalt  }
0x74: {  	_ =	shalt  }
0x75: {  	_ =	shalt  }
0x76: {  	_ =	shalt  }
0x77: {  	_ =	shalt  }
0x78: {  	_ =	shalt  }
0x79: {  	_ =	shalt  }
0x7a: {  	_ =	shalt  }
0x7b: {  	_ =	shalt  }
0x7c: {  	_ =	shalt  }
0x7d: {  	_ =	shalt  }
0x7e: {  	_ =	shalt  }
0x7f: {  	_ =	shalt  }
0x80: {  	_ =	shalt  }
0x81: {  	_ =	shalt  }
0x82: {  	_ =	shalt  }
0x83: {  	_ =	shalt  }
0x84: {  	_ =	shalt  }
0x85: {  	_ =	shalt  }
0x86: {  	_ =	shalt  }
0x87: {  	_ =	shalt  }
.Lfunc_end0:
.L_simem_size_0:
called_computation_lowered:
.L_overlay_start_0:
0x88: {  	s2 =	sld [smem:$0x3FD9]  }
0x89: {  	s3 =	sld [smem:$0x3FFE];
	_ =	sdelay $0x1  }
0x8a: {  	s1 =	srdreg.scid  }
0x8b: {  	s0 =	sand.u32 $0x1, s1  }
0x8c: {  	s16 =	sshll.u32 s0, $0xA;
	s2 =	sadd.s32 s3, s2  }
0x8d: {  	s2 =	sadd.s32 s2, s16  }
0x8e: {  	[smem:$0x3FBE] =	sst s2  }
0x8f: {  	_ = 	snop  }
0x90: {  	(tm) =	ssettm $0x1  }
0x91: {  	s17 =	sld [smem:$0x3FFB];
	_ =	sdelay $0x3  }
0x92: {  	_ =	strace s17  }
0x93: {  	s2 =	sld [smem:$0x3FFC];
	_ =	sdelay $0x3  }
0x94: {  	_ =	strace s2  }
0x95: {  	s2 =	sld [smem:$0x3FFD];
	_ =	sdelay $0x3  }
0x96: {  	_ =	strace s2  }
0x97: {  	_ =	strace $0x8FFFFFFF  }
0x98: {  	s18 =	sld [smem:$0x3FDB];
	_ =	sdelay $0x1  }
0x99: {  	s19 =	simm.s32 $_scs_section_size  }
0x9a: {  	s4 =	simm.s32 $_size__tile_overlayer_lowered;
	s5 =	simm.s32 $_tile_overlayer_lowered  }
0x9b: {  	s22 =	simm.s32 $0x1BFF;
	s21 =	sshll.u32 s5, $0x1;
	s2 =	sadd.s32 s19, s18  }
0x9c: {  	s6 =	simm.s32 $0x0;
	s20 =	sshll.u32 s4, $0x1;
	s4 =	sadd.s32 s21, s2  }
0x9d: {  	[timem:s6], [sflag:s22] =	dma.local [hbm:s4], s20  }
0x9e: {  	_ =	swait.ge [sflag:s22], s20  }
0x9f: {  	s3 =	ssub.s32 $0x0, s20;
	[sflag:s22] =	ssyncset.done $0x0  }
0xa0: {  	[sflag:s22] =	ssyncadd.s32 s3;
	_ =	sdelay $0x1  }
0xa1: {  	s23 =	simm.s32 $0x1B8B  }
0xa2: {  	_ =	swait.ge [sflag:s23], $0x1  }
0xa3: {  	[sflag:s23] =	ssyncset.done $0x0  }
0xa4: {  	s25 =	simm.s32 $0x1B8E;
	s24 =	sld [smem:$0x3FFE];
	[sflag:s23] =	ssyncadd.s32 $0xFFFFFFFF  }
0xa5: {  	s26 =	simm.s32 $execute0_lowered;
	[smem:$0x3FD2] =	sst s25  }
0xa6: {  	s4 =	sshll.u32 s26, $0x1;
	_ =	strace $0x80000046;
	[dreg:$0x1] =	wrdreg $0xFFFFFFFF  }
0xa7: {  	s28 =	simm.s32 $_size_execute0_lowered;
	s2 =	sadd.s32 s2, s4;
	[dreg:$0x0] =	wrdreg $0x0  }
0xa8: {  	s4 =	sshll.u32 s28, $0x1;
	[dreg:$0x2] =	wrdreg s2  }
0xa9: {  	[dreg:$0x3] =	wrdreg s4  }
0xaa: {  	[dreg:$0x4] =	wrdreg $0xC0  }
0xab: {  	_ =	task [dreg:s6], $0x5FFFF  }
0xac: {  	[dreg:$0x1] =	wrdreg $0xFFFFFFFF  }
0xad: {  	[dreg:$0x0] =	wrdreg $0x60  }
0xae: {  	[dreg:$0x2] =	wrdreg s24  }
0xaf: {  	[dreg:$0x3] =	wrdreg $0x40800  }
0xb0: {  	[dreg:$0x4] =	wrdreg $0x9  }
0xb1: {  	_ =	task.clear_ibuf [dreg:s6], $0x5FFFF;
	_ =	strace $0x90000046  }
0xb2: {  	s29 =	simm.s32 $0x9;
	_ =	strace $0x80000048  }
0xb3: {  	_ =	swait.ge [sflag:s29], $0x1  }
0xb4: {  	[sflag:s29] =	ssyncadd.s32 $0xFFFFFFFF  }
0xb5: {  	_ =	strace $0x90000048  }
0xb6: {  	_ =	sfence  }
0xb7: {  	s30 =	sld [smem:$0x0];
	_ =	sdelay $0x2  }
0xb8: {  	s31 =	sshll.u32 s1, $0xD;
	s1 =	sshrl.u32 s1, $0x2  }
0xb9: {  	s3 =	sand.u32 $0x4000, s31;
	s1 =	sadd.s32 s1, s30  }
0xba: {  	s0 =	sor.u32 s3, s0;
	s1 =	sshll.u32 s1, $0x11  }
0xbb: {  	s0 =	sor.u32 s1, s0  }
0xbc: {  	s0 =	sadd.s32 $0x8F2B, s0  }
0xbd: {  	[sflag:s0] =	ssyncadd.remote.s32 $0x1  }
0xbe: {  	_ =	sfence.sel $0xFFFF  }
0xbf: {  	[dreg:$0x0] =	wrdreg $0xFFFFFFFF;
	(pc) =	sbr.abs _section_cstart, $3  }
0xc0: {  	[dreg:$0x1] =	wrdreg $0xFFFFFFFF  }
0xc1: {  	_ =	task.clear_ibuf [dreg:s6], $0x2FFFF;
	_ =	strace $0x9FFFFFFF  }
0xc2: {  	(tm) =	ssettm $0x7FFFFFFF  }
0xc3: {  	_ =	shalt  }
tec
execute0_lowered:
.L_overlay_start_1:
0x0: {  	(tag) =	ssettag $0x1  }
0x1: {  	s6 =	rddreg [dreg:$0x0];
	s0 =	srdreg.scid  }
0x2: {  	s1 =	rddreg [dreg:$0x1];
	s2 =	stileid.u32  }
0x3: {  	s3 =	simm.s32 $0x0;
	s13 =	simm.s32 $0x1;
	s8 =	smul.u32 $0x14000, s2  }
0x4: {  	s14 =	simm.s32 $0x80;
	s15 =	simm.s32 $0x0;
	s10 =	smul.u32 $0x50000, s2  }
0x5: {  	s7 =	sand.u32 $0x1, s0;
	s0 =	rddreg [dreg:$0x2];
	s12 =	smul.u32 $0x500, s2  }
0x6: {  	[smem:$0x7FF] =	sst s3;
	s31 =	sshll.u32 s2, $0x6;
	s4 =	smul.u32 $0x5000, s7  }
0x7: {  	s5 =	smul.u32 $0x140000, s7;
	_ =	strace $0x80000047;
	s7 =	ssub.s32 $0x2, s7  }
0x8: {  	s11 =	sshrl.u32 s7, $0x1;
	s10 =	sshrl.u32 s10, $0x2;
	s9 =	sadd.s32 s4, s6  }
0x9: {  	s4 =	sadd.s32 $0x10200, s6;
	s8 =	sadd.s32 s8, s5;
	s5 =	sadd.s32 $0xDA00, s6  }
0xa: {  	s7 =	ssub.s32 s7, s11;
	s29 =	sadd.s32 s10, s1;
	s10 =	sor.u32 $0x1C02, s31  }
0xb: {  	s8 =	sshrl.u32 s8, $0x3;
	s7 =	smax.u32 s7, $0x1;
	s30 =	sadd.s32 s12, s9  }
0xc: {  	s9 =	simm.s32 $0x2;
	s11 =	sshrl.u32 s29, $0x3;
	s6 =	sadd.s32 s8, s6  }
0xd: {  	s12 =	simm.s32 $0x4000;
	s8 =	sadd.s32 $0x3A00, s30;
	s6 =	sadd.s32 $0x10A00, s6  }
.LBB2_1:
0xe: {  	[tilespmem:s3], [sflag:$0x2] =	stream.linear.gather [hbm4b:s4+s3], $0x4000, $0x38;
	[tilespmem:$0x18080] =	vst v63  }
0xf: {  	_ =	swait.ge [sflag:s9], $0x4000  }
0x10: {  	[sflag:s9] =	ssyncset.done $0x0  }
0x11: {  	[sflag:s9] =	ssyncadd.s32 $0xFFFFC000  }
0x12: {  	[spmem:s11], [sflag:s10] =	dma.local [hbm:s5], $0x2800  }
0x13: {  	_ =	swait.ge [sflag:s9], $0x2800  }
0x14: {  	[sflag:s9] =	ssyncset.done $0x0  }
0x15: {  	[sflag:s9] =	ssyncadd.s32 $0xFFFFD800  }
0x16: {  	s16 =	sadd.s32 $0x0, s8;
	[bflag:$0x0] =	sbarrier.arrive $0xFFFF  }
0x17: {  	[tilespmem:s12], [sflag:$0x1] =	stream.linear.gather [hbm4b:s16+s3], $0x80, $0x38;
	[tilespmem:$0x18080] =	vst v63  }
0x18: {  	_ =	swait.ge [sflag:s13], $0x80  }
0x19: {  	[sflag:s13] =	ssyncset.done $0x0  }
0x1a: {  	[sflag:s13] =	ssyncadd.s32 $0xFFFFFF80  }
0x1b: {  	[spmem:s1] =	stream.indirect.scatter.add.f32 [tilespmem:s3], [sflag:$0x2], $0x80, s12, s14, $0xb8;
	[tilespmem:$0x18080] =	vst v63  }
0x1c: {  	_ =	swait.ge [sflag:s9], $0x4000  }
0x1d: {  	s17 =	simm.s32 $0x20;
	s16 =	simm.s32 $0x10;
	[sflag:s9] =	ssyncset.done $0x0  }
.LBB2_2:
0x1e: {  	s18 =	sadd.s32 s16, s8  }
0x1f: {  	[sflag:s9] =	ssyncadd.s32 $0xFFFFC000;
	s16 =	smov.u32 s17;
	s19 =	sadd.s32 $0x10, s17  }
0x20: {  	[tilespmem:s12], [sflag:$0x1] =	stream.linear.gather [hbm4b:s18+s3], $0x80, $0x38;
	[tilespmem:$0x18080] =	vst v63  }
0x21: {  	p0 =	sne.s32 s17, $0x4F0;
	_ =	swait.ge [sflag:s13], $0x80  }
.Ltmp0:
0x22: {  	[sflag:s13] =	ssyncset.done $0x0;
	(pc) =	sbr.rel @p0 .LBB2_2-.Ltmp0, $4  }
0x23: {  	[sflag:s13] =	ssyncadd.s32 $0xFFFFFF80  }
0x24: {  	[spmem:s1] =	stream.indirect.scatter.add.f32 [tilespmem:s3], [sflag:$0x2], $0x80, s12, s14, $0xb8;
	[tilespmem:$0x18080] =	vst v63  }
0x25: {  	_ =	swait.ge [sflag:s9], $0x4000  }
0x26: {  	s17 =	smov.u32 s19;
	[sflag:s9] =	ssyncset.done $0x0  }
0x27: {  	s16 =	sadd.s32 s16, s8;
	[sflag:s9] =	ssyncadd.s32 $0xFFFFC000  }
0x28: {  	[tilespmem:s12], [sflag:$0x1] =	stream.linear.gather [hbm4b:s16+s3], $0x80, $0x38;
	[tilespmem:$0x18080] =	vst v63  }
0x29: {  	_ =	swait.ge [sflag:s13], $0x80  }
0x2a: {  	[sflag:s13] =	ssyncset.done $0x0  }
0x2b: {  	[sflag:s13] =	ssyncadd.s32 $0xFFFFFF80  }
0x2c: {  	[spmem:s1] =	stream.indirect.scatter.add.f32 [tilespmem:s3], [sflag:$0x2], $0x80, s12, s14, $0xb8;
	[tilespmem:$0x18080] =	vst v63  }
0x2d: {  	_ =	swait.ge [sflag:s9], $0x4000  }
0x2e: {  	s15 =	sadd.s32 $0x1, s15;
	[sflag:s9] =	ssyncset.done $0x0  }
0x2f: {  	p0 =	sne.s32 s15, s7;
	[sflag:s9] =	ssyncadd.s32 $0xFFFFC000  }
.Ltmp1:
0x30: {  	[bflag:$0x0] =	sbarrier.arrive $0xFFFF;
	(pc) =	sbr.rel @p0 .LBB2_1-.Ltmp1, $4  }
0x31: {  	[hbm:s6], [sflag:s10] =	dma.local [spmem:s11], $0x2800  }
0x32: {  	_ =	swait.ge [sflag:s9], $0x2800  }
0x33: {  	[sflag:s9] =	ssyncset.done $0x0  }
0x34: {  	[sflag:s9] =	ssyncadd.s32 $0xFFFFD800  }
0x35: {  	_ =	sfence.sel $0x180000  }
0x36: {  	[bflag:$0x0] =	sbarrier.arrive $0xFFFF  }
0x37: {  	p0 =	sne.s32 s2, $0x0;
	_ =	strace $0x90000047  }
0x38: {  	s0 =	sadd.s32 @!p0 $0x100000, s0;
	[bflag:$0x2] =	sbarrier.arrive $0xFFFF  }
0x39: {  	[sflag:s0] =	ssyncadd.tile.s32 @!p0 $0x1;
	_ =	shalt  }
.Lfunc_end2:
_tile_overlayer_lowered:
.L_overlay_start_2:
0x3a: {  	(tag) =	ssettag $0x2  }
0x3b: {  	s0 =	rddreg [dreg:$0x0];
	s2 =	stileid.u32  }
0x3c: {  	s1 =	rddreg [dreg:$0x1];
	p0 =	sne.s32 s2, $0x0  }
0x3d: {  	s3 =	rddreg [dreg:$0x2];
	[bflag:$0x3] =	sbarrier.arrive $0xFFFF;
	s2 =	simm.s32 @!p0 $0x1C02  }
0x3e: {  	[timem:s3], [sflag:s2] =	dma.local @!p0 [hbm:s0], s1  }
0x3f: {  	s0 =	simm.s32 @!p0 $0x2  }
0x40: {  	_ =	swait.ge @!p0 [sflag:s0], s1  }
0x41: {  	s1 =	ssub.s32 @!p0 $0x0, s1;
	[sflag:s0] =	ssyncset.done @!p0 $0x0  }
0x42: {  	[sflag:s0] =	ssyncadd.s32 @!p0 s1  }
0x43: {  	[bflag:$0x3] =	sbarrier.arrive $0xFFFF  }
0x44: {  	_ =	shalt  }

</sc_bundles>
